<compile_context>
chip_gen: v7x
topology: tpu7x:2x2x1
jax: 0.10.2.dev20260603
libtpu: 0.0.44.dev20260713+nightly
codegen_flags: <defaults>
</compile_context>

<pallas_src>
import functools

import jax
import jax.numpy as jnp
import numpy as np
from jax import lax
from jax.experimental import pallas as pl
from jax.experimental.pallas import tpu as pltpu
from jax.experimental.pallas import tpu_sc as plsc

N_NODES = 10000
N_EDGES = 320000
NFEAT = 128
NHID = 128
NCLASS = 64

MM_BLK = 2000
MM_GRID = N_NODES // MM_BLK
ROW_BLK = 1000
N_GRID = N_NODES // ROW_BLK

C = 128
E_PAD = 327680
N_CHUNKS = E_PAD // C
CHUNKS_PER_TILE = N_CHUNKS // 16
ROWS_PER_TILE = 632
N_PAD = 16 * ROWS_PER_TILE

_I16 = np.arange(16)
_PERM32 = np.stack([_I16, _I16 + 16], axis=1).ravel()
_PERM64 = np.concatenate([_PERM32, _PERM32 + 32])



def _mm0_body(x_ref, w_ref, o_ref):
    o_ref[0] = jnp.dot(x_ref[...], w_ref[0],
                       preferred_element_type=jnp.float32
                       ).astype(jnp.bfloat16)


def _matmul0(x, W0s):
    return pl.pallas_call(
        _mm0_body,
        grid=(MM_GRID, 2),
        in_specs=[
            pl.BlockSpec((MM_BLK, NFEAT), lambda i, j: (i, 0)),
            pl.BlockSpec((1, NFEAT, NHID // 2), lambda i, j: (j, 0, 0)),
        ],
        out_specs=pl.BlockSpec((1, MM_BLK, NHID // 2), lambda i, j: (j, i, 0)),
        out_shape=jax.ShapeDtypeStruct((2, N_NODES, NHID // 2), jnp.bfloat16),
    )(x, W0s)


def _fuse1_body(p_ref, b_ref, w_ref, o_ref):
    z = jnp.concatenate([p_ref[0], p_ref[1]], axis=1) + b_ref[...]
    h = jnp.maximum(z, 0.0)
    o_ref[0] = jnp.dot(h, w_ref[0], preferred_element_type=jnp.float32
                       ).astype(jnp.bfloat16)


def _fuse1(p0, b0, W1s):
    return pl.pallas_call(
        _fuse1_body,
        grid=(MM_GRID, 2),
        in_specs=[
            pl.BlockSpec((2, MM_BLK, NHID // 2), lambda i, j: (0, i, 0)),
            pl.BlockSpec((1, NHID), lambda i, j: (0, 0)),
            pl.BlockSpec((1, NHID, NCLASS // 2), lambda i, j: (j, 0, 0)),
        ],
        out_specs=pl.BlockSpec((1, MM_BLK, NCLASS // 2),
                               lambda i, j: (j, i, 0)),
        out_shape=jax.ShapeDtypeStruct((2, N_NODES, NCLASS // 2),
                                       jnp.bfloat16),
    )(p0, b0, W1s)


def _fuse2_body(p_ref, b_ref, o_ref):
    z = jnp.concatenate([p_ref[0], p_ref[1]],
                        axis=1).astype(jnp.float32) + b_ref[...]
    m = jnp.max(z, axis=1, keepdims=True)
    e = jnp.exp(z - m)
    s = jnp.sum(e, axis=1, keepdims=True)
    o_ref[...] = z - m - jnp.log(s)


def _fuse2(p1, b1):
    return pl.pallas_call(
        _fuse2_body,
        grid=(MM_GRID,),
        in_specs=[
            pl.BlockSpec((2, MM_BLK, NCLASS // 2), lambda i: (0, i, 0)),
            pl.BlockSpec((1, NCLASS), lambda i: (0, 0)),
        ],
        out_specs=pl.BlockSpec((MM_BLK, NCLASS), lambda i: (i, 0)),
        out_shape=jax.ShapeDtypeStruct((N_NODES, NCLASS), jnp.float32),
    )(p1, b1)



def _make_agg(D):
    mesh = plsc.VectorSubcoreMesh(core_axis_name="c", subcore_axis_name="s")

    @functools.partial(
        pl.kernel,
        out_type=jax.ShapeDtypeStruct((2, N_PAD, D), jnp.float32),
        mesh=mesh,
        scratch_types=[
            pltpu.VMEM((CHUNKS_PER_TILE, C), jnp.int32),
            pltpu.VMEM((CHUNKS_PER_TILE, C), jnp.int32),
            [pltpu.VMEM((C, D), jnp.bfloat16)] * 6,
            [pltpu.VMEM((C, D), jnp.float32)] * 3,
            pltpu.VMEM_SHARED((N_PAD, D), jnp.float32),
            [pltpu.SemaphoreType.DMA] * 6,
            [pltpu.SemaphoreType.DMA] * 3,
            pltpu.SemaphoreType.DMA,
        ],
        compiler_params=pltpu.CompilerParams(use_tc_tiling_on_sc=False,
                                             needs_layout_passes=False),
    )
    def agg(src_hbm, dst_hbm, table_hbm, zeros_hbm, out_hbm,
            src_v, dst_v, bbufs, fbufs, acc, gsem, ssem, sem_i):
        cid = lax.axis_index("c")
        sid = lax.axis_index("s")
        chunk0 = sid * CHUNKS_PER_TILE

        cp_s = pltpu.async_copy(
            src_hbm.at[cid, pl.ds(chunk0, CHUNKS_PER_TILE)], src_v, sem_i)
        cp_d = pltpu.async_copy(
            dst_hbm.at[pl.ds(chunk0, CHUNKS_PER_TILE)], dst_v, sem_i)
        pltpu.sync_copy(zeros_hbm,
                        acc.at[pl.ds(sid * ROWS_PER_TILE, ROWS_PER_TILE)])
        cp_s.wait()
        cp_d.wait()
        plsc.subcore_barrier()

        def gather_start(j, b):
            pltpu.async_copy(table_hbm.at[src_v.at[j]], bbufs[b], gsem[b])

        def gather_wait(j, b):
            pltpu.make_async_copy(
                table_hbm.at[src_v.at[j]], bbufs[b], gsem[b]).wait()

        def scat_start(j, s):
            pltpu.async_copy(fbufs[s], acc.at[dst_v.at[j]], ssem[s], add=True)

        def scat_wait(j, s):
            pltpu.make_async_copy(
                fbufs[s], acc.at[dst_v.at[j]], ssem[s]).wait()

        def conv(b, s):
            bf = bbufs[b]
            f32 = fbufs[s]

            def crow(r, carry):
                row_bf = bf.at[r]
                row_f = f32.at[r]
                for g in range(D // 32):
                    lo, hi = plsc.unpack(
                        row_bf[pl.ds(32 * g, 32)],
                        format=plsc.PackFormat.INTERLEAVED)
                    row_f[pl.ds(32 * g, 16)] = lo
                    row_f[pl.ds(32 * g + 16, 16)] = hi
                return carry

            lax.fori_loop(0, C, crow, 0)

        n = CHUNKS_PER_TILE
        for j in range(4):
            gather_start(j, j)
        for j in range(3):
            gather_wait(j, j)
            conv(j, j)
            scat_start(j, j)
            gather_start(j + 4, (j + 4) % 6)

        def body(m, carry):
            for t in range(6):
                j = 6 * m + 3 + t
                bb = (3 + t) % 6
                fs = (3 + t) % 3
                gather_wait(j, bb)
                scat_wait(j - 3, fs)
                conv(bb, fs)
                scat_start(j, fs)
                gather_start(j + 4, (3 + t + 4) % 6)
            return carry

        n_steady = (n - 6) // 6
        lax.fori_loop(0, n_steady, body, 0)
        for j in range(6 * n_steady + 3, n):
            bb = j % 6
            fs = j % 3
            gather_wait(j, bb)
            scat_wait(j - 3, fs)
            conv(bb, fs)
            scat_start(j, fs)
            if j + 4 < n:
                gather_start(j + 4, (j + 4) % 6)
        for j in range(n - 3, n):
            scat_wait(j, j % 3)

        plsc.subcore_barrier()
        pltpu.sync_copy(
            acc.at[pl.ds(sid * ROWS_PER_TILE, ROWS_PER_TILE)],
            out_hbm.at[cid, pl.ds(sid * ROWS_PER_TILE, ROWS_PER_TILE)])

    return agg


def _make_agg_bf(D):
    mesh = plsc.VectorSubcoreMesh(core_axis_name="c", subcore_axis_name="s")

    @functools.partial(
        pl.kernel,
        out_type=jax.ShapeDtypeStruct((2, N_PAD, D), jnp.bfloat16),
        mesh=mesh,
        scratch_types=[
            pltpu.VMEM((CHUNKS_PER_TILE, C), jnp.int32),
            pltpu.VMEM((CHUNKS_PER_TILE, C), jnp.int32),
            [pltpu.VMEM((C, D), jnp.bfloat16)] * 6,
            pltpu.VMEM_SHARED((N_PAD, D), jnp.bfloat16),
            pltpu.VMEM_SHARED((N_NODES, D), jnp.bfloat16),
            [pltpu.SemaphoreType.DMA] * 6,
            [pltpu.SemaphoreType.DMA] * 6,
            pltpu.SemaphoreType.DMA,
        ],
        compiler_params=pltpu.CompilerParams(use_tc_tiling_on_sc=False,
                                             needs_layout_passes=False),
    )
    def agg(src_hbm, dst_hbm, table_hbm, zeros_hbm, out_hbm,
            src_v, dst_v, bufs, acc, table_s, gsem, ssem, sem_i):
        cid = lax.axis_index("c")
        sid = lax.axis_index("s")
        chunk0 = sid * CHUNKS_PER_TILE

        cp_s = pltpu.async_copy(
            src_hbm.at[0, pl.ds(chunk0, CHUNKS_PER_TILE)], src_v, sem_i)
        cp_d = pltpu.async_copy(
            dst_hbm.at[pl.ds(chunk0, CHUNKS_PER_TILE)], dst_v, sem_i)
        trows = N_NODES // 16
        pltpu.sync_copy(
            table_hbm.at[pl.ds(cid * N_NODES + sid * trows, trows)],
            table_s.at[pl.ds(sid * trows, trows)])
        pltpu.sync_copy(zeros_hbm,
                        acc.at[pl.ds(sid * ROWS_PER_TILE, ROWS_PER_TILE)])
        cp_s.wait()
        cp_d.wait()
        plsc.subcore_barrier()

        def gather_start(j, b):
            pltpu.async_copy(table_s.at[src_v.at[j]], bufs[b], gsem[b])

        def gather_wait(j, b):
            pltpu.make_async_copy(
                table_s.at[src_v.at[j]], bufs[b], gsem[b]).wait()

        def scat_start(j, b):
            pltpu.async_copy(bufs[b], acc.at[dst_v.at[j]], ssem[b], add=True)

        def scat_wait(j, b):
            pltpu.make_async_copy(
                bufs[b], acc.at[dst_v.at[j]], ssem[b]).wait()

        n = CHUNKS_PER_TILE
        for j in range(4):
            gather_start(j, j)
        for j in range(2):
            gather_wait(j, j)
            scat_start(j, j)
            gather_start(j + 4, j + 4)

        def body(m, carry):
            for t in range(6):
                j = 6 * m + 2 + t
                b = (2 + t) % 6
                gather_wait(j, b)
                scat_start(j, b)
                scat_wait(j - 2, t % 6)
                gather_start(j + 4, t % 6)
            return carry

        n_steady = (n - 6) // 6
        lax.fori_loop(0, n_steady, body, 0)
        for j in range(6 * n_steady + 2, n):
            b = j % 6
            gather_wait(j, b)
            scat_start(j, b)
            scat_wait(j - 2, (j - 2) % 6)
            if j + 4 < n:
                gather_start(j + 4, (j - 2) % 6)
        scat_wait(n - 2, (n - 2) % 6)
        scat_wait(n - 1, (n - 1) % 6)

        plsc.subcore_barrier()
        pltpu.sync_copy(
            acc.at[pl.ds(sid * ROWS_PER_TILE, ROWS_PER_TILE)],
            out_hbm.at[cid, pl.ds(sid * ROWS_PER_TILE, ROWS_PER_TILE)])

    return agg


_agg_h = _make_agg(NHID // 2)
_agg_c = _make_agg_bf(NCLASS // 2)



@jax.jit
def kernel(x, adjs, W0, b0, W1, b1):
    adjs = adjs.astype(jnp.int32)
    pad = E_PAD - N_EDGES
    src = jnp.pad(adjs[0], (0, pad))
    src = jnp.stack([src, src + N_NODES]).reshape(2, N_CHUNKS, C)
    dst = jnp.pad(adjs[1], (0, pad),
                  constant_values=N_NODES).reshape(N_CHUNKS, C)

    zeros_h = jnp.zeros((ROWS_PER_TILE, NHID // 2), jnp.float32)
    zeros_c = jnp.zeros((ROWS_PER_TILE, NCLASS // 2), jnp.bfloat16)

    W0s = jnp.stack([W0[:, :NHID // 2][:, _PERM64],
                     W0[:, NHID // 2:][:, _PERM64]])
    W1s = jnp.stack([W1[:, :NCLASS // 2], W1[:, NCLASS // 2:]])

    support0 = _matmul0(x, W0s).reshape(2 * N_NODES, NHID // 2)
    p0 = _agg_h(src, dst, support0, zeros_h)
    support1 = _fuse1(p0, b0.reshape(1, NHID), W1s)
    support1 = support1.reshape(2 * N_NODES, NCLASS // 2)
    p1 = _agg_c(src, dst, support1, zeros_c)
    return _fuse2(p1, b1.reshape(1, NCLASS))

# --- scband reference (transcript-rebuilt; emitter-appended) ---
"""Pipeline reference for scband-gcn-11278584119813 (READ-ONLY COPY).

The authoritative reference and input builder live on the scoring server;
editing this copy changes nothing except your own understanding.
"""

import jax, jax.numpy as jnp
import numpy as np

N_NODES = 10000
N_EDGES = 320000
NFEAT = 128
NHID = 128
NCLASS = 64


def setup_inputs(seed: int = 0) -> dict:
    key = jax.random.key(seed)
    k_x, k_e, k_w0, k_b0, k_w1, k_b1 = jax.random.split(key, 6)
    x = jax.random.normal(k_x, (N_NODES, NFEAT), dtype=jnp.float32)
    adjs = jax.random.randint(k_e, (2, N_EDGES), 0, N_NODES, dtype=jnp.int64)
    # GraphConvolution parameters (Kipf & Welling style: out = adj @ (x @ W) + b)
    s0 = 1.0 / np.sqrt(NFEAT)
    s1 = 1.0 / np.sqrt(NHID)
    W0 = jax.random.uniform(k_w0, (NFEAT, NHID), dtype=jnp.float32, minval=-s0, maxval=s0)
    b0 = jax.random.uniform(k_b0, (NHID,), dtype=jnp.float32, minval=-s0, maxval=s0)
    W1 = jax.random.uniform(k_w1, (NHID, NCLASS), dtype=jnp.float32, minval=-s1, maxval=s1)
    b1 = jax.random.uniform(k_b1, (NCLASS,), dtype=jnp.float32, minval=-s1, maxval=s1)
    return {"x": x, "adjs": adjs, "W0": W0, "b0": b0, "W1": W1, "b1": b1}


def _graph_conv(h, src, dst, W, b, n_nodes):
    support = h @ W                      # dense transform
    msgs = jnp.take(support, src, axis=0)  # gather per-edge source features
    agg = jax.ops.segment_sum(msgs, dst, num_segments=n_nodes)  # scatter-add (adj @ support)
    return agg + b


def reference(x, adjs, W0, b0, W1, b1):
    # GCN forward, eval mode (dropout is identity).
    # nlayers=2 -> middle loop (range(nlayers-2)) is empty.
    src = adjs[0]
    dst = adjs[1]
    h = jax.nn.relu(_graph_conv(x, src, dst, W0, b0, N_NODES))
    out = _graph_conv(h, src, dst, W1, b1, N_NODES)
    return jax.nn.log_softmax(out, axis=1)

if __name__ == "__main__":
    import jax
    _d = setup_inputs()
    print(jax.jit(kernel)(*tuple(_d.values())))

</pallas_src>

<mosaic_0001>
#map = affine_map<(d0, d1) -> (0, 0, 0)>
#map1 = affine_map<(d0, d1) -> (0, 0)>
module attributes {stable_mosaic.version = 14 : i64} {
  func.func @agg(%arg0: i32, %arg1: i32, %arg2: memref<2x2560x128xi32, #tpu.memory_space<hbm>>, %arg3: memref<2560x128xi32, #tpu.memory_space<hbm>>, %arg4: memref<20000x64xbf16, #tpu.memory_space<hbm>>, %arg5: memref<632x64xf32, #tpu.memory_space<hbm>>, %arg6: memref<2x10112x64xf32, #tpu.memory_space<hbm>>, %arg7: memref<160x128xi32, #tpu.memory_space<vmem>>, %arg8: memref<160x128xi32, #tpu.memory_space<vmem>>, %arg9: memref<128x64xbf16, #tpu.memory_space<vmem>>, %arg10: memref<128x64xbf16, #tpu.memory_space<vmem>>, %arg11: memref<128x64xbf16, #tpu.memory_space<vmem>>, %arg12: memref<128x64xbf16, #tpu.memory_space<vmem>>, %arg13: memref<128x64xbf16, #tpu.memory_space<vmem>>, %arg14: memref<128x64xbf16, #tpu.memory_space<vmem>>, %arg15: memref<128x64xf32, #tpu.memory_space<vmem>>, %arg16: memref<128x64xf32, #tpu.memory_space<vmem>>, %arg17: memref<128x64xf32, #tpu.memory_space<vmem>>, %arg18: memref<10112x64xf32, #tpu.memory_space<vmem_shared>>, %arg19: memref<!tpu.dma_semaphore, #tpu.memory_space<semaphore_mem>>, %arg20: memref<!tpu.dma_semaphore, #tpu.memory_space<semaphore_mem>>, %arg21: memref<!tpu.dma_semaphore, #tpu.memory_space<semaphore_mem>>, %arg22: memref<!tpu.dma_semaphore, #tpu.memory_space<semaphore_mem>>, %arg23: memref<!tpu.dma_semaphore, #tpu.memory_space<semaphore_mem>>, %arg24: memref<!tpu.dma_semaphore, #tpu.memory_space<semaphore_mem>>, %arg25: memref<!tpu.dma_semaphore, #tpu.memory_space<semaphore_mem>>, %arg26: memref<!tpu.dma_semaphore, #tpu.memory_space<semaphore_mem>>, %arg27: memref<!tpu.dma_semaphore, #tpu.memory_space<semaphore_mem>>, %arg28: memref<!tpu.dma_semaphore, #tpu.memory_space<semaphore_mem>>) attributes {dimension_semantics = [#tpu.dimension_semantics<core_parallel>, #tpu.dimension_semantics<subcore_parallel>], iteration_bounds = array<i64: 2, 16>, scalar_prefetch = 0 : i64, scratch_operands = 22 : i64, tpu.core_type = #tpu.core_type<sc_vector_subcore>, window_params = [{transform_indices = #map}, {transform_indices = #map1}, {transform_indices = #map1}, {transform_indices = #map1}, {transform_indices = #map}]} {
    %mul3A = arith.constant 160 : i32
    %mul3A_0 = arith.muli %arg1, %mul3A : i32
    %dma_start3A = arith.constant 0 : i32
    %dma_start3A_1 = tpu.memref_slice %arg2[%arg0, %mul3A_0, %dma_start3A] : memref<2x2560x128xi32, #tpu.memory_space<hbm>> -> memref<1x160x128xi32, #tpu.memory_space<hbm>>
    %dma_start3A_2 = tpu.memref_squeeze %dma_start3A_1 : memref<1x160x128xi32, #tpu.memory_space<hbm>> -> memref<160x128xi32, #tpu.memory_space<hbm>>
    %dma_start3A_3 = arith.constant 0 : i32
    %dma_start3A_4 = tpu.memref_slice %arg2[%arg0, %mul3A_0, %dma_start3A_3] : memref<2x2560x128xi32, #tpu.memory_space<hbm>> -> memref<1x160x128xi32, #tpu.memory_space<hbm>>
    %dma_start3A_5 = tpu.memref_squeeze %dma_start3A_4 : memref<1x160x128xi32, #tpu.memory_space<hbm>> -> memref<160x128xi32, #tpu.memory_space<hbm>>
    tpu.enqueue_dma source(%dma_start3A_5 : memref<160x128xi32, #tpu.memory_space<hbm>>) target(%arg7 : memref<160x128xi32, #tpu.memory_space<vmem>>) target_semaphore(%arg28 : memref<!tpu.dma_semaphore, #tpu.memory_space<semaphore_mem>>)
    %dma_start3A_6 = arith.constant 0 : i32
    %dma_start3A_7 = tpu.memref_slice %arg3[%mul3A_0, %dma_start3A_6] : memref<2560x128xi32, #tpu.memory_space<hbm>> -> memref<160x128xi32, #tpu.memory_space<hbm>>
    %dma_start3A_8 = arith.constant 0 : i32
    %dma_start3A_9 = tpu.memref_slice %arg3[%mul3A_0, %dma_start3A_8] : memref<2560x128xi32, #tpu.memory_space<hbm>> -> memref<160x128xi32, #tpu.memory_space<hbm>>
    tpu.enqueue_dma source(%dma_start3A_9 : memref<160x128xi32, #tpu.memory_space<hbm>>) target(%arg8 : memref<160x128xi32, #tpu.memory_space<vmem>>) target_semaphore(%arg28 : memref<!tpu.dma_semaphore, #tpu.memory_space<semaphore_mem>>)
    %mul3A_10 = arith.constant 632 : i32
    %mul3A_11 = arith.muli %arg1, %mul3A_10 : i32
    "tpu.region"() ({
      %run_scoped3A = tpu.sem_alloc : memref<!tpu.dma_semaphore, #tpu.memory_space<semaphore_mem>>
      %dma_start3A_371 = arith.constant 0 : i32
      %dma_start3A_372 = tpu.memref_slice %arg18[%mul3A_11, %dma_start3A_371] : memref<10112x64xf32, #tpu.memory_space<vmem_shared>> -> memref<632x64xf32, #tpu.memory_space<vmem_shared>>
      tpu.enqueue_dma source(%arg5 : memref<632x64xf32, #tpu.memory_space<hbm>>) target(%dma_start3A_372 : memref<632x64xf32, #tpu.memory_space<vmem_shared>>) target_semaphore(%run_scoped3A : memref<!tpu.dma_semaphore, #tpu.memory_space<semaphore_mem>>)
      %dma_wait3A_373 = arith.constant 0 : i32
      %dma_wait3A_374 = tpu.memref_slice %arg18[%mul3A_11, %dma_wait3A_373] : memref<10112x64xf32, #tpu.memory_space<vmem_shared>> -> memref<632x64xf32, #tpu.memory_space<vmem_shared>>
      tpu.wait_dma2 semaphore(%run_scoped3A : memref<!tpu.dma_semaphore, #tpu.memory_space<semaphore_mem>>) src(%arg5 : memref<632x64xf32, #tpu.memory_space<hbm>>) dst(%dma_wait3A_374 : memref<632x64xf32, #tpu.memory_space<vmem_shared>>)
      tpu.yield
    }) : () -> ()
    %dma_wait3A = arith.constant 0 : i32
    %dma_wait3A_12 = tpu.memref_slice %arg2[%arg0, %mul3A_0, %dma_wait3A] : memref<2x2560x128xi32, #tpu.memory_space<hbm>> -> memref<1x160x128xi32, #tpu.memory_space<hbm>>
    %dma_wait3A_13 = tpu.memref_squeeze %dma_wait3A_12 : memref<1x160x128xi32, #tpu.memory_space<hbm>> -> memref<160x128xi32, #tpu.memory_space<hbm>>
    %dma_wait3A_14 = arith.constant 0 : i32
    %dma_wait3A_15 = tpu.memref_slice %arg2[%arg0, %mul3A_0, %dma_wait3A_14] : memref<2x2560x128xi32, #tpu.memory_space<hbm>> -> memref<1x160x128xi32, #tpu.memory_space<hbm>>
    %dma_wait3A_16 = tpu.memref_squeeze %dma_wait3A_15 : memref<1x160x128xi32, #tpu.memory_space<hbm>> -> memref<160x128xi32, #tpu.memory_space<hbm>>
    tpu.wait_dma2 semaphore(%arg28 : memref<!tpu.dma_semaphore, #tpu.memory_space<semaphore_mem>>) src(%dma_wait3A_16 : memref<160x128xi32, #tpu.memory_space<hbm>>) dst(%arg7 : memref<160x128xi32, #tpu.memory_space<vmem>>)
    %dma_wait3A_17 = arith.constant 0 : i32
    %dma_wait3A_18 = tpu.memref_slice %arg3[%mul3A_0, %dma_wait3A_17] : memref<2560x128xi32, #tpu.memory_space<hbm>> -> memref<160x128xi32, #tpu.memory_space<hbm>>
    %dma_wait3A_19 = arith.constant 0 : i32
    %dma_wait3A_20 = tpu.memref_slice %arg3[%mul3A_0, %dma_wait3A_19] : memref<2560x128xi32, #tpu.memory_space<hbm>> -> memref<160x128xi32, #tpu.memory_space<hbm>>
    tpu.wait_dma2 semaphore(%arg28 : memref<!tpu.dma_semaphore, #tpu.memory_space<semaphore_mem>>) src(%dma_wait3A_20 : memref<160x128xi32, #tpu.memory_space<hbm>>) dst(%arg8 : memref<160x128xi32, #tpu.memory_space<vmem>>)
    %barrier3A = arith.constant 0 : index
    tpu.barrier barrier_id(%barrier3A)
    %dma_start3A_21 = arith.constant 0 : i32
    %dma_start3A_22 = arith.constant 0 : i32
    %dma_start3A_23 = tpu.memref_slice %arg7[%dma_start3A_21, %dma_start3A_22] : memref<160x128xi32, #tpu.memory_space<vmem>> -> memref<1x128xi32, #tpu.memory_space<vmem>>
    %dma_start3A_24 = tpu.memref_squeeze %dma_start3A_23 : memref<1x128xi32, #tpu.memory_space<vmem>> -> memref<128xi32, #tpu.memory_space<vmem>>
    %dma_start3A_25 = arith.constant 0 : i32
    %dma_start3A_26 = arith.constant 0 : i32
    %dma_start3A_27 = tpu.memref_slice %arg4[%dma_start3A_25, %dma_start3A_26] : memref<20000x64xbf16, #tpu.memory_space<hbm>> -> memref<20000x64xbf16, #tpu.memory_space<hbm>>
    tpu.enqueue_indirect_dma source(%dma_start3A_27 : memref<20000x64xbf16, #tpu.memory_space<hbm>>) target(%arg9 : memref<128x64xbf16, #tpu.memory_space<vmem>>) offsets(%dma_start3A_24 : memref<128xi32, #tpu.memory_space<vmem>>) semaphore(%arg19 : memref<!tpu.dma_semaphore, #tpu.memory_space<semaphore_mem>>)
    %dma_start3A_28 = arith.constant 1 : i32
    %dma_start3A_29 = arith.constant 0 : i32
    %dma_start3A_30 = tpu.memref_slice %arg7[%dma_start3A_28, %dma_start3A_29] : memref<160x128xi32, #tpu.memory_space<vmem>> -> memref<1x128xi32, #tpu.memory_space<vmem>>
    %dma_start3A_31 = tpu.memref_squeeze %dma_start3A_30 : memref<1x128xi32, #tpu.memory_space<vmem>> -> memref<128xi32, #tpu.memory_space<vmem>>
    %dma_start3A_32 = arith.constant 0 : i32
    %dma_start3A_33 = arith.constant 0 : i32
    %dma_start3A_34 = tpu.memref_slice %arg4[%dma_start3A_32, %dma_start3A_33] : memref<20000x64xbf16, #tpu.memory_space<hbm>> -> memref<20000x64xbf16, #tpu.memory_space<hbm>>
    tpu.enqueue_indirect_dma source(%dma_start3A_34 : memref<20000x64xbf16, #tpu.memory_space<hbm>>) target(%arg10 : memref<128x64xbf16, #tpu.memory_space<vmem>>) offsets(%dma_start3A_31 : memref<128xi32, #tpu.memory_space<vmem>>) semaphore(%arg20 : memref<!tpu.dma_semaphore, #tpu.memory_space<semaphore_mem>>)
    %dma_start3A_35 = arith.constant 2 : i32
    %dma_start3A_36 = arith.constant 0 : i32
    %dma_start3A_37 = tpu.memref_slice %arg7[%dma_start3A_35, %dma_start3A_36] : memref<160x128xi32, #tpu.memory_space<vmem>> -> memref<1x128xi32, #tpu.memory_space<vmem>>
    %dma_start3A_38 = tpu.memref_squeeze %dma_start3A_37 : memref<1x128xi32, #tpu.memory_space<vmem>> -> memref<128xi32, #tpu.memory_space<vmem>>
    %dma_start3A_39 = arith.constant 0 : i32
    %dma_start3A_40 = arith.constant 0 : i32
    %dma_start3A_41 = tpu.memref_slice %arg4[%dma_start3A_39, %dma_start3A_40] : memref<20000x64xbf16, #tpu.memory_space<hbm>> -> memref<20000x64xbf16, #tpu.memory_space<hbm>>
    tpu.enqueue_indirect_dma source(%dma_start3A_41 : memref<20000x64xbf16, #tpu.memory_space<hbm>>) target(%arg11 : memref<128x64xbf16, #tpu.memory_space<vmem>>) offsets(%dma_start3A_38 : memref<128xi32, #tpu.memory_space<vmem>>) semaphore(%arg21 : memref<!tpu.dma_semaphore, #tpu.memory_space<semaphore_mem>>)
    %dma_start3A_42 = arith.constant 3 : i32
    %dma_start3A_43 = arith.constant 0 : i32
    %dma_start3A_44 = tpu.memref_slice %arg7[%dma_start3A_42, %dma_start3A_43] : memref<160x128xi32, #tpu.memory_space<vmem>> -> memref<1x128xi32, #tpu.memory_space<vmem>>
    %dma_start3A_45 = tpu.memref_squeeze %dma_start3A_44 : memref<1x128xi32, #tpu.memory_space<vmem>> -> memref<128xi32, #tpu.memory_space<vmem>>
    %dma_start3A_46 = arith.constant 0 : i32
    %dma_start3A_47 = arith.constant 0 : i32
    %dma_start3A_48 = tpu.memref_slice %arg4[%dma_start3A_46, %dma_start3A_47] : memref<20000x64xbf16, #tpu.memory_space<hbm>> -> memref<20000x64xbf16, #tpu.memory_space<hbm>>
    tpu.enqueue_indirect_dma source(%dma_start3A_48 : memref<20000x64xbf16, #tpu.memory_space<hbm>>) target(%arg12 : memref<128x64xbf16, #tpu.memory_space<vmem>>) offsets(%dma_start3A_45 : memref<128xi32, #tpu.memory_space<vmem>>) semaphore(%arg22 : memref<!tpu.dma_semaphore, #tpu.memory_space<semaphore_mem>>)
    %dma_wait3A_49 = arith.constant 0 : i32
    %dma_wait3A_50 = arith.constant 0 : i32
    %dma_wait3A_51 = tpu.memref_slice %arg7[%dma_wait3A_49, %dma_wait3A_50] : memref<160x128xi32, #tpu.memory_space<vmem>> -> memref<1x128xi32, #tpu.memory_space<vmem>>
    %dma_wait3A_52 = tpu.memref_squeeze %dma_wait3A_51 : memref<1x128xi32, #tpu.memory_space<vmem>> -> memref<128xi32, #tpu.memory_space<vmem>>
    %dma_wait3A_53 = arith.constant 0 : i32
    %dma_wait3A_54 = arith.constant 0 : i32
    %dma_wait3A_55 = tpu.memref_slice %arg4[%dma_wait3A_53, %dma_wait3A_54] : memref<20000x64xbf16, #tpu.memory_space<hbm>> -> memref<20000x64xbf16, #tpu.memory_space<hbm>>
    tpu.wait_indirect_dma semaphore(%arg19 : memref<!tpu.dma_semaphore, #tpu.memory_space<semaphore_mem>>) src(%dma_wait3A_55 : memref<20000x64xbf16, #tpu.memory_space<hbm>>) dst(%arg9 : memref<128x64xbf16, #tpu.memory_space<vmem>>)
    %scan3A = arith.constant 0 : i32
    %scan3A_56 = arith.constant 0 : i32
    %scan3A_57 = arith.constant 128 : i32
    %scan3A_58 = arith.addi %scan3A_56, %scan3A_57 : i32
    %scan3A_59 = arith.constant 1 : i32
    scf.for %scan3A_371 = %scan3A_56 to %scan3A_58 step %scan3A_59  : i32 {
      %get3A = arith.constant 0 : i32
      %get3A_372 = tpu.memref_slice %arg9[%scan3A_371, %get3A] : memref<128x64xbf16, #tpu.memory_space<vmem>> -> memref<1x64xbf16, #tpu.memory_space<vmem>>
      %get3A_373 = tpu.memref_squeeze %get3A_372 : memref<1x64xbf16, #tpu.memory_space<vmem>> -> memref<64xbf16, #tpu.memory_space<vmem>>
      %get3A_374 = arith.constant 0 : index
      %get3A_375 = tpu.vector_load %get3A_373[%get3A_374] {strides = array<i32>} : memref<64xbf16, #tpu.memory_space<vmem>>, vector<32xbf16>,
      %unpack3A = tpu.unpack_subelements %get3A_375, 0 {pack_format = #tpu.pack_format<interleaved>} : vector<32xbf16> -> vector<16xf32>
      %unpack3A_376 = tpu.unpack_subelements %get3A_375, 1 {pack_format = #tpu.pack_format<interleaved>} : vector<32xbf16> -> vector<16xf32>
      %swap3A = arith.constant 0 : i32
      %swap3A_377 = tpu.memref_slice %arg15[%scan3A_371, %swap3A] : memref<128x64xf32, #tpu.memory_space<vmem>> -> memref<1x64xf32, #tpu.memory_space<vmem>>
      %swap3A_378 = tpu.memref_squeeze %swap3A_377 : memref<1x64xf32, #tpu.memory_space<vmem>> -> memref<64xf32, #tpu.memory_space<vmem>>
      %swap3A_379 = arith.constant 0 : index
      %swap3A_380 = tpu.vector_load %swap3A_378[%swap3A_379] {strides = array<i32>} : memref<64xf32, #tpu.memory_space<vmem>>, vector<16xf32>,
      tpu.vector_store %swap3A_378[%swap3A_379], %unpack3A {strides = array<i32>} : memref<64xf32, #tpu.memory_space<vmem>>, vector<16xf32>,
      %swap3A_381 = arith.constant 0 : i32
      %swap3A_382 = tpu.memref_slice %arg15[%scan3A_371, %swap3A_381] : memref<128x64xf32, #tpu.memory_space<vmem>> -> memref<1x64xf32, #tpu.memory_space<vmem>>
      %swap3A_383 = tpu.memref_squeeze %swap3A_382 : memref<1x64xf32, #tpu.memory_space<vmem>> -> memref<64xf32, #tpu.memory_space<vmem>>
      %swap3A_384 = arith.constant 16 : index
      %swap3A_385 = tpu.vector_load %swap3A_383[%swap3A_384] {strides = array<i32>} : memref<64xf32, #tpu.memory_space<vmem>>, vector<16xf32>,
      tpu.vector_store %swap3A_383[%swap3A_384], %unpack3A_376 {strides = array<i32>} : memref<64xf32, #tpu.memory_space<vmem>>, vector<16xf32>,
      %get3A_386 = arith.constant 0 : i32
      %get3A_387 = tpu.memref_slice %arg9[%scan3A_371, %get3A_386] : memref<128x64xbf16, #tpu.memory_space<vmem>> -> memref<1x64xbf16, #tpu.memory_space<vmem>>
      %get3A_388 = tpu.memref_squeeze %get3A_387 : memref<1x64xbf16, #tpu.memory_space<vmem>> -> memref<64xbf16, #tpu.memory_space<vmem>>
      %get3A_389 = arith.constant 32 : index
      %get3A_390 = tpu.vector_load %get3A_388[%get3A_389] {strides = array<i32>} : memref<64xbf16, #tpu.memory_space<vmem>>, vector<32xbf16>,
      %unpack3A_391 = tpu.unpack_subelements %get3A_390, 0 {pack_format = #tpu.pack_format<interleaved>} : vector<32xbf16> -> vector<16xf32>
      %unpack3A_392 = tpu.unpack_subelements %get3A_390, 1 {pack_format = #tpu.pack_format<interleaved>} : vector<32xbf16> -> vector<16xf32>
      %swap3A_393 = arith.constant 0 : i32
      %swap3A_394 = tpu.memref_slice %arg15[%scan3A_371, %swap3A_393] : memref<128x64xf32, #tpu.memory_space<vmem>> -> memref<1x64xf32, #tpu.memory_space<vmem>>
      %swap3A_395 = tpu.memref_squeeze %swap3A_394 : memref<1x64xf32, #tpu.memory_space<vmem>> -> memref<64xf32, #tpu.memory_space<vmem>>
      %swap3A_396 = arith.constant 32 : index
      %swap3A_397 = tpu.vector_load %swap3A_395[%swap3A_396] {strides = array<i32>} : memref<64xf32, #tpu.memory_space<vmem>>, vector<16xf32>,
      tpu.vector_store %swap3A_395[%swap3A_396], %unpack3A_391 {strides = array<i32>} : memref<64xf32, #tpu.memory_space<vmem>>, vector<16xf32>,
      %swap3A_398 = arith.constant 0 : i32
      %swap3A_399 = tpu.memref_slice %arg15[%scan3A_371, %swap3A_398] : memref<128x64xf32, #tpu.memory_space<vmem>> -> memref<1x64xf32, #tpu.memory_space<vmem>>
      %swap3A_400 = tpu.memref_squeeze %swap3A_399 : memref<1x64xf32, #tpu.memory_space<vmem>> -> memref<64xf32, #tpu.memory_space<vmem>>
      %swap3A_401 = arith.constant 48 : index
      %swap3A_402 = tpu.vector_load %swap3A_400[%swap3A_401] {strides = array<i32>} : memref<64xf32, #tpu.memory_space<vmem>>, vector<16xf32>,
      tpu.vector_store %swap3A_400[%swap3A_401], %unpack3A_392 {strides = array<i32>} : memref<64xf32, #tpu.memory_space<vmem>>, vector<16xf32>,
    }
    %scan3A_60 = arith.constant 128 : i32
    %dma_start3A_61 = arith.constant 0 : i32
    %dma_start3A_62 = arith.constant 0 : i32
    %dma_start3A_63 = tpu.memref_slice %arg8[%dma_start3A_61, %dma_start3A_62] : memref<160x128xi32, #tpu.memory_space<vmem>> -> memref<1x128xi32, #tpu.memory_space<vmem>>
    %dma_start3A_64 = tpu.memref_squeeze %dma_start3A_63 : memref<1x128xi32, #tpu.memory_space<vmem>> -> memref<128xi32, #tpu.memory_space<vmem>>
    %dma_start3A_65 = arith.constant 0 : i32
    %dma_start3A_66 = arith.constant 0 : i32
    %dma_start3A_67 = tpu.memref_slice %arg18[%dma_start3A_65, %dma_start3A_66] : memref<10112x64xf32, #tpu.memory_space<vmem_shared>> -> memref<10112x64xf32, #tpu.memory_space<vmem_shared>>
    tpu.enqueue_indirect_dma source(%arg15 : memref<128x64xf32, #tpu.memory_space<vmem>>) target(%dma_start3A_67 : memref<10112x64xf32, #tpu.memory_space<vmem_shared>>) offsets(%dma_start3A_64 : memref<128xi32, #tpu.memory_space<vmem>>) semaphore(%arg25 : memref<!tpu.dma_semaphore, #tpu.memory_space<semaphore_mem>>) {add = true}
    %dma_start3A_68 = arith.constant 4 : i32
    %dma_start3A_69 = arith.constant 0 : i32
    %dma_start3A_70 = tpu.memref_slice %arg7[%dma_start3A_68, %dma_start3A_69] : memref<160x128xi32, #tpu.memory_space<vmem>> -> memref<1x128xi32, #tpu.memory_space<vmem>>
    %dma_start3A_71 = tpu.memref_squeeze %dma_start3A_70 : memref<1x128xi32, #tpu.memory_space<vmem>> -> memref<128xi32, #tpu.memory_space<vmem>>
    %dma_start3A_72 = arith.constant 0 : i32
    %dma_start3A_73 = arith.constant 0 : i32
    %dma_start3A_74 = tpu.memref_slice %arg4[%dma_start3A_72, %dma_start3A_73] : memref<20000x64xbf16, #tpu.memory_space<hbm>> -> memref<20000x64xbf16, #tpu.memory_space<hbm>>
    tpu.enqueue_indirect_dma source(%dma_start3A_74 : memref<20000x64xbf16, #tpu.memory_space<hbm>>) target(%arg13 : memref<128x64xbf16, #tpu.memory_space<vmem>>) offsets(%dma_start3A_71 : memref<128xi32, #tpu.memory_space<vmem>>) semaphore(%arg23 : memref<!tpu.dma_semaphore, #tpu.memory_space<semaphore_mem>>)
    %dma_wait3A_75 = arith.constant 1 : i32
    %dma_wait3A_76 = arith.constant 0 : i32
    %dma_wait3A_77 = tpu.memref_slice %arg7[%dma_wait3A_75, %dma_wait3A_76] : memref<160x128xi32, #tpu.memory_space<vmem>> -> memref<1x128xi32, #tpu.memory_space<vmem>>
    %dma_wait3A_78 = tpu.memref_squeeze %dma_wait3A_77 : memref<1x128xi32, #tpu.memory_space<vmem>> -> memref<128xi32, #tpu.memory_space<vmem>>
    %dma_wait3A_79 = arith.constant 0 : i32
    %dma_wait3A_80 = arith.constant 0 : i32
    %dma_wait3A_81 = tpu.memref_slice %arg4[%dma_wait3A_79, %dma_wait3A_80] : memref<20000x64xbf16, #tpu.memory_space<hbm>> -> memref<20000x64xbf16, #tpu.memory_space<hbm>>
    tpu.wait_indirect_dma semaphore(%arg20 : memref<!tpu.dma_semaphore, #tpu.memory_space<semaphore_mem>>) src(%dma_wait3A_81 : memref<20000x64xbf16, #tpu.memory_space<hbm>>) dst(%arg10 : memref<128x64xbf16, #tpu.memory_space<vmem>>)
    %scan3A_82 = arith.constant 0 : i32
    %scan3A_83 = arith.constant 0 : i32
    %scan3A_84 = arith.constant 128 : i32
    %scan3A_85 = arith.addi %scan3A_83, %scan3A_84 : i32
    %scan3A_86 = arith.constant 1 : i32
    scf.for %scan3A_371 = %scan3A_83 to %scan3A_85 step %scan3A_86  : i32 {
      %get3A = arith.constant 0 : i32
      %get3A_372 = tpu.memref_slice %arg10[%scan3A_371, %get3A] : memref<128x64xbf16, #tpu.memory_space<vmem>> -> memref<1x64xbf16, #tpu.memory_space<vmem>>
      %get3A_373 = tpu.memref_squeeze %get3A_372 : memref<1x64xbf16, #tpu.memory_space<vmem>> -> memref<64xbf16, #tpu.memory_space<vmem>>
      %get3A_374 = arith.constant 0 : index
      %get3A_375 = tpu.vector_load %get3A_373[%get3A_374] {strides = array<i32>} : memref<64xbf16, #tpu.memory_space<vmem>>, vector<32xbf16>,
      %unpack3A = tpu.unpack_subelements %get3A_375, 0 {pack_format = #tpu.pack_format<interleaved>} : vector<32xbf16> -> vector<16xf32>
      %unpack3A_376 = tpu.unpack_subelements %get3A_375, 1 {pack_format = #tpu.pack_format<interleaved>} : vector<32xbf16> -> vector<16xf32>
      %swap3A = arith.constant 0 : i32
      %swap3A_377 = tpu.memref_slice %arg16[%scan3A_371, %swap3A] : memref<128x64xf32, #tpu.memory_space<vmem>> -> memref<1x64xf32, #tpu.memory_space<vmem>>
      %swap3A_378 = tpu.memref_squeeze %swap3A_377 : memref<1x64xf32, #tpu.memory_space<vmem>> -> memref<64xf32, #tpu.memory_space<vmem>>
      %swap3A_379 = arith.constant 0 : index
      %swap3A_380 = tpu.vector_load %swap3A_378[%swap3A_379] {strides = array<i32>} : memref<64xf32, #tpu.memory_space<vmem>>, vector<16xf32>,
      tpu.vector_store %swap3A_378[%swap3A_379], %unpack3A {strides = array<i32>} : memref<64xf32, #tpu.memory_space<vmem>>, vector<16xf32>,
      %swap3A_381 = arith.constant 0 : i32
      %swap3A_382 = tpu.memref_slice %arg16[%scan3A_371, %swap3A_381] : memref<128x64xf32, #tpu.memory_space<vmem>> -> memref<1x64xf32, #tpu.memory_space<vmem>>
      %swap3A_383 = tpu.memref_squeeze %swap3A_382 : memref<1x64xf32, #tpu.memory_space<vmem>> -> memref<64xf32, #tpu.memory_space<vmem>>
      %swap3A_384 = arith.constant 16 : index
      %swap3A_385 = tpu.vector_load %swap3A_383[%swap3A_384] {strides = array<i32>} : memref<64xf32, #tpu.memory_space<vmem>>, vector<16xf32>,
      tpu.vector_store %swap3A_383[%swap3A_384], %unpack3A_376 {strides = array<i32>} : memref<64xf32, #tpu.memory_space<vmem>>, vector<16xf32>,
      %get3A_386 = arith.constant 0 : i32
      %get3A_387 = tpu.memref_slice %arg10[%scan3A_371, %get3A_386] : memref<128x64xbf16, #tpu.memory_space<vmem>> -> memref<1x64xbf16, #tpu.memory_space<vmem>>
      %get3A_388 = tpu.memref_squeeze %get3A_387 : memref<1x64xbf16, #tpu.memory_space<vmem>> -> memref<64xbf16, #tpu.memory_space<vmem>>
      %get3A_389 = arith.constant 32 : index
      %get3A_390 = tpu.vector_load %get3A_388[%get3A_389] {strides = array<i32>} : memref<64xbf16, #tpu.memory_space<vmem>>, vector<32xbf16>,
      %unpack3A_391 = tpu.unpack_subelements %get3A_390, 0 {pack_format = #tpu.pack_format<interleaved>} : vector<32xbf16> -> vector<16xf32>
      %unpack3A_392 = tpu.unpack_subelements %get3A_390, 1 {pack_format = #tpu.pack_format<interleaved>} : vector<32xbf16> -> vector<16xf32>
      %swap3A_393 = arith.constant 0 : i32
      %swap3A_394 = tpu.memref_slice %arg16[%scan3A_371, %swap3A_393] : memref<128x64xf32, #tpu.memory_space<vmem>> -> memref<1x64xf32, #tpu.memory_space<vmem>>
      %swap3A_395 = tpu.memref_squeeze %swap3A_394 : memref<1x64xf32, #tpu.memory_space<vmem>> -> memref<64xf32, #tpu.memory_space<vmem>>
      %swap3A_396 = arith.constant 32 : index
      %swap3A_397 = tpu.vector_load %swap3A_395[%swap3A_396] {strides = array<i32>} : memref<64xf32, #tpu.memory_space<vmem>>, vector<16xf32>,
      tpu.vector_store %swap3A_395[%swap3A_396], %unpack3A_391 {strides = array<i32>} : memref<64xf32, #tpu.memory_space<vmem>>, vector<16xf32>,
      %swap3A_398 = arith.constant 0 : i32
      %swap3A_399 = tpu.memref_slice %arg16[%scan3A_371, %swap3A_398] : memref<128x64xf32, #tpu.memory_space<vmem>> -> memref<1x64xf32, #tpu.memory_space<vmem>>
      %swap3A_400 = tpu.memref_squeeze %swap3A_399 : memref<1x64xf32, #tpu.memory_space<vmem>> -> memref<64xf32, #tpu.memory_space<vmem>>
      %swap3A_401 = arith.constant 48 : index
      %swap3A_402 = tpu.vector_load %swap3A_400[%swap3A_401] {strides = array<i32>} : memref<64xf32, #tpu.memory_space<vmem>>, vector<16xf32>,
      tpu.vector_store %swap3A_400[%swap3A_401], %unpack3A_392 {strides = array<i32>} : memref<64xf32, #tpu.memory_space<vmem>>, vector<16xf32>,
    }
    %scan3A_87 = arith.constant 128 : i32
    %dma_start3A_88 = arith.constant 1 : i32
    %dma_start3A_89 = arith.constant 0 : i32
    %dma_start3A_90 = tpu.memref_slice %arg8[%dma_start3A_88, %dma_start3A_89] : memref<160x128xi32, #tpu.memory_space<vmem>> -> memref<1x128xi32, #tpu.memory_space<vmem>>
    %dma_start3A_91 = tpu.memref_squeeze %dma_start3A_90 : memref<1x128xi32, #tpu.memory_space<vmem>> -> memref<128xi32, #tpu.memory_space<vmem>>
    %dma_start3A_92 = arith.constant 0 : i32
    %dma_start3A_93 = arith.constant 0 : i32
    %dma_start3A_94 = tpu.memref_slice %arg18[%dma_start3A_92, %dma_start3A_93] : memref<10112x64xf32, #tpu.memory_space<vmem_shared>> -> memref<10112x64xf32, #tpu.memory_space<vmem_shared>>
    tpu.enqueue_indirect_dma source(%arg16 : memref<128x64xf32, #tpu.memory_space<vmem>>) target(%dma_start3A_94 : memref<10112x64xf32, #tpu.memory_space<vmem_shared>>) offsets(%dma_start3A_91 : memref<128xi32, #tpu.memory_space<vmem>>) semaphore(%arg26 : memref<!tpu.dma_semaphore, #tpu.memory_space<semaphore_mem>>) {add = true}
    %dma_start3A_95 = arith.constant 5 : i32
    %dma_start3A_96 = arith.constant 0 : i32
    %dma_start3A_97 = tpu.memref_slice %arg7[%dma_start3A_95, %dma_start3A_96] : memref<160x128xi32, #tpu.memory_space<vmem>> -> memref<1x128xi32, #tpu.memory_space<vmem>>
    %dma_start3A_98 = tpu.memref_squeeze %dma_start3A_97 : memref<1x128xi32, #tpu.memory_space<vmem>> -> memref<128xi32, #tpu.memory_space<vmem>>
    %dma_start3A_99 = arith.constant 0 : i32
    %dma_start3A_100 = arith.constant 0 : i32
    %dma_start3A_101 = tpu.memref_slice %arg4[%dma_start3A_99, %dma_start3A_100] : memref<20000x64xbf16, #tpu.memory_space<hbm>> -> memref<20000x64xbf16, #tpu.memory_space<hbm>>
    tpu.enqueue_indirect_dma source(%dma_start3A_101 : memref<20000x64xbf16, #tpu.memory_space<hbm>>) target(%arg14 : memref<128x64xbf16, #tpu.memory_space<vmem>>) offsets(%dma_start3A_98 : memref<128xi32, #tpu.memory_space<vmem>>) semaphore(%arg24 : memref<!tpu.dma_semaphore, #tpu.memory_space<semaphore_mem>>)
    %dma_wait3A_102 = arith.constant 2 : i32
    %dma_wait3A_103 = arith.constant 0 : i32
    %dma_wait3A_104 = tpu.memref_slice %arg7[%dma_wait3A_102, %dma_wait3A_103] : memref<160x128xi32, #tpu.memory_space<vmem>> -> memref<1x128xi32, #tpu.memory_space<vmem>>
    %dma_wait3A_105 = tpu.memref_squeeze %dma_wait3A_104 : memref<1x128xi32, #tpu.memory_space<vmem>> -> memref<128xi32, #tpu.memory_space<vmem>>
    %dma_wait3A_106 = arith.constant 0 : i32
    %dma_wait3A_107 = arith.constant 0 : i32
    %dma_wait3A_108 = tpu.memref_slice %arg4[%dma_wait3A_106, %dma_wait3A_107] : memref<20000x64xbf16, #tpu.memory_space<hbm>> -> memref<20000x64xbf16, #tpu.memory_space<hbm>>
    tpu.wait_indirect_dma semaphore(%arg21 : memref<!tpu.dma_semaphore, #tpu.memory_space<semaphore_mem>>) src(%dma_wait3A_108 : memref<20000x64xbf16, #tpu.memory_space<hbm>>) dst(%arg11 : memref<128x64xbf16, #tpu.memory_space<vmem>>)
    %scan3A_109 = arith.constant 0 : i32
    %scan3A_110 = arith.constant 0 : i32
    %scan3A_111 = arith.constant 128 : i32
    %scan3A_112 = arith.addi %scan3A_110, %scan3A_111 : i32
    %scan3A_113 = arith.constant 1 : i32
    scf.for %scan3A_371 = %scan3A_110 to %scan3A_112 step %scan3A_113  : i32 {
      %get3A = arith.constant 0 : i32
      %get3A_372 = tpu.memref_slice %arg11[%scan3A_371, %get3A] : memref<128x64xbf16, #tpu.memory_space<vmem>> -> memref<1x64xbf16, #tpu.memory_space<vmem>>
      %get3A_373 = tpu.memref_squeeze %get3A_372 : memref<1x64xbf16, #tpu.memory_space<vmem>> -> memref<64xbf16, #tpu.memory_space<vmem>>
      %get3A_374 = arith.constant 0 : index
      %get3A_375 = tpu.vector_load %get3A_373[%get3A_374] {strides = array<i32>} : memref<64xbf16, #tpu.memory_space<vmem>>, vector<32xbf16>,
      %unpack3A = tpu.unpack_subelements %get3A_375, 0 {pack_format = #tpu.pack_format<interleaved>} : vector<32xbf16> -> vector<16xf32>
      %unpack3A_376 = tpu.unpack_subelements %get3A_375, 1 {pack_format = #tpu.pack_format<interleaved>} : vector<32xbf16> -> vector<16xf32>
      %swap3A = arith.constant 0 : i32
      %swap3A_377 = tpu.memref_slice %arg17[%scan3A_371, %swap3A] : memref<128x64xf32, #tpu.memory_space<vmem>> -> memref<1x64xf32, #tpu.memory_space<vmem>>
      %swap3A_378 = tpu.memref_squeeze %swap3A_377 : memref<1x64xf32, #tpu.memory_space<vmem>> -> memref<64xf32, #tpu.memory_space<vmem>>
      %swap3A_379 = arith.constant 0 : index
      %swap3A_380 = tpu.vector_load %swap3A_378[%swap3A_379] {strides = array<i32>} : memref<64xf32, #tpu.memory_space<vmem>>, vector<16xf32>,
      tpu.vector_store %swap3A_378[%swap3A_379], %unpack3A {strides = array<i32>} : memref<64xf32, #tpu.memory_space<vmem>>, vector<16xf32>,
      %swap3A_381 = arith.constant 0 : i32
      %swap3A_382 = tpu.memref_slice %arg17[%scan3A_371, %swap3A_381] : memref<128x64xf32, #tpu.memory_space<vmem>> -> memref<1x64xf32, #tpu.memory_space<vmem>>
      %swap3A_383 = tpu.memref_squeeze %swap3A_382 : memref<1x64xf32, #tpu.memory_space<vmem>> -> memref<64xf32, #tpu.memory_space<vmem>>
      %swap3A_384 = arith.constant 16 : index
      %swap3A_385 = tpu.vector_load %swap3A_383[%swap3A_384] {strides = array<i32>} : memref<64xf32, #tpu.memory_space<vmem>>, vector<16xf32>,
      tpu.vector_store %swap3A_383[%swap3A_384], %unpack3A_376 {strides = array<i32>} : memref<64xf32, #tpu.memory_space<vmem>>, vector<16xf32>,
      %get3A_386 = arith.constant 0 : i32
      %get3A_387 = tpu.memref_slice %arg11[%scan3A_371, %get3A_386] : memref<128x64xbf16, #tpu.memory_space<vmem>> -> memref<1x64xbf16, #tpu.memory_space<vmem>>
      %get3A_388 = tpu.memref_squeeze %get3A_387 : memref<1x64xbf16, #tpu.memory_space<vmem>> -> memref<64xbf16, #tpu.memory_space<vmem>>
      %get3A_389 = arith.constant 32 : index
      %get3A_390 = tpu.vector_load %get3A_388[%get3A_389] {strides = array<i32>} : memref<64xbf16, #tpu.memory_space<vmem>>, vector<32xbf16>,
      %unpack3A_391 = tpu.unpack_subelements %get3A_390, 0 {pack_format = #tpu.pack_format<interleaved>} : vector<32xbf16> -> vector<16xf32>
      %unpack3A_392 = tpu.unpack_subelements %get3A_390, 1 {pack_format = #tpu.pack_format<interleaved>} : vector<32xbf16> -> vector<16xf32>
      %swap3A_393 = arith.constant 0 : i32
      %swap3A_394 = tpu.memref_slice %arg17[%scan3A_371, %swap3A_393] : memref<128x64xf32, #tpu.memory_space<vmem>> -> memref<1x64xf32, #tpu.memory_space<vmem>>
      %swap3A_395 = tpu.memref_squeeze %swap3A_394 : memref<1x64xf32, #tpu.memory_space<vmem>> -> memref<64xf32, #tpu.memory_space<vmem>>
      %swap3A_396 = arith.constant 32 : index
      %swap3A_397 = tpu.vector_load %swap3A_395[%swap3A_396] {strides = array<i32>} : memref<64xf32, #tpu.memory_space<vmem>>, vector<16xf32>,
      tpu.vector_store %swap3A_395[%swap3A_396], %unpack3A_391 {strides = array<i32>} : memref<64xf32, #tpu.memory_space<vmem>>, vector<16xf32>,
      %swap3A_398 = arith.constant 0 : i32
      %swap3A_399 = tpu.memref_slice %arg17[%scan3A_371, %swap3A_398] : memref<128x64xf32, #tpu.memory_space<vmem>> -> memref<1x64xf32, #tpu.memory_space<vmem>>
      %swap3A_400 = tpu.memref_squeeze %swap3A_399 : memref<1x64xf32, #tpu.memory_space<vmem>> -> memref<64xf32, #tpu.memory_space<vmem>>
      %swap3A_401 = arith.constant 48 : index
      %swap3A_402 = tpu.vector_load %swap3A_400[%swap3A_401] {strides = array<i32>} : memref<64xf32, #tpu.memory_space<vmem>>, vector<16xf32>,
      tpu.vector_store %swap3A_400[%swap3A_401], %unpack3A_392 {strides = array<i32>} : memref<64xf32, #tpu.memory_space<vmem>>, vector<16xf32>,
    }
    %scan3A_114 = arith.constant 128 : i32
    %dma_start3A_115 = arith.constant 2 : i32
    %dma_start3A_116 = arith.constant 0 : i32
    %dma_start3A_117 = tpu.memref_slice %arg8[%dma_start3A_115, %dma_start3A_116] : memref<160x128xi32, #tpu.memory_space<vmem>> -> memref<1x128xi32, #tpu.memory_space<vmem>>
    %dma_start3A_118 = tpu.memref_squeeze %dma_start3A_117 : memref<1x128xi32, #tpu.memory_space<vmem>> -> memref<128xi32, #tpu.memory_space<vmem>>
    %dma_start3A_119 = arith.constant 0 : i32
    %dma_start3A_120 = arith.constant 0 : i32
    %dma_start3A_121 = tpu.memref_slice %arg18[%dma_start3A_119, %dma_start3A_120] : memref<10112x64xf32, #tpu.memory_space<vmem_shared>> -> memref<10112x64xf32, #tpu.memory_space<vmem_shared>>
    tpu.enqueue_indirect_dma source(%arg17 : memref<128x64xf32, #tpu.memory_space<vmem>>) target(%dma_start3A_121 : memref<10112x64xf32, #tpu.memory_space<vmem_shared>>) offsets(%dma_start3A_118 : memref<128xi32, #tpu.memory_space<vmem>>) semaphore(%arg27 : memref<!tpu.dma_semaphore, #tpu.memory_space<semaphore_mem>>) {add = true}
    %dma_start3A_122 = arith.constant 6 : i32
    %dma_start3A_123 = arith.constant 0 : i32
    %dma_start3A_124 = tpu.memref_slice %arg7[%dma_start3A_122, %dma_start3A_123] : memref<160x128xi32, #tpu.memory_space<vmem>> -> memref<1x128xi32, #tpu.memory_space<vmem>>
    %dma_start3A_125 = tpu.memref_squeeze %dma_start3A_124 : memref<1x128xi32, #tpu.memory_space<vmem>> -> memref<128xi32, #tpu.memory_space<vmem>>
    %dma_start3A_126 = arith.constant 0 : i32
    %dma_start3A_127 = arith.constant 0 : i32
    %dma_start3A_128 = tpu.memref_slice %arg4[%dma_start3A_126, %dma_start3A_127] : memref<20000x64xbf16, #tpu.memory_space<hbm>> -> memref<20000x64xbf16, #tpu.memory_space<hbm>>
    tpu.enqueue_indirect_dma source(%dma_start3A_128 : memref<20000x64xbf16, #tpu.memory_space<hbm>>) target(%arg9 : memref<128x64xbf16, #tpu.memory_space<vmem>>) offsets(%dma_start3A_125 : memref<128xi32, #tpu.memory_space<vmem>>) semaphore(%arg19 : memref<!tpu.dma_semaphore, #tpu.memory_space<semaphore_mem>>)
    %scan3A_129 = arith.constant 0 : i32
    %scan3A_130 = arith.constant 0 : i32
    %scan3A_131 = arith.constant 25 : i32
    %scan3A_132 = arith.addi %scan3A_130, %scan3A_131 : i32
    %scan3A_133 = arith.constant 1 : i32
    scf.for %scan3A_371 = %scan3A_130 to %scan3A_132 step %scan3A_133  : i32 {
      %mul3A_372 = arith.constant 6 : i32
      %mul3A_373 = arith.muli %mul3A_372, %scan3A_371 : i32
      %add3A = arith.constant 3 : i32
      %add3A_374 = arith.addi %mul3A_373, %add3A : i32
      %add3A_375 = arith.constant 0 : i32
      %add3A_376 = arith.addi %add3A_374, %add3A_375 : i32
      %dma_wait3A_377 = arith.constant 0 : i32
      %dma_wait3A_378 = tpu.memref_slice %arg7[%add3A_376, %dma_wait3A_377] : memref<160x128xi32, #tpu.memory_space<vmem>> -> memref<1x128xi32, #tpu.memory_space<vmem>>
      %dma_wait3A_379 = tpu.memref_squeeze %dma_wait3A_378 : memref<1x128xi32, #tpu.memory_space<vmem>> -> memref<128xi32, #tpu.memory_space<vmem>>
      %dma_wait3A_380 = arith.constant 0 : i32
      %dma_wait3A_381 = arith.constant 0 : i32
      %dma_wait3A_382 = tpu.memref_slice %arg4[%dma_wait3A_380, %dma_wait3A_381] : memref<20000x64xbf16, #tpu.memory_space<hbm>> -> memref<20000x64xbf16, #tpu.memory_space<hbm>>
      tpu.wait_indirect_dma semaphore(%arg22 : memref<!tpu.dma_semaphore, #tpu.memory_space<semaphore_mem>>) src(%dma_wait3A_382 : memref<20000x64xbf16, #tpu.memory_space<hbm>>) dst(%arg12 : memref<128x64xbf16, #tpu.memory_space<vmem>>)
      %sub3A = arith.constant 3 : i32
      %sub3A_383 = arith.subi %add3A_376, %sub3A : i32
      %dma_wait3A_384 = arith.constant 0 : i32
      %dma_wait3A_385 = tpu.memref_slice %arg8[%sub3A_383, %dma_wait3A_384] : memref<160x128xi32, #tpu.memory_space<vmem>> -> memref<1x128xi32, #tpu.memory_space<vmem>>
      %dma_wait3A_386 = tpu.memref_squeeze %dma_wait3A_385 : memref<1x128xi32, #tpu.memory_space<vmem>> -> memref<128xi32, #tpu.memory_space<vmem>>
      %dma_wait3A_387 = arith.constant 0 : i32
      %dma_wait3A_388 = arith.constant 0 : i32
      %dma_wait3A_389 = tpu.memref_slice %arg18[%dma_wait3A_387, %dma_wait3A_388] : memref<10112x64xf32, #tpu.memory_space<vmem_shared>> -> memref<10112x64xf32, #tpu.memory_space<vmem_shared>>
      tpu.wait_indirect_dma semaphore(%arg25 : memref<!tpu.dma_semaphore, #tpu.memory_space<semaphore_mem>>) src(%arg15 : memref<128x64xf32, #tpu.memory_space<vmem>>) dst(%dma_wait3A_389 : memref<10112x64xf32, #tpu.memory_space<vmem_shared>>)
      %scan3A_390 = arith.constant 0 : i32
      %scan3A_391 = arith.constant 0 : i32
      %scan3A_392 = arith.constant 128 : i32
      %scan3A_393 = arith.addi %scan3A_391, %scan3A_392 : i32
      %scan3A_394 = arith.constant 1 : i32
      scf.for %scan3A_610 = %scan3A_391 to %scan3A_393 step %scan3A_394  : i32 {
        %get3A = arith.constant 0 : i32
        %get3A_611 = tpu.memref_slice %arg12[%scan3A_610, %get3A] : memref<128x64xbf16, #tpu.memory_space<vmem>> -> memref<1x64xbf16, #tpu.memory_space<vmem>>
        %get3A_612 = tpu.memref_squeeze %get3A_611 : memref<1x64xbf16, #tpu.memory_space<vmem>> -> memref<64xbf16, #tpu.memory_space<vmem>>
        %get3A_613 = arith.constant 0 : index
        %get3A_614 = tpu.vector_load %get3A_612[%get3A_613] {strides = array<i32>} : memref<64xbf16, #tpu.memory_space<vmem>>, vector<32xbf16>,
        %unpack3A = tpu.unpack_subelements %get3A_614, 0 {pack_format = #tpu.pack_format<interleaved>} : vector<32xbf16> -> vector<16xf32>
        %unpack3A_615 = tpu.unpack_subelements %get3A_614, 1 {pack_format = #tpu.pack_format<interleaved>} : vector<32xbf16> -> vector<16xf32>
        %swap3A = arith.constant 0 : i32
        %swap3A_616 = tpu.memref_slice %arg15[%scan3A_610, %swap3A] : memref<128x64xf32, #tpu.memory_space<vmem>> -> memref<1x64xf32, #tpu.memory_space<vmem>>
        %swap3A_617 = tpu.memref_squeeze %swap3A_616 : memref<1x64xf32, #tpu.memory_space<vmem>> -> memref<64xf32, #tpu.memory_space<vmem>>
        %swap3A_618 = arith.constant 0 : index
        %swap3A_619 = tpu.vector_load %swap3A_617[%swap3A_618] {strides = array<i32>} : memref<64xf32, #tpu.memory_space<vmem>>, vector<16xf32>,
        tpu.vector_store %swap3A_617[%swap3A_618], %unpack3A {strides = array<i32>} : memref<64xf32, #tpu.memory_space<vmem>>, vector<16xf32>,
        %swap3A_620 = arith.constant 0 : i32
        %swap3A_621 = tpu.memref_slice %arg15[%scan3A_610, %swap3A_620] : memref<128x64xf32, #tpu.memory_space<vmem>> -> memref<1x64xf32, #tpu.memory_space<vmem>>
        %swap3A_622 = tpu.memref_squeeze %swap3A_621 : memref<1x64xf32, #tpu.memory_space<vmem>> -> memref<64xf32, #tpu.memory_space<vmem>>
        %swap3A_623 = arith.constant 16 : index
        %swap3A_624 = tpu.vector_load %swap3A_622[%swap3A_623] {strides = array<i32>} : memref<64xf32, #tpu.memory_space<vmem>>, vector<16xf32>,
        tpu.vector_store %swap3A_622[%swap3A_623], %unpack3A_615 {strides = array<i32>} : memref<64xf32, #tpu.memory_space<vmem>>, vector<16xf32>,
        %get3A_625 = arith.constant 0 : i32
        %get3A_626 = tpu.memref_slice %arg12[%scan3A_610, %get3A_625] : memref<128x64xbf16, #tpu.memory_space<vmem>> -> memref<1x64xbf16, #tpu.memory_space<vmem>>
        %get3A_627 = tpu.memref_squeeze %get3A_626 : memref<1x64xbf16, #tpu.memory_space<vmem>> -> memref<64xbf16, #tpu.memory_space<vmem>>
        %get3A_628 = arith.constant 32 : index
        %get3A_629 = tpu.vector_load %get3A_627[%get3A_628] {strides = array<i32>} : memref<64xbf16, #tpu.memory_space<vmem>>, vector<32xbf16>,
        %unpack3A_630 = tpu.unpack_subelements %get3A_629, 0 {pack_format = #tpu.pack_format<interleaved>} : vector<32xbf16> -> vector<16xf32>
        %unpack3A_631 = tpu.unpack_subelements %get3A_629, 1 {pack_format = #tpu.pack_format<interleaved>} : vector<32xbf16> -> vector<16xf32>
        %swap3A_632 = arith.constant 0 : i32
        %swap3A_633 = tpu.memref_slice %arg15[%scan3A_610, %swap3A_632] : memref<128x64xf32, #tpu.memory_space<vmem>> -> memref<1x64xf32, #tpu.memory_space<vmem>>
        %swap3A_634 = tpu.memref_squeeze %swap3A_633 : memref<1x64xf32, #tpu.memory_space<vmem>> -> memref<64xf32, #tpu.memory_space<vmem>>
        %swap3A_635 = arith.constant 32 : index
        %swap3A_636 = tpu.vector_load %swap3A_634[%swap3A_635] {strides = array<i32>} : memref<64xf32, #tpu.memory_space<vmem>>, vector<16xf32>,
        tpu.vector_store %swap3A_634[%swap3A_635], %unpack3A_630 {strides = array<i32>} : memref<64xf32, #tpu.memory_space<vmem>>, vector<16xf32>,
        %swap3A_637 = arith.constant 0 : i32
        %swap3A_638 = tpu.memref_slice %arg15[%scan3A_610, %swap3A_637] : memref<128x64xf32, #tpu.memory_space<vmem>> -> memref<1x64xf32, #tpu.memory_space<vmem>>
        %swap3A_639 = tpu.memref_squeeze %swap3A_638 : memref<1x64xf32, #tpu.memory_space<vmem>> -> memref<64xf32, #tpu.memory_space<vmem>>
        %swap3A_640 = arith.constant 48 : index
        %swap3A_641 = tpu.vector_load %swap3A_639[%swap3A_640] {strides = array<i32>} : memref<64xf32, #tpu.memory_space<vmem>>, vector<16xf32>,
        tpu.vector_store %swap3A_639[%swap3A_640], %unpack3A_631 {strides = array<i32>} : memref<64xf32, #tpu.memory_space<vmem>>, vector<16xf32>,
      }
      %scan3A_395 = arith.constant 128 : i32
      %dma_start3A_396 = arith.constant 0 : i32
      %dma_start3A_397 = tpu.memref_slice %arg8[%add3A_376, %dma_start3A_396] : memref<160x128xi32, #tpu.memory_space<vmem>> -> memref<1x128xi32, #tpu.memory_space<vmem>>
      %dma_start3A_398 = tpu.memref_squeeze %dma_start3A_397 : memref<1x128xi32, #tpu.memory_space<vmem>> -> memref<128xi32, #tpu.memory_space<vmem>>
      %dma_start3A_399 = arith.constant 0 : i32
      %dma_start3A_400 = arith.constant 0 : i32
      %dma_start3A_401 = tpu.memref_slice %arg18[%dma_start3A_399, %dma_start3A_400] : memref<10112x64xf32, #tpu.memory_space<vmem_shared>> -> memref<10112x64xf32, #tpu.memory_space<vmem_shared>>
      tpu.enqueue_indirect_dma source(%arg15 : memref<128x64xf32, #tpu.memory_space<vmem>>) target(%dma_start3A_401 : memref<10112x64xf32, #tpu.memory_space<vmem_shared>>) offsets(%dma_start3A_398 : memref<128xi32, #tpu.memory_space<vmem>>) semaphore(%arg25 : memref<!tpu.dma_semaphore, #tpu.memory_space<semaphore_mem>>) {add = true}
      %add3A_402 = arith.constant 4 : i32
      %add3A_403 = arith.addi %add3A_376, %add3A_402 : i32
      %dma_start3A_404 = arith.constant 0 : i32
      %dma_start3A_405 = tpu.memref_slice %arg7[%add3A_403, %dma_start3A_404] : memref<160x128xi32, #tpu.memory_space<vmem>> -> memref<1x128xi32, #tpu.memory_space<vmem>>
      %dma_start3A_406 = tpu.memref_squeeze %dma_start3A_405 : memref<1x128xi32, #tpu.memory_space<vmem>> -> memref<128xi32, #tpu.memory_space<vmem>>
      %dma_start3A_407 = arith.constant 0 : i32
      %dma_start3A_408 = arith.constant 0 : i32
      %dma_start3A_409 = tpu.memref_slice %arg4[%dma_start3A_407, %dma_start3A_408] : memref<20000x64xbf16, #tpu.memory_space<hbm>> -> memref<20000x64xbf16, #tpu.memory_space<hbm>>
      tpu.enqueue_indirect_dma source(%dma_start3A_409 : memref<20000x64xbf16, #tpu.memory_space<hbm>>) target(%arg10 : memref<128x64xbf16, #tpu.memory_space<vmem>>) offsets(%dma_start3A_406 : memref<128xi32, #tpu.memory_space<vmem>>) semaphore(%arg20 : memref<!tpu.dma_semaphore, #tpu.memory_space<semaphore_mem>>)
      %mul3A_410 = arith.constant 6 : i32
      %mul3A_411 = arith.muli %mul3A_410, %scan3A_371 : i32
      %add3A_412 = arith.constant 3 : i32
      %add3A_413 = arith.addi %mul3A_411, %add3A_412 : i32
      %add3A_414 = arith.constant 1 : i32
      %add3A_415 = arith.addi %add3A_413, %add3A_414 : i32
      %dma_wait3A_416 = arith.constant 0 : i32
      %dma_wait3A_417 = tpu.memref_slice %arg7[%add3A_415, %dma_wait3A_416] : memref<160x128xi32, #tpu.memory_space<vmem>> -> memref<1x128xi32, #tpu.memory_space<vmem>>
      %dma_wait3A_418 = tpu.memref_squeeze %dma_wait3A_417 : memref<1x128xi32, #tpu.memory_space<vmem>> -> memref<128xi32, #tpu.memory_space<vmem>>
      %dma_wait3A_419 = arith.constant 0 : i32
      %dma_wait3A_420 = arith.constant 0 : i32
      %dma_wait3A_421 = tpu.memref_slice %arg4[%dma_wait3A_419, %dma_wait3A_420] : memref<20000x64xbf16, #tpu.memory_space<hbm>> -> memref<20000x64xbf16, #tpu.memory_space<hbm>>
      tpu.wait_indirect_dma semaphore(%arg23 : memref<!tpu.dma_semaphore, #tpu.memory_space<semaphore_mem>>) src(%dma_wait3A_421 : memref<20000x64xbf16, #tpu.memory_space<hbm>>) dst(%arg13 : memref<128x64xbf16, #tpu.memory_space<vmem>>)
      %sub3A_422 = arith.constant 3 : i32
      %sub3A_423 = arith.subi %add3A_415, %sub3A_422 : i32
      %dma_wait3A_424 = arith.constant 0 : i32
      %dma_wait3A_425 = tpu.memref_slice %arg8[%sub3A_423, %dma_wait3A_424] : memref<160x128xi32, #tpu.memory_space<vmem>> -> memref<1x128xi32, #tpu.memory_space<vmem>>
      %dma_wait3A_426 = tpu.memref_squeeze %dma_wait3A_425 : memref<1x128xi32, #tpu.memory_space<vmem>> -> memref<128xi32, #tpu.memory_space<vmem>>
      %dma_wait3A_427 = arith.constant 0 : i32
      %dma_wait3A_428 = arith.constant 0 : i32
      %dma_wait3A_429 = tpu.memref_slice %arg18[%dma_wait3A_427, %dma_wait3A_428] : memref<10112x64xf32, #tpu.memory_space<vmem_shared>> -> memref<10112x64xf32, #tpu.memory_space<vmem_shared>>
      tpu.wait_indirect_dma semaphore(%arg26 : memref<!tpu.dma_semaphore, #tpu.memory_space<semaphore_mem>>) src(%arg16 : memref<128x64xf32, #tpu.memory_space<vmem>>) dst(%dma_wait3A_429 : memref<10112x64xf32, #tpu.memory_space<vmem_shared>>)
      %scan3A_430 = arith.constant 0 : i32
      %scan3A_431 = arith.constant 0 : i32
      %scan3A_432 = arith.constant 128 : i32
      %scan3A_433 = arith.addi %scan3A_431, %scan3A_432 : i32
      %scan3A_434 = arith.constant 1 : i32
      scf.for %scan3A_610 = %scan3A_431 to %scan3A_433 step %scan3A_434  : i32 {
        %get3A = arith.constant 0 : i32
        %get3A_611 = tpu.memref_slice %arg13[%scan3A_610, %get3A] : memref<128x64xbf16, #tpu.memory_space<vmem>> -> memref<1x64xbf16, #tpu.memory_space<vmem>>
        %get3A_612 = tpu.memref_squeeze %get3A_611 : memref<1x64xbf16, #tpu.memory_space<vmem>> -> memref<64xbf16, #tpu.memory_space<vmem>>
        %get3A_613 = arith.constant 0 : index
        %get3A_614 = tpu.vector_load %get3A_612[%get3A_613] {strides = array<i32>} : memref<64xbf16, #tpu.memory_space<vmem>>, vector<32xbf16>,
        %unpack3A = tpu.unpack_subelements %get3A_614, 0 {pack_format = #tpu.pack_format<interleaved>} : vector<32xbf16> -> vector<16xf32>
        %unpack3A_615 = tpu.unpack_subelements %get3A_614, 1 {pack_format = #tpu.pack_format<interleaved>} : vector<32xbf16> -> vector<16xf32>
        %swap3A = arith.constant 0 : i32
        %swap3A_616 = tpu.memref_slice %arg16[%scan3A_610, %swap3A] : memref<128x64xf32, #tpu.memory_space<vmem>> -> memref<1x64xf32, #tpu.memory_space<vmem>>
        %swap3A_617 = tpu.memref_squeeze %swap3A_616 : memref<1x64xf32, #tpu.memory_space<vmem>> -> memref<64xf32, #tpu.memory_space<vmem>>
        %swap3A_618 = arith.constant 0 : index
        %swap3A_619 = tpu.vector_load %swap3A_617[%swap3A_618] {strides = array<i32>} : memref<64xf32, #tpu.memory_space<vmem>>, vector<16xf32>,
        tpu.vector_store %swap3A_617[%swap3A_618], %unpack3A {strides = array<i32>} : memref<64xf32, #tpu.memory_space<vmem>>, vector<16xf32>,
        %swap3A_620 = arith.constant 0 : i32
        %swap3A_621 = tpu.memref_slice %arg16[%scan3A_610, %swap3A_620] : memref<128x64xf32, #tpu.memory_space<vmem>> -> memref<1x64xf32, #tpu.memory_space<vmem>>
        %swap3A_622 = tpu.memref_squeeze %swap3A_621 : memref<1x64xf32, #tpu.memory_space<vmem>> -> memref<64xf32, #tpu.memory_space<vmem>>
        %swap3A_623 = arith.constant 16 : index
        %swap3A_624 = tpu.vector_load %swap3A_622[%swap3A_623] {strides = array<i32>} : memref<64xf32, #tpu.memory_space<vmem>>, vector<16xf32>,
        tpu.vector_store %swap3A_622[%swap3A_623], %unpack3A_615 {strides = array<i32>} : memref<64xf32, #tpu.memory_space<vmem>>, vector<16xf32>,
        %get3A_625 = arith.constant 0 : i32
        %get3A_626 = tpu.memref_slice %arg13[%scan3A_610, %get3A_625] : memref<128x64xbf16, #tpu.memory_space<vmem>> -> memref<1x64xbf16, #tpu.memory_space<vmem>>
        %get3A_627 = tpu.memref_squeeze %get3A_626 : memref<1x64xbf16, #tpu.memory_space<vmem>> -> memref<64xbf16, #tpu.memory_space<vmem>>
        %get3A_628 = arith.constant 32 : index
        %get3A_629 = tpu.vector_load %get3A_627[%get3A_628] {strides = array<i32>} : memref<64xbf16, #tpu.memory_space<vmem>>, vector<32xbf16>,
        %unpack3A_630 = tpu.unpack_subelements %get3A_629, 0 {pack_format = #tpu.pack_format<interleaved>} : vector<32xbf16> -> vector<16xf32>
        %unpack3A_631 = tpu.unpack_subelements %get3A_629, 1 {pack_format = #tpu.pack_format<interleaved>} : vector<32xbf16> -> vector<16xf32>
        %swap3A_632 = arith.constant 0 : i32
        %swap3A_633 = tpu.memref_slice %arg16[%scan3A_610, %swap3A_632] : memref<128x64xf32, #tpu.memory_space<vmem>> -> memref<1x64xf32, #tpu.memory_space<vmem>>
        %swap3A_634 = tpu.memref_squeeze %swap3A_633 : memref<1x64xf32, #tpu.memory_space<vmem>> -> memref<64xf32, #tpu.memory_space<vmem>>
        %swap3A_635 = arith.constant 32 : index
        %swap3A_636 = tpu.vector_load %swap3A_634[%swap3A_635] {strides = array<i32>} : memref<64xf32, #tpu.memory_space<vmem>>, vector<16xf32>,
        tpu.vector_store %swap3A_634[%swap3A_635], %unpack3A_630 {strides = array<i32>} : memref<64xf32, #tpu.memory_space<vmem>>, vector<16xf32>,
        %swap3A_637 = arith.constant 0 : i32
        %swap3A_638 = tpu.memref_slice %arg16[%scan3A_610, %swap3A_637] : memref<128x64xf32, #tpu.memory_space<vmem>> -> memref<1x64xf32, #tpu.memory_space<vmem>>
        %swap3A_639 = tpu.memref_squeeze %swap3A_638 : memref<1x64xf32, #tpu.memory_space<vmem>> -> memref<64xf32, #tpu.memory_space<vmem>>
        %swap3A_640 = arith.constant 48 : index
        %swap3A_641 = tpu.vector_load %swap3A_639[%swap3A_640] {strides = array<i32>} : memref<64xf32, #tpu.memory_space<vmem>>, vector<16xf32>,
        tpu.vector_store %swap3A_639[%swap3A_640], %unpack3A_631 {strides = array<i32>} : memref<64xf32, #tpu.memory_space<vmem>>, vector<16xf32>,
      }
      %scan3A_435 = arith.constant 128 : i32
      %dma_start3A_436 = arith.constant 0 : i32
      %dma_start3A_437 = tpu.memref_slice %arg8[%add3A_415, %dma_start3A_436] : memref<160x128xi32, #tpu.memory_space<vmem>> -> memref<1x128xi32, #tpu.memory_space<vmem>>
      %dma_start3A_438 = tpu.memref_squeeze %dma_start3A_437 : memref<1x128xi32, #tpu.memory_space<vmem>> -> memref<128xi32, #tpu.memory_space<vmem>>
      %dma_start3A_439 = arith.constant 0 : i32
      %dma_start3A_440 = arith.constant 0 : i32
      %dma_start3A_441 = tpu.memref_slice %arg18[%dma_start3A_439, %dma_start3A_440] : memref<10112x64xf32, #tpu.memory_space<vmem_shared>> -> memref<10112x64xf32, #tpu.memory_space<vmem_shared>>
      tpu.enqueue_indirect_dma source(%arg16 : memref<128x64xf32, #tpu.memory_space<vmem>>) target(%dma_start3A_441 : memref<10112x64xf32, #tpu.memory_space<vmem_shared>>) offsets(%dma_start3A_438 : memref<128xi32, #tpu.memory_space<vmem>>) semaphore(%arg26 : memref<!tpu.dma_semaphore, #tpu.memory_space<semaphore_mem>>) {add = true}
      %add3A_442 = arith.constant 4 : i32
      %add3A_443 = arith.addi %add3A_415, %add3A_442 : i32
      %dma_start3A_444 = arith.constant 0 : i32
      %dma_start3A_445 = tpu.memref_slice %arg7[%add3A_443, %dma_start3A_444] : memref<160x128xi32, #tpu.memory_space<vmem>> -> memref<1x128xi32, #tpu.memory_space<vmem>>
      %dma_start3A_446 = tpu.memref_squeeze %dma_start3A_445 : memref<1x128xi32, #tpu.memory_space<vmem>> -> memref<128xi32, #tpu.memory_space<vmem>>
      %dma_start3A_447 = arith.constant 0 : i32
      %dma_start3A_448 = arith.constant 0 : i32
      %dma_start3A_449 = tpu.memref_slice %arg4[%dma_start3A_447, %dma_start3A_448] : memref<20000x64xbf16, #tpu.memory_space<hbm>> -> memref<20000x64xbf16, #tpu.memory_space<hbm>>
      tpu.enqueue_indirect_dma source(%dma_start3A_449 : memref<20000x64xbf16, #tpu.memory_space<hbm>>) target(%arg11 : memref<128x64xbf16, #tpu.memory_space<vmem>>) offsets(%dma_start3A_446 : memref<128xi32, #tpu.memory_space<vmem>>) semaphore(%arg21 : memref<!tpu.dma_semaphore, #tpu.memory_space<semaphore_mem>>)
      %mul3A_450 = arith.constant 6 : i32
      %mul3A_451 = arith.muli %mul3A_450, %scan3A_371 : i32
      %add3A_452 = arith.constant 3 : i32
      %add3A_453 = arith.addi %mul3A_451, %add3A_452 : i32
      %add3A_454 = arith.constant 2 : i32
      %add3A_455 = arith.addi %add3A_453, %add3A_454 : i32
      %dma_wait3A_456 = arith.constant 0 : i32
      %dma_wait3A_457 = tpu.memref_slice %arg7[%add3A_455, %dma_wait3A_456] : memref<160x128xi32, #tpu.memory_space<vmem>> -> memref<1x128xi32, #tpu.memory_space<vmem>>
      %dma_wait3A_458 = tpu.memref_squeeze %dma_wait3A_457 : memref<1x128xi32, #tpu.memory_space<vmem>> -> memref<128xi32, #tpu.memory_space<vmem>>
      %dma_wait3A_459 = arith.constant 0 : i32
      %dma_wait3A_460 = arith.constant 0 : i32
      %dma_wait3A_461 = tpu.memref_slice %arg4[%dma_wait3A_459, %dma_wait3A_460] : memref<20000x64xbf16, #tpu.memory_space<hbm>> -> memref<20000x64xbf16, #tpu.memory_space<hbm>>
      tpu.wait_indirect_dma semaphore(%arg24 : memref<!tpu.dma_semaphore, #tpu.memory_space<semaphore_mem>>) src(%dma_wait3A_461 : memref<20000x64xbf16, #tpu.memory_space<hbm>>) dst(%arg14 : memref<128x64xbf16, #tpu.memory_space<vmem>>)
      %sub3A_462 = arith.constant 3 : i32
      %sub3A_463 = arith.subi %add3A_455, %sub3A_462 : i32
      %dma_wait3A_464 = arith.constant 0 : i32
      %dma_wait3A_465 = tpu.memref_slice %arg8[%sub3A_463, %dma_wait3A_464] : memref<160x128xi32, #tpu.memory_space<vmem>> -> memref<1x128xi32, #tpu.memory_space<vmem>>
      %dma_wait3A_466 = tpu.memref_squeeze %dma_wait3A_465 : memref<1x128xi32, #tpu.memory_space<vmem>> -> memref<128xi32, #tpu.memory_space<vmem>>
      %dma_wait3A_467 = arith.constant 0 : i32
      %dma_wait3A_468 = arith.constant 0 : i32
      %dma_wait3A_469 = tpu.memref_slice %arg18[%dma_wait3A_467, %dma_wait3A_468] : memref<10112x64xf32, #tpu.memory_space<vmem_shared>> -> memref<10112x64xf32, #tpu.memory_space<vmem_shared>>
      tpu.wait_indirect_dma semaphore(%arg27 : memref<!tpu.dma_semaphore, #tpu.memory_space<semaphore_mem>>) src(%arg17 : memref<128x64xf32, #tpu.memory_space<vmem>>) dst(%dma_wait3A_469 : memref<10112x64xf32, #tpu.memory_space<vmem_shared>>)
      %scan3A_470 = arith.constant 0 : i32
      %scan3A_471 = arith.constant 0 : i32
      %scan3A_472 = arith.constant 128 : i32
      %scan3A_473 = arith.addi %scan3A_471, %scan3A_472 : i32
      %scan3A_474 = arith.constant 1 : i32
      scf.for %scan3A_610 = %scan3A_471 to %scan3A_473 step %scan3A_474  : i32 {
        %get3A = arith.constant 0 : i32
        %get3A_611 = tpu.memref_slice %arg14[%scan3A_610, %get3A] : memref<128x64xbf16, #tpu.memory_space<vmem>> -> memref<1x64xbf16, #tpu.memory_space<vmem>>
        %get3A_612 = tpu.memref_squeeze %get3A_611 : memref<1x64xbf16, #tpu.memory_space<vmem>> -> memref<64xbf16, #tpu.memory_space<vmem>>
        %get3A_613 = arith.constant 0 : index
        %get3A_614 = tpu.vector_load %get3A_612[%get3A_613] {strides = array<i32>} : memref<64xbf16, #tpu.memory_space<vmem>>, vector<32xbf16>,
        %unpack3A = tpu.unpack_subelements %get3A_614, 0 {pack_format = #tpu.pack_format<interleaved>} : vector<32xbf16> -> vector<16xf32>
        %unpack3A_615 = tpu.unpack_subelements %get3A_614, 1 {pack_format = #tpu.pack_format<interleaved>} : vector<32xbf16> -> vector<16xf32>
        %swap3A = arith.constant 0 : i32
        %swap3A_616 = tpu.memref_slice %arg17[%scan3A_610, %swap3A] : memref<128x64xf32, #tpu.memory_space<vmem>> -> memref<1x64xf32, #tpu.memory_space<vmem>>
        %swap3A_617 = tpu.memref_squeeze %swap3A_616 : memref<1x64xf32, #tpu.memory_space<vmem>> -> memref<64xf32, #tpu.memory_space<vmem>>
        %swap3A_618 = arith.constant 0 : index
        %swap3A_619 = tpu.vector_load %swap3A_617[%swap3A_618] {strides = array<i32>} : memref<64xf32, #tpu.memory_space<vmem>>, vector<16xf32>,
        tpu.vector_store %swap3A_617[%swap3A_618], %unpack3A {strides = array<i32>} : memref<64xf32, #tpu.memory_space<vmem>>, vector<16xf32>,
        %swap3A_620 = arith.constant 0 : i32
        %swap3A_621 = tpu.memref_slice %arg17[%scan3A_610, %swap3A_620] : memref<128x64xf32, #tpu.memory_space<vmem>> -> memref<1x64xf32, #tpu.memory_space<vmem>>
        %swap3A_622 = tpu.memref_squeeze %swap3A_621 : memref<1x64xf32, #tpu.memory_space<vmem>> -> memref<64xf32, #tpu.memory_space<vmem>>
        %swap3A_623 = arith.constant 16 : index
        %swap3A_624 = tpu.vector_load %swap3A_622[%swap3A_623] {strides = array<i32>} : memref<64xf32, #tpu.memory_space<vmem>>, vector<16xf32>,
        tpu.vector_store %swap3A_622[%swap3A_623], %unpack3A_615 {strides = array<i32>} : memref<64xf32, #tpu.memory_space<vmem>>, vector<16xf32>,
        %get3A_625 = arith.constant 0 : i32
        %get3A_626 = tpu.memref_slice %arg14[%scan3A_610, %get3A_625] : memref<128x64xbf16, #tpu.memory_space<vmem>> -> memref<1x64xbf16, #tpu.memory_space<vmem>>
        %get3A_627 = tpu.memref_squeeze %get3A_626 : memref<1x64xbf16, #tpu.memory_space<vmem>> -> memref<64xbf16, #tpu.memory_space<vmem>>
        %get3A_628 = arith.constant 32 : index
        %get3A_629 = tpu.vector_load %get3A_627[%get3A_628] {strides = array<i32>} : memref<64xbf16, #tpu.memory_space<vmem>>, vector<32xbf16>,
        %unpack3A_630 = tpu.unpack_subelements %get3A_629, 0 {pack_format = #tpu.pack_format<interleaved>} : vector<32xbf16> -> vector<16xf32>
        %unpack3A_631 = tpu.unpack_subelements %get3A_629, 1 {pack_format = #tpu.pack_format<interleaved>} : vector<32xbf16> -> vector<16xf32>
        %swap3A_632 = arith.constant 0 : i32
        %swap3A_633 = tpu.memref_slice %arg17[%scan3A_610, %swap3A_632] : memref<128x64xf32, #tpu.memory_space<vmem>> -> memref<1x64xf32, #tpu.memory_space<vmem>>
        %swap3A_634 = tpu.memref_squeeze %swap3A_633 : memref<1x64xf32, #tpu.memory_space<vmem>> -> memref<64xf32, #tpu.memory_space<vmem>>
        %swap3A_635 = arith.constant 32 : index
        %swap3A_636 = tpu.vector_load %swap3A_634[%swap3A_635] {strides = array<i32>} : memref<64xf32, #tpu.memory_space<vmem>>, vector<16xf32>,
        tpu.vector_store %swap3A_634[%swap3A_635], %unpack3A_630 {strides = array<i32>} : memref<64xf32, #tpu.memory_space<vmem>>, vector<16xf32>,
        %swap3A_637 = arith.constant 0 : i32
        %swap3A_638 = tpu.memref_slice %arg17[%scan3A_610, %swap3A_637] : memref<128x64xf32, #tpu.memory_space<vmem>> -> memref<1x64xf32, #tpu.memory_space<vmem>>
        %swap3A_639 = tpu.memref_squeeze %swap3A_638 : memref<1x64xf32, #tpu.memory_space<vmem>> -> memref<64xf32, #tpu.memory_space<vmem>>
        %swap3A_640 = arith.constant 48 : index
        %swap3A_641 = tpu.vector_load %swap3A_639[%swap3A_640] {strides = array<i32>} : memref<64xf32, #tpu.memory_space<vmem>>, vector<16xf32>,
        tpu.vector_store %swap3A_639[%swap3A_640], %unpack3A_631 {strides = array<i32>} : memref<64xf32, #tpu.memory_space<vmem>>, vector<16xf32>,
      }
      %scan3A_475 = arith.constant 128 : i32
      %dma_start3A_476 = arith.constant 0 : i32
      %dma_start3A_477 = tpu.memref_slice %arg8[%add3A_455, %dma_start3A_476] : memref<160x128xi32, #tpu.memory_space<vmem>> -> memref<1x128xi32, #tpu.memory_space<vmem>>
      %dma_start3A_478 = tpu.memref_squeeze %dma_start3A_477 : memref<1x128xi32, #tpu.memory_space<vmem>> -> memref<128xi32, #tpu.memory_space<vmem>>
      %dma_start3A_479 = arith.constant 0 : i32
      %dma_start3A_480 = arith.constant 0 : i32
      %dma_start3A_481 = tpu.memref_slice %arg18[%dma_start3A_479, %dma_start3A_480] : memref<10112x64xf32, #tpu.memory_space<vmem_shared>> -> memref<10112x64xf32, #tpu.memory_space<vmem_shared>>
      tpu.enqueue_indirect_dma source(%arg17 : memref<128x64xf32, #tpu.memory_space<vmem>>) target(%dma_start3A_481 : memref<10112x64xf32, #tpu.memory_space<vmem_shared>>) offsets(%dma_start3A_478 : memref<128xi32, #tpu.memory_space<vmem>>) semaphore(%arg27 : memref<!tpu.dma_semaphore, #tpu.memory_space<semaphore_mem>>) {add = true}
      %add3A_482 = arith.constant 4 : i32
      %add3A_483 = arith.addi %add3A_455, %add3A_482 : i32
      %dma_start3A_484 = arith.constant 0 : i32
      %dma_start3A_485 = tpu.memref_slice %arg7[%add3A_483, %dma_start3A_484] : memref<160x128xi32, #tpu.memory_space<vmem>> -> memref<1x128xi32, #tpu.memory_space<vmem>>
      %dma_start3A_486 = tpu.memref_squeeze %dma_start3A_485 : memref<1x128xi32, #tpu.memory_space<vmem>> -> memref<128xi32, #tpu.memory_space<vmem>>
      %dma_start3A_487 = arith.constant 0 : i32
      %dma_start3A_488 = arith.constant 0 : i32
      %dma_start3A_489 = tpu.memref_slice %arg4[%dma_start3A_487, %dma_start3A_488] : memref<20000x64xbf16, #tpu.memory_space<hbm>> -> memref<20000x64xbf16, #tpu.memory_space<hbm>>
      tpu.enqueue_indirect_dma source(%dma_start3A_489 : memref<20000x64xbf16, #tpu.memory_space<hbm>>) target(%arg12 : memref<128x64xbf16, #tpu.memory_space<vmem>>) offsets(%dma_start3A_486 : memref<128xi32, #tpu.memory_space<vmem>>) semaphore(%arg22 : memref<!tpu.dma_semaphore, #tpu.memory_space<semaphore_mem>>)
      %mul3A_490 = arith.constant 6 : i32
      %mul3A_491 = arith.muli %mul3A_490, %scan3A_371 : i32
      %add3A_492 = arith.constant 3 : i32
      %add3A_493 = arith.addi %mul3A_491, %add3A_492 : i32
      %add3A_494 = arith.constant 3 : i32
      %add3A_495 = arith.addi %add3A_493, %add3A_494 : i32
      %dma_wait3A_496 = arith.constant 0 : i32
      %dma_wait3A_497 = tpu.memref_slice %arg7[%add3A_495, %dma_wait3A_496] : memref<160x128xi32, #tpu.memory_space<vmem>> -> memref<1x128xi32, #tpu.memory_space<vmem>>
      %dma_wait3A_498 = tpu.memref_squeeze %dma_wait3A_497 : memref<1x128xi32, #tpu.memory_space<vmem>> -> memref<128xi32, #tpu.memory_space<vmem>>
      %dma_wait3A_499 = arith.constant 0 : i32
      %dma_wait3A_500 = arith.constant 0 : i32
      %dma_wait3A_501 = tpu.memref_slice %arg4[%dma_wait3A_499, %dma_wait3A_500] : memref<20000x64xbf16, #tpu.memory_space<hbm>> -> memref<20000x64xbf16, #tpu.memory_space<hbm>>
      tpu.wait_indirect_dma semaphore(%arg19 : memref<!tpu.dma_semaphore, #tpu.memory_space<semaphore_mem>>) src(%dma_wait3A_501 : memref<20000x64xbf16, #tpu.memory_space<hbm>>) dst(%arg9 : memref<128x64xbf16, #tpu.memory_space<vmem>>)
      %sub3A_502 = arith.constant 3 : i32
      %sub3A_503 = arith.subi %add3A_495, %sub3A_502 : i32
      %dma_wait3A_504 = arith.constant 0 : i32
      %dma_wait3A_505 = tpu.memref_slice %arg8[%sub3A_503, %dma_wait3A_504] : memref<160x128xi32, #tpu.memory_space<vmem>> -> memref<1x128xi32, #tpu.memory_space<vmem>>
      %dma_wait3A_506 = tpu.memref_squeeze %dma_wait3A_505 : memref<1x128xi32, #tpu.memory_space<vmem>> -> memref<128xi32, #tpu.memory_space<vmem>>
      %dma_wait3A_507 = arith.constant 0 : i32
      %dma_wait3A_508 = arith.constant 0 : i32
      %dma_wait3A_509 = tpu.memref_slice %arg18[%dma_wait3A_507, %dma_wait3A_508] : memref<10112x64xf32, #tpu.memory_space<vmem_shared>> -> memref<10112x64xf32, #tpu.memory_space<vmem_shared>>
      tpu.wait_indirect_dma semaphore(%arg25 : memref<!tpu.dma_semaphore, #tpu.memory_space<semaphore_mem>>) src(%arg15 : memref<128x64xf32, #tpu.memory_space<vmem>>) dst(%dma_wait3A_509 : memref<10112x64xf32, #tpu.memory_space<vmem_shared>>)
      %scan3A_510 = arith.constant 0 : i32
      %scan3A_511 = arith.constant 0 : i32
      %scan3A_512 = arith.constant 128 : i32
      %scan3A_513 = arith.addi %scan3A_511, %scan3A_512 : i32
      %scan3A_514 = arith.constant 1 : i32
      scf.for %scan3A_610 = %scan3A_511 to %scan3A_513 step %scan3A_514  : i32 {
        %get3A = arith.constant 0 : i32
        %get3A_611 = tpu.memref_slice %arg9[%scan3A_610, %get3A] : memref<128x64xbf16, #tpu.memory_space<vmem>> -> memref<1x64xbf16, #tpu.memory_space<vmem>>
        %get3A_612 = tpu.memref_squeeze %get3A_611 : memref<1x64xbf16, #tpu.memory_space<vmem>> -> memref<64xbf16, #tpu.memory_space<vmem>>
        %get3A_613 = arith.constant 0 : index
        %get3A_614 = tpu.vector_load %get3A_612[%get3A_613] {strides = array<i32>} : memref<64xbf16, #tpu.memory_space<vmem>>, vector<32xbf16>,
        %unpack3A = tpu.unpack_subelements %get3A_614, 0 {pack_format = #tpu.pack_format<interleaved>} : vector<32xbf16> -> vector<16xf32>
        %unpack3A_615 = tpu.unpack_subelements %get3A_614, 1 {pack_format = #tpu.pack_format<interleaved>} : vector<32xbf16> -> vector<16xf32>
        %swap3A = arith.constant 0 : i32
        %swap3A_616 = tpu.memref_slice %arg15[%scan3A_610, %swap3A] : memref<128x64xf32, #tpu.memory_space<vmem>> -> memref<1x64xf32, #tpu.memory_space<vmem>>
        %swap3A_617 = tpu.memref_squeeze %swap3A_616 : memref<1x64xf32, #tpu.memory_space<vmem>> -> memref<64xf32, #tpu.memory_space<vmem>>
        %swap3A_618 = arith.constant 0 : index
        %swap3A_619 = tpu.vector_load %swap3A_617[%swap3A_618] {strides = array<i32>} : memref<64xf32, #tpu.memory_space<vmem>>, vector<16xf32>,
        tpu.vector_store %swap3A_617[%swap3A_618], %unpack3A {strides = array<i32>} : memref<64xf32, #tpu.memory_space<vmem>>, vector<16xf32>,
        %swap3A_620 = arith.constant 0 : i32
        %swap3A_621 = tpu.memref_slice %arg15[%scan3A_610, %swap3A_620] : memref<128x64xf32, #tpu.memory_space<vmem>> -> memref<1x64xf32, #tpu.memory_space<vmem>>
        %swap3A_622 = tpu.memref_squeeze %swap3A_621 : memref<1x64xf32, #tpu.memory_space<vmem>> -> memref<64xf32, #tpu.memory_space<vmem>>
        %swap3A_623 = arith.constant 16 : index
        %swap3A_624 = tpu.vector_load %swap3A_622[%swap3A_623] {strides = array<i32>} : memref<64xf32, #tpu.memory_space<vmem>>, vector<16xf32>,
        tpu.vector_store %swap3A_622[%swap3A_623], %unpack3A_615 {strides = array<i32>} : memref<64xf32, #tpu.memory_space<vmem>>, vector<16xf32>,
        %get3A_625 = arith.constant 0 : i32
        %get3A_626 = tpu.memref_slice %arg9[%scan3A_610, %get3A_625] : memref<128x64xbf16, #tpu.memory_space<vmem>> -> memref<1x64xbf16, #tpu.memory_space<vmem>>
        %get3A_627 = tpu.memref_squeeze %get3A_626 : memref<1x64xbf16, #tpu.memory_space<vmem>> -> memref<64xbf16, #tpu.memory_space<vmem>>
        %get3A_628 = arith.constant 32 : index
        %get3A_629 = tpu.vector_load %get3A_627[%get3A_628] {strides = array<i32>} : memref<64xbf16, #tpu.memory_space<vmem>>, vector<32xbf16>,
        %unpack3A_630 = tpu.unpack_subelements %get3A_629, 0 {pack_format = #tpu.pack_format<interleaved>} : vector<32xbf16> -> vector<16xf32>
        %unpack3A_631 = tpu.unpack_subelements %get3A_629, 1 {pack_format = #tpu.pack_format<interleaved>} : vector<32xbf16> -> vector<16xf32>
        %swap3A_632 = arith.constant 0 : i32
        %swap3A_633 = tpu.memref_slice %arg15[%scan3A_610, %swap3A_632] : memref<128x64xf32, #tpu.memory_space<vmem>> -> memref<1x64xf32, #tpu.memory_space<vmem>>
        %swap3A_634 = tpu.memref_squeeze %swap3A_633 : memref<1x64xf32, #tpu.memory_space<vmem>> -> memref<64xf32, #tpu.memory_space<vmem>>
        %swap3A_635 = arith.constant 32 : index
        %swap3A_636 = tpu.vector_load %swap3A_634[%swap3A_635] {strides = array<i32>} : memref<64xf32, #tpu.memory_space<vmem>>, vector<16xf32>,
        tpu.vector_store %swap3A_634[%swap3A_635], %unpack3A_630 {strides = array<i32>} : memref<64xf32, #tpu.memory_space<vmem>>, vector<16xf32>,
        %swap3A_637 = arith.constant 0 : i32
        %swap3A_638 = tpu.memref_slice %arg15[%scan3A_610, %swap3A_637] : memref<128x64xf32, #tpu.memory_space<vmem>> -> memref<1x64xf32, #tpu.memory_space<vmem>>
        %swap3A_639 = tpu.memref_squeeze %swap3A_638 : memref<1x64xf32, #tpu.memory_space<vmem>> -> memref<64xf32, #tpu.memory_space<vmem>>
        %swap3A_640 = arith.constant 48 : index
        %swap3A_641 = tpu.vector_load %swap3A_639[%swap3A_640] {strides = array<i32>} : memref<64xf32, #tpu.memory_space<vmem>>, vector<16xf32>,
        tpu.vector_store %swap3A_639[%swap3A_640], %unpack3A_631 {strides = array<i32>} : memref<64xf32, #tpu.memory_space<vmem>>, vector<16xf32>,
      }
      %scan3A_515 = arith.constant 128 : i32
      %dma_start3A_516 = arith.constant 0 : i32
      %dma_start3A_517 = tpu.memref_slice %arg8[%add3A_495, %dma_start3A_516] : memref<160x128xi32, #tpu.memory_space<vmem>> -> memref<1x128xi32, #tpu.memory_space<vmem>>
      %dma_start3A_518 = tpu.memref_squeeze %dma_start3A_517 : memref<1x128xi32, #tpu.memory_space<vmem>> -> memref<128xi32, #tpu.memory_space<vmem>>
      %dma_start3A_519 = arith.constant 0 : i32
      %dma_start3A_520 = arith.constant 0 : i32
      %dma_start3A_521 = tpu.memref_slice %arg18[%dma_start3A_519, %dma_start3A_520] : memref<10112x64xf32, #tpu.memory_space<vmem_shared>> -> memref<10112x64xf32, #tpu.memory_space<vmem_shared>>
      tpu.enqueue_indirect_dma source(%arg15 : memref<128x64xf32, #tpu.memory_space<vmem>>) target(%dma_start3A_521 : memref<10112x64xf32, #tpu.memory_space<vmem_shared>>) offsets(%dma_start3A_518 : memref<128xi32, #tpu.memory_space<vmem>>) semaphore(%arg25 : memref<!tpu.dma_semaphore, #tpu.memory_space<semaphore_mem>>) {add = true}
      %add3A_522 = arith.constant 4 : i32
      %add3A_523 = arith.addi %add3A_495, %add3A_522 : i32
      %dma_start3A_524 = arith.constant 0 : i32
      %dma_start3A_525 = tpu.memref_slice %arg7[%add3A_523, %dma_start3A_524] : memref<160x128xi32, #tpu.memory_space<vmem>> -> memref<1x128xi32, #tpu.memory_space<vmem>>
      %dma_start3A_526 = tpu.memref_squeeze %dma_start3A_525 : memref<1x128xi32, #tpu.memory_space<vmem>> -> memref<128xi32, #tpu.memory_space<vmem>>
      %dma_start3A_527 = arith.constant 0 : i32
      %dma_start3A_528 = arith.constant 0 : i32
      %dma_start3A_529 = tpu.memref_slice %arg4[%dma_start3A_527, %dma_start3A_528] : memref<20000x64xbf16, #tpu.memory_space<hbm>> -> memref<20000x64xbf16, #tpu.memory_space<hbm>>
      tpu.enqueue_indirect_dma source(%dma_start3A_529 : memref<20000x64xbf16, #tpu.memory_space<hbm>>) target(%arg13 : memref<128x64xbf16, #tpu.memory_space<vmem>>) offsets(%dma_start3A_526 : memref<128xi32, #tpu.memory_space<vmem>>) semaphore(%arg23 : memref<!tpu.dma_semaphore, #tpu.memory_space<semaphore_mem>>)
      %mul3A_530 = arith.constant 6 : i32
      %mul3A_531 = arith.muli %mul3A_530, %scan3A_371 : i32
      %add3A_532 = arith.constant 3 : i32
      %add3A_533 = arith.addi %mul3A_531, %add3A_532 : i32
      %add3A_534 = arith.constant 4 : i32
      %add3A_535 = arith.addi %add3A_533, %add3A_534 : i32
      %dma_wait3A_536 = arith.constant 0 : i32
      %dma_wait3A_537 = tpu.memref_slice %arg7[%add3A_535, %dma_wait3A_536] : memref<160x128xi32, #tpu.memory_space<vmem>> -> memref<1x128xi32, #tpu.memory_space<vmem>>
      %dma_wait3A_538 = tpu.memref_squeeze %dma_wait3A_537 : memref<1x128xi32, #tpu.memory_space<vmem>> -> memref<128xi32, #tpu.memory_space<vmem>>
      %dma_wait3A_539 = arith.constant 0 : i32
      %dma_wait3A_540 = arith.constant 0 : i32
      %dma_wait3A_541 = tpu.memref_slice %arg4[%dma_wait3A_539, %dma_wait3A_540] : memref<20000x64xbf16, #tpu.memory_space<hbm>> -> memref<20000x64xbf16, #tpu.memory_space<hbm>>
      tpu.wait_indirect_dma semaphore(%arg20 : memref<!tpu.dma_semaphore, #tpu.memory_space<semaphore_mem>>) src(%dma_wait3A_541 : memref<20000x64xbf16, #tpu.memory_space<hbm>>) dst(%arg10 : memref<128x64xbf16, #tpu.memory_space<vmem>>)
      %sub3A_542 = arith.constant 3 : i32
      %sub3A_543 = arith.subi %add3A_535, %sub3A_542 : i32
      %dma_wait3A_544 = arith.constant 0 : i32
      %dma_wait3A_545 = tpu.memref_slice %arg8[%sub3A_543, %dma_wait3A_544] : memref<160x128xi32, #tpu.memory_space<vmem>> -> memref<1x128xi32, #tpu.memory_space<vmem>>
      %dma_wait3A_546 = tpu.memref_squeeze %dma_wait3A_545 : memref<1x128xi32, #tpu.memory_space<vmem>> -> memref<128xi32, #tpu.memory_space<vmem>>
      %dma_wait3A_547 = arith.constant 0 : i32
      %dma_wait3A_548 = arith.constant 0 : i32
      %dma_wait3A_549 = tpu.memref_slice %arg18[%dma_wait3A_547, %dma_wait3A_548] : memref<10112x64xf32, #tpu.memory_space<vmem_shared>> -> memref<10112x64xf32, #tpu.memory_space<vmem_shared>>
      tpu.wait_indirect_dma semaphore(%arg26 : memref<!tpu.dma_semaphore, #tpu.memory_space<semaphore_mem>>) src(%arg16 : memref<128x64xf32, #tpu.memory_space<vmem>>) dst(%dma_wait3A_549 : memref<10112x64xf32, #tpu.memory_space<vmem_shared>>)
      %scan3A_550 = arith.constant 0 : i32
      %scan3A_551 = arith.constant 0 : i32
      %scan3A_552 = arith.constant 128 : i32
      %scan3A_553 = arith.addi %scan3A_551, %scan3A_552 : i32
      %scan3A_554 = arith.constant 1 : i32
      scf.for %scan3A_610 = %scan3A_551 to %scan3A_553 step %scan3A_554  : i32 {
        %get3A = arith.constant 0 : i32
        %get3A_611 = tpu.memref_slice %arg10[%scan3A_610, %get3A] : memref<128x64xbf16, #tpu.memory_space<vmem>> -> memref<1x64xbf16, #tpu.memory_space<vmem>>
        %get3A_612 = tpu.memref_squeeze %get3A_611 : memref<1x64xbf16, #tpu.memory_space<vmem>> -> memref<64xbf16, #tpu.memory_space<vmem>>
        %get3A_613 = arith.constant 0 : index
        %get3A_614 = tpu.vector_load %get3A_612[%get3A_613] {strides = array<i32>} : memref<64xbf16, #tpu.memory_space<vmem>>, vector<32xbf16>,
        %unpack3A = tpu.unpack_subelements %get3A_614, 0 {pack_format = #tpu.pack_format<interleaved>} : vector<32xbf16> -> vector<16xf32>
        %unpack3A_615 = tpu.unpack_subelements %get3A_614, 1 {pack_format = #tpu.pack_format<interleaved>} : vector<32xbf16> -> vector<16xf32>
        %swap3A = arith.constant 0 : i32
        %swap3A_616 = tpu.memref_slice %arg16[%scan3A_610, %swap3A] : memref<128x64xf32, #tpu.memory_space<vmem>> -> memref<1x64xf32, #tpu.memory_space<vmem>>
        %swap3A_617 = tpu.memref_squeeze %swap3A_616 : memref<1x64xf32, #tpu.memory_space<vmem>> -> memref<64xf32, #tpu.memory_space<vmem>>
        %swap3A_618 = arith.constant 0 : index
        %swap3A_619 = tpu.vector_load %swap3A_617[%swap3A_618] {strides = array<i32>} : memref<64xf32, #tpu.memory_space<vmem>>, vector<16xf32>,
        tpu.vector_store %swap3A_617[%swap3A_618], %unpack3A {strides = array<i32>} : memref<64xf32, #tpu.memory_space<vmem>>, vector<16xf32>,
        %swap3A_620 = arith.constant 0 : i32
        %swap3A_621 = tpu.memref_slice %arg16[%scan3A_610, %swap3A_620] : memref<128x64xf32, #tpu.memory_space<vmem>> -> memref<1x64xf32, #tpu.memory_space<vmem>>
        %swap3A_622 = tpu.memref_squeeze %swap3A_621 : memref<1x64xf32, #tpu.memory_space<vmem>> -> memref<64xf32, #tpu.memory_space<vmem>>
        %swap3A_623 = arith.constant 16 : index
        %swap3A_624 = tpu.vector_load %swap3A_622[%swap3A_623] {strides = array<i32>} : memref<64xf32, #tpu.memory_space<vmem>>, vector<16xf32>,
        tpu.vector_store %swap3A_622[%swap3A_623], %unpack3A_615 {strides = array<i32>} : memref<64xf32, #tpu.memory_space<vmem>>, vector<16xf32>,
        %get3A_625 = arith.constant 0 : i32
        %get3A_626 = tpu.memref_slice %arg10[%scan3A_610, %get3A_625] : memref<128x64xbf16, #tpu.memory_space<vmem>> -> memref<1x64xbf16, #tpu.memory_space<vmem>>
        %get3A_627 = tpu.memref_squeeze %get3A_626 : memref<1x64xbf16, #tpu.memory_space<vmem>> -> memref<64xbf16, #tpu.memory_space<vmem>>
        %get3A_628 = arith.constant 32 : index
        %get3A_629 = tpu.vector_load %get3A_627[%get3A_628] {strides = array<i32>} : memref<64xbf16, #tpu.memory_space<vmem>>, vector<32xbf16>,
        %unpack3A_630 = tpu.unpack_subelements %get3A_629, 0 {pack_format = #tpu.pack_format<interleaved>} : vector<32xbf16> -> vector<16xf32>
        %unpack3A_631 = tpu.unpack_subelements %get3A_629, 1 {pack_format = #tpu.pack_format<interleaved>} : vector<32xbf16> -> vector<16xf32>
        %swap3A_632 = arith.constant 0 : i32
        %swap3A_633 = tpu.memref_slice %arg16[%scan3A_610, %swap3A_632] : memref<128x64xf32, #tpu.memory_space<vmem>> -> memref<1x64xf32, #tpu.memory_space<vmem>>
        %swap3A_634 = tpu.memref_squeeze %swap3A_633 : memref<1x64xf32, #tpu.memory_space<vmem>> -> memref<64xf32, #tpu.memory_space<vmem>>
        %swap3A_635 = arith.constant 32 : index
        %swap3A_636 = tpu.vector_load %swap3A_634[%swap3A_635] {strides = array<i32>} : memref<64xf32, #tpu.memory_space<vmem>>, vector<16xf32>,
        tpu.vector_store %swap3A_634[%swap3A_635], %unpack3A_630 {strides = array<i32>} : memref<64xf32, #tpu.memory_space<vmem>>, vector<16xf32>,
        %swap3A_637 = arith.constant 0 : i32
        %swap3A_638 = tpu.memref_slice %arg16[%scan3A_610, %swap3A_637] : memref<128x64xf32, #tpu.memory_space<vmem>> -> memref<1x64xf32, #tpu.memory_space<vmem>>
        %swap3A_639 = tpu.memref_squeeze %swap3A_638 : memref<1x64xf32, #tpu.memory_space<vmem>> -> memref<64xf32, #tpu.memory_space<vmem>>
        %swap3A_640 = arith.constant 48 : index
        %swap3A_641 = tpu.vector_load %swap3A_639[%swap3A_640] {strides = array<i32>} : memref<64xf32, #tpu.memory_space<vmem>>, vector<16xf32>,
        tpu.vector_store %swap3A_639[%swap3A_640], %unpack3A_631 {strides = array<i32>} : memref<64xf32, #tpu.memory_space<vmem>>, vector<16xf32>,
      }
      %scan3A_555 = arith.constant 128 : i32
      %dma_start3A_556 = arith.constant 0 : i32
      %dma_start3A_557 = tpu.memref_slice %arg8[%add3A_535, %dma_start3A_556] : memref<160x128xi32, #tpu.memory_space<vmem>> -> memref<1x128xi32, #tpu.memory_space<vmem>>
      %dma_start3A_558 = tpu.memref_squeeze %dma_start3A_557 : memref<1x128xi32, #tpu.memory_space<vmem>> -> memref<128xi32, #tpu.memory_space<vmem>>
      %dma_start3A_559 = arith.constant 0 : i32
      %dma_start3A_560 = arith.constant 0 : i32
      %dma_start3A_561 = tpu.memref_slice %arg18[%dma_start3A_559, %dma_start3A_560] : memref<10112x64xf32, #tpu.memory_space<vmem_shared>> -> memref<10112x64xf32, #tpu.memory_space<vmem_shared>>
      tpu.enqueue_indirect_dma source(%arg16 : memref<128x64xf32, #tpu.memory_space<vmem>>) target(%dma_start3A_561 : memref<10112x64xf32, #tpu.memory_space<vmem_shared>>) offsets(%dma_start3A_558 : memref<128xi32, #tpu.memory_space<vmem>>) semaphore(%arg26 : memref<!tpu.dma_semaphore, #tpu.memory_space<semaphore_mem>>) {add = true}
      %add3A_562 = arith.constant 4 : i32
      %add3A_563 = arith.addi %add3A_535, %add3A_562 : i32
      %dma_start3A_564 = arith.constant 0 : i32
      %dma_start3A_565 = tpu.memref_slice %arg7[%add3A_563, %dma_start3A_564] : memref<160x128xi32, #tpu.memory_space<vmem>> -> memref<1x128xi32, #tpu.memory_space<vmem>>
      %dma_start3A_566 = tpu.memref_squeeze %dma_start3A_565 : memref<1x128xi32, #tpu.memory_space<vmem>> -> memref<128xi32, #tpu.memory_space<vmem>>
      %dma_start3A_567 = arith.constant 0 : i32
      %dma_start3A_568 = arith.constant 0 : i32
      %dma_start3A_569 = tpu.memref_slice %arg4[%dma_start3A_567, %dma_start3A_568] : memref<20000x64xbf16, #tpu.memory_space<hbm>> -> memref<20000x64xbf16, #tpu.memory_space<hbm>>
      tpu.enqueue_indirect_dma source(%dma_start3A_569 : memref<20000x64xbf16, #tpu.memory_space<hbm>>) target(%arg14 : memref<128x64xbf16, #tpu.memory_space<vmem>>) offsets(%dma_start3A_566 : memref<128xi32, #tpu.memory_space<vmem>>) semaphore(%arg24 : memref<!tpu.dma_semaphore, #tpu.memory_space<semaphore_mem>>)
      %mul3A_570 = arith.constant 6 : i32
      %mul3A_571 = arith.muli %mul3A_570, %scan3A_371 : i32
      %add3A_572 = arith.constant 3 : i32
      %add3A_573 = arith.addi %mul3A_571, %add3A_572 : i32
      %add3A_574 = arith.constant 5 : i32
      %add3A_575 = arith.addi %add3A_573, %add3A_574 : i32
      %dma_wait3A_576 = arith.constant 0 : i32
      %dma_wait3A_577 = tpu.memref_slice %arg7[%add3A_575, %dma_wait3A_576] : memref<160x128xi32, #tpu.memory_space<vmem>> -> memref<1x128xi32, #tpu.memory_space<vmem>>
      %dma_wait3A_578 = tpu.memref_squeeze %dma_wait3A_577 : memref<1x128xi32, #tpu.memory_space<vmem>> -> memref<128xi32, #tpu.memory_space<vmem>>
      %dma_wait3A_579 = arith.constant 0 : i32
      %dma_wait3A_580 = arith.constant 0 : i32
      %dma_wait3A_581 = tpu.memref_slice %arg4[%dma_wait3A_579, %dma_wait3A_580] : memref<20000x64xbf16, #tpu.memory_space<hbm>> -> memref<20000x64xbf16, #tpu.memory_space<hbm>>
      tpu.wait_indirect_dma semaphore(%arg21 : memref<!tpu.dma_semaphore, #tpu.memory_space<semaphore_mem>>) src(%dma_wait3A_581 : memref<20000x64xbf16, #tpu.memory_space<hbm>>) dst(%arg11 : memref<128x64xbf16, #tpu.memory_space<vmem>>)
      %sub3A_582 = arith.constant 3 : i32
      %sub3A_583 = arith.subi %add3A_575, %sub3A_582 : i32
      %dma_wait3A_584 = arith.constant 0 : i32
      %dma_wait3A_585 = tpu.memref_slice %arg8[%sub3A_583, %dma_wait3A_584] : memref<160x128xi32, #tpu.memory_space<vmem>> -> memref<1x128xi32, #tpu.memory_space<vmem>>
      %dma_wait3A_586 = tpu.memref_squeeze %dma_wait3A_585 : memref<1x128xi32, #tpu.memory_space<vmem>> -> memref<128xi32, #tpu.memory_space<vmem>>
      %dma_wait3A_587 = arith.constant 0 : i32
      %dma_wait3A_588 = arith.constant 0 : i32
      %dma_wait3A_589 = tpu.memref_slice %arg18[%dma_wait3A_587, %dma_wait3A_588] : memref<10112x64xf32, #tpu.memory_space<vmem_shared>> -> memref<10112x64xf32, #tpu.memory_space<vmem_shared>>
      tpu.wait_indirect_dma semaphore(%arg27 : memref<!tpu.dma_semaphore, #tpu.memory_space<semaphore_mem>>) src(%arg17 : memref<128x64xf32, #tpu.memory_space<vmem>>) dst(%dma_wait3A_589 : memref<10112x64xf32, #tpu.memory_space<vmem_shared>>)
      %scan3A_590 = arith.constant 0 : i32
      %scan3A_591 = arith.constant 0 : i32
      %scan3A_592 = arith.constant 128 : i32
      %scan3A_593 = arith.addi %scan3A_591, %scan3A_592 : i32
      %scan3A_594 = arith.constant 1 : i32
      scf.for %scan3A_610 = %scan3A_591 to %scan3A_593 step %scan3A_594  : i32 {
        %get3A = arith.constant 0 : i32
        %get3A_611 = tpu.memref_slice %arg11[%scan3A_610, %get3A] : memref<128x64xbf16, #tpu.memory_space<vmem>> -> memref<1x64xbf16, #tpu.memory_space<vmem>>
        %get3A_612 = tpu.memref_squeeze %get3A_611 : memref<1x64xbf16, #tpu.memory_space<vmem>> -> memref<64xbf16, #tpu.memory_space<vmem>>
        %get3A_613 = arith.constant 0 : index
        %get3A_614 = tpu.vector_load %get3A_612[%get3A_613] {strides = array<i32>} : memref<64xbf16, #tpu.memory_space<vmem>>, vector<32xbf16>,
        %unpack3A = tpu.unpack_subelements %get3A_614, 0 {pack_format = #tpu.pack_format<interleaved>} : vector<32xbf16> -> vector<16xf32>
        %unpack3A_615 = tpu.unpack_subelements %get3A_614, 1 {pack_format = #tpu.pack_format<interleaved>} : vector<32xbf16> -> vector<16xf32>
        %swap3A = arith.constant 0 : i32
        %swap3A_616 = tpu.memref_slice %arg17[%scan3A_610, %swap3A] : memref<128x64xf32, #tpu.memory_space<vmem>> -> memref<1x64xf32, #tpu.memory_space<vmem>>
        %swap3A_617 = tpu.memref_squeeze %swap3A_616 : memref<1x64xf32, #tpu.memory_space<vmem>> -> memref<64xf32, #tpu.memory_space<vmem>>
        %swap3A_618 = arith.constant 0 : index
        %swap3A_619 = tpu.vector_load %swap3A_617[%swap3A_618] {strides = array<i32>} : memref<64xf32, #tpu.memory_space<vmem>>, vector<16xf32>,
        tpu.vector_store %swap3A_617[%swap3A_618], %unpack3A {strides = array<i32>} : memref<64xf32, #tpu.memory_space<vmem>>, vector<16xf32>,
        %swap3A_620 = arith.constant 0 : i32
        %swap3A_621 = tpu.memref_slice %arg17[%scan3A_610, %swap3A_620] : memref<128x64xf32, #tpu.memory_space<vmem>> -> memref<1x64xf32, #tpu.memory_space<vmem>>
        %swap3A_622 = tpu.memref_squeeze %swap3A_621 : memref<1x64xf32, #tpu.memory_space<vmem>> -> memref<64xf32, #tpu.memory_space<vmem>>
        %swap3A_623 = arith.constant 16 : index
        %swap3A_624 = tpu.vector_load %swap3A_622[%swap3A_623] {strides = array<i32>} : memref<64xf32, #tpu.memory_space<vmem>>, vector<16xf32>,
        tpu.vector_store %swap3A_622[%swap3A_623], %unpack3A_615 {strides = array<i32>} : memref<64xf32, #tpu.memory_space<vmem>>, vector<16xf32>,
        %get3A_625 = arith.constant 0 : i32
        %get3A_626 = tpu.memref_slice %arg11[%scan3A_610, %get3A_625] : memref<128x64xbf16, #tpu.memory_space<vmem>> -> memref<1x64xbf16, #tpu.memory_space<vmem>>
        %get3A_627 = tpu.memref_squeeze %get3A_626 : memref<1x64xbf16, #tpu.memory_space<vmem>> -> memref<64xbf16, #tpu.memory_space<vmem>>
        %get3A_628 = arith.constant 32 : index
        %get3A_629 = tpu.vector_load %get3A_627[%get3A_628] {strides = array<i32>} : memref<64xbf16, #tpu.memory_space<vmem>>, vector<32xbf16>,
        %unpack3A_630 = tpu.unpack_subelements %get3A_629, 0 {pack_format = #tpu.pack_format<interleaved>} : vector<32xbf16> -> vector<16xf32>
        %unpack3A_631 = tpu.unpack_subelements %get3A_629, 1 {pack_format = #tpu.pack_format<interleaved>} : vector<32xbf16> -> vector<16xf32>
        %swap3A_632 = arith.constant 0 : i32
        %swap3A_633 = tpu.memref_slice %arg17[%scan3A_610, %swap3A_632] : memref<128x64xf32, #tpu.memory_space<vmem>> -> memref<1x64xf32, #tpu.memory_space<vmem>>
        %swap3A_634 = tpu.memref_squeeze %swap3A_633 : memref<1x64xf32, #tpu.memory_space<vmem>> -> memref<64xf32, #tpu.memory_space<vmem>>
        %swap3A_635 = arith.constant 32 : index
        %swap3A_636 = tpu.vector_load %swap3A_634[%swap3A_635] {strides = array<i32>} : memref<64xf32, #tpu.memory_space<vmem>>, vector<16xf32>,
        tpu.vector_store %swap3A_634[%swap3A_635], %unpack3A_630 {strides = array<i32>} : memref<64xf32, #tpu.memory_space<vmem>>, vector<16xf32>,
        %swap3A_637 = arith.constant 0 : i32
        %swap3A_638 = tpu.memref_slice %arg17[%scan3A_610, %swap3A_637] : memref<128x64xf32, #tpu.memory_space<vmem>> -> memref<1x64xf32, #tpu.memory_space<vmem>>
        %swap3A_639 = tpu.memref_squeeze %swap3A_638 : memref<1x64xf32, #tpu.memory_space<vmem>> -> memref<64xf32, #tpu.memory_space<vmem>>
        %swap3A_640 = arith.constant 48 : index
        %swap3A_641 = tpu.vector_load %swap3A_639[%swap3A_640] {strides = array<i32>} : memref<64xf32, #tpu.memory_space<vmem>>, vector<16xf32>,
        tpu.vector_store %swap3A_639[%swap3A_640], %unpack3A_631 {strides = array<i32>} : memref<64xf32, #tpu.memory_space<vmem>>, vector<16xf32>,
      }
      %scan3A_595 = arith.constant 128 : i32
      %dma_start3A_596 = arith.constant 0 : i32
      %dma_start3A_597 = tpu.memref_slice %arg8[%add3A_575, %dma_start3A_596] : memref<160x128xi32, #tpu.memory_space<vmem>> -> memref<1x128xi32, #tpu.memory_space<vmem>>
      %dma_start3A_598 = tpu.memref_squeeze %dma_start3A_597 : memref<1x128xi32, #tpu.memory_space<vmem>> -> memref<128xi32, #tpu.memory_space<vmem>>
      %dma_start3A_599 = arith.constant 0 : i32
      %dma_start3A_600 = arith.constant 0 : i32
      %dma_start3A_601 = tpu.memref_slice %arg18[%dma_start3A_599, %dma_start3A_600] : memref<10112x64xf32, #tpu.memory_space<vmem_shared>> -> memref<10112x64xf32, #tpu.memory_space<vmem_shared>>
      tpu.enqueue_indirect_dma source(%arg17 : memref<128x64xf32, #tpu.memory_space<vmem>>) target(%dma_start3A_601 : memref<10112x64xf32, #tpu.memory_space<vmem_shared>>) offsets(%dma_start3A_598 : memref<128xi32, #tpu.memory_space<vmem>>) semaphore(%arg27 : memref<!tpu.dma_semaphore, #tpu.memory_space<semaphore_mem>>) {add = true}
      %add3A_602 = arith.constant 4 : i32
      %add3A_603 = arith.addi %add3A_575, %add3A_602 : i32
      %dma_start3A_604 = arith.constant 0 : i32
      %dma_start3A_605 = tpu.memref_slice %arg7[%add3A_603, %dma_start3A_604] : memref<160x128xi32, #tpu.memory_space<vmem>> -> memref<1x128xi32, #tpu.memory_space<vmem>>
      %dma_start3A_606 = tpu.memref_squeeze %dma_start3A_605 : memref<1x128xi32, #tpu.memory_space<vmem>> -> memref<128xi32, #tpu.memory_space<vmem>>
      %dma_start3A_607 = arith.constant 0 : i32
      %dma_start3A_608 = arith.constant 0 : i32
      %dma_start3A_609 = tpu.memref_slice %arg4[%dma_start3A_607, %dma_start3A_608] : memref<20000x64xbf16, #tpu.memory_space<hbm>> -> memref<20000x64xbf16, #tpu.memory_space<hbm>>
      tpu.enqueue_indirect_dma source(%dma_start3A_609 : memref<20000x64xbf16, #tpu.memory_space<hbm>>) target(%arg9 : memref<128x64xbf16, #tpu.memory_space<vmem>>) offsets(%dma_start3A_606 : memref<128xi32, #tpu.memory_space<vmem>>) semaphore(%arg19 : memref<!tpu.dma_semaphore, #tpu.memory_space<semaphore_mem>>)
    }
    %scan3A_134 = arith.constant 25 : i32
    %dma_wait3A_135 = arith.constant 153 : i32
    %dma_wait3A_136 = arith.constant 0 : i32
    %dma_wait3A_137 = tpu.memref_slice %arg7[%dma_wait3A_135, %dma_wait3A_136] : memref<160x128xi32, #tpu.memory_space<vmem>> -> memref<1x128xi32, #tpu.memory_space<vmem>>
    %dma_wait3A_138 = tpu.memref_squeeze %dma_wait3A_137 : memref<1x128xi32, #tpu.memory_space<vmem>> -> memref<128xi32, #tpu.memory_space<vmem>>
    %dma_wait3A_139 = arith.constant 0 : i32
    %dma_wait3A_140 = arith.constant 0 : i32
    %dma_wait3A_141 = tpu.memref_slice %arg4[%dma_wait3A_139, %dma_wait3A_140] : memref<20000x64xbf16, #tpu.memory_space<hbm>> -> memref<20000x64xbf16, #tpu.memory_space<hbm>>
    tpu.wait_indirect_dma semaphore(%arg22 : memref<!tpu.dma_semaphore, #tpu.memory_space<semaphore_mem>>) src(%dma_wait3A_141 : memref<20000x64xbf16, #tpu.memory_space<hbm>>) dst(%arg12 : memref<128x64xbf16, #tpu.memory_space<vmem>>)
    %dma_wait3A_142 = arith.constant 150 : i32
    %dma_wait3A_143 = arith.constant 0 : i32
    %dma_wait3A_144 = tpu.memref_slice %arg8[%dma_wait3A_142, %dma_wait3A_143] : memref<160x128xi32, #tpu.memory_space<vmem>> -> memref<1x128xi32, #tpu.memory_space<vmem>>
    %dma_wait3A_145 = tpu.memref_squeeze %dma_wait3A_144 : memref<1x128xi32, #tpu.memory_space<vmem>> -> memref<128xi32, #tpu.memory_space<vmem>>
    %dma_wait3A_146 = arith.constant 0 : i32
    %dma_wait3A_147 = arith.constant 0 : i32
    %dma_wait3A_148 = tpu.memref_slice %arg18[%dma_wait3A_146, %dma_wait3A_147] : memref<10112x64xf32, #tpu.memory_space<vmem_shared>> -> memref<10112x64xf32, #tpu.memory_space<vmem_shared>>
    tpu.wait_indirect_dma semaphore(%arg25 : memref<!tpu.dma_semaphore, #tpu.memory_space<semaphore_mem>>) src(%arg15 : memref<128x64xf32, #tpu.memory_space<vmem>>) dst(%dma_wait3A_148 : memref<10112x64xf32, #tpu.memory_space<vmem_shared>>)
    %scan3A_149 = arith.constant 0 : i32
    %scan3A_150 = arith.constant 0 : i32
    %scan3A_151 = arith.constant 128 : i32
    %scan3A_152 = arith.addi %scan3A_150, %scan3A_151 : i32
    %scan3A_153 = arith.constant 1 : i32
    scf.for %scan3A_371 = %scan3A_150 to %scan3A_152 step %scan3A_153  : i32 {
      %get3A = arith.constant 0 : i32
      %get3A_372 = tpu.memref_slice %arg12[%scan3A_371, %get3A] : memref<128x64xbf16, #tpu.memory_space<vmem>> -> memref<1x64xbf16, #tpu.memory_space<vmem>>
      %get3A_373 = tpu.memref_squeeze %get3A_372 : memref<1x64xbf16, #tpu.memory_space<vmem>> -> memref<64xbf16, #tpu.memory_space<vmem>>
      %get3A_374 = arith.constant 0 : index
      %get3A_375 = tpu.vector_load %get3A_373[%get3A_374] {strides = array<i32>} : memref<64xbf16, #tpu.memory_space<vmem>>, vector<32xbf16>,
      %unpack3A = tpu.unpack_subelements %get3A_375, 0 {pack_format = #tpu.pack_format<interleaved>} : vector<32xbf16> -> vector<16xf32>
      %unpack3A_376 = tpu.unpack_subelements %get3A_375, 1 {pack_format = #tpu.pack_format<interleaved>} : vector<32xbf16> -> vector<16xf32>
      %swap3A = arith.constant 0 : i32
      %swap3A_377 = tpu.memref_slice %arg15[%scan3A_371, %swap3A] : memref<128x64xf32, #tpu.memory_space<vmem>> -> memref<1x64xf32, #tpu.memory_space<vmem>>
      %swap3A_378 = tpu.memref_squeeze %swap3A_377 : memref<1x64xf32, #tpu.memory_space<vmem>> -> memref<64xf32, #tpu.memory_space<vmem>>
      %swap3A_379 = arith.constant 0 : index
      %swap3A_380 = tpu.vector_load %swap3A_378[%swap3A_379] {strides = array<i32>} : memref<64xf32, #tpu.memory_space<vmem>>, vector<16xf32>,
      tpu.vector_store %swap3A_378[%swap3A_379], %unpack3A {strides = array<i32>} : memref<64xf32, #tpu.memory_space<vmem>>, vector<16xf32>,
      %swap3A_381 = arith.constant 0 : i32
      %swap3A_382 = tpu.memref_slice %arg15[%scan3A_371, %swap3A_381] : memref<128x64xf32, #tpu.memory_space<vmem>> -> memref<1x64xf32, #tpu.memory_space<vmem>>
      %swap3A_383 = tpu.memref_squeeze %swap3A_382 : memref<1x64xf32, #tpu.memory_space<vmem>> -> memref<64xf32, #tpu.memory_space<vmem>>
      %swap3A_384 = arith.constant 16 : index
      %swap3A_385 = tpu.vector_load %swap3A_383[%swap3A_384] {strides = array<i32>} : memref<64xf32, #tpu.memory_space<vmem>>, vector<16xf32>,
      tpu.vector_store %swap3A_383[%swap3A_384], %unpack3A_376 {strides = array<i32>} : memref<64xf32, #tpu.memory_space<vmem>>, vector<16xf32>,
      %get3A_386 = arith.constant 0 : i32
      %get3A_387 = tpu.memref_slice %arg12[%scan3A_371, %get3A_386] : memref<128x64xbf16, #tpu.memory_space<vmem>> -> memref<1x64xbf16, #tpu.memory_space<vmem>>
      %get3A_388 = tpu.memref_squeeze %get3A_387 : memref<1x64xbf16, #tpu.memory_space<vmem>> -> memref<64xbf16, #tpu.memory_space<vmem>>
      %get3A_389 = arith.constant 32 : index
      %get3A_390 = tpu.vector_load %get3A_388[%get3A_389] {strides = array<i32>} : memref<64xbf16, #tpu.memory_space<vmem>>, vector<32xbf16>,
      %unpack3A_391 = tpu.unpack_subelements %get3A_390, 0 {pack_format = #tpu.pack_format<interleaved>} : vector<32xbf16> -> vector<16xf32>
      %unpack3A_392 = tpu.unpack_subelements %get3A_390, 1 {pack_format = #tpu.pack_format<interleaved>} : vector<32xbf16> -> vector<16xf32>
      %swap3A_393 = arith.constant 0 : i32
      %swap3A_394 = tpu.memref_slice %arg15[%scan3A_371, %swap3A_393] : memref<128x64xf32, #tpu.memory_space<vmem>> -> memref<1x64xf32, #tpu.memory_space<vmem>>
      %swap3A_395 = tpu.memref_squeeze %swap3A_394 : memref<1x64xf32, #tpu.memory_space<vmem>> -> memref<64xf32, #tpu.memory_space<vmem>>
      %swap3A_396 = arith.constant 32 : index
      %swap3A_397 = tpu.vector_load %swap3A_395[%swap3A_396] {strides = array<i32>} : memref<64xf32, #tpu.memory_space<vmem>>, vector<16xf32>,
      tpu.vector_store %swap3A_395[%swap3A_396], %unpack3A_391 {strides = array<i32>} : memref<64xf32, #tpu.memory_space<vmem>>, vector<16xf32>,
      %swap3A_398 = arith.constant 0 : i32
      %swap3A_399 = tpu.memref_slice %arg15[%scan3A_371, %swap3A_398] : memref<128x64xf32, #tpu.memory_space<vmem>> -> memref<1x64xf32, #tpu.memory_space<vmem>>
      %swap3A_400 = tpu.memref_squeeze %swap3A_399 : memref<1x64xf32, #tpu.memory_space<vmem>> -> memref<64xf32, #tpu.memory_space<vmem>>
      %swap3A_401 = arith.constant 48 : index
      %swap3A_402 = tpu.vector_load %swap3A_400[%swap3A_401] {strides = array<i32>} : memref<64xf32, #tpu.memory_space<vmem>>, vector<16xf32>,
      tpu.vector_store %swap3A_400[%swap3A_401], %unpack3A_392 {strides = array<i32>} : memref<64xf32, #tpu.memory_space<vmem>>, vector<16xf32>,
    }
    %scan3A_154 = arith.constant 128 : i32
    %dma_start3A_155 = arith.constant 153 : i32
    %dma_start3A_156 = arith.constant 0 : i32
    %dma_start3A_157 = tpu.memref_slice %arg8[%dma_start3A_155, %dma_start3A_156] : memref<160x128xi32, #tpu.memory_space<vmem>> -> memref<1x128xi32, #tpu.memory_space<vmem>>
    %dma_start3A_158 = tpu.memref_squeeze %dma_start3A_157 : memref<1x128xi32, #tpu.memory_space<vmem>> -> memref<128xi32, #tpu.memory_space<vmem>>
    %dma_start3A_159 = arith.constant 0 : i32
    %dma_start3A_160 = arith.constant 0 : i32
    %dma_start3A_161 = tpu.memref_slice %arg18[%dma_start3A_159, %dma_start3A_160] : memref<10112x64xf32, #tpu.memory_space<vmem_shared>> -> memref<10112x64xf32, #tpu.memory_space<vmem_shared>>
    tpu.enqueue_indirect_dma source(%arg15 : memref<128x64xf32, #tpu.memory_space<vmem>>) target(%dma_start3A_161 : memref<10112x64xf32, #tpu.memory_space<vmem_shared>>) offsets(%dma_start3A_158 : memref<128xi32, #tpu.memory_space<vmem>>) semaphore(%arg25 : memref<!tpu.dma_semaphore, #tpu.memory_space<semaphore_mem>>) {add = true}
    %dma_start3A_162 = arith.constant 157 : i32
    %dma_start3A_163 = arith.constant 0 : i32
    %dma_start3A_164 = tpu.memref_slice %arg7[%dma_start3A_162, %dma_start3A_163] : memref<160x128xi32, #tpu.memory_space<vmem>> -> memref<1x128xi32, #tpu.memory_space<vmem>>
    %dma_start3A_165 = tpu.memref_squeeze %dma_start3A_164 : memref<1x128xi32, #tpu.memory_space<vmem>> -> memref<128xi32, #tpu.memory_space<vmem>>
    %dma_start3A_166 = arith.constant 0 : i32
    %dma_start3A_167 = arith.constant 0 : i32
    %dma_start3A_168 = tpu.memref_slice %arg4[%dma_start3A_166, %dma_start3A_167] : memref<20000x64xbf16, #tpu.memory_space<hbm>> -> memref<20000x64xbf16, #tpu.memory_space<hbm>>
    tpu.enqueue_indirect_dma source(%dma_start3A_168 : memref<20000x64xbf16, #tpu.memory_space<hbm>>) target(%arg10 : memref<128x64xbf16, #tpu.memory_space<vmem>>) offsets(%dma_start3A_165 : memref<128xi32, #tpu.memory_space<vmem>>) semaphore(%arg20 : memref<!tpu.dma_semaphore, #tpu.memory_space<semaphore_mem>>)
    %dma_wait3A_169 = arith.constant 154 : i32
    %dma_wait3A_170 = arith.constant 0 : i32
    %dma_wait3A_171 = tpu.memref_slice %arg7[%dma_wait3A_169, %dma_wait3A_170] : memref<160x128xi32, #tpu.memory_space<vmem>> -> memref<1x128xi32, #tpu.memory_space<vmem>>
    %dma_wait3A_172 = tpu.memref_squeeze %dma_wait3A_171 : memref<1x128xi32, #tpu.memory_space<vmem>> -> memref<128xi32, #tpu.memory_space<vmem>>
    %dma_wait3A_173 = arith.constant 0 : i32
    %dma_wait3A_174 = arith.constant 0 : i32
    %dma_wait3A_175 = tpu.memref_slice %arg4[%dma_wait3A_173, %dma_wait3A_174] : memref<20000x64xbf16, #tpu.memory_space<hbm>> -> memref<20000x64xbf16, #tpu.memory_space<hbm>>
    tpu.wait_indirect_dma semaphore(%arg23 : memref<!tpu.dma_semaphore, #tpu.memory_space<semaphore_mem>>) src(%dma_wait3A_175 : memref<20000x64xbf16, #tpu.memory_space<hbm>>) dst(%arg13 : memref<128x64xbf16, #tpu.memory_space<vmem>>)
    %dma_wait3A_176 = arith.constant 151 : i32
    %dma_wait3A_177 = arith.constant 0 : i32
    %dma_wait3A_178 = tpu.memref_slice %arg8[%dma_wait3A_176, %dma_wait3A_177] : memref<160x128xi32, #tpu.memory_space<vmem>> -> memref<1x128xi32, #tpu.memory_space<vmem>>
    %dma_wait3A_179 = tpu.memref_squeeze %dma_wait3A_178 : memref<1x128xi32, #tpu.memory_space<vmem>> -> memref<128xi32, #tpu.memory_space<vmem>>
    %dma_wait3A_180 = arith.constant 0 : i32
    %dma_wait3A_181 = arith.constant 0 : i32
    %dma_wait3A_182 = tpu.memref_slice %arg18[%dma_wait3A_180, %dma_wait3A_181] : memref<10112x64xf32, #tpu.memory_space<vmem_shared>> -> memref<10112x64xf32, #tpu.memory_space<vmem_shared>>
    tpu.wait_indirect_dma semaphore(%arg26 : memref<!tpu.dma_semaphore, #tpu.memory_space<semaphore_mem>>) src(%arg16 : memref<128x64xf32, #tpu.memory_space<vmem>>) dst(%dma_wait3A_182 : memref<10112x64xf32, #tpu.memory_space<vmem_shared>>)
    %scan3A_183 = arith.constant 0 : i32
    %scan3A_184 = arith.constant 0 : i32
    %scan3A_185 = arith.constant 128 : i32
    %scan3A_186 = arith.addi %scan3A_184, %scan3A_185 : i32
    %scan3A_187 = arith.constant 1 : i32
    scf.for %scan3A_371 = %scan3A_184 to %scan3A_186 step %scan3A_187  : i32 {
      %get3A = arith.constant 0 : i32
      %get3A_372 = tpu.memref_slice %arg13[%scan3A_371, %get3A] : memref<128x64xbf16, #tpu.memory_space<vmem>> -> memref<1x64xbf16, #tpu.memory_space<vmem>>
      %get3A_373 = tpu.memref_squeeze %get3A_372 : memref<1x64xbf16, #tpu.memory_space<vmem>> -> memref<64xbf16, #tpu.memory_space<vmem>>
      %get3A_374 = arith.constant 0 : index
      %get3A_375 = tpu.vector_load %get3A_373[%get3A_374] {strides = array<i32>} : memref<64xbf16, #tpu.memory_space<vmem>>, vector<32xbf16>,
      %unpack3A = tpu.unpack_subelements %get3A_375, 0 {pack_format = #tpu.pack_format<interleaved>} : vector<32xbf16> -> vector<16xf32>
      %unpack3A_376 = tpu.unpack_subelements %get3A_375, 1 {pack_format = #tpu.pack_format<interleaved>} : vector<32xbf16> -> vector<16xf32>
      %swap3A = arith.constant 0 : i32
      %swap3A_377 = tpu.memref_slice %arg16[%scan3A_371, %swap3A] : memref<128x64xf32, #tpu.memory_space<vmem>> -> memref<1x64xf32, #tpu.memory_space<vmem>>
      %swap3A_378 = tpu.memref_squeeze %swap3A_377 : memref<1x64xf32, #tpu.memory_space<vmem>> -> memref<64xf32, #tpu.memory_space<vmem>>
      %swap3A_379 = arith.constant 0 : index
      %swap3A_380 = tpu.vector_load %swap3A_378[%swap3A_379] {strides = array<i32>} : memref<64xf32, #tpu.memory_space<vmem>>, vector<16xf32>,
      tpu.vector_store %swap3A_378[%swap3A_379], %unpack3A {strides = array<i32>} : memref<64xf32, #tpu.memory_space<vmem>>, vector<16xf32>,
      %swap3A_381 = arith.constant 0 : i32
      %swap3A_382 = tpu.memref_slice %arg16[%scan3A_371, %swap3A_381] : memref<128x64xf32, #tpu.memory_space<vmem>> -> memref<1x64xf32, #tpu.memory_space<vmem>>
      %swap3A_383 = tpu.memref_squeeze %swap3A_382 : memref<1x64xf32, #tpu.memory_space<vmem>> -> memref<64xf32, #tpu.memory_space<vmem>>
      %swap3A_384 = arith.constant 16 : index
      %swap3A_385 = tpu.vector_load %swap3A_383[%swap3A_384] {strides = array<i32>} : memref<64xf32, #tpu.memory_space<vmem>>, vector<16xf32>,
      tpu.vector_store %swap3A_383[%swap3A_384], %unpack3A_376 {strides = array<i32>} : memref<64xf32, #tpu.memory_space<vmem>>, vector<16xf32>,
      %get3A_386 = arith.constant 0 : i32
      %get3A_387 = tpu.memref_slice %arg13[%scan3A_371, %get3A_386] : memref<128x64xbf16, #tpu.memory_space<vmem>> -> memref<1x64xbf16, #tpu.memory_space<vmem>>
      %get3A_388 = tpu.memref_squeeze %get3A_387 : memref<1x64xbf16, #tpu.memory_space<vmem>> -> memref<64xbf16, #tpu.memory_space<vmem>>
      %get3A_389 = arith.constant 32 : index
      %get3A_390 = tpu.vector_load %get3A_388[%get3A_389] {strides = array<i32>} : memref<64xbf16, #tpu.memory_space<vmem>>, vector<32xbf16>,
      %unpack3A_391 = tpu.unpack_subelements %get3A_390, 0 {pack_format = #tpu.pack_format<interleaved>} : vector<32xbf16> -> vector<16xf32>
      %unpack3A_392 = tpu.unpack_subelements %get3A_390, 1 {pack_format = #tpu.pack_format<interleaved>} : vector<32xbf16> -> vector<16xf32>
      %swap3A_393 = arith.constant 0 : i32
      %swap3A_394 = tpu.memref_slice %arg16[%scan3A_371, %swap3A_393] : memref<128x64xf32, #tpu.memory_space<vmem>> -> memref<1x64xf32, #tpu.memory_space<vmem>>
      %swap3A_395 = tpu.memref_squeeze %swap3A_394 : memref<1x64xf32, #tpu.memory_space<vmem>> -> memref<64xf32, #tpu.memory_space<vmem>>
      %swap3A_396 = arith.constant 32 : index
      %swap3A_397 = tpu.vector_load %swap3A_395[%swap3A_396] {strides = array<i32>} : memref<64xf32, #tpu.memory_space<vmem>>, vector<16xf32>,
      tpu.vector_store %swap3A_395[%swap3A_396], %unpack3A_391 {strides = array<i32>} : memref<64xf32, #tpu.memory_space<vmem>>, vector<16xf32>,
      %swap3A_398 = arith.constant 0 : i32
      %swap3A_399 = tpu.memref_slice %arg16[%scan3A_371, %swap3A_398] : memref<128x64xf32, #tpu.memory_space<vmem>> -> memref<1x64xf32, #tpu.memory_space<vmem>>
      %swap3A_400 = tpu.memref_squeeze %swap3A_399 : memref<1x64xf32, #tpu.memory_space<vmem>> -> memref<64xf32, #tpu.memory_space<vmem>>
      %swap3A_401 = arith.constant 48 : index
      %swap3A_402 = tpu.vector_load %swap3A_400[%swap3A_401] {strides = array<i32>} : memref<64xf32, #tpu.memory_space<vmem>>, vector<16xf32>,
      tpu.vector_store %swap3A_400[%swap3A_401], %unpack3A_392 {strides = array<i32>} : memref<64xf32, #tpu.memory_space<vmem>>, vector<16xf32>,
    }
    %scan3A_188 = arith.constant 128 : i32
    %dma_start3A_189 = arith.constant 154 : i32
    %dma_start3A_190 = arith.constant 0 : i32
    %dma_start3A_191 = tpu.memref_slice %arg8[%dma_start3A_189, %dma_start3A_190] : memref<160x128xi32, #tpu.memory_space<vmem>> -> memref<1x128xi32, #tpu.memory_space<vmem>>
    %dma_start3A_192 = tpu.memref_squeeze %dma_start3A_191 : memref<1x128xi32, #tpu.memory_space<vmem>> -> memref<128xi32, #tpu.memory_space<vmem>>
    %dma_start3A_193 = arith.constant 0 : i32
    %dma_start3A_194 = arith.constant 0 : i32
    %dma_start3A_195 = tpu.memref_slice %arg18[%dma_start3A_193, %dma_start3A_194] : memref<10112x64xf32, #tpu.memory_space<vmem_shared>> -> memref<10112x64xf32, #tpu.memory_space<vmem_shared>>
    tpu.enqueue_indirect_dma source(%arg16 : memref<128x64xf32, #tpu.memory_space<vmem>>) target(%dma_start3A_195 : memref<10112x64xf32, #tpu.memory_space<vmem_shared>>) offsets(%dma_start3A_192 : memref<128xi32, #tpu.memory_space<vmem>>) semaphore(%arg26 : memref<!tpu.dma_semaphore, #tpu.memory_space<semaphore_mem>>) {add = true}
    %dma_start3A_196 = arith.constant 158 : i32
    %dma_start3A_197 = arith.constant 0 : i32
    %dma_start3A_198 = tpu.memref_slice %arg7[%dma_start3A_196, %dma_start3A_197] : memref<160x128xi32, #tpu.memory_space<vmem>> -> memref<1x128xi32, #tpu.memory_space<vmem>>
    %dma_start3A_199 = tpu.memref_squeeze %dma_start3A_198 : memref<1x128xi32, #tpu.memory_space<vmem>> -> memref<128xi32, #tpu.memory_space<vmem>>
    %dma_start3A_200 = arith.constant 0 : i32
    %dma_start3A_201 = arith.constant 0 : i32
    %dma_start3A_202 = tpu.memref_slice %arg4[%dma_start3A_200, %dma_start3A_201] : memref<20000x64xbf16, #tpu.memory_space<hbm>> -> memref<20000x64xbf16, #tpu.memory_space<hbm>>
    tpu.enqueue_indirect_dma source(%dma_start3A_202 : memref<20000x64xbf16, #tpu.memory_space<hbm>>) target(%arg11 : memref<128x64xbf16, #tpu.memory_space<vmem>>) offsets(%dma_start3A_199 : memref<128xi32, #tpu.memory_space<vmem>>) semaphore(%arg21 : memref<!tpu.dma_semaphore, #tpu.memory_space<semaphore_mem>>)
    %dma_wait3A_203 = arith.constant 155 : i32
    %dma_wait3A_204 = arith.constant 0 : i32
    %dma_wait3A_205 = tpu.memref_slice %arg7[%dma_wait3A_203, %dma_wait3A_204] : memref<160x128xi32, #tpu.memory_space<vmem>> -> memref<1x128xi32, #tpu.memory_space<vmem>>
    %dma_wait3A_206 = tpu.memref_squeeze %dma_wait3A_205 : memref<1x128xi32, #tpu.memory_space<vmem>> -> memref<128xi32, #tpu.memory_space<vmem>>
    %dma_wait3A_207 = arith.constant 0 : i32
    %dma_wait3A_208 = arith.constant 0 : i32
    %dma_wait3A_209 = tpu.memref_slice %arg4[%dma_wait3A_207, %dma_wait3A_208] : memref<20000x64xbf16, #tpu.memory_space<hbm>> -> memref<20000x64xbf16, #tpu.memory_space<hbm>>
    tpu.wait_indirect_dma semaphore(%arg24 : memref<!tpu.dma_semaphore, #tpu.memory_space<semaphore_mem>>) src(%dma_wait3A_209 : memref<20000x64xbf16, #tpu.memory_space<hbm>>) dst(%arg14 : memref<128x64xbf16, #tpu.memory_space<vmem>>)
    %dma_wait3A_210 = arith.constant 152 : i32
    %dma_wait3A_211 = arith.constant 0 : i32
    %dma_wait3A_212 = tpu.memref_slice %arg8[%dma_wait3A_210, %dma_wait3A_211] : memref<160x128xi32, #tpu.memory_space<vmem>> -> memref<1x128xi32, #tpu.memory_space<vmem>>
    %dma_wait3A_213 = tpu.memref_squeeze %dma_wait3A_212 : memref<1x128xi32, #tpu.memory_space<vmem>> -> memref<128xi32, #tpu.memory_space<vmem>>
    %dma_wait3A_214 = arith.constant 0 : i32
    %dma_wait3A_215 = arith.constant 0 : i32
    %dma_wait3A_216 = tpu.memref_slice %arg18[%dma_wait3A_214, %dma_wait3A_215] : memref<10112x64xf32, #tpu.memory_space<vmem_shared>> -> memref<10112x64xf32, #tpu.memory_space<vmem_shared>>
    tpu.wait_indirect_dma semaphore(%arg27 : memref<!tpu.dma_semaphore, #tpu.memory_space<semaphore_mem>>) src(%arg17 : memref<128x64xf32, #tpu.memory_space<vmem>>) dst(%dma_wait3A_216 : memref<10112x64xf32, #tpu.memory_space<vmem_shared>>)
    %scan3A_217 = arith.constant 0 : i32
    %scan3A_218 = arith.constant 0 : i32
    %scan3A_219 = arith.constant 128 : i32
    %scan3A_220 = arith.addi %scan3A_218, %scan3A_219 : i32
    %scan3A_221 = arith.constant 1 : i32
    scf.for %scan3A_371 = %scan3A_218 to %scan3A_220 step %scan3A_221  : i32 {
      %get3A = arith.constant 0 : i32
      %get3A_372 = tpu.memref_slice %arg14[%scan3A_371, %get3A] : memref<128x64xbf16, #tpu.memory_space<vmem>> -> memref<1x64xbf16, #tpu.memory_space<vmem>>
      %get3A_373 = tpu.memref_squeeze %get3A_372 : memref<1x64xbf16, #tpu.memory_space<vmem>> -> memref<64xbf16, #tpu.memory_space<vmem>>
      %get3A_374 = arith.constant 0 : index
      %get3A_375 = tpu.vector_load %get3A_373[%get3A_374] {strides = array<i32>} : memref<64xbf16, #tpu.memory_space<vmem>>, vector<32xbf16>,
      %unpack3A = tpu.unpack_subelements %get3A_375, 0 {pack_format = #tpu.pack_format<interleaved>} : vector<32xbf16> -> vector<16xf32>
      %unpack3A_376 = tpu.unpack_subelements %get3A_375, 1 {pack_format = #tpu.pack_format<interleaved>} : vector<32xbf16> -> vector<16xf32>
      %swap3A = arith.constant 0 : i32
      %swap3A_377 = tpu.memref_slice %arg17[%scan3A_371, %swap3A] : memref<128x64xf32, #tpu.memory_space<vmem>> -> memref<1x64xf32, #tpu.memory_space<vmem>>
      %swap3A_378 = tpu.memref_squeeze %swap3A_377 : memref<1x64xf32, #tpu.memory_space<vmem>> -> memref<64xf32, #tpu.memory_space<vmem>>
      %swap3A_379 = arith.constant 0 : index
      %swap3A_380 = tpu.vector_load %swap3A_378[%swap3A_379] {strides = array<i32>} : memref<64xf32, #tpu.memory_space<vmem>>, vector<16xf32>,
      tpu.vector_store %swap3A_378[%swap3A_379], %unpack3A {strides = array<i32>} : memref<64xf32, #tpu.memory_space<vmem>>, vector<16xf32>,
      %swap3A_381 = arith.constant 0 : i32
      %swap3A_382 = tpu.memref_slice %arg17[%scan3A_371, %swap3A_381] : memref<128x64xf32, #tpu.memory_space<vmem>> -> memref<1x64xf32, #tpu.memory_space<vmem>>
      %swap3A_383 = tpu.memref_squeeze %swap3A_382 : memref<1x64xf32, #tpu.memory_space<vmem>> -> memref<64xf32, #tpu.memory_space<vmem>>
      %swap3A_384 = arith.constant 16 : index
      %swap3A_385 = tpu.vector_load %swap3A_383[%swap3A_384] {strides = array<i32>} : memref<64xf32, #tpu.memory_space<vmem>>, vector<16xf32>,
      tpu.vector_store %swap3A_383[%swap3A_384], %unpack3A_376 {strides = array<i32>} : memref<64xf32, #tpu.memory_space<vmem>>, vector<16xf32>,
      %get3A_386 = arith.constant 0 : i32
      %get3A_387 = tpu.memref_slice %arg14[%scan3A_371, %get3A_386] : memref<128x64xbf16, #tpu.memory_space<vmem>> -> memref<1x64xbf16, #tpu.memory_space<vmem>>
      %get3A_388 = tpu.memref_squeeze %get3A_387 : memref<1x64xbf16, #tpu.memory_space<vmem>> -> memref<64xbf16, #tpu.memory_space<vmem>>
      %get3A_389 = arith.constant 32 : index
      %get3A_390 = tpu.vector_load %get3A_388[%get3A_389] {strides = array<i32>} : memref<64xbf16, #tpu.memory_space<vmem>>, vector<32xbf16>,
      %unpack3A_391 = tpu.unpack_subelements %get3A_390, 0 {pack_format = #tpu.pack_format<interleaved>} : vector<32xbf16> -> vector<16xf32>
      %unpack3A_392 = tpu.unpack_subelements %get3A_390, 1 {pack_format = #tpu.pack_format<interleaved>} : vector<32xbf16> -> vector<16xf32>
      %swap3A_393 = arith.constant 0 : i32
      %swap3A_394 = tpu.memref_slice %arg17[%scan3A_371, %swap3A_393] : memref<128x64xf32, #tpu.memory_space<vmem>> -> memref<1x64xf32, #tpu.memory_space<vmem>>
      %swap3A_395 = tpu.memref_squeeze %swap3A_394 : memref<1x64xf32, #tpu.memory_space<vmem>> -> memref<64xf32, #tpu.memory_space<vmem>>
      %swap3A_396 = arith.constant 32 : index
      %swap3A_397 = tpu.vector_load %swap3A_395[%swap3A_396] {strides = array<i32>} : memref<64xf32, #tpu.memory_space<vmem>>, vector<16xf32>,
      tpu.vector_store %swap3A_395[%swap3A_396], %unpack3A_391 {strides = array<i32>} : memref<64xf32, #tpu.memory_space<vmem>>, vector<16xf32>,
      %swap3A_398 = arith.constant 0 : i32
      %swap3A_399 = tpu.memref_slice %arg17[%scan3A_371, %swap3A_398] : memref<128x64xf32, #tpu.memory_space<vmem>> -> memref<1x64xf32, #tpu.memory_space<vmem>>
      %swap3A_400 = tpu.memref_squeeze %swap3A_399 : memref<1x64xf32, #tpu.memory_space<vmem>> -> memref<64xf32, #tpu.memory_space<vmem>>
      %swap3A_401 = arith.constant 48 : index
      %swap3A_402 = tpu.vector_load %swap3A_400[%swap3A_401] {strides = array<i32>} : memref<64xf32, #tpu.memory_space<vmem>>, vector<16xf32>,
      tpu.vector_store %swap3A_400[%swap3A_401], %unpack3A_392 {strides = array<i32>} : memref<64xf32, #tpu.memory_space<vmem>>, vector<16xf32>,
    }
    %scan3A_222 = arith.constant 128 : i32
    %dma_start3A_223 = arith.constant 155 : i32
    %dma_start3A_224 = arith.constant 0 : i32
    %dma_start3A_225 = tpu.memref_slice %arg8[%dma_start3A_223, %dma_start3A_224] : memref<160x128xi32, #tpu.memory_space<vmem>> -> memref<1x128xi32, #tpu.memory_space<vmem>>
    %dma_start3A_226 = tpu.memref_squeeze %dma_start3A_225 : memref<1x128xi32, #tpu.memory_space<vmem>> -> memref<128xi32, #tpu.memory_space<vmem>>
    %dma_start3A_227 = arith.constant 0 : i32
    %dma_start3A_228 = arith.constant 0 : i32
    %dma_start3A_229 = tpu.memref_slice %arg18[%dma_start3A_227, %dma_start3A_228] : memref<10112x64xf32, #tpu.memory_space<vmem_shared>> -> memref<10112x64xf32, #tpu.memory_space<vmem_shared>>
    tpu.enqueue_indirect_dma source(%arg17 : memref<128x64xf32, #tpu.memory_space<vmem>>) target(%dma_start3A_229 : memref<10112x64xf32, #tpu.memory_space<vmem_shared>>) offsets(%dma_start3A_226 : memref<128xi32, #tpu.memory_space<vmem>>) semaphore(%arg27 : memref<!tpu.dma_semaphore, #tpu.memory_space<semaphore_mem>>) {add = true}
    %dma_start3A_230 = arith.constant 159 : i32
    %dma_start3A_231 = arith.constant 0 : i32
    %dma_start3A_232 = tpu.memref_slice %arg7[%dma_start3A_230, %dma_start3A_231] : memref<160x128xi32, #tpu.memory_space<vmem>> -> memref<1x128xi32, #tpu.memory_space<vmem>>
    %dma_start3A_233 = tpu.memref_squeeze %dma_start3A_232 : memref<1x128xi32, #tpu.memory_space<vmem>> -> memref<128xi32, #tpu.memory_space<vmem>>
    %dma_start3A_234 = arith.constant 0 : i32
    %dma_start3A_235 = arith.constant 0 : i32
    %dma_start3A_236 = tpu.memref_slice %arg4[%dma_start3A_234, %dma_start3A_235] : memref<20000x64xbf16, #tpu.memory_space<hbm>> -> memref<20000x64xbf16, #tpu.memory_space<hbm>>
    tpu.enqueue_indirect_dma source(%dma_start3A_236 : memref<20000x64xbf16, #tpu.memory_space<hbm>>) target(%arg12 : memref<128x64xbf16, #tpu.memory_space<vmem>>) offsets(%dma_start3A_233 : memref<128xi32, #tpu.memory_space<vmem>>) semaphore(%arg22 : memref<!tpu.dma_semaphore, #tpu.memory_space<semaphore_mem>>)
    %dma_wait3A_237 = arith.constant 156 : i32
    %dma_wait3A_238 = arith.constant 0 : i32
    %dma_wait3A_239 = tpu.memref_slice %arg7[%dma_wait3A_237, %dma_wait3A_238] : memref<160x128xi32, #tpu.memory_space<vmem>> -> memref<1x128xi32, #tpu.memory_space<vmem>>
    %dma_wait3A_240 = tpu.memref_squeeze %dma_wait3A_239 : memref<1x128xi32, #tpu.memory_space<vmem>> -> memref<128xi32, #tpu.memory_space<vmem>>
    %dma_wait3A_241 = arith.constant 0 : i32
    %dma_wait3A_242 = arith.constant 0 : i32
    %dma_wait3A_243 = tpu.memref_slice %arg4[%dma_wait3A_241, %dma_wait3A_242] : memref<20000x64xbf16, #tpu.memory_space<hbm>> -> memref<20000x64xbf16, #tpu.memory_space<hbm>>
    tpu.wait_indirect_dma semaphore(%arg19 : memref<!tpu.dma_semaphore, #tpu.memory_space<semaphore_mem>>) src(%dma_wait3A_243 : memref<20000x64xbf16, #tpu.memory_space<hbm>>) dst(%arg9 : memref<128x64xbf16, #tpu.memory_space<vmem>>)
    %dma_wait3A_244 = arith.constant 153 : i32
    %dma_wait3A_245 = arith.constant 0 : i32
    %dma_wait3A_246 = tpu.memref_slice %arg8[%dma_wait3A_244, %dma_wait3A_245] : memref<160x128xi32, #tpu.memory_space<vmem>> -> memref<1x128xi32, #tpu.memory_space<vmem>>
    %dma_wait3A_247 = tpu.memref_squeeze %dma_wait3A_246 : memref<1x128xi32, #tpu.memory_space<vmem>> -> memref<128xi32, #tpu.memory_space<vmem>>
    %dma_wait3A_248 = arith.constant 0 : i32
    %dma_wait3A_249 = arith.constant 0 : i32
    %dma_wait3A_250 = tpu.memref_slice %arg18[%dma_wait3A_248, %dma_wait3A_249] : memref<10112x64xf32, #tpu.memory_space<vmem_shared>> -> memref<10112x64xf32, #tpu.memory_space<vmem_shared>>
    tpu.wait_indirect_dma semaphore(%arg25 : memref<!tpu.dma_semaphore, #tpu.memory_space<semaphore_mem>>) src(%arg15 : memref<128x64xf32, #tpu.memory_space<vmem>>) dst(%dma_wait3A_250 : memref<10112x64xf32, #tpu.memory_space<vmem_shared>>)
    %scan3A_251 = arith.constant 0 : i32
    %scan3A_252 = arith.constant 0 : i32
    %scan3A_253 = arith.constant 128 : i32
    %scan3A_254 = arith.addi %scan3A_252, %scan3A_253 : i32
    %scan3A_255 = arith.constant 1 : i32
    scf.for %scan3A_371 = %scan3A_252 to %scan3A_254 step %scan3A_255  : i32 {
      %get3A = arith.constant 0 : i32
      %get3A_372 = tpu.memref_slice %arg9[%scan3A_371, %get3A] : memref<128x64xbf16, #tpu.memory_space<vmem>> -> memref<1x64xbf16, #tpu.memory_space<vmem>>
      %get3A_373 = tpu.memref_squeeze %get3A_372 : memref<1x64xbf16, #tpu.memory_space<vmem>> -> memref<64xbf16, #tpu.memory_space<vmem>>
      %get3A_374 = arith.constant 0 : index
      %get3A_375 = tpu.vector_load %get3A_373[%get3A_374] {strides = array<i32>} : memref<64xbf16, #tpu.memory_space<vmem>>, vector<32xbf16>,
      %unpack3A = tpu.unpack_subelements %get3A_375, 0 {pack_format = #tpu.pack_format<interleaved>} : vector<32xbf16> -> vector<16xf32>
      %unpack3A_376 = tpu.unpack_subelements %get3A_375, 1 {pack_format = #tpu.pack_format<interleaved>} : vector<32xbf16> -> vector<16xf32>
      %swap3A = arith.constant 0 : i32
      %swap3A_377 = tpu.memref_slice %arg15[%scan3A_371, %swap3A] : memref<128x64xf32, #tpu.memory_space<vmem>> -> memref<1x64xf32, #tpu.memory_space<vmem>>
      %swap3A_378 = tpu.memref_squeeze %swap3A_377 : memref<1x64xf32, #tpu.memory_space<vmem>> -> memref<64xf32, #tpu.memory_space<vmem>>
      %swap3A_379 = arith.constant 0 : index
      %swap3A_380 = tpu.vector_load %swap3A_378[%swap3A_379] {strides = array<i32>} : memref<64xf32, #tpu.memory_space<vmem>>, vector<16xf32>,
      tpu.vector_store %swap3A_378[%swap3A_379], %unpack3A {strides = array<i32>} : memref<64xf32, #tpu.memory_space<vmem>>, vector<16xf32>,
      %swap3A_381 = arith.constant 0 : i32
      %swap3A_382 = tpu.memref_slice %arg15[%scan3A_371, %swap3A_381] : memref<128x64xf32, #tpu.memory_space<vmem>> -> memref<1x64xf32, #tpu.memory_space<vmem>>
      %swap3A_383 = tpu.memref_squeeze %swap3A_382 : memref<1x64xf32, #tpu.memory_space<vmem>> -> memref<64xf32, #tpu.memory_space<vmem>>
      %swap3A_384 = arith.constant 16 : index
      %swap3A_385 = tpu.vector_load %swap3A_383[%swap3A_384] {strides = array<i32>} : memref<64xf32, #tpu.memory_space<vmem>>, vector<16xf32>,
      tpu.vector_store %swap3A_383[%swap3A_384], %unpack3A_376 {strides = array<i32>} : memref<64xf32, #tpu.memory_space<vmem>>, vector<16xf32>,
      %get3A_386 = arith.constant 0 : i32
      %get3A_387 = tpu.memref_slice %arg9[%scan3A_371, %get3A_386] : memref<128x64xbf16, #tpu.memory_space<vmem>> -> memref<1x64xbf16, #tpu.memory_space<vmem>>
      %get3A_388 = tpu.memref_squeeze %get3A_387 : memref<1x64xbf16, #tpu.memory_space<vmem>> -> memref<64xbf16, #tpu.memory_space<vmem>>
      %get3A_389 = arith.constant 32 : index
      %get3A_390 = tpu.vector_load %get3A_388[%get3A_389] {strides = array<i32>} : memref<64xbf16, #tpu.memory_space<vmem>>, vector<32xbf16>,
      %unpack3A_391 = tpu.unpack_subelements %get3A_390, 0 {pack_format = #tpu.pack_format<interleaved>} : vector<32xbf16> -> vector<16xf32>
      %unpack3A_392 = tpu.unpack_subelements %get3A_390, 1 {pack_format = #tpu.pack_format<interleaved>} : vector<32xbf16> -> vector<16xf32>
      %swap3A_393 = arith.constant 0 : i32
      %swap3A_394 = tpu.memref_slice %arg15[%scan3A_371, %swap3A_393] : memref<128x64xf32, #tpu.memory_space<vmem>> -> memref<1x64xf32, #tpu.memory_space<vmem>>
      %swap3A_395 = tpu.memref_squeeze %swap3A_394 : memref<1x64xf32, #tpu.memory_space<vmem>> -> memref<64xf32, #tpu.memory_space<vmem>>
      %swap3A_396 = arith.constant 32 : index
      %swap3A_397 = tpu.vector_load %swap3A_395[%swap3A_396] {strides = array<i32>} : memref<64xf32, #tpu.memory_space<vmem>>, vector<16xf32>,
      tpu.vector_store %swap3A_395[%swap3A_396], %unpack3A_391 {strides = array<i32>} : memref<64xf32, #tpu.memory_space<vmem>>, vector<16xf32>,
      %swap3A_398 = arith.constant 0 : i32
      %swap3A_399 = tpu.memref_slice %arg15[%scan3A_371, %swap3A_398] : memref<128x64xf32, #tpu.memory_space<vmem>> -> memref<1x64xf32, #tpu.memory_space<vmem>>
      %swap3A_400 = tpu.memref_squeeze %swap3A_399 : memref<1x64xf32, #tpu.memory_space<vmem>> -> memref<64xf32, #tpu.memory_space<vmem>>
      %swap3A_401 = arith.constant 48 : index
      %swap3A_402 = tpu.vector_load %swap3A_400[%swap3A_401] {strides = array<i32>} : memref<64xf32, #tpu.memory_space<vmem>>, vector<16xf32>,
      tpu.vector_store %swap3A_400[%swap3A_401], %unpack3A_392 {strides = array<i32>} : memref<64xf32, #tpu.memory_space<vmem>>, vector<16xf32>,
    }
    %scan3A_256 = arith.constant 128 : i32
    %dma_start3A_257 = arith.constant 156 : i32
    %dma_start3A_258 = arith.constant 0 : i32
    %dma_start3A_259 = tpu.memref_slice %arg8[%dma_start3A_257, %dma_start3A_258] : memref<160x128xi32, #tpu.memory_space<vmem>> -> memref<1x128xi32, #tpu.memory_space<vmem>>
    %dma_start3A_260 = tpu.memref_squeeze %dma_start3A_259 : memref<1x128xi32, #tpu.memory_space<vmem>> -> memref<128xi32, #tpu.memory_space<vmem>>
    %dma_start3A_261 = arith.constant 0 : i32
    %dma_start3A_262 = arith.constant 0 : i32
    %dma_start3A_263 = tpu.memref_slice %arg18[%dma_start3A_261, %dma_start3A_262] : memref<10112x64xf32, #tpu.memory_space<vmem_shared>> -> memref<10112x64xf32, #tpu.memory_space<vmem_shared>>
    tpu.enqueue_indirect_dma source(%arg15 : memref<128x64xf32, #tpu.memory_space<vmem>>) target(%dma_start3A_263 : memref<10112x64xf32, #tpu.memory_space<vmem_shared>>) offsets(%dma_start3A_260 : memref<128xi32, #tpu.memory_space<vmem>>) semaphore(%arg25 : memref<!tpu.dma_semaphore, #tpu.memory_space<semaphore_mem>>) {add = true}
    %dma_wait3A_264 = arith.constant 157 : i32
    %dma_wait3A_265 = arith.constant 0 : i32
    %dma_wait3A_266 = tpu.memref_slice %arg7[%dma_wait3A_264, %dma_wait3A_265] : memref<160x128xi32, #tpu.memory_space<vmem>> -> memref<1x128xi32, #tpu.memory_space<vmem>>
    %dma_wait3A_267 = tpu.memref_squeeze %dma_wait3A_266 : memref<1x128xi32, #tpu.memory_space<vmem>> -> memref<128xi32, #tpu.memory_space<vmem>>
    %dma_wait3A_268 = arith.constant 0 : i32
    %dma_wait3A_269 = arith.constant 0 : i32
    %dma_wait3A_270 = tpu.memref_slice %arg4[%dma_wait3A_268, %dma_wait3A_269] : memref<20000x64xbf16, #tpu.memory_space<hbm>> -> memref<20000x64xbf16, #tpu.memory_space<hbm>>
    tpu.wait_indirect_dma semaphore(%arg20 : memref<!tpu.dma_semaphore, #tpu.memory_space<semaphore_mem>>) src(%dma_wait3A_270 : memref<20000x64xbf16, #tpu.memory_space<hbm>>) dst(%arg10 : memref<128x64xbf16, #tpu.memory_space<vmem>>)
    %dma_wait3A_271 = arith.constant 154 : i32
    %dma_wait3A_272 = arith.constant 0 : i32
    %dma_wait3A_273 = tpu.memref_slice %arg8[%dma_wait3A_271, %dma_wait3A_272] : memref<160x128xi32, #tpu.memory_space<vmem>> -> memref<1x128xi32, #tpu.memory_space<vmem>>
    %dma_wait3A_274 = tpu.memref_squeeze %dma_wait3A_273 : memref<1x128xi32, #tpu.memory_space<vmem>> -> memref<128xi32, #tpu.memory_space<vmem>>
    %dma_wait3A_275 = arith.constant 0 : i32
    %dma_wait3A_276 = arith.constant 0 : i32
    %dma_wait3A_277 = tpu.memref_slice %arg18[%dma_wait3A_275, %dma_wait3A_276] : memref<10112x64xf32, #tpu.memory_space<vmem_shared>> -> memref<10112x64xf32, #tpu.memory_space<vmem_shared>>
    tpu.wait_indirect_dma semaphore(%arg26 : memref<!tpu.dma_semaphore, #tpu.memory_space<semaphore_mem>>) src(%arg16 : memref<128x64xf32, #tpu.memory_space<vmem>>) dst(%dma_wait3A_277 : memref<10112x64xf32, #tpu.memory_space<vmem_shared>>)
    %scan3A_278 = arith.constant 0 : i32
    %scan3A_279 = arith.constant 0 : i32
    %scan3A_280 = arith.constant 128 : i32
    %scan3A_281 = arith.addi %scan3A_279, %scan3A_280 : i32
    %scan3A_282 = arith.constant 1 : i32
    scf.for %scan3A_371 = %scan3A_279 to %scan3A_281 step %scan3A_282  : i32 {
      %get3A = arith.constant 0 : i32
      %get3A_372 = tpu.memref_slice %arg10[%scan3A_371, %get3A] : memref<128x64xbf16, #tpu.memory_space<vmem>> -> memref<1x64xbf16, #tpu.memory_space<vmem>>
      %get3A_373 = tpu.memref_squeeze %get3A_372 : memref<1x64xbf16, #tpu.memory_space<vmem>> -> memref<64xbf16, #tpu.memory_space<vmem>>
      %get3A_374 = arith.constant 0 : index
      %get3A_375 = tpu.vector_load %get3A_373[%get3A_374] {strides = array<i32>} : memref<64xbf16, #tpu.memory_space<vmem>>, vector<32xbf16>,
      %unpack3A = tpu.unpack_subelements %get3A_375, 0 {pack_format = #tpu.pack_format<interleaved>} : vector<32xbf16> -> vector<16xf32>
      %unpack3A_376 = tpu.unpack_subelements %get3A_375, 1 {pack_format = #tpu.pack_format<interleaved>} : vector<32xbf16> -> vector<16xf32>
      %swap3A = arith.constant 0 : i32
      %swap3A_377 = tpu.memref_slice %arg16[%scan3A_371, %swap3A] : memref<128x64xf32, #tpu.memory_space<vmem>> -> memref<1x64xf32, #tpu.memory_space<vmem>>
      %swap3A_378 = tpu.memref_squeeze %swap3A_377 : memref<1x64xf32, #tpu.memory_space<vmem>> -> memref<64xf32, #tpu.memory_space<vmem>>
      %swap3A_379 = arith.constant 0 : index
      %swap3A_380 = tpu.vector_load %swap3A_378[%swap3A_379] {strides = array<i32>} : memref<64xf32, #tpu.memory_space<vmem>>, vector<16xf32>,
      tpu.vector_store %swap3A_378[%swap3A_379], %unpack3A {strides = array<i32>} : memref<64xf32, #tpu.memory_space<vmem>>, vector<16xf32>,
      %swap3A_381 = arith.constant 0 : i32
      %swap3A_382 = tpu.memref_slice %arg16[%scan3A_371, %swap3A_381] : memref<128x64xf32, #tpu.memory_space<vmem>> -> memref<1x64xf32, #tpu.memory_space<vmem>>
      %swap3A_383 = tpu.memref_squeeze %swap3A_382 : memref<1x64xf32, #tpu.memory_space<vmem>> -> memref<64xf32, #tpu.memory_space<vmem>>
      %swap3A_384 = arith.constant 16 : index
      %swap3A_385 = tpu.vector_load %swap3A_383[%swap3A_384] {strides = array<i32>} : memref<64xf32, #tpu.memory_space<vmem>>, vector<16xf32>,
      tpu.vector_store %swap3A_383[%swap3A_384], %unpack3A_376 {strides = array<i32>} : memref<64xf32, #tpu.memory_space<vmem>>, vector<16xf32>,
      %get3A_386 = arith.constant 0 : i32
      %get3A_387 = tpu.memref_slice %arg10[%scan3A_371, %get3A_386] : memref<128x64xbf16, #tpu.memory_space<vmem>> -> memref<1x64xbf16, #tpu.memory_space<vmem>>
      %get3A_388 = tpu.memref_squeeze %get3A_387 : memref<1x64xbf16, #tpu.memory_space<vmem>> -> memref<64xbf16, #tpu.memory_space<vmem>>
      %get3A_389 = arith.constant 32 : index
      %get3A_390 = tpu.vector_load %get3A_388[%get3A_389] {strides = array<i32>} : memref<64xbf16, #tpu.memory_space<vmem>>, vector<32xbf16>,
      %unpack3A_391 = tpu.unpack_subelements %get3A_390, 0 {pack_format = #tpu.pack_format<interleaved>} : vector<32xbf16> -> vector<16xf32>
      %unpack3A_392 = tpu.unpack_subelements %get3A_390, 1 {pack_format = #tpu.pack_format<interleaved>} : vector<32xbf16> -> vector<16xf32>
      %swap3A_393 = arith.constant 0 : i32
      %swap3A_394 = tpu.memref_slice %arg16[%scan3A_371, %swap3A_393] : memref<128x64xf32, #tpu.memory_space<vmem>> -> memref<1x64xf32, #tpu.memory_space<vmem>>
      %swap3A_395 = tpu.memref_squeeze %swap3A_394 : memref<1x64xf32, #tpu.memory_space<vmem>> -> memref<64xf32, #tpu.memory_space<vmem>>
      %swap3A_396 = arith.constant 32 : index
      %swap3A_397 = tpu.vector_load %swap3A_395[%swap3A_396] {strides = array<i32>} : memref<64xf32, #tpu.memory_space<vmem>>, vector<16xf32>,
      tpu.vector_store %swap3A_395[%swap3A_396], %unpack3A_391 {strides = array<i32>} : memref<64xf32, #tpu.memory_space<vmem>>, vector<16xf32>,
      %swap3A_398 = arith.constant 0 : i32
      %swap3A_399 = tpu.memref_slice %arg16[%scan3A_371, %swap3A_398] : memref<128x64xf32, #tpu.memory_space<vmem>> -> memref<1x64xf32, #tpu.memory_space<vmem>>
      %swap3A_400 = tpu.memref_squeeze %swap3A_399 : memref<1x64xf32, #tpu.memory_space<vmem>> -> memref<64xf32, #tpu.memory_space<vmem>>
      %swap3A_401 = arith.constant 48 : index
      %swap3A_402 = tpu.vector_load %swap3A_400[%swap3A_401] {strides = array<i32>} : memref<64xf32, #tpu.memory_space<vmem>>, vector<16xf32>,
      tpu.vector_store %swap3A_400[%swap3A_401], %unpack3A_392 {strides = array<i32>} : memref<64xf32, #tpu.memory_space<vmem>>, vector<16xf32>,
    }
    %scan3A_283 = arith.constant 128 : i32
    %dma_start3A_284 = arith.constant 157 : i32
    %dma_start3A_285 = arith.constant 0 : i32
    %dma_start3A_286 = tpu.memref_slice %arg8[%dma_start3A_284, %dma_start3A_285] : memref<160x128xi32, #tpu.memory_space<vmem>> -> memref<1x128xi32, #tpu.memory_space<vmem>>
    %dma_start3A_287 = tpu.memref_squeeze %dma_start3A_286 : memref<1x128xi32, #tpu.memory_space<vmem>> -> memref<128xi32, #tpu.memory_space<vmem>>
    %dma_start3A_288 = arith.constant 0 : i32
    %dma_start3A_289 = arith.constant 0 : i32
    %dma_start3A_290 = tpu.memref_slice %arg18[%dma_start3A_288, %dma_start3A_289] : memref<10112x64xf32, #tpu.memory_space<vmem_shared>> -> memref<10112x64xf32, #tpu.memory_space<vmem_shared>>
    tpu.enqueue_indirect_dma source(%arg16 : memref<128x64xf32, #tpu.memory_space<vmem>>) target(%dma_start3A_290 : memref<10112x64xf32, #tpu.memory_space<vmem_shared>>) offsets(%dma_start3A_287 : memref<128xi32, #tpu.memory_space<vmem>>) semaphore(%arg26 : memref<!tpu.dma_semaphore, #tpu.memory_space<semaphore_mem>>) {add = true}
    %dma_wait3A_291 = arith.constant 158 : i32
    %dma_wait3A_292 = arith.constant 0 : i32
    %dma_wait3A_293 = tpu.memref_slice %arg7[%dma_wait3A_291, %dma_wait3A_292] : memref<160x128xi32, #tpu.memory_space<vmem>> -> memref<1x128xi32, #tpu.memory_space<vmem>>
    %dma_wait3A_294 = tpu.memref_squeeze %dma_wait3A_293 : memref<1x128xi32, #tpu.memory_space<vmem>> -> memref<128xi32, #tpu.memory_space<vmem>>
    %dma_wait3A_295 = arith.constant 0 : i32
    %dma_wait3A_296 = arith.constant 0 : i32
    %dma_wait3A_297 = tpu.memref_slice %arg4[%dma_wait3A_295, %dma_wait3A_296] : memref<20000x64xbf16, #tpu.memory_space<hbm>> -> memref<20000x64xbf16, #tpu.memory_space<hbm>>
    tpu.wait_indirect_dma semaphore(%arg21 : memref<!tpu.dma_semaphore, #tpu.memory_space<semaphore_mem>>) src(%dma_wait3A_297 : memref<20000x64xbf16, #tpu.memory_space<hbm>>) dst(%arg11 : memref<128x64xbf16, #tpu.memory_space<vmem>>)
    %dma_wait3A_298 = arith.constant 155 : i32
    %dma_wait3A_299 = arith.constant 0 : i32
    %dma_wait3A_300 = tpu.memref_slice %arg8[%dma_wait3A_298, %dma_wait3A_299] : memref<160x128xi32, #tpu.memory_space<vmem>> -> memref<1x128xi32, #tpu.memory_space<vmem>>
    %dma_wait3A_301 = tpu.memref_squeeze %dma_wait3A_300 : memref<1x128xi32, #tpu.memory_space<vmem>> -> memref<128xi32, #tpu.memory_space<vmem>>
    %dma_wait3A_302 = arith.constant 0 : i32
    %dma_wait3A_303 = arith.constant 0 : i32
    %dma_wait3A_304 = tpu.memref_slice %arg18[%dma_wait3A_302, %dma_wait3A_303] : memref<10112x64xf32, #tpu.memory_space<vmem_shared>> -> memref<10112x64xf32, #tpu.memory_space<vmem_shared>>
    tpu.wait_indirect_dma semaphore(%arg27 : memref<!tpu.dma_semaphore, #tpu.memory_space<semaphore_mem>>) src(%arg17 : memref<128x64xf32, #tpu.memory_space<vmem>>) dst(%dma_wait3A_304 : memref<10112x64xf32, #tpu.memory_space<vmem_shared>>)
    %scan3A_305 = arith.constant 0 : i32
    %scan3A_306 = arith.constant 0 : i32
    %scan3A_307 = arith.constant 128 : i32
    %scan3A_308 = arith.addi %scan3A_306, %scan3A_307 : i32
    %scan3A_309 = arith.constant 1 : i32
    scf.for %scan3A_371 = %scan3A_306 to %scan3A_308 step %scan3A_309  : i32 {
      %get3A = arith.constant 0 : i32
      %get3A_372 = tpu.memref_slice %arg11[%scan3A_371, %get3A] : memref<128x64xbf16, #tpu.memory_space<vmem>> -> memref<1x64xbf16, #tpu.memory_space<vmem>>
      %get3A_373 = tpu.memref_squeeze %get3A_372 : memref<1x64xbf16, #tpu.memory_space<vmem>> -> memref<64xbf16, #tpu.memory_space<vmem>>
      %get3A_374 = arith.constant 0 : index
      %get3A_375 = tpu.vector_load %get3A_373[%get3A_374] {strides = array<i32>} : memref<64xbf16, #tpu.memory_space<vmem>>, vector<32xbf16>,
      %unpack3A = tpu.unpack_subelements %get3A_375, 0 {pack_format = #tpu.pack_format<interleaved>} : vector<32xbf16> -> vector<16xf32>
      %unpack3A_376 = tpu.unpack_subelements %get3A_375, 1 {pack_format = #tpu.pack_format<interleaved>} : vector<32xbf16> -> vector<16xf32>
      %swap3A = arith.constant 0 : i32
      %swap3A_377 = tpu.memref_slice %arg17[%scan3A_371, %swap3A] : memref<128x64xf32, #tpu.memory_space<vmem>> -> memref<1x64xf32, #tpu.memory_space<vmem>>
      %swap3A_378 = tpu.memref_squeeze %swap3A_377 : memref<1x64xf32, #tpu.memory_space<vmem>> -> memref<64xf32, #tpu.memory_space<vmem>>
      %swap3A_379 = arith.constant 0 : index
      %swap3A_380 = tpu.vector_load %swap3A_378[%swap3A_379] {strides = array<i32>} : memref<64xf32, #tpu.memory_space<vmem>>, vector<16xf32>,
      tpu.vector_store %swap3A_378[%swap3A_379], %unpack3A {strides = array<i32>} : memref<64xf32, #tpu.memory_space<vmem>>, vector<16xf32>,
      %swap3A_381 = arith.constant 0 : i32
      %swap3A_382 = tpu.memref_slice %arg17[%scan3A_371, %swap3A_381] : memref<128x64xf32, #tpu.memory_space<vmem>> -> memref<1x64xf32, #tpu.memory_space<vmem>>
      %swap3A_383 = tpu.memref_squeeze %swap3A_382 : memref<1x64xf32, #tpu.memory_space<vmem>> -> memref<64xf32, #tpu.memory_space<vmem>>
      %swap3A_384 = arith.constant 16 : index
      %swap3A_385 = tpu.vector_load %swap3A_383[%swap3A_384] {strides = array<i32>} : memref<64xf32, #tpu.memory_space<vmem>>, vector<16xf32>,
      tpu.vector_store %swap3A_383[%swap3A_384], %unpack3A_376 {strides = array<i32>} : memref<64xf32, #tpu.memory_space<vmem>>, vector<16xf32>,
      %get3A_386 = arith.constant 0 : i32
      %get3A_387 = tpu.memref_slice %arg11[%scan3A_371, %get3A_386] : memref<128x64xbf16, #tpu.memory_space<vmem>> -> memref<1x64xbf16, #tpu.memory_space<vmem>>
      %get3A_388 = tpu.memref_squeeze %get3A_387 : memref<1x64xbf16, #tpu.memory_space<vmem>> -> memref<64xbf16, #tpu.memory_space<vmem>>
      %get3A_389 = arith.constant 32 : index
      %get3A_390 = tpu.vector_load %get3A_388[%get3A_389] {strides = array<i32>} : memref<64xbf16, #tpu.memory_space<vmem>>, vector<32xbf16>,
      %unpack3A_391 = tpu.unpack_subelements %get3A_390, 0 {pack_format = #tpu.pack_format<interleaved>} : vector<32xbf16> -> vector<16xf32>
      %unpack3A_392 = tpu.unpack_subelements %get3A_390, 1 {pack_format = #tpu.pack_format<interleaved>} : vector<32xbf16> -> vector<16xf32>
      %swap3A_393 = arith.constant 0 : i32
      %swap3A_394 = tpu.memref_slice %arg17[%scan3A_371, %swap3A_393] : memref<128x64xf32, #tpu.memory_space<vmem>> -> memref<1x64xf32, #tpu.memory_space<vmem>>
      %swap3A_395 = tpu.memref_squeeze %swap3A_394 : memref<1x64xf32, #tpu.memory_space<vmem>> -> memref<64xf32, #tpu.memory_space<vmem>>
      %swap3A_396 = arith.constant 32 : index
      %swap3A_397 = tpu.vector_load %swap3A_395[%swap3A_396] {strides = array<i32>} : memref<64xf32, #tpu.memory_space<vmem>>, vector<16xf32>,
      tpu.vector_store %swap3A_395[%swap3A_396], %unpack3A_391 {strides = array<i32>} : memref<64xf32, #tpu.memory_space<vmem>>, vector<16xf32>,
      %swap3A_398 = arith.constant 0 : i32
      %swap3A_399 = tpu.memref_slice %arg17[%scan3A_371, %swap3A_398] : memref<128x64xf32, #tpu.memory_space<vmem>> -> memref<1x64xf32, #tpu.memory_space<vmem>>
      %swap3A_400 = tpu.memref_squeeze %swap3A_399 : memref<1x64xf32, #tpu.memory_space<vmem>> -> memref<64xf32, #tpu.memory_space<vmem>>
      %swap3A_401 = arith.constant 48 : index
      %swap3A_402 = tpu.vector_load %swap3A_400[%swap3A_401] {strides = array<i32>} : memref<64xf32, #tpu.memory_space<vmem>>, vector<16xf32>,
      tpu.vector_store %swap3A_400[%swap3A_401], %unpack3A_392 {strides = array<i32>} : memref<64xf32, #tpu.memory_space<vmem>>, vector<16xf32>,
    }
    %scan3A_310 = arith.constant 128 : i32
    %dma_start3A_311 = arith.constant 158 : i32
    %dma_start3A_312 = arith.constant 0 : i32
    %dma_start3A_313 = tpu.memref_slice %arg8[%dma_start3A_311, %dma_start3A_312] : memref<160x128xi32, #tpu.memory_space<vmem>> -> memref<1x128xi32, #tpu.memory_space<vmem>>
    %dma_start3A_314 = tpu.memref_squeeze %dma_start3A_313 : memref<1x128xi32, #tpu.memory_space<vmem>> -> memref<128xi32, #tpu.memory_space<vmem>>
    %dma_start3A_315 = arith.constant 0 : i32
    %dma_start3A_316 = arith.constant 0 : i32
    %dma_start3A_317 = tpu.memref_slice %arg18[%dma_start3A_315, %dma_start3A_316] : memref<10112x64xf32, #tpu.memory_space<vmem_shared>> -> memref<10112x64xf32, #tpu.memory_space<vmem_shared>>
    tpu.enqueue_indirect_dma source(%arg17 : memref<128x64xf32, #tpu.memory_space<vmem>>) target(%dma_start3A_317 : memref<10112x64xf32, #tpu.memory_space<vmem_shared>>) offsets(%dma_start3A_314 : memref<128xi32, #tpu.memory_space<vmem>>) semaphore(%arg27 : memref<!tpu.dma_semaphore, #tpu.memory_space<semaphore_mem>>) {add = true}
    %dma_wait3A_318 = arith.constant 159 : i32
    %dma_wait3A_319 = arith.constant 0 : i32
    %dma_wait3A_320 = tpu.memref_slice %arg7[%dma_wait3A_318, %dma_wait3A_319] : memref<160x128xi32, #tpu.memory_space<vmem>> -> memref<1x128xi32, #tpu.memory_space<vmem>>
    %dma_wait3A_321 = tpu.memref_squeeze %dma_wait3A_320 : memref<1x128xi32, #tpu.memory_space<vmem>> -> memref<128xi32, #tpu.memory_space<vmem>>
    %dma_wait3A_322 = arith.constant 0 : i32
    %dma_wait3A_323 = arith.constant 0 : i32
    %dma_wait3A_324 = tpu.memref_slice %arg4[%dma_wait3A_322, %dma_wait3A_323] : memref<20000x64xbf16, #tpu.memory_space<hbm>> -> memref<20000x64xbf16, #tpu.memory_space<hbm>>
    tpu.wait_indirect_dma semaphore(%arg22 : memref<!tpu.dma_semaphore, #tpu.memory_space<semaphore_mem>>) src(%dma_wait3A_324 : memref<20000x64xbf16, #tpu.memory_space<hbm>>) dst(%arg12 : memref<128x64xbf16, #tpu.memory_space<vmem>>)
    %dma_wait3A_325 = arith.constant 156 : i32
    %dma_wait3A_326 = arith.constant 0 : i32
    %dma_wait3A_327 = tpu.memref_slice %arg8[%dma_wait3A_325, %dma_wait3A_326] : memref<160x128xi32, #tpu.memory_space<vmem>> -> memref<1x128xi32, #tpu.memory_space<vmem>>
    %dma_wait3A_328 = tpu.memref_squeeze %dma_wait3A_327 : memref<1x128xi32, #tpu.memory_space<vmem>> -> memref<128xi32, #tpu.memory_space<vmem>>
    %dma_wait3A_329 = arith.constant 0 : i32
    %dma_wait3A_330 = arith.constant 0 : i32
    %dma_wait3A_331 = tpu.memref_slice %arg18[%dma_wait3A_329, %dma_wait3A_330] : memref<10112x64xf32, #tpu.memory_space<vmem_shared>> -> memref<10112x64xf32, #tpu.memory_space<vmem_shared>>
    tpu.wait_indirect_dma semaphore(%arg25 : memref<!tpu.dma_semaphore, #tpu.memory_space<semaphore_mem>>) src(%arg15 : memref<128x64xf32, #tpu.memory_space<vmem>>) dst(%dma_wait3A_331 : memref<10112x64xf32, #tpu.memory_space<vmem_shared>>)
    %scan3A_332 = arith.constant 0 : i32
    %scan3A_333 = arith.constant 0 : i32
    %scan3A_334 = arith.constant 128 : i32
    %scan3A_335 = arith.addi %scan3A_333, %scan3A_334 : i32
    %scan3A_336 = arith.constant 1 : i32
    scf.for %scan3A_371 = %scan3A_333 to %scan3A_335 step %scan3A_336  : i32 {
      %get3A = arith.constant 0 : i32
      %get3A_372 = tpu.memref_slice %arg12[%scan3A_371, %get3A] : memref<128x64xbf16, #tpu.memory_space<vmem>> -> memref<1x64xbf16, #tpu.memory_space<vmem>>
      %get3A_373 = tpu.memref_squeeze %get3A_372 : memref<1x64xbf16, #tpu.memory_space<vmem>> -> memref<64xbf16, #tpu.memory_space<vmem>>
      %get3A_374 = arith.constant 0 : index
      %get3A_375 = tpu.vector_load %get3A_373[%get3A_374] {strides = array<i32>} : memref<64xbf16, #tpu.memory_space<vmem>>, vector<32xbf16>,
      %unpack3A = tpu.unpack_subelements %get3A_375, 0 {pack_format = #tpu.pack_format<interleaved>} : vector<32xbf16> -> vector<16xf32>
      %unpack3A_376 = tpu.unpack_subelements %get3A_375, 1 {pack_format = #tpu.pack_format<interleaved>} : vector<32xbf16> -> vector<16xf32>
      %swap3A = arith.constant 0 : i32
      %swap3A_377 = tpu.memref_slice %arg15[%scan3A_371, %swap3A] : memref<128x64xf32, #tpu.memory_space<vmem>> -> memref<1x64xf32, #tpu.memory_space<vmem>>
      %swap3A_378 = tpu.memref_squeeze %swap3A_377 : memref<1x64xf32, #tpu.memory_space<vmem>> -> memref<64xf32, #tpu.memory_space<vmem>>
      %swap3A_379 = arith.constant 0 : index
      %swap3A_380 = tpu.vector_load %swap3A_378[%swap3A_379] {strides = array<i32>} : memref<64xf32, #tpu.memory_space<vmem>>, vector<16xf32>,
      tpu.vector_store %swap3A_378[%swap3A_379], %unpack3A {strides = array<i32>} : memref<64xf32, #tpu.memory_space<vmem>>, vector<16xf32>,
      %swap3A_381 = arith.constant 0 : i32
      %swap3A_382 = tpu.memref_slice %arg15[%scan3A_371, %swap3A_381] : memref<128x64xf32, #tpu.memory_space<vmem>> -> memref<1x64xf32, #tpu.memory_space<vmem>>
      %swap3A_383 = tpu.memref_squeeze %swap3A_382 : memref<1x64xf32, #tpu.memory_space<vmem>> -> memref<64xf32, #tpu.memory_space<vmem>>
      %swap3A_384 = arith.constant 16 : index
      %swap3A_385 = tpu.vector_load %swap3A_383[%swap3A_384] {strides = array<i32>} : memref<64xf32, #tpu.memory_space<vmem>>, vector<16xf32>,
      tpu.vector_store %swap3A_383[%swap3A_384], %unpack3A_376 {strides = array<i32>} : memref<64xf32, #tpu.memory_space<vmem>>, vector<16xf32>,
      %get3A_386 = arith.constant 0 : i32
      %get3A_387 = tpu.memref_slice %arg12[%scan3A_371, %get3A_386] : memref<128x64xbf16, #tpu.memory_space<vmem>> -> memref<1x64xbf16, #tpu.memory_space<vmem>>
      %get3A_388 = tpu.memref_squeeze %get3A_387 : memref<1x64xbf16, #tpu.memory_space<vmem>> -> memref<64xbf16, #tpu.memory_space<vmem>>
      %get3A_389 = arith.constant 32 : index
      %get3A_390 = tpu.vector_load %get3A_388[%get3A_389] {strides = array<i32>} : memref<64xbf16, #tpu.memory_space<vmem>>, vector<32xbf16>,
      %unpack3A_391 = tpu.unpack_subelements %get3A_390, 0 {pack_format = #tpu.pack_format<interleaved>} : vector<32xbf16> -> vector<16xf32>
      %unpack3A_392 = tpu.unpack_subelements %get3A_390, 1 {pack_format = #tpu.pack_format<interleaved>} : vector<32xbf16> -> vector<16xf32>
      %swap3A_393 = arith.constant 0 : i32
      %swap3A_394 = tpu.memref_slice %arg15[%scan3A_371, %swap3A_393] : memref<128x64xf32, #tpu.memory_space<vmem>> -> memref<1x64xf32, #tpu.memory_space<vmem>>
      %swap3A_395 = tpu.memref_squeeze %swap3A_394 : memref<1x64xf32, #tpu.memory_space<vmem>> -> memref<64xf32, #tpu.memory_space<vmem>>
      %swap3A_396 = arith.constant 32 : index
      %swap3A_397 = tpu.vector_load %swap3A_395[%swap3A_396] {strides = array<i32>} : memref<64xf32, #tpu.memory_space<vmem>>, vector<16xf32>,
      tpu.vector_store %swap3A_395[%swap3A_396], %unpack3A_391 {strides = array<i32>} : memref<64xf32, #tpu.memory_space<vmem>>, vector<16xf32>,
      %swap3A_398 = arith.constant 0 : i32
      %swap3A_399 = tpu.memref_slice %arg15[%scan3A_371, %swap3A_398] : memref<128x64xf32, #tpu.memory_space<vmem>> -> memref<1x64xf32, #tpu.memory_space<vmem>>
      %swap3A_400 = tpu.memref_squeeze %swap3A_399 : memref<1x64xf32, #tpu.memory_space<vmem>> -> memref<64xf32, #tpu.memory_space<vmem>>
      %swap3A_401 = arith.constant 48 : index
      %swap3A_402 = tpu.vector_load %swap3A_400[%swap3A_401] {strides = array<i32>} : memref<64xf32, #tpu.memory_space<vmem>>, vector<16xf32>,
      tpu.vector_store %swap3A_400[%swap3A_401], %unpack3A_392 {strides = array<i32>} : memref<64xf32, #tpu.memory_space<vmem>>, vector<16xf32>,
    }
    %scan3A_337 = arith.constant 128 : i32
    %dma_start3A_338 = arith.constant 159 : i32
    %dma_start3A_339 = arith.constant 0 : i32
    %dma_start3A_340 = tpu.memref_slice %arg8[%dma_start3A_338, %dma_start3A_339] : memref<160x128xi32, #tpu.memory_space<vmem>> -> memref<1x128xi32, #tpu.memory_space<vmem>>
    %dma_start3A_341 = tpu.memref_squeeze %dma_start3A_340 : memref<1x128xi32, #tpu.memory_space<vmem>> -> memref<128xi32, #tpu.memory_space<vmem>>
    %dma_start3A_342 = arith.constant 0 : i32
    %dma_start3A_343 = arith.constant 0 : i32
    %dma_start3A_344 = tpu.memref_slice %arg18[%dma_start3A_342, %dma_start3A_343] : memref<10112x64xf32, #tpu.memory_space<vmem_shared>> -> memref<10112x64xf32, #tpu.memory_space<vmem_shared>>
    tpu.enqueue_indirect_dma source(%arg15 : memref<128x64xf32, #tpu.memory_space<vmem>>) target(%dma_start3A_344 : memref<10112x64xf32, #tpu.memory_space<vmem_shared>>) offsets(%dma_start3A_341 : memref<128xi32, #tpu.memory_space<vmem>>) semaphore(%arg25 : memref<!tpu.dma_semaphore, #tpu.memory_space<semaphore_mem>>) {add = true}
    %dma_wait3A_345 = arith.constant 157 : i32
    %dma_wait3A_346 = arith.constant 0 : i32
    %dma_wait3A_347 = tpu.memref_slice %arg8[%dma_wait3A_345, %dma_wait3A_346] : memref<160x128xi32, #tpu.memory_space<vmem>> -> memref<1x128xi32, #tpu.memory_space<vmem>>
    %dma_wait3A_348 = tpu.memref_squeeze %dma_wait3A_347 : memref<1x128xi32, #tpu.memory_space<vmem>> -> memref<128xi32, #tpu.memory_space<vmem>>
    %dma_wait3A_349 = arith.constant 0 : i32
    %dma_wait3A_350 = arith.constant 0 : i32
    %dma_wait3A_351 = tpu.memref_slice %arg18[%dma_wait3A_349, %dma_wait3A_350] : memref<10112x64xf32, #tpu.memory_space<vmem_shared>> -> memref<10112x64xf32, #tpu.memory_space<vmem_shared>>
    tpu.wait_indirect_dma semaphore(%arg26 : memref<!tpu.dma_semaphore, #tpu.memory_space<semaphore_mem>>) src(%arg16 : memref<128x64xf32, #tpu.memory_space<vmem>>) dst(%dma_wait3A_351 : memref<10112x64xf32, #tpu.memory_space<vmem_shared>>)
    %dma_wait3A_352 = arith.constant 158 : i32
    %dma_wait3A_353 = arith.constant 0 : i32
    %dma_wait3A_354 = tpu.memref_slice %arg8[%dma_wait3A_352, %dma_wait3A_353] : memref<160x128xi32, #tpu.memory_space<vmem>> -> memref<1x128xi32, #tpu.memory_space<vmem>>
    %dma_wait3A_355 = tpu.memref_squeeze %dma_wait3A_354 : memref<1x128xi32, #tpu.memory_space<vmem>> -> memref<128xi32, #tpu.memory_space<vmem>>
    %dma_wait3A_356 = arith.constant 0 : i32
    %dma_wait3A_357 = arith.constant 0 : i32
    %dma_wait3A_358 = tpu.memref_slice %arg18[%dma_wait3A_356, %dma_wait3A_357] : memref<10112x64xf32, #tpu.memory_space<vmem_shared>> -> memref<10112x64xf32, #tpu.memory_space<vmem_shared>>
    tpu.wait_indirect_dma semaphore(%arg27 : memref<!tpu.dma_semaphore, #tpu.memory_space<semaphore_mem>>) src(%arg17 : memref<128x64xf32, #tpu.memory_space<vmem>>) dst(%dma_wait3A_358 : memref<10112x64xf32, #tpu.memory_space<vmem_shared>>)
    %dma_wait3A_359 = arith.constant 159 : i32
    %dma_wait3A_360 = arith.constant 0 : i32
    %dma_wait3A_361 = tpu.memref_slice %arg8[%dma_wait3A_359, %dma_wait3A_360] : memref<160x128xi32, #tpu.memory_space<vmem>> -> memref<1x128xi32, #tpu.memory_space<vmem>>
    %dma_wait3A_362 = tpu.memref_squeeze %dma_wait3A_361 : memref<1x128xi32, #tpu.memory_space<vmem>> -> memref<128xi32, #tpu.memory_space<vmem>>
    %dma_wait3A_363 = arith.constant 0 : i32
    %dma_wait3A_364 = arith.constant 0 : i32
    %dma_wait3A_365 = tpu.memref_slice %arg18[%dma_wait3A_363, %dma_wait3A_364] : memref<10112x64xf32, #tpu.memory_space<vmem_shared>> -> memref<10112x64xf32, #tpu.memory_space<vmem_shared>>
    tpu.wait_indirect_dma semaphore(%arg25 : memref<!tpu.dma_semaphore, #tpu.memory_space<semaphore_mem>>) src(%arg15 : memref<128x64xf32, #tpu.memory_space<vmem>>) dst(%dma_wait3A_365 : memref<10112x64xf32, #tpu.memory_space<vmem_shared>>)
    %barrier3A_366 = arith.constant 0 : index
    tpu.barrier barrier_id(%barrier3A_366)
    %mul3A_367 = arith.constant 632 : i32
    %mul3A_368 = arith.muli %arg1, %mul3A_367 : i32
    %mul3A_369 = arith.constant 632 : i32
    %mul3A_370 = arith.muli %arg1, %mul3A_369 : i32
    "tpu.region"() ({
      %run_scoped3A = tpu.sem_alloc : memref<!tpu.dma_semaphore, #tpu.memory_space<semaphore_mem>>
      %dma_start3A_371 = arith.constant 0 : i32
      %dma_start3A_372 = tpu.memref_slice %arg6[%arg0, %mul3A_370, %dma_start3A_371] : memref<2x10112x64xf32, #tpu.memory_space<hbm>> -> memref<1x632x64xf32, #tpu.memory_space<hbm>>
      %dma_start3A_373 = tpu.memref_squeeze %dma_start3A_372 : memref<1x632x64xf32, #tpu.memory_space<hbm>> -> memref<632x64xf32, #tpu.memory_space<hbm>>
      %dma_start3A_374 = arith.constant 0 : i32
      %dma_start3A_375 = tpu.memref_slice %arg18[%mul3A_368, %dma_start3A_374] : memref<10112x64xf32, #tpu.memory_space<vmem_shared>> -> memref<632x64xf32, #tpu.memory_space<vmem_shared>>
      tpu.enqueue_dma source(%dma_start3A_375 : memref<632x64xf32, #tpu.memory_space<vmem_shared>>) target(%dma_start3A_373 : memref<632x64xf32, #tpu.memory_space<hbm>>) target_semaphore(%run_scoped3A : memref<!tpu.dma_semaphore, #tpu.memory_space<semaphore_mem>>)
      %dma_wait3A_376 = arith.constant 0 : i32
      %dma_wait3A_377 = tpu.memref_slice %arg6[%arg0, %mul3A_370, %dma_wait3A_376] : memref<2x10112x64xf32, #tpu.memory_space<hbm>> -> memref<1x632x64xf32, #tpu.memory_space<hbm>>
      %dma_wait3A_378 = tpu.memref_squeeze %dma_wait3A_377 : memref<1x632x64xf32, #tpu.memory_space<hbm>> -> memref<632x64xf32, #tpu.memory_space<hbm>>
      %dma_wait3A_379 = arith.constant 0 : i32
      %dma_wait3A_380 = tpu.memref_slice %arg18[%mul3A_368, %dma_wait3A_379] : memref<10112x64xf32, #tpu.memory_space<vmem_shared>> -> memref<632x64xf32, #tpu.memory_space<vmem_shared>>
      tpu.wait_dma2 semaphore(%run_scoped3A : memref<!tpu.dma_semaphore, #tpu.memory_space<semaphore_mem>>) src(%dma_wait3A_380 : memref<632x64xf32, #tpu.memory_space<vmem_shared>>) dst(%dma_wait3A_378 : memref<632x64xf32, #tpu.memory_space<hbm>>)
      tpu.yield
    }) : () -> ()
    return
  }
}

#map = affine_map<(d0, d1) -> (0, 0, 0)>
#map1 = affine_map<(d0, d1) -> (0, 0)>
module attributes {stable_mosaic.version = 14 : i64} {
  func.func @agg(%arg0: i32, %arg1: i32, %arg2: memref<2x2560x128xi32, #tpu.memory_space<hbm>>, %arg3: memref<2560x128xi32, #tpu.memory_space<hbm>>, %arg4: memref<20000x32xbf16, #tpu.memory_space<hbm>>, %arg5: memref<632x32xbf16, #tpu.memory_space<hbm>>, %arg6: memref<2x10112x32xbf16, #tpu.memory_space<hbm>>, %arg7: memref<160x128xi32, #tpu.memory_space<vmem>>, %arg8: memref<160x128xi32, #tpu.memory_space<vmem>>, %arg9: memref<128x32xbf16, #tpu.memory_space<vmem>>, %arg10: memref<128x32xbf16, #tpu.memory_space<vmem>>, %arg11: memref<128x32xbf16, #tpu.memory_space<vmem>>, %arg12: memref<128x32xbf16, #tpu.memory_space<vmem>>, %arg13: memref<128x32xbf16, #tpu.memory_space<vmem>>, %arg14: memref<128x32xbf16, #tpu.memory_space<vmem>>, %arg15: memref<10112x32xbf16, #tpu.memory_space<vmem_shared>>, %arg16: memref<10000x32xbf16, #tpu.memory_space<vmem_shared>>, %arg17: memref<!tpu.dma_semaphore, #tpu.memory_space<semaphore_mem>>, %arg18: memref<!tpu.dma_semaphore, #tpu.memory_space<semaphore_mem>>, %arg19: memref<!tpu.dma_semaphore, #tpu.memory_space<semaphore_mem>>, %arg20: memref<!tpu.dma_semaphore, #tpu.memory_space<semaphore_mem>>, %arg21: memref<!tpu.dma_semaphore, #tpu.memory_space<semaphore_mem>>, %arg22: memref<!tpu.dma_semaphore, #tpu.memory_space<semaphore_mem>>, %arg23: memref<!tpu.dma_semaphore, #tpu.memory_space<semaphore_mem>>, %arg24: memref<!tpu.dma_semaphore, #tpu.memory_space<semaphore_mem>>, %arg25: memref<!tpu.dma_semaphore, #tpu.memory_space<semaphore_mem>>, %arg26: memref<!tpu.dma_semaphore, #tpu.memory_space<semaphore_mem>>, %arg27: memref<!tpu.dma_semaphore, #tpu.memory_space<semaphore_mem>>, %arg28: memref<!tpu.dma_semaphore, #tpu.memory_space<semaphore_mem>>, %arg29: memref<!tpu.dma_semaphore, #tpu.memory_space<semaphore_mem>>) attributes {dimension_semantics = [#tpu.dimension_semantics<core_parallel>, #tpu.dimension_semantics<subcore_parallel>], iteration_bounds = array<i64: 2, 16>, scalar_prefetch = 0 : i64, scratch_operands = 23 : i64, tpu.core_type = #tpu.core_type<sc_vector_subcore>, window_params = [{transform_indices = #map}, {transform_indices = #map1}, {transform_indices = #map1}, {transform_indices = #map1}, {transform_indices = #map}]} {
    %mul3A = arith.constant 160 : i32
    %mul3A_0 = arith.muli %arg1, %mul3A : i32
    %dma_start3A = arith.constant 0 : i32
    %dma_start3A_1 = arith.constant 0 : i32
    %dma_start3A_2 = tpu.memref_slice %arg2[%dma_start3A, %mul3A_0, %dma_start3A_1] : memref<2x2560x128xi32, #tpu.memory_space<hbm>> -> memref<1x160x128xi32, #tpu.memory_space<hbm>>
    %dma_start3A_3 = tpu.memref_squeeze %dma_start3A_2 : memref<1x160x128xi32, #tpu.memory_space<hbm>> -> memref<160x128xi32, #tpu.memory_space<hbm>>
    %dma_start3A_4 = arith.constant 0 : i32
    %dma_start3A_5 = tpu.memref_slice %arg2[%dma_start3A, %mul3A_0, %dma_start3A_4] : memref<2x2560x128xi32, #tpu.memory_space<hbm>> -> memref<1x160x128xi32, #tpu.memory_space<hbm>>
    %dma_start3A_6 = tpu.memref_squeeze %dma_start3A_5 : memref<1x160x128xi32, #tpu.memory_space<hbm>> -> memref<160x128xi32, #tpu.memory_space<hbm>>
    tpu.enqueue_dma source(%dma_start3A_6 : memref<160x128xi32, #tpu.memory_space<hbm>>) target(%arg7 : memref<160x128xi32, #tpu.memory_space<vmem>>) target_semaphore(%arg29 : memref<!tpu.dma_semaphore, #tpu.memory_space<semaphore_mem>>)
    %dma_start3A_7 = arith.constant 0 : i32
    %dma_start3A_8 = tpu.memref_slice %arg3[%mul3A_0, %dma_start3A_7] : memref<2560x128xi32, #tpu.memory_space<hbm>> -> memref<160x128xi32, #tpu.memory_space<hbm>>
    %dma_start3A_9 = arith.constant 0 : i32
    %dma_start3A_10 = tpu.memref_slice %arg3[%mul3A_0, %dma_start3A_9] : memref<2560x128xi32, #tpu.memory_space<hbm>> -> memref<160x128xi32, #tpu.memory_space<hbm>>
    tpu.enqueue_dma source(%dma_start3A_10 : memref<160x128xi32, #tpu.memory_space<hbm>>) target(%arg8 : memref<160x128xi32, #tpu.memory_space<vmem>>) target_semaphore(%arg29 : memref<!tpu.dma_semaphore, #tpu.memory_space<semaphore_mem>>)
    %mul3A_11 = arith.constant 10000 : i32
    %mul3A_12 = arith.muli %arg0, %mul3A_11 : i32
    %mul3A_13 = arith.constant 625 : i32
    %mul3A_14 = arith.muli %arg1, %mul3A_13 : i32
    %add3A = arith.addi %mul3A_12, %mul3A_14 : i32
    %mul3A_15 = arith.constant 625 : i32
    %mul3A_16 = arith.muli %arg1, %mul3A_15 : i32
    "tpu.region"() ({
      %run_scoped3A = tpu.sem_alloc : memref<!tpu.dma_semaphore, #tpu.memory_space<semaphore_mem>>
      %dma_start3A_319 = arith.constant 0 : i32
      %dma_start3A_320 = tpu.memref_slice %arg16[%mul3A_16, %dma_start3A_319] : memref<10000x32xbf16, #tpu.memory_space<vmem_shared>> -> memref<625x32xbf16, #tpu.memory_space<vmem_shared>>
      %dma_start3A_321 = arith.constant 0 : i32
      %dma_start3A_322 = tpu.memref_slice %arg4[%add3A, %dma_start3A_321] : memref<20000x32xbf16, #tpu.memory_space<hbm>> -> memref<625x32xbf16, #tpu.memory_space<hbm>>
      tpu.enqueue_dma source(%dma_start3A_322 : memref<625x32xbf16, #tpu.memory_space<hbm>>) target(%dma_start3A_320 : memref<625x32xbf16, #tpu.memory_space<vmem_shared>>) target_semaphore(%run_scoped3A : memref<!tpu.dma_semaphore, #tpu.memory_space<semaphore_mem>>)
      %dma_wait3A_323 = arith.constant 0 : i32
      %dma_wait3A_324 = tpu.memref_slice %arg16[%mul3A_16, %dma_wait3A_323] : memref<10000x32xbf16, #tpu.memory_space<vmem_shared>> -> memref<625x32xbf16, #tpu.memory_space<vmem_shared>>
      %dma_wait3A_325 = arith.constant 0 : i32
      %dma_wait3A_326 = tpu.memref_slice %arg4[%add3A, %dma_wait3A_325] : memref<20000x32xbf16, #tpu.memory_space<hbm>> -> memref<625x32xbf16, #tpu.memory_space<hbm>>
      tpu.wait_dma2 semaphore(%run_scoped3A : memref<!tpu.dma_semaphore, #tpu.memory_space<semaphore_mem>>) src(%dma_wait3A_326 : memref<625x32xbf16, #tpu.memory_space<hbm>>) dst(%dma_wait3A_324 : memref<625x32xbf16, #tpu.memory_space<vmem_shared>>)
      tpu.yield
    }) : () -> ()
    %mul3A_17 = arith.constant 632 : i32
    %mul3A_18 = arith.muli %arg1, %mul3A_17 : i32
    "tpu.region"() ({
      %run_scoped3A = tpu.sem_alloc : memref<!tpu.dma_semaphore, #tpu.memory_space<semaphore_mem>>
      %dma_start3A_319 = arith.constant 0 : i32
      %dma_start3A_320 = tpu.memref_slice %arg15[%mul3A_18, %dma_start3A_319] : memref<10112x32xbf16, #tpu.memory_space<vmem_shared>> -> memref<632x32xbf16, #tpu.memory_space<vmem_shared>>
      tpu.enqueue_dma source(%arg5 : memref<632x32xbf16, #tpu.memory_space<hbm>>) target(%dma_start3A_320 : memref<632x32xbf16, #tpu.memory_space<vmem_shared>>) target_semaphore(%run_scoped3A : memref<!tpu.dma_semaphore, #tpu.memory_space<semaphore_mem>>)
      %dma_wait3A_321 = arith.constant 0 : i32
      %dma_wait3A_322 = tpu.memref_slice %arg15[%mul3A_18, %dma_wait3A_321] : memref<10112x32xbf16, #tpu.memory_space<vmem_shared>> -> memref<632x32xbf16, #tpu.memory_space<vmem_shared>>
      tpu.wait_dma2 semaphore(%run_scoped3A : memref<!tpu.dma_semaphore, #tpu.memory_space<semaphore_mem>>) src(%arg5 : memref<632x32xbf16, #tpu.memory_space<hbm>>) dst(%dma_wait3A_322 : memref<632x32xbf16, #tpu.memory_space<vmem_shared>>)
      tpu.yield
    }) : () -> ()
    %dma_wait3A = arith.constant 0 : i32
    %dma_wait3A_19 = arith.constant 0 : i32
    %dma_wait3A_20 = tpu.memref_slice %arg2[%dma_wait3A, %mul3A_0, %dma_wait3A_19] : memref<2x2560x128xi32, #tpu.memory_space<hbm>> -> memref<1x160x128xi32, #tpu.memory_space<hbm>>
    %dma_wait3A_21 = tpu.memref_squeeze %dma_wait3A_20 : memref<1x160x128xi32, #tpu.memory_space<hbm>> -> memref<160x128xi32, #tpu.memory_space<hbm>>
    %dma_wait3A_22 = arith.constant 0 : i32
    %dma_wait3A_23 = tpu.memref_slice %arg2[%dma_wait3A, %mul3A_0, %dma_wait3A_22] : memref<2x2560x128xi32, #tpu.memory_space<hbm>> -> memref<1x160x128xi32, #tpu.memory_space<hbm>>
    %dma_wait3A_24 = tpu.memref_squeeze %dma_wait3A_23 : memref<1x160x128xi32, #tpu.memory_space<hbm>> -> memref<160x128xi32, #tpu.memory_space<hbm>>
    tpu.wait_dma2 semaphore(%arg29 : memref<!tpu.dma_semaphore, #tpu.memory_space<semaphore_mem>>) src(%dma_wait3A_24 : memref<160x128xi32, #tpu.memory_space<hbm>>) dst(%arg7 : memref<160x128xi32, #tpu.memory_space<vmem>>)
    %dma_wait3A_25 = arith.constant 0 : i32
    %dma_wait3A_26 = tpu.memref_slice %arg3[%mul3A_0, %dma_wait3A_25] : memref<2560x128xi32, #tpu.memory_space<hbm>> -> memref<160x128xi32, #tpu.memory_space<hbm>>
    %dma_wait3A_27 = arith.constant 0 : i32
    %dma_wait3A_28 = tpu.memref_slice %arg3[%mul3A_0, %dma_wait3A_27] : memref<2560x128xi32, #tpu.memory_space<hbm>> -> memref<160x128xi32, #tpu.memory_space<hbm>>
    tpu.wait_dma2 semaphore(%arg29 : memref<!tpu.dma_semaphore, #tpu.memory_space<semaphore_mem>>) src(%dma_wait3A_28 : memref<160x128xi32, #tpu.memory_space<hbm>>) dst(%arg8 : memref<160x128xi32, #tpu.memory_space<vmem>>)
    %barrier3A = arith.constant 0 : index
    tpu.barrier barrier_id(%barrier3A)
    %dma_start3A_29 = arith.constant 0 : i32
    %dma_start3A_30 = arith.constant 0 : i32
    %dma_start3A_31 = tpu.memref_slice %arg7[%dma_start3A_29, %dma_start3A_30] : memref<160x128xi32, #tpu.memory_space<vmem>> -> memref<1x128xi32, #tpu.memory_space<vmem>>
    %dma_start3A_32 = tpu.memref_squeeze %dma_start3A_31 : memref<1x128xi32, #tpu.memory_space<vmem>> -> memref<128xi32, #tpu.memory_space<vmem>>
    %dma_start3A_33 = arith.constant 0 : i32
    %dma_start3A_34 = arith.constant 0 : i32
    %dma_start3A_35 = tpu.memref_slice %arg16[%dma_start3A_33, %dma_start3A_34] : memref<10000x32xbf16, #tpu.memory_space<vmem_shared>> -> memref<10000x32xbf16, #tpu.memory_space<vmem_shared>>
    tpu.enqueue_indirect_dma source(%dma_start3A_35 : memref<10000x32xbf16, #tpu.memory_space<vmem_shared>>) target(%arg9 : memref<128x32xbf16, #tpu.memory_space<vmem>>) offsets(%dma_start3A_32 : memref<128xi32, #tpu.memory_space<vmem>>) semaphore(%arg17 : memref<!tpu.dma_semaphore, #tpu.memory_space<semaphore_mem>>)
    %dma_start3A_36 = arith.constant 1 : i32
    %dma_start3A_37 = arith.constant 0 : i32
    %dma_start3A_38 = tpu.memref_slice %arg7[%dma_start3A_36, %dma_start3A_37] : memref<160x128xi32, #tpu.memory_space<vmem>> -> memref<1x128xi32, #tpu.memory_space<vmem>>
    %dma_start3A_39 = tpu.memref_squeeze %dma_start3A_38 : memref<1x128xi32, #tpu.memory_space<vmem>> -> memref<128xi32, #tpu.memory_space<vmem>>
    %dma_start3A_40 = arith.constant 0 : i32
    %dma_start3A_41 = arith.constant 0 : i32
    %dma_start3A_42 = tpu.memref_slice %arg16[%dma_start3A_40, %dma_start3A_41] : memref<10000x32xbf16, #tpu.memory_space<vmem_shared>> -> memref<10000x32xbf16, #tpu.memory_space<vmem_shared>>
    tpu.enqueue_indirect_dma source(%dma_start3A_42 : memref<10000x32xbf16, #tpu.memory_space<vmem_shared>>) target(%arg10 : memref<128x32xbf16, #tpu.memory_space<vmem>>) offsets(%dma_start3A_39 : memref<128xi32, #tpu.memory_space<vmem>>) semaphore(%arg18 : memref<!tpu.dma_semaphore, #tpu.memory_space<semaphore_mem>>)
    %dma_start3A_43 = arith.constant 2 : i32
    %dma_start3A_44 = arith.constant 0 : i32
    %dma_start3A_45 = tpu.memref_slice %arg7[%dma_start3A_43, %dma_start3A_44] : memref<160x128xi32, #tpu.memory_space<vmem>> -> memref<1x128xi32, #tpu.memory_space<vmem>>
    %dma_start3A_46 = tpu.memref_squeeze %dma_start3A_45 : memref<1x128xi32, #tpu.memory_space<vmem>> -> memref<128xi32, #tpu.memory_space<vmem>>
    %dma_start3A_47 = arith.constant 0 : i32
    %dma_start3A_48 = arith.constant 0 : i32
    %dma_start3A_49 = tpu.memref_slice %arg16[%dma_start3A_47, %dma_start3A_48] : memref<10000x32xbf16, #tpu.memory_space<vmem_shared>> -> memref<10000x32xbf16, #tpu.memory_space<vmem_shared>>
    tpu.enqueue_indirect_dma source(%dma_start3A_49 : memref<10000x32xbf16, #tpu.memory_space<vmem_shared>>) target(%arg11 : memref<128x32xbf16, #tpu.memory_space<vmem>>) offsets(%dma_start3A_46 : memref<128xi32, #tpu.memory_space<vmem>>) semaphore(%arg19 : memref<!tpu.dma_semaphore, #tpu.memory_space<semaphore_mem>>)
    %dma_start3A_50 = arith.constant 3 : i32
    %dma_start3A_51 = arith.constant 0 : i32
    %dma_start3A_52 = tpu.memref_slice %arg7[%dma_start3A_50, %dma_start3A_51] : memref<160x128xi32, #tpu.memory_space<vmem>> -> memref<1x128xi32, #tpu.memory_space<vmem>>
    %dma_start3A_53 = tpu.memref_squeeze %dma_start3A_52 : memref<1x128xi32, #tpu.memory_space<vmem>> -> memref<128xi32, #tpu.memory_space<vmem>>
    %dma_start3A_54 = arith.constant 0 : i32
    %dma_start3A_55 = arith.constant 0 : i32
    %dma_start3A_56 = tpu.memref_slice %arg16[%dma_start3A_54, %dma_start3A_55] : memref<10000x32xbf16, #tpu.memory_space<vmem_shared>> -> memref<10000x32xbf16, #tpu.memory_space<vmem_shared>>
    tpu.enqueue_indirect_dma source(%dma_start3A_56 : memref<10000x32xbf16, #tpu.memory_space<vmem_shared>>) target(%arg12 : memref<128x32xbf16, #tpu.memory_space<vmem>>) offsets(%dma_start3A_53 : memref<128xi32, #tpu.memory_space<vmem>>) semaphore(%arg20 : memref<!tpu.dma_semaphore, #tpu.memory_space<semaphore_mem>>)
    %dma_wait3A_57 = arith.constant 0 : i32
    %dma_wait3A_58 = arith.constant 0 : i32
    %dma_wait3A_59 = tpu.memref_slice %arg7[%dma_wait3A_57, %dma_wait3A_58] : memref<160x128xi32, #tpu.memory_space<vmem>> -> memref<1x128xi32, #tpu.memory_space<vmem>>
    %dma_wait3A_60 = tpu.memref_squeeze %dma_wait3A_59 : memref<1x128xi32, #tpu.memory_space<vmem>> -> memref<128xi32, #tpu.memory_space<vmem>>
    %dma_wait3A_61 = arith.constant 0 : i32
    %dma_wait3A_62 = arith.constant 0 : i32
    %dma_wait3A_63 = tpu.memref_slice %arg16[%dma_wait3A_61, %dma_wait3A_62] : memref<10000x32xbf16, #tpu.memory_space<vmem_shared>> -> memref<10000x32xbf16, #tpu.memory_space<vmem_shared>>
    tpu.wait_indirect_dma semaphore(%arg17 : memref<!tpu.dma_semaphore, #tpu.memory_space<semaphore_mem>>) src(%dma_wait3A_63 : memref<10000x32xbf16, #tpu.memory_space<vmem_shared>>) dst(%arg9 : memref<128x32xbf16, #tpu.memory_space<vmem>>)
    %dma_start3A_64 = arith.constant 0 : i32
    %dma_start3A_65 = arith.constant 0 : i32
    %dma_start3A_66 = tpu.memref_slice %arg8[%dma_start3A_64, %dma_start3A_65] : memref<160x128xi32, #tpu.memory_space<vmem>> -> memref<1x128xi32, #tpu.memory_space<vmem>>
    %dma_start3A_67 = tpu.memref_squeeze %dma_start3A_66 : memref<1x128xi32, #tpu.memory_space<vmem>> -> memref<128xi32, #tpu.memory_space<vmem>>
    %dma_start3A_68 = arith.constant 0 : i32
    %dma_start3A_69 = arith.constant 0 : i32
    %dma_start3A_70 = tpu.memref_slice %arg15[%dma_start3A_68, %dma_start3A_69] : memref<10112x32xbf16, #tpu.memory_space<vmem_shared>> -> memref<10112x32xbf16, #tpu.memory_space<vmem_shared>>
    tpu.enqueue_indirect_dma source(%arg9 : memref<128x32xbf16, #tpu.memory_space<vmem>>) target(%dma_start3A_70 : memref<10112x32xbf16, #tpu.memory_space<vmem_shared>>) offsets(%dma_start3A_67 : memref<128xi32, #tpu.memory_space<vmem>>) semaphore(%arg23 : memref<!tpu.dma_semaphore, #tpu.memory_space<semaphore_mem>>) {add = true}
    %dma_start3A_71 = arith.constant 4 : i32
    %dma_start3A_72 = arith.constant 0 : i32
    %dma_start3A_73 = tpu.memref_slice %arg7[%dma_start3A_71, %dma_start3A_72] : memref<160x128xi32, #tpu.memory_space<vmem>> -> memref<1x128xi32, #tpu.memory_space<vmem>>
    %dma_start3A_74 = tpu.memref_squeeze %dma_start3A_73 : memref<1x128xi32, #tpu.memory_space<vmem>> -> memref<128xi32, #tpu.memory_space<vmem>>
    %dma_start3A_75 = arith.constant 0 : i32
    %dma_start3A_76 = arith.constant 0 : i32
    %dma_start3A_77 = tpu.memref_slice %arg16[%dma_start3A_75, %dma_start3A_76] : memref<10000x32xbf16, #tpu.memory_space<vmem_shared>> -> memref<10000x32xbf16, #tpu.memory_space<vmem_shared>>
    tpu.enqueue_indirect_dma source(%dma_start3A_77 : memref<10000x32xbf16, #tpu.memory_space<vmem_shared>>) target(%arg13 : memref<128x32xbf16, #tpu.memory_space<vmem>>) offsets(%dma_start3A_74 : memref<128xi32, #tpu.memory_space<vmem>>) semaphore(%arg21 : memref<!tpu.dma_semaphore, #tpu.memory_space<semaphore_mem>>)
    %dma_wait3A_78 = arith.constant 1 : i32
    %dma_wait3A_79 = arith.constant 0 : i32
    %dma_wait3A_80 = tpu.memref_slice %arg7[%dma_wait3A_78, %dma_wait3A_79] : memref<160x128xi32, #tpu.memory_space<vmem>> -> memref<1x128xi32, #tpu.memory_space<vmem>>
    %dma_wait3A_81 = tpu.memref_squeeze %dma_wait3A_80 : memref<1x128xi32, #tpu.memory_space<vmem>> -> memref<128xi32, #tpu.memory_space<vmem>>
    %dma_wait3A_82 = arith.constant 0 : i32
    %dma_wait3A_83 = arith.constant 0 : i32
    %dma_wait3A_84 = tpu.memref_slice %arg16[%dma_wait3A_82, %dma_wait3A_83] : memref<10000x32xbf16, #tpu.memory_space<vmem_shared>> -> memref<10000x32xbf16, #tpu.memory_space<vmem_shared>>
    tpu.wait_indirect_dma semaphore(%arg18 : memref<!tpu.dma_semaphore, #tpu.memory_space<semaphore_mem>>) src(%dma_wait3A_84 : memref<10000x32xbf16, #tpu.memory_space<vmem_shared>>) dst(%arg10 : memref<128x32xbf16, #tpu.memory_space<vmem>>)
    %dma_start3A_85 = arith.constant 1 : i32
    %dma_start3A_86 = arith.constant 0 : i32
    %dma_start3A_87 = tpu.memref_slice %arg8[%dma_start3A_85, %dma_start3A_86] : memref<160x128xi32, #tpu.memory_space<vmem>> -> memref<1x128xi32, #tpu.memory_space<vmem>>
    %dma_start3A_88 = tpu.memref_squeeze %dma_start3A_87 : memref<1x128xi32, #tpu.memory_space<vmem>> -> memref<128xi32, #tpu.memory_space<vmem>>
    %dma_start3A_89 = arith.constant 0 : i32
    %dma_start3A_90 = arith.constant 0 : i32
    %dma_start3A_91 = tpu.memref_slice %arg15[%dma_start3A_89, %dma_start3A_90] : memref<10112x32xbf16, #tpu.memory_space<vmem_shared>> -> memref<10112x32xbf16, #tpu.memory_space<vmem_shared>>
    tpu.enqueue_indirect_dma source(%arg10 : memref<128x32xbf16, #tpu.memory_space<vmem>>) target(%dma_start3A_91 : memref<10112x32xbf16, #tpu.memory_space<vmem_shared>>) offsets(%dma_start3A_88 : memref<128xi32, #tpu.memory_space<vmem>>) semaphore(%arg24 : memref<!tpu.dma_semaphore, #tpu.memory_space<semaphore_mem>>) {add = true}
    %dma_start3A_92 = arith.constant 5 : i32
    %dma_start3A_93 = arith.constant 0 : i32
    %dma_start3A_94 = tpu.memref_slice %arg7[%dma_start3A_92, %dma_start3A_93] : memref<160x128xi32, #tpu.memory_space<vmem>> -> memref<1x128xi32, #tpu.memory_space<vmem>>
    %dma_start3A_95 = tpu.memref_squeeze %dma_start3A_94 : memref<1x128xi32, #tpu.memory_space<vmem>> -> memref<128xi32, #tpu.memory_space<vmem>>
    %dma_start3A_96 = arith.constant 0 : i32
    %dma_start3A_97 = arith.constant 0 : i32
    %dma_start3A_98 = tpu.memref_slice %arg16[%dma_start3A_96, %dma_start3A_97] : memref<10000x32xbf16, #tpu.memory_space<vmem_shared>> -> memref<10000x32xbf16, #tpu.memory_space<vmem_shared>>
    tpu.enqueue_indirect_dma source(%dma_start3A_98 : memref<10000x32xbf16, #tpu.memory_space<vmem_shared>>) target(%arg14 : memref<128x32xbf16, #tpu.memory_space<vmem>>) offsets(%dma_start3A_95 : memref<128xi32, #tpu.memory_space<vmem>>) semaphore(%arg22 : memref<!tpu.dma_semaphore, #tpu.memory_space<semaphore_mem>>)
    %scan3A = arith.constant 0 : i32
    %scan3A_99 = arith.constant 0 : i32
    %scan3A_100 = arith.constant 25 : i32
    %scan3A_101 = arith.addi %scan3A_99, %scan3A_100 : i32
    %scan3A_102 = arith.constant 1 : i32
    scf.for %scan3A_319 = %scan3A_99 to %scan3A_101 step %scan3A_102  : i32 {
      %mul3A_320 = arith.constant 6 : i32
      %mul3A_321 = arith.muli %mul3A_320, %scan3A_319 : i32
      %add3A_322 = arith.constant 2 : i32
      %add3A_323 = arith.addi %mul3A_321, %add3A_322 : i32
      %add3A_324 = arith.constant 0 : i32
      %add3A_325 = arith.addi %add3A_323, %add3A_324 : i32
      %dma_wait3A_326 = arith.constant 0 : i32
      %dma_wait3A_327 = tpu.memref_slice %arg7[%add3A_325, %dma_wait3A_326] : memref<160x128xi32, #tpu.memory_space<vmem>> -> memref<1x128xi32, #tpu.memory_space<vmem>>
      %dma_wait3A_328 = tpu.memref_squeeze %dma_wait3A_327 : memref<1x128xi32, #tpu.memory_space<vmem>> -> memref<128xi32, #tpu.memory_space<vmem>>
      %dma_wait3A_329 = arith.constant 0 : i32
      %dma_wait3A_330 = arith.constant 0 : i32
      %dma_wait3A_331 = tpu.memref_slice %arg16[%dma_wait3A_329, %dma_wait3A_330] : memref<10000x32xbf16, #tpu.memory_space<vmem_shared>> -> memref<10000x32xbf16, #tpu.memory_space<vmem_shared>>
      tpu.wait_indirect_dma semaphore(%arg19 : memref<!tpu.dma_semaphore, #tpu.memory_space<semaphore_mem>>) src(%dma_wait3A_331 : memref<10000x32xbf16, #tpu.memory_space<vmem_shared>>) dst(%arg11 : memref<128x32xbf16, #tpu.memory_space<vmem>>)
      %dma_start3A_332 = arith.constant 0 : i32
      %dma_start3A_333 = tpu.memref_slice %arg8[%add3A_325, %dma_start3A_332] : memref<160x128xi32, #tpu.memory_space<vmem>> -> memref<1x128xi32, #tpu.memory_space<vmem>>
      %dma_start3A_334 = tpu.memref_squeeze %dma_start3A_333 : memref<1x128xi32, #tpu.memory_space<vmem>> -> memref<128xi32, #tpu.memory_space<vmem>>
      %dma_start3A_335 = arith.constant 0 : i32
      %dma_start3A_336 = arith.constant 0 : i32
      %dma_start3A_337 = tpu.memref_slice %arg15[%dma_start3A_335, %dma_start3A_336] : memref<10112x32xbf16, #tpu.memory_space<vmem_shared>> -> memref<10112x32xbf16, #tpu.memory_space<vmem_shared>>
      tpu.enqueue_indirect_dma source(%arg11 : memref<128x32xbf16, #tpu.memory_space<vmem>>) target(%dma_start3A_337 : memref<10112x32xbf16, #tpu.memory_space<vmem_shared>>) offsets(%dma_start3A_334 : memref<128xi32, #tpu.memory_space<vmem>>) semaphore(%arg25 : memref<!tpu.dma_semaphore, #tpu.memory_space<semaphore_mem>>) {add = true}
      %sub3A = arith.constant 2 : i32
      %sub3A_338 = arith.subi %add3A_325, %sub3A : i32
      %dma_wait3A_339 = arith.constant 0 : i32
      %dma_wait3A_340 = tpu.memref_slice %arg8[%sub3A_338, %dma_wait3A_339] : memref<160x128xi32, #tpu.memory_space<vmem>> -> memref<1x128xi32, #tpu.memory_space<vmem>>
      %dma_wait3A_341 = tpu.memref_squeeze %dma_wait3A_340 : memref<1x128xi32, #tpu.memory_space<vmem>> -> memref<128xi32, #tpu.memory_space<vmem>>
      %dma_wait3A_342 = arith.constant 0 : i32
      %dma_wait3A_343 = arith.constant 0 : i32
      %dma_wait3A_344 = tpu.memref_slice %arg15[%dma_wait3A_342, %dma_wait3A_343] : memref<10112x32xbf16, #tpu.memory_space<vmem_shared>> -> memref<10112x32xbf16, #tpu.memory_space<vmem_shared>>
      tpu.wait_indirect_dma semaphore(%arg23 : memref<!tpu.dma_semaphore, #tpu.memory_space<semaphore_mem>>) src(%arg9 : memref<128x32xbf16, #tpu.memory_space<vmem>>) dst(%dma_wait3A_344 : memref<10112x32xbf16, #tpu.memory_space<vmem_shared>>)
      %add3A_345 = arith.constant 4 : i32
      %add3A_346 = arith.addi %add3A_325, %add3A_345 : i32
      %dma_start3A_347 = arith.constant 0 : i32
      %dma_start3A_348 = tpu.memref_slice %arg7[%add3A_346, %dma_start3A_347] : memref<160x128xi32, #tpu.memory_space<vmem>> -> memref<1x128xi32, #tpu.memory_space<vmem>>
      %dma_start3A_349 = tpu.memref_squeeze %dma_start3A_348 : memref<1x128xi32, #tpu.memory_space<vmem>> -> memref<128xi32, #tpu.memory_space<vmem>>
      %dma_start3A_350 = arith.constant 0 : i32
      %dma_start3A_351 = arith.constant 0 : i32
      %dma_start3A_352 = tpu.memref_slice %arg16[%dma_start3A_350, %dma_start3A_351] : memref<10000x32xbf16, #tpu.memory_space<vmem_shared>> -> memref<10000x32xbf16, #tpu.memory_space<vmem_shared>>
      tpu.enqueue_indirect_dma source(%dma_start3A_352 : memref<10000x32xbf16, #tpu.memory_space<vmem_shared>>) target(%arg9 : memref<128x32xbf16, #tpu.memory_space<vmem>>) offsets(%dma_start3A_349 : memref<128xi32, #tpu.memory_space<vmem>>) semaphore(%arg17 : memref<!tpu.dma_semaphore, #tpu.memory_space<semaphore_mem>>)
      %mul3A_353 = arith.constant 6 : i32
      %mul3A_354 = arith.muli %mul3A_353, %scan3A_319 : i32
      %add3A_355 = arith.constant 2 : i32
      %add3A_356 = arith.addi %mul3A_354, %add3A_355 : i32
      %add3A_357 = arith.constant 1 : i32
      %add3A_358 = arith.addi %add3A_356, %add3A_357 : i32
      %dma_wait3A_359 = arith.constant 0 : i32
      %dma_wait3A_360 = tpu.memref_slice %arg7[%add3A_358, %dma_wait3A_359] : memref<160x128xi32, #tpu.memory_space<vmem>> -> memref<1x128xi32, #tpu.memory_space<vmem>>
      %dma_wait3A_361 = tpu.memref_squeeze %dma_wait3A_360 : memref<1x128xi32, #tpu.memory_space<vmem>> -> memref<128xi32, #tpu.memory_space<vmem>>
      %dma_wait3A_362 = arith.constant 0 : i32
      %dma_wait3A_363 = arith.constant 0 : i32
      %dma_wait3A_364 = tpu.memref_slice %arg16[%dma_wait3A_362, %dma_wait3A_363] : memref<10000x32xbf16, #tpu.memory_space<vmem_shared>> -> memref<10000x32xbf16, #tpu.memory_space<vmem_shared>>
      tpu.wait_indirect_dma semaphore(%arg20 : memref<!tpu.dma_semaphore, #tpu.memory_space<semaphore_mem>>) src(%dma_wait3A_364 : memref<10000x32xbf16, #tpu.memory_space<vmem_shared>>) dst(%arg12 : memref<128x32xbf16, #tpu.memory_space<vmem>>)
      %dma_start3A_365 = arith.constant 0 : i32
      %dma_start3A_366 = tpu.memref_slice %arg8[%add3A_358, %dma_start3A_365] : memref<160x128xi32, #tpu.memory_space<vmem>> -> memref<1x128xi32, #tpu.memory_space<vmem>>
      %dma_start3A_367 = tpu.memref_squeeze %dma_start3A_366 : memref<1x128xi32, #tpu.memory_space<vmem>> -> memref<128xi32, #tpu.memory_space<vmem>>
      %dma_start3A_368 = arith.constant 0 : i32
      %dma_start3A_369 = arith.constant 0 : i32
      %dma_start3A_370 = tpu.memref_slice %arg15[%dma_start3A_368, %dma_start3A_369] : memref<10112x32xbf16, #tpu.memory_space<vmem_shared>> -> memref<10112x32xbf16, #tpu.memory_space<vmem_shared>>
      tpu.enqueue_indirect_dma source(%arg12 : memref<128x32xbf16, #tpu.memory_space<vmem>>) target(%dma_start3A_370 : memref<10112x32xbf16, #tpu.memory_space<vmem_shared>>) offsets(%dma_start3A_367 : memref<128xi32, #tpu.memory_space<vmem>>) semaphore(%arg26 : memref<!tpu.dma_semaphore, #tpu.memory_space<semaphore_mem>>) {add = true}
      %sub3A_371 = arith.constant 2 : i32
      %sub3A_372 = arith.subi %add3A_358, %sub3A_371 : i32
      %dma_wait3A_373 = arith.constant 0 : i32
      %dma_wait3A_374 = tpu.memref_slice %arg8[%sub3A_372, %dma_wait3A_373] : memref<160x128xi32, #tpu.memory_space<vmem>> -> memref<1x128xi32, #tpu.memory_space<vmem>>
      %dma_wait3A_375 = tpu.memref_squeeze %dma_wait3A_374 : memref<1x128xi32, #tpu.memory_space<vmem>> -> memref<128xi32, #tpu.memory_space<vmem>>
      %dma_wait3A_376 = arith.constant 0 : i32
      %dma_wait3A_377 = arith.constant 0 : i32
      %dma_wait3A_378 = tpu.memref_slice %arg15[%dma_wait3A_376, %dma_wait3A_377] : memref<10112x32xbf16, #tpu.memory_space<vmem_shared>> -> memref<10112x32xbf16, #tpu.memory_space<vmem_shared>>
      tpu.wait_indirect_dma semaphore(%arg24 : memref<!tpu.dma_semaphore, #tpu.memory_space<semaphore_mem>>) src(%arg10 : memref<128x32xbf16, #tpu.memory_space<vmem>>) dst(%dma_wait3A_378 : memref<10112x32xbf16, #tpu.memory_space<vmem_shared>>)
      %add3A_379 = arith.constant 4 : i32
      %add3A_380 = arith.addi %add3A_358, %add3A_379 : i32
      %dma_start3A_381 = arith.constant 0 : i32
      %dma_start3A_382 = tpu.memref_slice %arg7[%add3A_380, %dma_start3A_381] : memref<160x128xi32, #tpu.memory_space<vmem>> -> memref<1x128xi32, #tpu.memory_space<vmem>>
      %dma_start3A_383 = tpu.memref_squeeze %dma_start3A_382 : memref<1x128xi32, #tpu.memory_space<vmem>> -> memref<128xi32, #tpu.memory_space<vmem>>
      %dma_start3A_384 = arith.constant 0 : i32
      %dma_start3A_385 = arith.constant 0 : i32
      %dma_start3A_386 = tpu.memref_slice %arg16[%dma_start3A_384, %dma_start3A_385] : memref<10000x32xbf16, #tpu.memory_space<vmem_shared>> -> memref<10000x32xbf16, #tpu.memory_space<vmem_shared>>
      tpu.enqueue_indirect_dma source(%dma_start3A_386 : memref<10000x32xbf16, #tpu.memory_space<vmem_shared>>) target(%arg10 : memref<128x32xbf16, #tpu.memory_space<vmem>>) offsets(%dma_start3A_383 : memref<128xi32, #tpu.memory_space<vmem>>) semaphore(%arg18 : memref<!tpu.dma_semaphore, #tpu.memory_space<semaphore_mem>>)
      %mul3A_387 = arith.constant 6 : i32
      %mul3A_388 = arith.muli %mul3A_387, %scan3A_319 : i32
      %add3A_389 = arith.constant 2 : i32
      %add3A_390 = arith.addi %mul3A_388, %add3A_389 : i32
      %add3A_391 = arith.constant 2 : i32
      %add3A_392 = arith.addi %add3A_390, %add3A_391 : i32
      %dma_wait3A_393 = arith.constant 0 : i32
      %dma_wait3A_394 = tpu.memref_slice %arg7[%add3A_392, %dma_wait3A_393] : memref<160x128xi32, #tpu.memory_space<vmem>> -> memref<1x128xi32, #tpu.memory_space<vmem>>
      %dma_wait3A_395 = tpu.memref_squeeze %dma_wait3A_394 : memref<1x128xi32, #tpu.memory_space<vmem>> -> memref<128xi32, #tpu.memory_space<vmem>>
      %dma_wait3A_396 = arith.constant 0 : i32
      %dma_wait3A_397 = arith.constant 0 : i32
      %dma_wait3A_398 = tpu.memref_slice %arg16[%dma_wait3A_396, %dma_wait3A_397] : memref<10000x32xbf16, #tpu.memory_space<vmem_shared>> -> memref<10000x32xbf16, #tpu.memory_space<vmem_shared>>
      tpu.wait_indirect_dma semaphore(%arg21 : memref<!tpu.dma_semaphore, #tpu.memory_space<semaphore_mem>>) src(%dma_wait3A_398 : memref<10000x32xbf16, #tpu.memory_space<vmem_shared>>) dst(%arg13 : memref<128x32xbf16, #tpu.memory_space<vmem>>)
      %dma_start3A_399 = arith.constant 0 : i32
      %dma_start3A_400 = tpu.memref_slice %arg8[%add3A_392, %dma_start3A_399] : memref<160x128xi32, #tpu.memory_space<vmem>> -> memref<1x128xi32, #tpu.memory_space<vmem>>
      %dma_start3A_401 = tpu.memref_squeeze %dma_start3A_400 : memref<1x128xi32, #tpu.memory_space<vmem>> -> memref<128xi32, #tpu.memory_space<vmem>>
      %dma_start3A_402 = arith.constant 0 : i32
      %dma_start3A_403 = arith.constant 0 : i32
      %dma_start3A_404 = tpu.memref_slice %arg15[%dma_start3A_402, %dma_start3A_403] : memref<10112x32xbf16, #tpu.memory_space<vmem_shared>> -> memref<10112x32xbf16, #tpu.memory_space<vmem_shared>>
      tpu.enqueue_indirect_dma source(%arg13 : memref<128x32xbf16, #tpu.memory_space<vmem>>) target(%dma_start3A_404 : memref<10112x32xbf16, #tpu.memory_space<vmem_shared>>) offsets(%dma_start3A_401 : memref<128xi32, #tpu.memory_space<vmem>>) semaphore(%arg27 : memref<!tpu.dma_semaphore, #tpu.memory_space<semaphore_mem>>) {add = true}
      %sub3A_405 = arith.constant 2 : i32
      %sub3A_406 = arith.subi %add3A_392, %sub3A_405 : i32
      %dma_wait3A_407 = arith.constant 0 : i32
      %dma_wait3A_408 = tpu.memref_slice %arg8[%sub3A_406, %dma_wait3A_407] : memref<160x128xi32, #tpu.memory_space<vmem>> -> memref<1x128xi32, #tpu.memory_space<vmem>>
      %dma_wait3A_409 = tpu.memref_squeeze %dma_wait3A_408 : memref<1x128xi32, #tpu.memory_space<vmem>> -> memref<128xi32, #tpu.memory_space<vmem>>
      %dma_wait3A_410 = arith.constant 0 : i32
      %dma_wait3A_411 = arith.constant 0 : i32
      %dma_wait3A_412 = tpu.memref_slice %arg15[%dma_wait3A_410, %dma_wait3A_411] : memref<10112x32xbf16, #tpu.memory_space<vmem_shared>> -> memref<10112x32xbf16, #tpu.memory_space<vmem_shared>>
      tpu.wait_indirect_dma semaphore(%arg25 : memref<!tpu.dma_semaphore, #tpu.memory_space<semaphore_mem>>) src(%arg11 : memref<128x32xbf16, #tpu.memory_space<vmem>>) dst(%dma_wait3A_412 : memref<10112x32xbf16, #tpu.memory_space<vmem_shared>>)
      %add3A_413 = arith.constant 4 : i32
      %add3A_414 = arith.addi %add3A_392, %add3A_413 : i32
      %dma_start3A_415 = arith.constant 0 : i32
      %dma_start3A_416 = tpu.memref_slice %arg7[%add3A_414, %dma_start3A_415] : memref<160x128xi32, #tpu.memory_space<vmem>> -> memref<1x128xi32, #tpu.memory_space<vmem>>
      %dma_start3A_417 = tpu.memref_squeeze %dma_start3A_416 : memref<1x128xi32, #tpu.memory_space<vmem>> -> memref<128xi32, #tpu.memory_space<vmem>>
      %dma_start3A_418 = arith.constant 0 : i32
      %dma_start3A_419 = arith.constant 0 : i32
      %dma_start3A_420 = tpu.memref_slice %arg16[%dma_start3A_418, %dma_start3A_419] : memref<10000x32xbf16, #tpu.memory_space<vmem_shared>> -> memref<10000x32xbf16, #tpu.memory_space<vmem_shared>>
      tpu.enqueue_indirect_dma source(%dma_start3A_420 : memref<10000x32xbf16, #tpu.memory_space<vmem_shared>>) target(%arg11 : memref<128x32xbf16, #tpu.memory_space<vmem>>) offsets(%dma_start3A_417 : memref<128xi32, #tpu.memory_space<vmem>>) semaphore(%arg19 : memref<!tpu.dma_semaphore, #tpu.memory_space<semaphore_mem>>)
      %mul3A_421 = arith.constant 6 : i32
      %mul3A_422 = arith.muli %mul3A_421, %scan3A_319 : i32
      %add3A_423 = arith.constant 2 : i32
      %add3A_424 = arith.addi %mul3A_422, %add3A_423 : i32
      %add3A_425 = arith.constant 3 : i32
      %add3A_426 = arith.addi %add3A_424, %add3A_425 : i32
      %dma_wait3A_427 = arith.constant 0 : i32
      %dma_wait3A_428 = tpu.memref_slice %arg7[%add3A_426, %dma_wait3A_427] : memref<160x128xi32, #tpu.memory_space<vmem>> -> memref<1x128xi32, #tpu.memory_space<vmem>>
      %dma_wait3A_429 = tpu.memref_squeeze %dma_wait3A_428 : memref<1x128xi32, #tpu.memory_space<vmem>> -> memref<128xi32, #tpu.memory_space<vmem>>
      %dma_wait3A_430 = arith.constant 0 : i32
      %dma_wait3A_431 = arith.constant 0 : i32
      %dma_wait3A_432 = tpu.memref_slice %arg16[%dma_wait3A_430, %dma_wait3A_431] : memref<10000x32xbf16, #tpu.memory_space<vmem_shared>> -> memref<10000x32xbf16, #tpu.memory_space<vmem_shared>>
      tpu.wait_indirect_dma semaphore(%arg22 : memref<!tpu.dma_semaphore, #tpu.memory_space<semaphore_mem>>) src(%dma_wait3A_432 : memref<10000x32xbf16, #tpu.memory_space<vmem_shared>>) dst(%arg14 : memref<128x32xbf16, #tpu.memory_space<vmem>>)
      %dma_start3A_433 = arith.constant 0 : i32
      %dma_start3A_434 = tpu.memref_slice %arg8[%add3A_426, %dma_start3A_433] : memref<160x128xi32, #tpu.memory_space<vmem>> -> memref<1x128xi32, #tpu.memory_space<vmem>>
      %dma_start3A_435 = tpu.memref_squeeze %dma_start3A_434 : memref<1x128xi32, #tpu.memory_space<vmem>> -> memref<128xi32, #tpu.memory_space<vmem>>
      %dma_start3A_436 = arith.constant 0 : i32
      %dma_start3A_437 = arith.constant 0 : i32
      %dma_start3A_438 = tpu.memref_slice %arg15[%dma_start3A_436, %dma_start3A_437] : memref<10112x32xbf16, #tpu.memory_space<vmem_shared>> -> memref<10112x32xbf16, #tpu.memory_space<vmem_shared>>
      tpu.enqueue_indirect_dma source(%arg14 : memref<128x32xbf16, #tpu.memory_space<vmem>>) target(%dma_start3A_438 : memref<10112x32xbf16, #tpu.memory_space<vmem_shared>>) offsets(%dma_start3A_435 : memref<128xi32, #tpu.memory_space<vmem>>) semaphore(%arg28 : memref<!tpu.dma_semaphore, #tpu.memory_space<semaphore_mem>>) {add = true}
      %sub3A_439 = arith.constant 2 : i32
      %sub3A_440 = arith.subi %add3A_426, %sub3A_439 : i32
      %dma_wait3A_441 = arith.constant 0 : i32
      %dma_wait3A_442 = tpu.memref_slice %arg8[%sub3A_440, %dma_wait3A_441] : memref<160x128xi32, #tpu.memory_space<vmem>> -> memref<1x128xi32, #tpu.memory_space<vmem>>
      %dma_wait3A_443 = tpu.memref_squeeze %dma_wait3A_442 : memref<1x128xi32, #tpu.memory_space<vmem>> -> memref<128xi32, #tpu.memory_space<vmem>>
      %dma_wait3A_444 = arith.constant 0 : i32
      %dma_wait3A_445 = arith.constant 0 : i32
      %dma_wait3A_446 = tpu.memref_slice %arg15[%dma_wait3A_444, %dma_wait3A_445] : memref<10112x32xbf16, #tpu.memory_space<vmem_shared>> -> memref<10112x32xbf16, #tpu.memory_space<vmem_shared>>
      tpu.wait_indirect_dma semaphore(%arg26 : memref<!tpu.dma_semaphore, #tpu.memory_space<semaphore_mem>>) src(%arg12 : memref<128x32xbf16, #tpu.memory_space<vmem>>) dst(%dma_wait3A_446 : memref<10112x32xbf16, #tpu.memory_space<vmem_shared>>)
      %add3A_447 = arith.constant 4 : i32
      %add3A_448 = arith.addi %add3A_426, %add3A_447 : i32
      %dma_start3A_449 = arith.constant 0 : i32
      %dma_start3A_450 = tpu.memref_slice %arg7[%add3A_448, %dma_start3A_449] : memref<160x128xi32, #tpu.memory_space<vmem>> -> memref<1x128xi32, #tpu.memory_space<vmem>>
      %dma_start3A_451 = tpu.memref_squeeze %dma_start3A_450 : memref<1x128xi32, #tpu.memory_space<vmem>> -> memref<128xi32, #tpu.memory_space<vmem>>
      %dma_start3A_452 = arith.constant 0 : i32
      %dma_start3A_453 = arith.constant 0 : i32
      %dma_start3A_454 = tpu.memref_slice %arg16[%dma_start3A_452, %dma_start3A_453] : memref<10000x32xbf16, #tpu.memory_space<vmem_shared>> -> memref<10000x32xbf16, #tpu.memory_space<vmem_shared>>
      tpu.enqueue_indirect_dma source(%dma_start3A_454 : memref<10000x32xbf16, #tpu.memory_space<vmem_shared>>) target(%arg12 : memref<128x32xbf16, #tpu.memory_space<vmem>>) offsets(%dma_start3A_451 : memref<128xi32, #tpu.memory_space<vmem>>) semaphore(%arg20 : memref<!tpu.dma_semaphore, #tpu.memory_space<semaphore_mem>>)
      %mul3A_455 = arith.constant 6 : i32
      %mul3A_456 = arith.muli %mul3A_455, %scan3A_319 : i32
      %add3A_457 = arith.constant 2 : i32
      %add3A_458 = arith.addi %mul3A_456, %add3A_457 : i32
      %add3A_459 = arith.constant 4 : i32
      %add3A_460 = arith.addi %add3A_458, %add3A_459 : i32
      %dma_wait3A_461 = arith.constant 0 : i32
      %dma_wait3A_462 = tpu.memref_slice %arg7[%add3A_460, %dma_wait3A_461] : memref<160x128xi32, #tpu.memory_space<vmem>> -> memref<1x128xi32, #tpu.memory_space<vmem>>
      %dma_wait3A_463 = tpu.memref_squeeze %dma_wait3A_462 : memref<1x128xi32, #tpu.memory_space<vmem>> -> memref<128xi32, #tpu.memory_space<vmem>>
      %dma_wait3A_464 = arith.constant 0 : i32
      %dma_wait3A_465 = arith.constant 0 : i32
      %dma_wait3A_466 = tpu.memref_slice %arg16[%dma_wait3A_464, %dma_wait3A_465] : memref<10000x32xbf16, #tpu.memory_space<vmem_shared>> -> memref<10000x32xbf16, #tpu.memory_space<vmem_shared>>
      tpu.wait_indirect_dma semaphore(%arg17 : memref<!tpu.dma_semaphore, #tpu.memory_space<semaphore_mem>>) src(%dma_wait3A_466 : memref<10000x32xbf16, #tpu.memory_space<vmem_shared>>) dst(%arg9 : memref<128x32xbf16, #tpu.memory_space<vmem>>)
      %dma_start3A_467 = arith.constant 0 : i32
      %dma_start3A_468 = tpu.memref_slice %arg8[%add3A_460, %dma_start3A_467] : memref<160x128xi32, #tpu.memory_space<vmem>> -> memref<1x128xi32, #tpu.memory_space<vmem>>
      %dma_start3A_469 = tpu.memref_squeeze %dma_start3A_468 : memref<1x128xi32, #tpu.memory_space<vmem>> -> memref<128xi32, #tpu.memory_space<vmem>>
      %dma_start3A_470 = arith.constant 0 : i32
      %dma_start3A_471 = arith.constant 0 : i32
      %dma_start3A_472 = tpu.memref_slice %arg15[%dma_start3A_470, %dma_start3A_471] : memref<10112x32xbf16, #tpu.memory_space<vmem_shared>> -> memref<10112x32xbf16, #tpu.memory_space<vmem_shared>>
      tpu.enqueue_indirect_dma source(%arg9 : memref<128x32xbf16, #tpu.memory_space<vmem>>) target(%dma_start3A_472 : memref<10112x32xbf16, #tpu.memory_space<vmem_shared>>) offsets(%dma_start3A_469 : memref<128xi32, #tpu.memory_space<vmem>>) semaphore(%arg23 : memref<!tpu.dma_semaphore, #tpu.memory_space<semaphore_mem>>) {add = true}
      %sub3A_473 = arith.constant 2 : i32
      %sub3A_474 = arith.subi %add3A_460, %sub3A_473 : i32
      %dma_wait3A_475 = arith.constant 0 : i32
      %dma_wait3A_476 = tpu.memref_slice %arg8[%sub3A_474, %dma_wait3A_475] : memref<160x128xi32, #tpu.memory_space<vmem>> -> memref<1x128xi32, #tpu.memory_space<vmem>>
      %dma_wait3A_477 = tpu.memref_squeeze %dma_wait3A_476 : memref<1x128xi32, #tpu.memory_space<vmem>> -> memref<128xi32, #tpu.memory_space<vmem>>
      %dma_wait3A_478 = arith.constant 0 : i32
      %dma_wait3A_479 = arith.constant 0 : i32
      %dma_wait3A_480 = tpu.memref_slice %arg15[%dma_wait3A_478, %dma_wait3A_479] : memref<10112x32xbf16, #tpu.memory_space<vmem_shared>> -> memref<10112x32xbf16, #tpu.memory_space<vmem_shared>>
      tpu.wait_indirect_dma semaphore(%arg27 : memref<!tpu.dma_semaphore, #tpu.memory_space<semaphore_mem>>) src(%arg13 : memref<128x32xbf16, #tpu.memory_space<vmem>>) dst(%dma_wait3A_480 : memref<10112x32xbf16, #tpu.memory_space<vmem_shared>>)
      %add3A_481 = arith.constant 4 : i32
      %add3A_482 = arith.addi %add3A_460, %add3A_481 : i32
      %dma_start3A_483 = arith.constant 0 : i32
      %dma_start3A_484 = tpu.memref_slice %arg7[%add3A_482, %dma_start3A_483] : memref<160x128xi32, #tpu.memory_space<vmem>> -> memref<1x128xi32, #tpu.memory_space<vmem>>
      %dma_start3A_485 = tpu.memref_squeeze %dma_start3A_484 : memref<1x128xi32, #tpu.memory_space<vmem>> -> memref<128xi32, #tpu.memory_space<vmem>>
      %dma_start3A_486 = arith.constant 0 : i32
      %dma_start3A_487 = arith.constant 0 : i32
      %dma_start3A_488 = tpu.memref_slice %arg16[%dma_start3A_486, %dma_start3A_487] : memref<10000x32xbf16, #tpu.memory_space<vmem_shared>> -> memref<10000x32xbf16, #tpu.memory_space<vmem_shared>>
      tpu.enqueue_indirect_dma source(%dma_start3A_488 : memref<10000x32xbf16, #tpu.memory_space<vmem_shared>>) target(%arg13 : memref<128x32xbf16, #tpu.memory_space<vmem>>) offsets(%dma_start3A_485 : memref<128xi32, #tpu.memory_space<vmem>>) semaphore(%arg21 : memref<!tpu.dma_semaphore, #tpu.memory_space<semaphore_mem>>)
      %mul3A_489 = arith.constant 6 : i32
      %mul3A_490 = arith.muli %mul3A_489, %scan3A_319 : i32
      %add3A_491 = arith.constant 2 : i32
      %add3A_492 = arith.addi %mul3A_490, %add3A_491 : i32
      %add3A_493 = arith.constant 5 : i32
      %add3A_494 = arith.addi %add3A_492, %add3A_493 : i32
      %dma_wait3A_495 = arith.constant 0 : i32
      %dma_wait3A_496 = tpu.memref_slice %arg7[%add3A_494, %dma_wait3A_495] : memref<160x128xi32, #tpu.memory_space<vmem>> -> memref<1x128xi32, #tpu.memory_space<vmem>>
      %dma_wait3A_497 = tpu.memref_squeeze %dma_wait3A_496 : memref<1x128xi32, #tpu.memory_space<vmem>> -> memref<128xi32, #tpu.memory_space<vmem>>
      %dma_wait3A_498 = arith.constant 0 : i32
      %dma_wait3A_499 = arith.constant 0 : i32
      %dma_wait3A_500 = tpu.memref_slice %arg16[%dma_wait3A_498, %dma_wait3A_499] : memref<10000x32xbf16, #tpu.memory_space<vmem_shared>> -> memref<10000x32xbf16, #tpu.memory_space<vmem_shared>>
      tpu.wait_indirect_dma semaphore(%arg18 : memref<!tpu.dma_semaphore, #tpu.memory_space<semaphore_mem>>) src(%dma_wait3A_500 : memref<10000x32xbf16, #tpu.memory_space<vmem_shared>>) dst(%arg10 : memref<128x32xbf16, #tpu.memory_space<vmem>>)
      %dma_start3A_501 = arith.constant 0 : i32
      %dma_start3A_502 = tpu.memref_slice %arg8[%add3A_494, %dma_start3A_501] : memref<160x128xi32, #tpu.memory_space<vmem>> -> memref<1x128xi32, #tpu.memory_space<vmem>>
      %dma_start3A_503 = tpu.memref_squeeze %dma_start3A_502 : memref<1x128xi32, #tpu.memory_space<vmem>> -> memref<128xi32, #tpu.memory_space<vmem>>
      %dma_start3A_504 = arith.constant 0 : i32
      %dma_start3A_505 = arith.constant 0 : i32
      %dma_start3A_506 = tpu.memref_slice %arg15[%dma_start3A_504, %dma_start3A_505] : memref<10112x32xbf16, #tpu.memory_space<vmem_shared>> -> memref<10112x32xbf16, #tpu.memory_space<vmem_shared>>
      tpu.enqueue_indirect_dma source(%arg10 : memref<128x32xbf16, #tpu.memory_space<vmem>>) target(%dma_start3A_506 : memref<10112x32xbf16, #tpu.memory_space<vmem_shared>>) offsets(%dma_start3A_503 : memref<128xi32, #tpu.memory_space<vmem>>) semaphore(%arg24 : memref<!tpu.dma_semaphore, #tpu.memory_space<semaphore_mem>>) {add = true}
      %sub3A_507 = arith.constant 2 : i32
      %sub3A_508 = arith.subi %add3A_494, %sub3A_507 : i32
      %dma_wait3A_509 = arith.constant 0 : i32
      %dma_wait3A_510 = tpu.memref_slice %arg8[%sub3A_508, %dma_wait3A_509] : memref<160x128xi32, #tpu.memory_space<vmem>> -> memref<1x128xi32, #tpu.memory_space<vmem>>
      %dma_wait3A_511 = tpu.memref_squeeze %dma_wait3A_510 : memref<1x128xi32, #tpu.memory_space<vmem>> -> memref<128xi32, #tpu.memory_space<vmem>>
      %dma_wait3A_512 = arith.constant 0 : i32
      %dma_wait3A_513 = arith.constant 0 : i32
      %dma_wait3A_514 = tpu.memref_slice %arg15[%dma_wait3A_512, %dma_wait3A_513] : memref<10112x32xbf16, #tpu.memory_space<vmem_shared>> -> memref<10112x32xbf16, #tpu.memory_space<vmem_shared>>
      tpu.wait_indirect_dma semaphore(%arg28 : memref<!tpu.dma_semaphore, #tpu.memory_space<semaphore_mem>>) src(%arg14 : memref<128x32xbf16, #tpu.memory_space<vmem>>) dst(%dma_wait3A_514 : memref<10112x32xbf16, #tpu.memory_space<vmem_shared>>)
      %add3A_515 = arith.constant 4 : i32
      %add3A_516 = arith.addi %add3A_494, %add3A_515 : i32
      %dma_start3A_517 = arith.constant 0 : i32
      %dma_start3A_518 = tpu.memref_slice %arg7[%add3A_516, %dma_start3A_517] : memref<160x128xi32, #tpu.memory_space<vmem>> -> memref<1x128xi32, #tpu.memory_space<vmem>>
      %dma_start3A_519 = tpu.memref_squeeze %dma_start3A_518 : memref<1x128xi32, #tpu.memory_space<vmem>> -> memref<128xi32, #tpu.memory_space<vmem>>
      %dma_start3A_520 = arith.constant 0 : i32
      %dma_start3A_521 = arith.constant 0 : i32
      %dma_start3A_522 = tpu.memref_slice %arg16[%dma_start3A_520, %dma_start3A_521] : memref<10000x32xbf16, #tpu.memory_space<vmem_shared>> -> memref<10000x32xbf16, #tpu.memory_space<vmem_shared>>
      tpu.enqueue_indirect_dma source(%dma_start3A_522 : memref<10000x32xbf16, #tpu.memory_space<vmem_shared>>) target(%arg14 : memref<128x32xbf16, #tpu.memory_space<vmem>>) offsets(%dma_start3A_519 : memref<128xi32, #tpu.memory_space<vmem>>) semaphore(%arg22 : memref<!tpu.dma_semaphore, #tpu.memory_space<semaphore_mem>>)
    }
    %scan3A_103 = arith.constant 25 : i32
    %dma_wait3A_104 = arith.constant 152 : i32
    %dma_wait3A_105 = arith.constant 0 : i32
    %dma_wait3A_106 = tpu.memref_slice %arg7[%dma_wait3A_104, %dma_wait3A_105] : memref<160x128xi32, #tpu.memory_space<vmem>> -> memref<1x128xi32, #tpu.memory_space<vmem>>
    %dma_wait3A_107 = tpu.memref_squeeze %dma_wait3A_106 : memref<1x128xi32, #tpu.memory_space<vmem>> -> memref<128xi32, #tpu.memory_space<vmem>>
    %dma_wait3A_108 = arith.constant 0 : i32
    %dma_wait3A_109 = arith.constant 0 : i32
    %dma_wait3A_110 = tpu.memref_slice %arg16[%dma_wait3A_108, %dma_wait3A_109] : memref<10000x32xbf16, #tpu.memory_space<vmem_shared>> -> memref<10000x32xbf16, #tpu.memory_space<vmem_shared>>
    tpu.wait_indirect_dma semaphore(%arg19 : memref<!tpu.dma_semaphore, #tpu.memory_space<semaphore_mem>>) src(%dma_wait3A_110 : memref<10000x32xbf16, #tpu.memory_space<vmem_shared>>) dst(%arg11 : memref<128x32xbf16, #tpu.memory_space<vmem>>)
    %dma_start3A_111 = arith.constant 152 : i32
    %dma_start3A_112 = arith.constant 0 : i32
    %dma_start3A_113 = tpu.memref_slice %arg8[%dma_start3A_111, %dma_start3A_112] : memref<160x128xi32, #tpu.memory_space<vmem>> -> memref<1x128xi32, #tpu.memory_space<vmem>>
    %dma_start3A_114 = tpu.memref_squeeze %dma_start3A_113 : memref<1x128xi32, #tpu.memory_space<vmem>> -> memref<128xi32, #tpu.memory_space<vmem>>
    %dma_start3A_115 = arith.constant 0 : i32
    %dma_start3A_116 = arith.constant 0 : i32
    %dma_start3A_117 = tpu.memref_slice %arg15[%dma_start3A_115, %dma_start3A_116] : memref<10112x32xbf16, #tpu.memory_space<vmem_shared>> -> memref<10112x32xbf16, #tpu.memory_space<vmem_shared>>
    tpu.enqueue_indirect_dma source(%arg11 : memref<128x32xbf16, #tpu.memory_space<vmem>>) target(%dma_start3A_117 : memref<10112x32xbf16, #tpu.memory_space<vmem_shared>>) offsets(%dma_start3A_114 : memref<128xi32, #tpu.memory_space<vmem>>) semaphore(%arg25 : memref<!tpu.dma_semaphore, #tpu.memory_space<semaphore_mem>>) {add = true}
    %dma_wait3A_118 = arith.constant 150 : i32
    %dma_wait3A_119 = arith.constant 0 : i32
    %dma_wait3A_120 = tpu.memref_slice %arg8[%dma_wait3A_118, %dma_wait3A_119] : memref<160x128xi32, #tpu.memory_space<vmem>> -> memref<1x128xi32, #tpu.memory_space<vmem>>
    %dma_wait3A_121 = tpu.memref_squeeze %dma_wait3A_120 : memref<1x128xi32, #tpu.memory_space<vmem>> -> memref<128xi32, #tpu.memory_space<vmem>>
    %dma_wait3A_122 = arith.constant 0 : i32
    %dma_wait3A_123 = arith.constant 0 : i32
    %dma_wait3A_124 = tpu.memref_slice %arg15[%dma_wait3A_122, %dma_wait3A_123] : memref<10112x32xbf16, #tpu.memory_space<vmem_shared>> -> memref<10112x32xbf16, #tpu.memory_space<vmem_shared>>
    tpu.wait_indirect_dma semaphore(%arg23 : memref<!tpu.dma_semaphore, #tpu.memory_space<semaphore_mem>>) src(%arg9 : memref<128x32xbf16, #tpu.memory_space<vmem>>) dst(%dma_wait3A_124 : memref<10112x32xbf16, #tpu.memory_space<vmem_shared>>)
    %dma_start3A_125 = arith.constant 156 : i32
    %dma_start3A_126 = arith.constant 0 : i32
    %dma_start3A_127 = tpu.memref_slice %arg7[%dma_start3A_125, %dma_start3A_126] : memref<160x128xi32, #tpu.memory_space<vmem>> -> memref<1x128xi32, #tpu.memory_space<vmem>>
    %dma_start3A_128 = tpu.memref_squeeze %dma_start3A_127 : memref<1x128xi32, #tpu.memory_space<vmem>> -> memref<128xi32, #tpu.memory_space<vmem>>
    %dma_start3A_129 = arith.constant 0 : i32
    %dma_start3A_130 = arith.constant 0 : i32
    %dma_start3A_131 = tpu.memref_slice %arg16[%dma_start3A_129, %dma_start3A_130] : memref<10000x32xbf16, #tpu.memory_space<vmem_shared>> -> memref<10000x32xbf16, #tpu.memory_space<vmem_shared>>
    tpu.enqueue_indirect_dma source(%dma_start3A_131 : memref<10000x32xbf16, #tpu.memory_space<vmem_shared>>) target(%arg9 : memref<128x32xbf16, #tpu.memory_space<vmem>>) offsets(%dma_start3A_128 : memref<128xi32, #tpu.memory_space<vmem>>) semaphore(%arg17 : memref<!tpu.dma_semaphore, #tpu.memory_space<semaphore_mem>>)
    %dma_wait3A_132 = arith.constant 153 : i32
    %dma_wait3A_133 = arith.constant 0 : i32
    %dma_wait3A_134 = tpu.memref_slice %arg7[%dma_wait3A_132, %dma_wait3A_133] : memref<160x128xi32, #tpu.memory_space<vmem>> -> memref<1x128xi32, #tpu.memory_space<vmem>>
    %dma_wait3A_135 = tpu.memref_squeeze %dma_wait3A_134 : memref<1x128xi32, #tpu.memory_space<vmem>> -> memref<128xi32, #tpu.memory_space<vmem>>
    %dma_wait3A_136 = arith.constant 0 : i32
    %dma_wait3A_137 = arith.constant 0 : i32
    %dma_wait3A_138 = tpu.memref_slice %arg16[%dma_wait3A_136, %dma_wait3A_137] : memref<10000x32xbf16, #tpu.memory_space<vmem_shared>> -> memref<10000x32xbf16, #tpu.memory_space<vmem_shared>>
    tpu.wait_indirect_dma semaphore(%arg20 : memref<!tpu.dma_semaphore, #tpu.memory_space<semaphore_mem>>) src(%dma_wait3A_138 : memref<10000x32xbf16, #tpu.memory_space<vmem_shared>>) dst(%arg12 : memref<128x32xbf16, #tpu.memory_space<vmem>>)
    %dma_start3A_139 = arith.constant 153 : i32
    %dma_start3A_140 = arith.constant 0 : i32
    %dma_start3A_141 = tpu.memref_slice %arg8[%dma_start3A_139, %dma_start3A_140] : memref<160x128xi32, #tpu.memory_space<vmem>> -> memref<1x128xi32, #tpu.memory_space<vmem>>
    %dma_start3A_142 = tpu.memref_squeeze %dma_start3A_141 : memref<1x128xi32, #tpu.memory_space<vmem>> -> memref<128xi32, #tpu.memory_space<vmem>>
    %dma_start3A_143 = arith.constant 0 : i32
    %dma_start3A_144 = arith.constant 0 : i32
    %dma_start3A_145 = tpu.memref_slice %arg15[%dma_start3A_143, %dma_start3A_144] : memref<10112x32xbf16, #tpu.memory_space<vmem_shared>> -> memref<10112x32xbf16, #tpu.memory_space<vmem_shared>>
    tpu.enqueue_indirect_dma source(%arg12 : memref<128x32xbf16, #tpu.memory_space<vmem>>) target(%dma_start3A_145 : memref<10112x32xbf16, #tpu.memory_space<vmem_shared>>) offsets(%dma_start3A_142 : memref<128xi32, #tpu.memory_space<vmem>>) semaphore(%arg26 : memref<!tpu.dma_semaphore, #tpu.memory_space<semaphore_mem>>) {add = true}
    %dma_wait3A_146 = arith.constant 151 : i32
    %dma_wait3A_147 = arith.constant 0 : i32
    %dma_wait3A_148 = tpu.memref_slice %arg8[%dma_wait3A_146, %dma_wait3A_147] : memref<160x128xi32, #tpu.memory_space<vmem>> -> memref<1x128xi32, #tpu.memory_space<vmem>>
    %dma_wait3A_149 = tpu.memref_squeeze %dma_wait3A_148 : memref<1x128xi32, #tpu.memory_space<vmem>> -> memref<128xi32, #tpu.memory_space<vmem>>
    %dma_wait3A_150 = arith.constant 0 : i32
    %dma_wait3A_151 = arith.constant 0 : i32
    %dma_wait3A_152 = tpu.memref_slice %arg15[%dma_wait3A_150, %dma_wait3A_151] : memref<10112x32xbf16, #tpu.memory_space<vmem_shared>> -> memref<10112x32xbf16, #tpu.memory_space<vmem_shared>>
    tpu.wait_indirect_dma semaphore(%arg24 : memref<!tpu.dma_semaphore, #tpu.memory_space<semaphore_mem>>) src(%arg10 : memref<128x32xbf16, #tpu.memory_space<vmem>>) dst(%dma_wait3A_152 : memref<10112x32xbf16, #tpu.memory_space<vmem_shared>>)
    %dma_start3A_153 = arith.constant 157 : i32
    %dma_start3A_154 = arith.constant 0 : i32
    %dma_start3A_155 = tpu.memref_slice %arg7[%dma_start3A_153, %dma_start3A_154] : memref<160x128xi32, #tpu.memory_space<vmem>> -> memref<1x128xi32, #tpu.memory_space<vmem>>
    %dma_start3A_156 = tpu.memref_squeeze %dma_start3A_155 : memref<1x128xi32, #tpu.memory_space<vmem>> -> memref<128xi32, #tpu.memory_space<vmem>>
    %dma_start3A_157 = arith.constant 0 : i32
    %dma_start3A_158 = arith.constant 0 : i32
    %dma_start3A_159 = tpu.memref_slice %arg16[%dma_start3A_157, %dma_start3A_158] : memref<10000x32xbf16, #tpu.memory_space<vmem_shared>> -> memref<10000x32xbf16, #tpu.memory_space<vmem_shared>>
    tpu.enqueue_indirect_dma source(%dma_start3A_159 : memref<10000x32xbf16, #tpu.memory_space<vmem_shared>>) target(%arg10 : memref<128x32xbf16, #tpu.memory_space<vmem>>) offsets(%dma_start3A_156 : memref<128xi32, #tpu.memory_space<vmem>>) semaphore(%arg18 : memref<!tpu.dma_semaphore, #tpu.memory_space<semaphore_mem>>)
    %dma_wait3A_160 = arith.constant 154 : i32
    %dma_wait3A_161 = arith.constant 0 : i32
    %dma_wait3A_162 = tpu.memref_slice %arg7[%dma_wait3A_160, %dma_wait3A_161] : memref<160x128xi32, #tpu.memory_space<vmem>> -> memref<1x128xi32, #tpu.memory_space<vmem>>
    %dma_wait3A_163 = tpu.memref_squeeze %dma_wait3A_162 : memref<1x128xi32, #tpu.memory_space<vmem>> -> memref<128xi32, #tpu.memory_space<vmem>>
    %dma_wait3A_164 = arith.constant 0 : i32
    %dma_wait3A_165 = arith.constant 0 : i32
    %dma_wait3A_166 = tpu.memref_slice %arg16[%dma_wait3A_164, %dma_wait3A_165] : memref<10000x32xbf16, #tpu.memory_space<vmem_shared>> -> memref<10000x32xbf16, #tpu.memory_space<vmem_shared>>
    tpu.wait_indirect_dma semaphore(%arg21 : memref<!tpu.dma_semaphore, #tpu.memory_space<semaphore_mem>>) src(%dma_wait3A_166 : memref<10000x32xbf16, #tpu.memory_space<vmem_shared>>) dst(%arg13 : memref<128x32xbf16, #tpu.memory_space<vmem>>)
    %dma_start3A_167 = arith.constant 154 : i32
    %dma_start3A_168 = arith.constant 0 : i32
    %dma_start3A_169 = tpu.memref_slice %arg8[%dma_start3A_167, %dma_start3A_168] : memref<160x128xi32, #tpu.memory_space<vmem>> -> memref<1x128xi32, #tpu.memory_space<vmem>>
    %dma_start3A_170 = tpu.memref_squeeze %dma_start3A_169 : memref<1x128xi32, #tpu.memory_space<vmem>> -> memref<128xi32, #tpu.memory_space<vmem>>
    %dma_start3A_171 = arith.constant 0 : i32
    %dma_start3A_172 = arith.constant 0 : i32
    %dma_start3A_173 = tpu.memref_slice %arg15[%dma_start3A_171, %dma_start3A_172] : memref<10112x32xbf16, #tpu.memory_space<vmem_shared>> -> memref<10112x32xbf16, #tpu.memory_space<vmem_shared>>
    tpu.enqueue_indirect_dma source(%arg13 : memref<128x32xbf16, #tpu.memory_space<vmem>>) target(%dma_start3A_173 : memref<10112x32xbf16, #tpu.memory_space<vmem_shared>>) offsets(%dma_start3A_170 : memref<128xi32, #tpu.memory_space<vmem>>) semaphore(%arg27 : memref<!tpu.dma_semaphore, #tpu.memory_space<semaphore_mem>>) {add = true}
    %dma_wait3A_174 = arith.constant 152 : i32
    %dma_wait3A_175 = arith.constant 0 : i32
    %dma_wait3A_176 = tpu.memref_slice %arg8[%dma_wait3A_174, %dma_wait3A_175] : memref<160x128xi32, #tpu.memory_space<vmem>> -> memref<1x128xi32, #tpu.memory_space<vmem>>
    %dma_wait3A_177 = tpu.memref_squeeze %dma_wait3A_176 : memref<1x128xi32, #tpu.memory_space<vmem>> -> memref<128xi32, #tpu.memory_space<vmem>>
    %dma_wait3A_178 = arith.constant 0 : i32
    %dma_wait3A_179 = arith.constant 0 : i32
    %dma_wait3A_180 = tpu.memref_slice %arg15[%dma_wait3A_178, %dma_wait3A_179] : memref<10112x32xbf16, #tpu.memory_space<vmem_shared>> -> memref<10112x32xbf16, #tpu.memory_space<vmem_shared>>
    tpu.wait_indirect_dma semaphore(%arg25 : memref<!tpu.dma_semaphore, #tpu.memory_space<semaphore_mem>>) src(%arg11 : memref<128x32xbf16, #tpu.memory_space<vmem>>) dst(%dma_wait3A_180 : memref<10112x32xbf16, #tpu.memory_space<vmem_shared>>)
    %dma_start3A_181 = arith.constant 158 : i32
    %dma_start3A_182 = arith.constant 0 : i32
    %dma_start3A_183 = tpu.memref_slice %arg7[%dma_start3A_181, %dma_start3A_182] : memref<160x128xi32, #tpu.memory_space<vmem>> -> memref<1x128xi32, #tpu.memory_space<vmem>>
    %dma_start3A_184 = tpu.memref_squeeze %dma_start3A_183 : memref<1x128xi32, #tpu.memory_space<vmem>> -> memref<128xi32, #tpu.memory_space<vmem>>
    %dma_start3A_185 = arith.constant 0 : i32
    %dma_start3A_186 = arith.constant 0 : i32
    %dma_start3A_187 = tpu.memref_slice %arg16[%dma_start3A_185, %dma_start3A_186] : memref<10000x32xbf16, #tpu.memory_space<vmem_shared>> -> memref<10000x32xbf16, #tpu.memory_space<vmem_shared>>
    tpu.enqueue_indirect_dma source(%dma_start3A_187 : memref<10000x32xbf16, #tpu.memory_space<vmem_shared>>) target(%arg11 : memref<128x32xbf16, #tpu.memory_space<vmem>>) offsets(%dma_start3A_184 : memref<128xi32, #tpu.memory_space<vmem>>) semaphore(%arg19 : memref<!tpu.dma_semaphore, #tpu.memory_space<semaphore_mem>>)
    %dma_wait3A_188 = arith.constant 155 : i32
    %dma_wait3A_189 = arith.constant 0 : i32
    %dma_wait3A_190 = tpu.memref_slice %arg7[%dma_wait3A_188, %dma_wait3A_189] : memref<160x128xi32, #tpu.memory_space<vmem>> -> memref<1x128xi32, #tpu.memory_space<vmem>>
    %dma_wait3A_191 = tpu.memref_squeeze %dma_wait3A_190 : memref<1x128xi32, #tpu.memory_space<vmem>> -> memref<128xi32, #tpu.memory_space<vmem>>
    %dma_wait3A_192 = arith.constant 0 : i32
    %dma_wait3A_193 = arith.constant 0 : i32
    %dma_wait3A_194 = tpu.memref_slice %arg16[%dma_wait3A_192, %dma_wait3A_193] : memref<10000x32xbf16, #tpu.memory_space<vmem_shared>> -> memref<10000x32xbf16, #tpu.memory_space<vmem_shared>>
    tpu.wait_indirect_dma semaphore(%arg22 : memref<!tpu.dma_semaphore, #tpu.memory_space<semaphore_mem>>) src(%dma_wait3A_194 : memref<10000x32xbf16, #tpu.memory_space<vmem_shared>>) dst(%arg14 : memref<128x32xbf16, #tpu.memory_space<vmem>>)
    %dma_start3A_195 = arith.constant 155 : i32
    %dma_start3A_196 = arith.constant 0 : i32
    %dma_start3A_197 = tpu.memref_slice %arg8[%dma_start3A_195, %dma_start3A_196] : memref<160x128xi32, #tpu.memory_space<vmem>> -> memref<1x128xi32, #tpu.memory_space<vmem>>
    %dma_start3A_198 = tpu.memref_squeeze %dma_start3A_197 : memref<1x128xi32, #tpu.memory_space<vmem>> -> memref<128xi32, #tpu.memory_space<vmem>>
    %dma_start3A_199 = arith.constant 0 : i32
    %dma_start3A_200 = arith.constant 0 : i32
    %dma_start3A_201 = tpu.memref_slice %arg15[%dma_start3A_199, %dma_start3A_200] : memref<10112x32xbf16, #tpu.memory_space<vmem_shared>> -> memref<10112x32xbf16, #tpu.memory_space<vmem_shared>>
    tpu.enqueue_indirect_dma source(%arg14 : memref<128x32xbf16, #tpu.memory_space<vmem>>) target(%dma_start3A_201 : memref<10112x32xbf16, #tpu.memory_space<vmem_shared>>) offsets(%dma_start3A_198 : memref<128xi32, #tpu.memory_space<vmem>>) semaphore(%arg28 : memref<!tpu.dma_semaphore, #tpu.memory_space<semaphore_mem>>) {add = true}
    %dma_wait3A_202 = arith.constant 153 : i32
    %dma_wait3A_203 = arith.constant 0 : i32
    %dma_wait3A_204 = tpu.memref_slice %arg8[%dma_wait3A_202, %dma_wait3A_203] : memref<160x128xi32, #tpu.memory_space<vmem>> -> memref<1x128xi32, #tpu.memory_space<vmem>>
    %dma_wait3A_205 = tpu.memref_squeeze %dma_wait3A_204 : memref<1x128xi32, #tpu.memory_space<vmem>> -> memref<128xi32, #tpu.memory_space<vmem>>
    %dma_wait3A_206 = arith.constant 0 : i32
    %dma_wait3A_207 = arith.constant 0 : i32
    %dma_wait3A_208 = tpu.memref_slice %arg15[%dma_wait3A_206, %dma_wait3A_207] : memref<10112x32xbf16, #tpu.memory_space<vmem_shared>> -> memref<10112x32xbf16, #tpu.memory_space<vmem_shared>>
    tpu.wait_indirect_dma semaphore(%arg26 : memref<!tpu.dma_semaphore, #tpu.memory_space<semaphore_mem>>) src(%arg12 : memref<128x32xbf16, #tpu.memory_space<vmem>>) dst(%dma_wait3A_208 : memref<10112x32xbf16, #tpu.memory_space<vmem_shared>>)
    %dma_start3A_209 = arith.constant 159 : i32
    %dma_start3A_210 = arith.constant 0 : i32
    %dma_start3A_211 = tpu.memref_slice %arg7[%dma_start3A_209, %dma_start3A_210] : memref<160x128xi32, #tpu.memory_space<vmem>> -> memref<1x128xi32, #tpu.memory_space<vmem>>
    %dma_start3A_212 = tpu.memref_squeeze %dma_start3A_211 : memref<1x128xi32, #tpu.memory_space<vmem>> -> memref<128xi32, #tpu.memory_space<vmem>>
    %dma_start3A_213 = arith.constant 0 : i32
    %dma_start3A_214 = arith.constant 0 : i32
    %dma_start3A_215 = tpu.memref_slice %arg16[%dma_start3A_213, %dma_start3A_214] : memref<10000x32xbf16, #tpu.memory_space<vmem_shared>> -> memref<10000x32xbf16, #tpu.memory_space<vmem_shared>>
    tpu.enqueue_indirect_dma source(%dma_start3A_215 : memref<10000x32xbf16, #tpu.memory_space<vmem_shared>>) target(%arg12 : memref<128x32xbf16, #tpu.memory_space<vmem>>) offsets(%dma_start3A_212 : memref<128xi32, #tpu.memory_space<vmem>>) semaphore(%arg20 : memref<!tpu.dma_semaphore, #tpu.memory_space<semaphore_mem>>)
    %dma_wait3A_216 = arith.constant 156 : i32
    %dma_wait3A_217 = arith.constant 0 : i32
    %dma_wait3A_218 = tpu.memref_slice %arg7[%dma_wait3A_216, %dma_wait3A_217] : memref<160x128xi32, #tpu.memory_space<vmem>> -> memref<1x128xi32, #tpu.memory_space<vmem>>
    %dma_wait3A_219 = tpu.memref_squeeze %dma_wait3A_218 : memref<1x128xi32, #tpu.memory_space<vmem>> -> memref<128xi32, #tpu.memory_space<vmem>>
    %dma_wait3A_220 = arith.constant 0 : i32
    %dma_wait3A_221 = arith.constant 0 : i32
    %dma_wait3A_222 = tpu.memref_slice %arg16[%dma_wait3A_220, %dma_wait3A_221] : memref<10000x32xbf16, #tpu.memory_space<vmem_shared>> -> memref<10000x32xbf16, #tpu.memory_space<vmem_shared>>
    tpu.wait_indirect_dma semaphore(%arg17 : memref<!tpu.dma_semaphore, #tpu.memory_space<semaphore_mem>>) src(%dma_wait3A_222 : memref<10000x32xbf16, #tpu.memory_space<vmem_shared>>) dst(%arg9 : memref<128x32xbf16, #tpu.memory_space<vmem>>)
    %dma_start3A_223 = arith.constant 156 : i32
    %dma_start3A_224 = arith.constant 0 : i32
    %dma_start3A_225 = tpu.memref_slice %arg8[%dma_start3A_223, %dma_start3A_224] : memref<160x128xi32, #tpu.memory_space<vmem>> -> memref<1x128xi32, #tpu.memory_space<vmem>>
    %dma_start3A_226 = tpu.memref_squeeze %dma_start3A_225 : memref<1x128xi32, #tpu.memory_space<vmem>> -> memref<128xi32, #tpu.memory_space<vmem>>
    %dma_start3A_227 = arith.constant 0 : i32
    %dma_start3A_228 = arith.constant 0 : i32
    %dma_start3A_229 = tpu.memref_slice %arg15[%dma_start3A_227, %dma_start3A_228] : memref<10112x32xbf16, #tpu.memory_space<vmem_shared>> -> memref<10112x32xbf16, #tpu.memory_space<vmem_shared>>
    tpu.enqueue_indirect_dma source(%arg9 : memref<128x32xbf16, #tpu.memory_space<vmem>>) target(%dma_start3A_229 : memref<10112x32xbf16, #tpu.memory_space<vmem_shared>>) offsets(%dma_start3A_226 : memref<128xi32, #tpu.memory_space<vmem>>) semaphore(%arg23 : memref<!tpu.dma_semaphore, #tpu.memory_space<semaphore_mem>>) {add = true}
    %dma_wait3A_230 = arith.constant 154 : i32
    %dma_wait3A_231 = arith.constant 0 : i32
    %dma_wait3A_232 = tpu.memref_slice %arg8[%dma_wait3A_230, %dma_wait3A_231] : memref<160x128xi32, #tpu.memory_space<vmem>> -> memref<1x128xi32, #tpu.memory_space<vmem>>
    %dma_wait3A_233 = tpu.memref_squeeze %dma_wait3A_232 : memref<1x128xi32, #tpu.memory_space<vmem>> -> memref<128xi32, #tpu.memory_space<vmem>>
    %dma_wait3A_234 = arith.constant 0 : i32
    %dma_wait3A_235 = arith.constant 0 : i32
    %dma_wait3A_236 = tpu.memref_slice %arg15[%dma_wait3A_234, %dma_wait3A_235] : memref<10112x32xbf16, #tpu.memory_space<vmem_shared>> -> memref<10112x32xbf16, #tpu.memory_space<vmem_shared>>
    tpu.wait_indirect_dma semaphore(%arg27 : memref<!tpu.dma_semaphore, #tpu.memory_space<semaphore_mem>>) src(%arg13 : memref<128x32xbf16, #tpu.memory_space<vmem>>) dst(%dma_wait3A_236 : memref<10112x32xbf16, #tpu.memory_space<vmem_shared>>)
    %dma_wait3A_237 = arith.constant 157 : i32
    %dma_wait3A_238 = arith.constant 0 : i32
    %dma_wait3A_239 = tpu.memref_slice %arg7[%dma_wait3A_237, %dma_wait3A_238] : memref<160x128xi32, #tpu.memory_space<vmem>> -> memref<1x128xi32, #tpu.memory_space<vmem>>
    %dma_wait3A_240 = tpu.memref_squeeze %dma_wait3A_239 : memref<1x128xi32, #tpu.memory_space<vmem>> -> memref<128xi32, #tpu.memory_space<vmem>>
    %dma_wait3A_241 = arith.constant 0 : i32
    %dma_wait3A_242 = arith.constant 0 : i32
    %dma_wait3A_243 = tpu.memref_slice %arg16[%dma_wait3A_241, %dma_wait3A_242] : memref<10000x32xbf16, #tpu.memory_space<vmem_shared>> -> memref<10000x32xbf16, #tpu.memory_space<vmem_shared>>
    tpu.wait_indirect_dma semaphore(%arg18 : memref<!tpu.dma_semaphore, #tpu.memory_space<semaphore_mem>>) src(%dma_wait3A_243 : memref<10000x32xbf16, #tpu.memory_space<vmem_shared>>) dst(%arg10 : memref<128x32xbf16, #tpu.memory_space<vmem>>)
    %dma_start3A_244 = arith.constant 157 : i32
    %dma_start3A_245 = arith.constant 0 : i32
    %dma_start3A_246 = tpu.memref_slice %arg8[%dma_start3A_244, %dma_start3A_245] : memref<160x128xi32, #tpu.memory_space<vmem>> -> memref<1x128xi32, #tpu.memory_space<vmem>>
    %dma_start3A_247 = tpu.memref_squeeze %dma_start3A_246 : memref<1x128xi32, #tpu.memory_space<vmem>> -> memref<128xi32, #tpu.memory_space<vmem>>
    %dma_start3A_248 = arith.constant 0 : i32
    %dma_start3A_249 = arith.constant 0 : i32
    %dma_start3A_250 = tpu.memref_slice %arg15[%dma_start3A_248, %dma_start3A_249] : memref<10112x32xbf16, #tpu.memory_space<vmem_shared>> -> memref<10112x32xbf16, #tpu.memory_space<vmem_shared>>
    tpu.enqueue_indirect_dma source(%arg10 : memref<128x32xbf16, #tpu.memory_space<vmem>>) target(%dma_start3A_250 : memref<10112x32xbf16, #tpu.memory_space<vmem_shared>>) offsets(%dma_start3A_247 : memref<128xi32, #tpu.memory_space<vmem>>) semaphore(%arg24 : memref<!tpu.dma_semaphore, #tpu.memory_space<semaphore_mem>>) {add = true}
    %dma_wait3A_251 = arith.constant 155 : i32
    %dma_wait3A_252 = arith.constant 0 : i32
    %dma_wait3A_253 = tpu.memref_slice %arg8[%dma_wait3A_251, %dma_wait3A_252] : memref<160x128xi32, #tpu.memory_space<vmem>> -> memref<1x128xi32, #tpu.memory_space<vmem>>
    %dma_wait3A_254 = tpu.memref_squeeze %dma_wait3A_253 : memref<1x128xi32, #tpu.memory_space<vmem>> -> memref<128xi32, #tpu.memory_space<vmem>>
    %dma_wait3A_255 = arith.constant 0 : i32
    %dma_wait3A_256 = arith.constant 0 : i32
    %dma_wait3A_257 = tpu.memref_slice %arg15[%dma_wait3A_255, %dma_wait3A_256] : memref<10112x32xbf16, #tpu.memory_space<vmem_shared>> -> memref<10112x32xbf16, #tpu.memory_space<vmem_shared>>
    tpu.wait_indirect_dma semaphore(%arg28 : memref<!tpu.dma_semaphore, #tpu.memory_space<semaphore_mem>>) src(%arg14 : memref<128x32xbf16, #tpu.memory_space<vmem>>) dst(%dma_wait3A_257 : memref<10112x32xbf16, #tpu.memory_space<vmem_shared>>)
    %dma_wait3A_258 = arith.constant 158 : i32
    %dma_wait3A_259 = arith.constant 0 : i32
    %dma_wait3A_260 = tpu.memref_slice %arg7[%dma_wait3A_258, %dma_wait3A_259] : memref<160x128xi32, #tpu.memory_space<vmem>> -> memref<1x128xi32, #tpu.memory_space<vmem>>
    %dma_wait3A_261 = tpu.memref_squeeze %dma_wait3A_260 : memref<1x128xi32, #tpu.memory_space<vmem>> -> memref<128xi32, #tpu.memory_space<vmem>>
    %dma_wait3A_262 = arith.constant 0 : i32
    %dma_wait3A_263 = arith.constant 0 : i32
    %dma_wait3A_264 = tpu.memref_slice %arg16[%dma_wait3A_262, %dma_wait3A_263] : memref<10000x32xbf16, #tpu.memory_space<vmem_shared>> -> memref<10000x32xbf16, #tpu.memory_space<vmem_shared>>
    tpu.wait_indirect_dma semaphore(%arg19 : memref<!tpu.dma_semaphore, #tpu.memory_space<semaphore_mem>>) src(%dma_wait3A_264 : memref<10000x32xbf16, #tpu.memory_space<vmem_shared>>) dst(%arg11 : memref<128x32xbf16, #tpu.memory_space<vmem>>)
    %dma_start3A_265 = arith.constant 158 : i32
    %dma_start3A_266 = arith.constant 0 : i32
    %dma_start3A_267 = tpu.memref_slice %arg8[%dma_start3A_265, %dma_start3A_266] : memref<160x128xi32, #tpu.memory_space<vmem>> -> memref<1x128xi32, #tpu.memory_space<vmem>>
    %dma_start3A_268 = tpu.memref_squeeze %dma_start3A_267 : memref<1x128xi32, #tpu.memory_space<vmem>> -> memref<128xi32, #tpu.memory_space<vmem>>
    %dma_start3A_269 = arith.constant 0 : i32
    %dma_start3A_270 = arith.constant 0 : i32
    %dma_start3A_271 = tpu.memref_slice %arg15[%dma_start3A_269, %dma_start3A_270] : memref<10112x32xbf16, #tpu.memory_space<vmem_shared>> -> memref<10112x32xbf16, #tpu.memory_space<vmem_shared>>
    tpu.enqueue_indirect_dma source(%arg11 : memref<128x32xbf16, #tpu.memory_space<vmem>>) target(%dma_start3A_271 : memref<10112x32xbf16, #tpu.memory_space<vmem_shared>>) offsets(%dma_start3A_268 : memref<128xi32, #tpu.memory_space<vmem>>) semaphore(%arg25 : memref<!tpu.dma_semaphore, #tpu.memory_space<semaphore_mem>>) {add = true}
    %dma_wait3A_272 = arith.constant 156 : i32
    %dma_wait3A_273 = arith.constant 0 : i32
    %dma_wait3A_274 = tpu.memref_slice %arg8[%dma_wait3A_272, %dma_wait3A_273] : memref<160x128xi32, #tpu.memory_space<vmem>> -> memref<1x128xi32, #tpu.memory_space<vmem>>
    %dma_wait3A_275 = tpu.memref_squeeze %dma_wait3A_274 : memref<1x128xi32, #tpu.memory_space<vmem>> -> memref<128xi32, #tpu.memory_space<vmem>>
    %dma_wait3A_276 = arith.constant 0 : i32
    %dma_wait3A_277 = arith.constant 0 : i32
    %dma_wait3A_278 = tpu.memref_slice %arg15[%dma_wait3A_276, %dma_wait3A_277] : memref<10112x32xbf16, #tpu.memory_space<vmem_shared>> -> memref<10112x32xbf16, #tpu.memory_space<vmem_shared>>
    tpu.wait_indirect_dma semaphore(%arg23 : memref<!tpu.dma_semaphore, #tpu.memory_space<semaphore_mem>>) src(%arg9 : memref<128x32xbf16, #tpu.memory_space<vmem>>) dst(%dma_wait3A_278 : memref<10112x32xbf16, #tpu.memory_space<vmem_shared>>)
    %dma_wait3A_279 = arith.constant 159 : i32
    %dma_wait3A_280 = arith.constant 0 : i32
    %dma_wait3A_281 = tpu.memref_slice %arg7[%dma_wait3A_279, %dma_wait3A_280] : memref<160x128xi32, #tpu.memory_space<vmem>> -> memref<1x128xi32, #tpu.memory_space<vmem>>
    %dma_wait3A_282 = tpu.memref_squeeze %dma_wait3A_281 : memref<1x128xi32, #tpu.memory_space<vmem>> -> memref<128xi32, #tpu.memory_space<vmem>>
    %dma_wait3A_283 = arith.constant 0 : i32
    %dma_wait3A_284 = arith.constant 0 : i32
    %dma_wait3A_285 = tpu.memref_slice %arg16[%dma_wait3A_283, %dma_wait3A_284] : memref<10000x32xbf16, #tpu.memory_space<vmem_shared>> -> memref<10000x32xbf16, #tpu.memory_space<vmem_shared>>
    tpu.wait_indirect_dma semaphore(%arg20 : memref<!tpu.dma_semaphore, #tpu.memory_space<semaphore_mem>>) src(%dma_wait3A_285 : memref<10000x32xbf16, #tpu.memory_space<vmem_shared>>) dst(%arg12 : memref<128x32xbf16, #tpu.memory_space<vmem>>)
    %dma_start3A_286 = arith.constant 159 : i32
    %dma_start3A_287 = arith.constant 0 : i32
    %dma_start3A_288 = tpu.memref_slice %arg8[%dma_start3A_286, %dma_start3A_287] : memref<160x128xi32, #tpu.memory_space<vmem>> -> memref<1x128xi32, #tpu.memory_space<vmem>>
    %dma_start3A_289 = tpu.memref_squeeze %dma_start3A_288 : memref<1x128xi32, #tpu.memory_space<vmem>> -> memref<128xi32, #tpu.memory_space<vmem>>
    %dma_start3A_290 = arith.constant 0 : i32
    %dma_start3A_291 = arith.constant 0 : i32
    %dma_start3A_292 = tpu.memref_slice %arg15[%dma_start3A_290, %dma_start3A_291] : memref<10112x32xbf16, #tpu.memory_space<vmem_shared>> -> memref<10112x32xbf16, #tpu.memory_space<vmem_shared>>
    tpu.enqueue_indirect_dma source(%arg12 : memref<128x32xbf16, #tpu.memory_space<vmem>>) target(%dma_start3A_292 : memref<10112x32xbf16, #tpu.memory_space<vmem_shared>>) offsets(%dma_start3A_289 : memref<128xi32, #tpu.memory_space<vmem>>) semaphore(%arg26 : memref<!tpu.dma_semaphore, #tpu.memory_space<semaphore_mem>>) {add = true}
    %dma_wait3A_293 = arith.constant 157 : i32
    %dma_wait3A_294 = arith.constant 0 : i32
    %dma_wait3A_295 = tpu.memref_slice %arg8[%dma_wait3A_293, %dma_wait3A_294] : memref<160x128xi32, #tpu.memory_space<vmem>> -> memref<1x128xi32, #tpu.memory_space<vmem>>
    %dma_wait3A_296 = tpu.memref_squeeze %dma_wait3A_295 : memref<1x128xi32, #tpu.memory_space<vmem>> -> memref<128xi32, #tpu.memory_space<vmem>>
    %dma_wait3A_297 = arith.constant 0 : i32
    %dma_wait3A_298 = arith.constant 0 : i32
    %dma_wait3A_299 = tpu.memref_slice %arg15[%dma_wait3A_297, %dma_wait3A_298] : memref<10112x32xbf16, #tpu.memory_space<vmem_shared>> -> memref<10112x32xbf16, #tpu.memory_space<vmem_shared>>
    tpu.wait_indirect_dma semaphore(%arg24 : memref<!tpu.dma_semaphore, #tpu.memory_space<semaphore_mem>>) src(%arg10 : memref<128x32xbf16, #tpu.memory_space<vmem>>) dst(%dma_wait3A_299 : memref<10112x32xbf16, #tpu.memory_space<vmem_shared>>)
    %dma_wait3A_300 = arith.constant 158 : i32
    %dma_wait3A_301 = arith.constant 0 : i32
    %dma_wait3A_302 = tpu.memref_slice %arg8[%dma_wait3A_300, %dma_wait3A_301] : memref<160x128xi32, #tpu.memory_space<vmem>> -> memref<1x128xi32, #tpu.memory_space<vmem>>
    %dma_wait3A_303 = tpu.memref_squeeze %dma_wait3A_302 : memref<1x128xi32, #tpu.memory_space<vmem>> -> memref<128xi32, #tpu.memory_space<vmem>>
    %dma_wait3A_304 = arith.constant 0 : i32
    %dma_wait3A_305 = arith.constant 0 : i32
    %dma_wait3A_306 = tpu.memref_slice %arg15[%dma_wait3A_304, %dma_wait3A_305] : memref<10112x32xbf16, #tpu.memory_space<vmem_shared>> -> memref<10112x32xbf16, #tpu.memory_space<vmem_shared>>
    tpu.wait_indirect_dma semaphore(%arg25 : memref<!tpu.dma_semaphore, #tpu.memory_space<semaphore_mem>>) src(%arg11 : memref<128x32xbf16, #tpu.memory_space<vmem>>) dst(%dma_wait3A_306 : memref<10112x32xbf16, #tpu.memory_space<vmem_shared>>)
    %dma_wait3A_307 = arith.constant 159 : i32
    %dma_wait3A_308 = arith.constant 0 : i32
    %dma_wait3A_309 = tpu.memref_slice %arg8[%dma_wait3A_307, %dma_wait3A_308] : memref<160x128xi32, #tpu.memory_space<vmem>> -> memref<1x128xi32, #tpu.memory_space<vmem>>
    %dma_wait3A_310 = tpu.memref_squeeze %dma_wait3A_309 : memref<1x128xi32, #tpu.memory_space<vmem>> -> memref<128xi32, #tpu.memory_space<vmem>>
    %dma_wait3A_311 = arith.constant 0 : i32
    %dma_wait3A_312 = arith.constant 0 : i32
    %dma_wait3A_313 = tpu.memref_slice %arg15[%dma_wait3A_311, %dma_wait3A_312] : memref<10112x32xbf16, #tpu.memory_space<vmem_shared>> -> memref<10112x32xbf16, #tpu.memory_space<vmem_shared>>
    tpu.wait_indirect_dma semaphore(%arg26 : memref<!tpu.dma_semaphore, #tpu.memory_space<semaphore_mem>>) src(%arg12 : memref<128x32xbf16, #tpu.memory_space<vmem>>) dst(%dma_wait3A_313 : memref<10112x32xbf16, #tpu.memory_space<vmem_shared>>)
    %barrier3A_314 = arith.constant 0 : index
    tpu.barrier barrier_id(%barrier3A_314)
    %mul3A_315 = arith.constant 632 : i32
    %mul3A_316 = arith.muli %arg1, %mul3A_315 : i32
    %mul3A_317 = arith.constant 632 : i32
    %mul3A_318 = arith.muli %arg1, %mul3A_317 : i32
    "tpu.region"() ({
      %run_scoped3A = tpu.sem_alloc : memref<!tpu.dma_semaphore, #tpu.memory_space<semaphore_mem>>
      %dma_start3A_319 = arith.constant 0 : i32
      %dma_start3A_320 = tpu.memref_slice %arg6[%arg0, %mul3A_318, %dma_start3A_319] : memref<2x10112x32xbf16, #tpu.memory_space<hbm>> -> memref<1x632x32xbf16, #tpu.memory_space<hbm>>
      %dma_start3A_321 = tpu.memref_squeeze %dma_start3A_320 : memref<1x632x32xbf16, #tpu.memory_space<hbm>> -> memref<632x32xbf16, #tpu.memory_space<hbm>>
      %dma_start3A_322 = arith.constant 0 : i32
      %dma_start3A_323 = tpu.memref_slice %arg15[%mul3A_316, %dma_start3A_322] : memref<10112x32xbf16, #tpu.memory_space<vmem_shared>> -> memref<632x32xbf16, #tpu.memory_space<vmem_shared>>
      tpu.enqueue_dma source(%dma_start3A_323 : memref<632x32xbf16, #tpu.memory_space<vmem_shared>>) target(%dma_start3A_321 : memref<632x32xbf16, #tpu.memory_space<hbm>>) target_semaphore(%run_scoped3A : memref<!tpu.dma_semaphore, #tpu.memory_space<semaphore_mem>>)
      %dma_wait3A_324 = arith.constant 0 : i32
      %dma_wait3A_325 = tpu.memref_slice %arg6[%arg0, %mul3A_318, %dma_wait3A_324] : memref<2x10112x32xbf16, #tpu.memory_space<hbm>> -> memref<1x632x32xbf16, #tpu.memory_space<hbm>>
      %dma_wait3A_326 = tpu.memref_squeeze %dma_wait3A_325 : memref<1x632x32xbf16, #tpu.memory_space<hbm>> -> memref<632x32xbf16, #tpu.memory_space<hbm>>
      %dma_wait3A_327 = arith.constant 0 : i32
      %dma_wait3A_328 = tpu.memref_slice %arg15[%mul3A_316, %dma_wait3A_327] : memref<10112x32xbf16, #tpu.memory_space<vmem_shared>> -> memref<632x32xbf16, #tpu.memory_space<vmem_shared>>
      tpu.wait_dma2 semaphore(%run_scoped3A : memref<!tpu.dma_semaphore, #tpu.memory_space<semaphore_mem>>) src(%dma_wait3A_328 : memref<632x32xbf16, #tpu.memory_space<vmem_shared>>) dst(%dma_wait3A_326 : memref<632x32xbf16, #tpu.memory_space<hbm>>)
      tpu.yield
    }) : () -> ()
    return
  }
}

module attributes {stable_mosaic.version = 14 : i64} {
  func.func @_mm0_body(%arg0: i32, %arg1: i32, %arg2: memref<2000x128xf32, #tpu.memory_space<vmem>>, %arg3: memref<1x128x64xf32, #tpu.memory_space<vmem>>, %arg4: memref<1x2000x64xbf16, #tpu.memory_space<vmem>>) attributes {dimension_semantics = [#tpu.dimension_semantics<arbitrary>, #tpu.dimension_semantics<arbitrary>], iteration_bounds = array<i64: 5, 2>, scalar_prefetch = 0 : i64, scratch_operands = 0 : i64, tpu.core_type = #tpu.core_type<tc>, window_params = [{transform_indices = @transform_0, window_bounds = array<i64: 2000, 128>}, {transform_indices = @transform_1, window_bounds = array<i64: 1, 128, 64>}, {transform_indices = @transform_2, window_bounds = array<i64: 1, 2000, 64>}]} {
    %get3A = arith.constant 0 : index
    %get3A_0 = arith.constant 0 : index
    %get3A_1 = vector.load %arg2[%get3A, %get3A_0] : memref<2000x128xf32, #tpu.memory_space<vmem>>, vector<2000x128xf32>
    %get3A_2 = arith.constant 0 : index
    %get3A_3 = arith.constant 0 : index
    %get3A_4 = arith.constant 0 : index
    %get3A_5 = vector.load %arg3[%get3A_2, %get3A_3, %get3A_4] : memref<1x128x64xf32, #tpu.memory_space<vmem>>, vector<1x128x64xf32>
    %get3A_6 = vector.shape_cast %get3A_5 : vector<1x128x64xf32> to vector<128x64xf32>
    %dot_general3A = arith.constant dense<0.000000e+00> : vector<2000x64xf32>
    %dot_general3A_7 = tpu.matmul %get3A_1, %get3A_6, %dot_general3A {dimension_numbers = #tpu.dot_dimension_numbers<[1], [0], [0], [1], [0, 0, 1, 1], [], []>, transpose_lhs_hint = false} : vector<2000x128xf32>, vector<128x64xf32>, vector<2000x64xf32> -> vector<2000x64xf32>
    %convert_element_type3A = arith.truncf %dot_general3A_7 : vector<2000x64xf32> to vector<2000x64xbf16>
    %swap3A = arith.constant 0 : index
    %swap3A_8 = arith.constant 0 : index
    %swap3A_9 = arith.constant 0 : index
    %swap3A_10 = vector.load %arg4[%swap3A, %swap3A_8, %swap3A_9] : memref<1x2000x64xbf16, #tpu.memory_space<vmem>>, vector<1x2000x64xbf16>
    %swap3A_11 = vector.shape_cast %swap3A_10 : vector<1x2000x64xbf16> to vector<2000x64xbf16>
    %swap3A_12 = vector.shape_cast %convert_element_type3A : vector<2000x64xbf16> to vector<1x2000x64xbf16>
    tpu.vector_store %arg4[%swap3A, %swap3A_8, %swap3A_9], %swap3A_12 {strides = array<i32>} : memref<1x2000x64xbf16, #tpu.memory_space<vmem>>, vector<1x2000x64xbf16>,
    return
  }
  func.func @transform_0(%arg0: i32, %arg1: i32) -> (i32, i32) {
    %c0_i32 = arith.constant 0 : i32
    %c0_i32_0 = arith.constant 0 : i32
    return %arg0, %c0_i32 : i32, i32
  }
  func.func @transform_1(%arg0: i32, %arg1: i32) -> (i32, i32, i32) {
    %c0_i32 = arith.constant 0 : i32
    %c0_i32_0 = arith.constant 0 : i32
    %c0_i32_1 = arith.constant 0 : i32
    return %arg1, %c0_i32, %c0_i32_0 : i32, i32, i32
  }
  func.func @transform_2(%arg0: i32, %arg1: i32) -> (i32, i32, i32) {
    %c0_i32 = arith.constant 0 : i32
    %c0_i32_0 = arith.constant 0 : i32
    return %arg1, %arg0, %c0_i32 : i32, i32, i32
  }
}

module attributes {stable_mosaic.version = 14 : i64} {
  func.func @_fuse1_body(%arg0: i32, %arg1: i32, %arg2: memref<2x2000x64xf32, #tpu.memory_space<vmem>>, %arg3: memref<1x128xf32, #tpu.memory_space<vmem>>, %arg4: memref<1x128x32xf32, #tpu.memory_space<vmem>>, %arg5: memref<1x2000x32xbf16, #tpu.memory_space<vmem>>) attributes {dimension_semantics = [#tpu.dimension_semantics<arbitrary>, #tpu.dimension_semantics<arbitrary>], iteration_bounds = array<i64: 5, 2>, scalar_prefetch = 0 : i64, scratch_operands = 0 : i64, tpu.core_type = #tpu.core_type<tc>, window_params = [{transform_indices = @transform_0, window_bounds = array<i64: 2, 2000, 64>}, {pipeline_mode = #tpu.pipeline_mode<synchronous>, transform_indices = @transform_1, window_bounds = array<i64: 1, 128>}, {transform_indices = @transform_2, window_bounds = array<i64: 1, 128, 32>}, {transform_indices = @transform_3, window_bounds = array<i64: 1, 2000, 32>}]} {
    %get3A = arith.constant 0 : index
    %get3A_0 = arith.constant 0 : index
    %get3A_1 = arith.constant 0 : index
    %get3A_2 = vector.load %arg2[%get3A, %get3A_0, %get3A_1] : memref<2x2000x64xf32, #tpu.memory_space<vmem>>, vector<1x2000x64xf32>
    %get3A_3 = vector.shape_cast %get3A_2 : vector<1x2000x64xf32> to vector<2000x64xf32>
    %get3A_4 = arith.constant 1 : index
    %get3A_5 = arith.constant 0 : index
    %get3A_6 = arith.constant 0 : index
    %get3A_7 = vector.load %arg2[%get3A_4, %get3A_5, %get3A_6] : memref<2x2000x64xf32, #tpu.memory_space<vmem>>, vector<1x2000x64xf32>
    %get3A_8 = vector.shape_cast %get3A_7 : vector<1x2000x64xf32> to vector<2000x64xf32>
    %concatenate3A = tpu.concatenate %get3A_3, %get3A_8 in 1 : vector<2000x64xf32>, vector<2000x64xf32> -> vector<2000x128xf32>
    %get3A_9 = arith.constant 0 : index
    %get3A_10 = arith.constant 0 : index
    %get3A_11 = vector.load %arg3[%get3A_9, %get3A_10] : memref<1x128xf32, #tpu.memory_space<vmem>>, vector<1x128xf32>
    %add3A = vector.broadcast %get3A_11 : vector<1x128xf32> to vector<2000x128xf32>
    %add3A_12 = arith.addf %concatenate3A, %add3A : vector<2000x128xf32>
    %max3A = arith.constant 0.000000e+00 : f32
    %max3A_13 = vector.broadcast %max3A : f32 to vector<2000x128xf32>
    %max3A_14 = arith.maximumf %add3A_12, %max3A_13 : vector<2000x128xf32>
    %get3A_15 = arith.constant 0 : index
    %get3A_16 = arith.constant 0 : index
    %get3A_17 = arith.constant 0 : index
    %get3A_18 = vector.load %arg4[%get3A_15, %get3A_16, %get3A_17] : memref<1x128x32xf32, #tpu.memory_space<vmem>>, vector<1x128x32xf32>
    %get3A_19 = vector.shape_cast %get3A_18 : vector<1x128x32xf32> to vector<128x32xf32>
    %dot_general3A = arith.constant dense<0.000000e+00> : vector<2000x32xf32>
    %dot_general3A_20 = tpu.matmul %max3A_14, %get3A_19, %dot_general3A {dimension_numbers = #tpu.dot_dimension_numbers<[1], [0], [0], [1], [0, 0, 1, 1], [], []>, transpose_lhs_hint = false} : vector<2000x128xf32>, vector<128x32xf32>, vector<2000x32xf32> -> vector<2000x32xf32>
    %convert_element_type3A = arith.truncf %dot_general3A_20 : vector<2000x32xf32> to vector<2000x32xbf16>
    %swap3A = arith.constant 0 : index
    %swap3A_21 = arith.constant 0 : index
    %swap3A_22 = arith.constant 0 : index
    %swap3A_23 = vector.load %arg5[%swap3A, %swap3A_21, %swap3A_22] : memref<1x2000x32xbf16, #tpu.memory_space<vmem>>, vector<1x2000x32xbf16>
    %swap3A_24 = vector.shape_cast %swap3A_23 : vector<1x2000x32xbf16> to vector<2000x32xbf16>
    %swap3A_25 = vector.shape_cast %convert_element_type3A : vector<2000x32xbf16> to vector<1x2000x32xbf16>
    tpu.vector_store %arg5[%swap3A, %swap3A_21, %swap3A_22], %swap3A_25 {strides = array<i32>} : memref<1x2000x32xbf16, #tpu.memory_space<vmem>>, vector<1x2000x32xbf16>,
    return
  }
  func.func @transform_0(%arg0: i32, %arg1: i32) -> (i32, i32, i32) {
    %c0_i32 = arith.constant 0 : i32
    %c0_i32_0 = arith.constant 0 : i32
    %c0_i32_1 = arith.constant 0 : i32
    return %c0_i32, %arg0, %c0_i32_0 : i32, i32, i32
  }
  func.func @transform_1(%arg0: i32, %arg1: i32) -> (i32, i32) {
    %c0_i32 = arith.constant 0 : i32
    %c0_i32_0 = arith.constant 0 : i32
    %c0_i32_1 = arith.constant 0 : i32
    return %c0_i32, %c0_i32_0 : i32, i32
  }
  func.func @transform_2(%arg0: i32, %arg1: i32) -> (i32, i32, i32) {
    %c0_i32 = arith.constant 0 : i32
    %c0_i32_0 = arith.constant 0 : i32
    %c0_i32_1 = arith.constant 0 : i32
    return %arg1, %c0_i32, %c0_i32_0 : i32, i32, i32
  }
  func.func @transform_3(%arg0: i32, %arg1: i32) -> (i32, i32, i32) {
    %c0_i32 = arith.constant 0 : i32
    %c0_i32_0 = arith.constant 0 : i32
    return %arg1, %arg0, %c0_i32 : i32, i32, i32
  }
}

module attributes {stable_mosaic.version = 14 : i64} {
  func.func @_fuse2_body(%arg0: i32, %arg1: memref<2x2000x32xbf16, #tpu.memory_space<vmem>>, %arg2: memref<1x64xf32, #tpu.memory_space<vmem>>, %arg3: memref<2000x64xf32, #tpu.memory_space<vmem>>) attributes {dimension_semantics = [#tpu.dimension_semantics<arbitrary>], iteration_bounds = array<i64: 5>, scalar_prefetch = 0 : i64, scratch_operands = 0 : i64, tpu.core_type = #tpu.core_type<tc>, window_params = [{transform_indices = @transform_0, window_bounds = array<i64: 2, 2000, 32>}, {pipeline_mode = #tpu.pipeline_mode<synchronous>, transform_indices = @transform_1, window_bounds = array<i64: 1, 64>}, {transform_indices = @transform_2, window_bounds = array<i64: 2000, 64>}]} {
    %get3A = arith.constant 0 : index
    %get3A_0 = arith.constant 0 : index
    %get3A_1 = arith.constant 0 : index
    %get3A_2 = vector.load %arg1[%get3A, %get3A_0, %get3A_1] : memref<2x2000x32xbf16, #tpu.memory_space<vmem>>, vector<1x2000x32xbf16>
    %get3A_3 = vector.shape_cast %get3A_2 : vector<1x2000x32xbf16> to vector<2000x32xbf16>
    %get3A_4 = arith.constant 1 : index
    %get3A_5 = arith.constant 0 : index
    %get3A_6 = arith.constant 0 : index
    %get3A_7 = vector.load %arg1[%get3A_4, %get3A_5, %get3A_6] : memref<2x2000x32xbf16, #tpu.memory_space<vmem>>, vector<1x2000x32xbf16>
    %get3A_8 = vector.shape_cast %get3A_7 : vector<1x2000x32xbf16> to vector<2000x32xbf16>
    %concatenate3A = tpu.concatenate %get3A_3, %get3A_8 in 1 : vector<2000x32xbf16>, vector<2000x32xbf16> -> vector<2000x64xbf16>
    %convert_element_type3A = arith.extf %concatenate3A : vector<2000x64xbf16> to vector<2000x64xf32>
    %get3A_9 = arith.constant 0 : index
    %get3A_10 = arith.constant 0 : index
    %get3A_11 = vector.load %arg2[%get3A_9, %get3A_10] : memref<1x64xf32, #tpu.memory_space<vmem>>, vector<1x64xf32>
    %add3A = vector.broadcast %get3A_11 : vector<1x64xf32> to vector<2000x64xf32>
    %add3A_12 = arith.addf %convert_element_type3A, %add3A : vector<2000x64xf32>
    %reduce_max3A = arith.constant dense<0xFF800000> : vector<2000xf32>
    %reduce_max3A_13 = vector.multi_reduction <maximumf>, %add3A_12, %reduce_max3A [1] : vector<2000x64xf32> to vector<2000xf32>
    %broadcast_in_dim3A = vector.shape_cast %reduce_max3A_13 : vector<2000xf32> to vector<2000x1xf32>
    %sub3A = vector.broadcast %broadcast_in_dim3A : vector<2000x1xf32> to vector<2000x64xf32>
    %sub3A_14 = arith.subf %add3A_12, %sub3A : vector<2000x64xf32>
    %exp3A = math.exp %sub3A_14 : vector<2000x64xf32>
    %reduce_sum3A = arith.constant dense<0.000000e+00> : vector<2000xf32>
    %reduce_sum3A_15 = vector.multi_reduction <add>, %exp3A, %reduce_sum3A [1] : vector<2000x64xf32> to vector<2000xf32>
    %broadcast_in_dim3A_16 = vector.shape_cast %reduce_sum3A_15 : vector<2000xf32> to vector<2000x1xf32>
    %sub3A_17 = vector.broadcast %broadcast_in_dim3A : vector<2000x1xf32> to vector<2000x64xf32>
    %sub3A_18 = arith.subf %add3A_12, %sub3A_17 : vector<2000x64xf32>
    %log3A = math.log %broadcast_in_dim3A_16 : vector<2000x1xf32>
    %sub3A_19 = vector.broadcast %log3A : vector<2000x1xf32> to vector<2000x64xf32>
    %sub3A_20 = arith.subf %sub3A_18, %sub3A_19 : vector<2000x64xf32>
    %swap3A = arith.constant 0 : index
    %swap3A_21 = arith.constant 0 : index
    %swap3A_22 = vector.load %arg3[%swap3A, %swap3A_21] : memref<2000x64xf32, #tpu.memory_space<vmem>>, vector<2000x64xf32>
    tpu.vector_store %arg3[%swap3A, %swap3A_21], %sub3A_20 {strides = array<i32>} : memref<2000x64xf32, #tpu.memory_space<vmem>>, vector<2000x64xf32>,
    return
  }
  func.func @transform_0(%arg0: i32) -> (i32, i32, i32) {
    %c0_i32 = arith.constant 0 : i32
    %c0_i32_0 = arith.constant 0 : i32
    %c0_i32_1 = arith.constant 0 : i32
    return %c0_i32, %arg0, %c0_i32_0 : i32, i32, i32
  }
  func.func @transform_1(%arg0: i32) -> (i32, i32) {
    %c0_i32 = arith.constant 0 : i32
    %c0_i32_0 = arith.constant 0 : i32
    %c0_i32_1 = arith.constant 0 : i32
    return %c0_i32, %c0_i32_0 : i32, i32
  }
  func.func @transform_2(%arg0: i32) -> (i32, i32) {
    %c0_i32 = arith.constant 0 : i32
    %c0_i32_0 = arith.constant 0 : i32
    return %arg0, %c0_i32 : i32, i32
  }
}

</mosaic_0001>

<sc_bundles>
// kernel: kernel.10.cloned.1.call-start
scs
__scs_entry_jumppad:
0x0: {  	(pc) =	sbr.rel $0x88, $3  }
0x1: {  	(tag) =	ssettag $0x0;
	lr =	simm.s32 $0x1  }
0x2: {  	[smem:$0x3F9B] =	sst lr;
	_ =	strace $0xD0000000  }
0x3: {  	_ = 	snop  }
0x4: {  	_ = 	snop  }
0x5: {  	_ = 	snop  }
0x6: {  	_ = 	snop  }
0x7: {  	_ = 	snop  }
__scs_overlays_trampoline_lowered:
0x8: {  	[smem:$0x3FAA] =	sst s0  }
0x9: {  	[smem:$0x3FAB] =	sst s1  }
0xa: {  	[smem:$0x3FAC] =	sst s2  }
0xb: {  	[smem:$0x3FAD] =	sst s3  }
0xc: {  	[smem:$0x3FAE] =	sst s4  }
0xd: {  	[smem:$0x3FAF] =	sst s5  }
0xe: {  	[smem:$0x3FB0] =	sst s6  }
0xf: {  	[smem:$0x3FB1] =	sst s7  }
0x10: {  	[smem:$0x3FB2] =	sst s8  }
0x11: {  	[smem:$0x3FB3] =	sst s9;
	s0 =	simm.s32 @!p0 $0x0  }
0x12: {  	s1 =	sld [smem:$0x3F99];
	s0 =	simm.s32 @p0 $0x1  }
0x13: {  	[smem:$0x3FB4] =	sst s0;
	s0 =	simm.s32 @!p1 $0x0  }
0x14: {  	s2 =	sld [smem:$0x3F98];
	s0 =	simm.s32 @p1 $0x1  }
0x15: {  	[smem:$0x3FB5] =	sst s0;
	s0 =	simm.s32 @!p2 $0x0  }
0x16: {  	s3 =	sld [smem:$0x3FDB];
	s0 =	simm.s32 @p2 $0x1  }
0x17: {  	s4 =	simm.s32 $0x1BF5;
	[smem:$0x3FB7] =	sst s0  }
0x18: {  	s0 =	sld [smem:$0x3F9A];
	_ =	swait.ge [sflag:s4], $0x0  }
0x19: {  	s7 =	sld [smem:$0x3F9B]  }
0x1a: {  	s8 =	sadd.s32 $0xFFFFE003, lr  }
0x1b: {  	s9 =	sadd.s32 $0xFFFFFEF7, lr;
	s5 =	simm.s32 $0xFFFFFFFF;
	p2 =	slt.u32 s8, $0xFFFFF086  }
0x1c: {  	p1 =	slt.u32 s9, $0xF7A;
	s5 =	simm.s32 @!p2 $0x0  }
0x1d: {  	s5 =	simm.s32 @p1 $0x1;
	p0 =	seq.s32 s7, s2  }
0x1e: {  	s7 =	smul.u32 @!p0 $0xF7A, s2;
	p2 =	seq.s32 @!p0 s5, $0x0  }
0x1f: {  	s9 =	smul.u32 $0xF7A, s1;
	s8 =	simm.s32 @!p0 $0x1BF5;
	p2 =	por !p2, p0  }
0x20: {  	[sflag:s8] =	ssyncset.s32 @!p0 $0xFFFFF086;
	s6 =	sadd.s32 @!p0 s3, s7;
	s7 =	simm.s32 @!p0 $0x108  }
0x21: {  	s3 =	sadd.s32 s3, s9;
	s6 =	sadd.s32 @!p0 $0x88, s6;
	s7 =	simm.s32 @p2 $0x1082  }
0x22: {  	[simem:s7], [sflag:s8] =	dma.local @!p0 [hbm:s6], $0xF7A  }
0x23: {  	s9 =	sor.u32 $0xD0000000, s2;
	s6 =	simm.s32 $0x108;
	_ =	swait.ge @!p0 [sflag:s8], $0x0  }
0x24: {  	s3 =	sadd.s32 $0x88, s3;
	s6 =	simm.s32 @!p1 $0x1082;
	[sflag:s4] =	ssyncset.s32 $0xFFFFF086  }
0x25: {  	[simem:s6], [sflag:s4] =	dma.local [hbm:s3], $0xF7A  }
0x26: {  	[smem:$0x3F9B] =	sst s1;
	(tag) =	ssettag s2;
	_ =	strace s9  }
0x27: {  	s1 =	sld [smem:$0x3FAB]  }
0x28: {  	s2 =	sld [smem:$0x3FAC]  }
0x29: {  	s4 =	sld [smem:$0x3FAE]  }
0x2a: {  	p0 =	seq.s32 s5, $0x0;
	s5 =	sld [smem:$0x3FAF]  }
0x2b: {  	s6 =	sld [smem:$0x3FB0]  }
0x2c: {  	s7 =	sld [smem:$0x3FB1]  }
0x2d: {  	s3 =	simm.s32 $0x108;
	s8 =	sld [smem:$0x3FB2]  }
0x2e: {  	s3 =	simm.s32 @!p0 $0x1082;
	s9 =	sld [smem:$0x3FB3]  }
0x2f: {  	lr =	sadd.s32 s0, s3;
	s0 =	sld [smem:$0x3FAA]  }
0x30: {  	s3 =	sld [smem:$0x3FAD]  }
0x31: {  	[smem:$0x3FB6] =	sst s10  }
0x32: {  	s10 =	sld [smem:$0x3FB4];
	_ =	sdelay $0x3  }
0x33: {  	p0 =	seq.s32 s10, $0x1;
	s10 =	sld [smem:$0x3FB6];
	_ =	sdelay $0x3  }
0x34: {  	[smem:$0x3FB6] =	sst s10  }
0x35: {  	s10 =	sld [smem:$0x3FB5];
	_ =	sdelay $0x3  }
0x36: {  	p1 =	seq.s32 s10, $0x1;
	s10 =	sld [smem:$0x3FB6];
	_ =	sdelay $0x3  }
0x37: {  	[smem:$0x3FB6] =	sst s10  }
0x38: {  	s10 =	sld [smem:$0x3FB7]  }
0x39: {  	_ = 	snop;
	(pc) =	sbr.ind lr, $3  }
0x3a: {  	_ = 	snop  }
0x3b: {  	_ = 	snop  }
0x3c: {  	p2 =	seq.s32 s10, $0x1;
	s10 =	sld [smem:$0x3FB6]  }
0x3d: {  	_ =	shalt  }
0x3e: {  	_ =	shalt  }
0x3f: {  	_ =	shalt  }
0x40: {  	_ =	shalt  }
0x41: {  	_ =	shalt  }
0x42: {  	_ =	shalt  }
0x43: {  	_ =	shalt  }
0x44: {  	_ =	shalt  }
0x45: {  	_ =	shalt  }
0x46: {  	_ =	shalt  }
0x47: {  	_ =	shalt  }
0x48: {  	_ =	shalt  }
0x49: {  	_ =	shalt  }
0x4a: {  	_ =	shalt  }
0x4b: {  	_ =	shalt  }
0x4c: {  	_ =	shalt  }
0x4d: {  	_ =	shalt  }
0x4e: {  	_ =	shalt  }
0x4f: {  	_ =	shalt  }
0x50: {  	_ =	shalt  }
0x51: {  	_ =	shalt  }
0x52: {  	_ =	shalt  }
0x53: {  	_ =	shalt  }
0x54: {  	_ =	shalt  }
0x55: {  	_ =	shalt  }
0x56: {  	_ =	shalt  }
0x57: {  	_ =	shalt  }
0x58: {  	_ =	shalt  }
0x59: {  	_ =	shalt  }
0x5a: {  	_ =	shalt  }
0x5b: {  	_ =	shalt  }
0x5c: {  	_ =	shalt  }
0x5d: {  	_ =	shalt  }
0x5e: {  	_ =	shalt  }
0x5f: {  	_ =	shalt  }
0x60: {  	_ =	shalt  }
0x61: {  	_ =	shalt  }
0x62: {  	_ =	shalt  }
0x63: {  	_ =	shalt  }
0x64: {  	_ =	shalt  }
0x65: {  	_ =	shalt  }
0x66: {  	_ =	shalt  }
0x67: {  	_ =	shalt  }
0x68: {  	_ =	shalt  }
0x69: {  	_ =	shalt  }
0x6a: {  	_ =	shalt  }
0x6b: {  	_ =	shalt  }
0x6c: {  	_ =	shalt  }
0x6d: {  	_ =	shalt  }
0x6e: {  	_ =	shalt  }
0x6f: {  	_ =	shalt  }
0x70: {  	_ =	shalt  }
0x71: {  	_ =	shalt  }
0x72: {  	_ =	shalt  }
0x73: {  	_ =	shalt  }
0x74: {  	_ =	shalt  }
0x75: {  	_ =	shalt  }
0x76: {  	_ =	shalt  }
0x77: {  	_ =	shalt  }
0x78: {  	_ =	shalt  }
0x79: {  	_ =	shalt  }
0x7a: {  	_ =	shalt  }
0x7b: {  	_ =	shalt  }
0x7c: {  	_ =	shalt  }
0x7d: {  	_ =	shalt  }
0x7e: {  	_ =	shalt  }
0x7f: {  	_ =	shalt  }
0x80: {  	_ =	shalt  }
0x81: {  	_ =	shalt  }
0x82: {  	_ =	shalt  }
0x83: {  	_ =	shalt  }
0x84: {  	_ =	shalt  }
0x85: {  	_ =	shalt  }
0x86: {  	_ =	shalt  }
0x87: {  	_ =	shalt  }
.Lfunc_end0:
.L_simem_size_0:
called_computation.1_lowered:
.L_overlay_start_0:
0x88: {  	s2 =	sld [smem:$0x3FD9]  }
0x89: {  	s3 =	sld [smem:$0x3FFE];
	_ =	sdelay $0x1  }
0x8a: {  	s1 =	srdreg.scid  }
0x8b: {  	s0 =	sand.u32 $0x1, s1  }
0x8c: {  	s17 =	sshll.u32 s0, $0xA;
	s2 =	sadd.s32 s3, s2  }
0x8d: {  	s2 =	sadd.s32 s2, s17  }
0x8e: {  	[smem:$0x3FC2] =	sst s2  }
0x8f: {  	_ = 	snop  }
0x90: {  	s2 =	sld [smem:$0x3FD0];
	(tm) =	ssettm $0x1  }
0x91: {  	s18 =	sld [smem:$0x3FFB];
	_ =	sdelay $0x3  }
0x92: {  	_ =	strace s18  }
0x93: {  	s3 =	sld [smem:$0x3FFC];
	_ =	sdelay $0x3  }
0x94: {  	_ =	strace s3  }
0x95: {  	s3 =	sld [smem:$0x3FFD];
	_ =	sdelay $0x3  }
0x96: {  	_ =	strace s3  }
0x97: {  	_ =	strace $0x8FFFFFFF  }
0x98: {  	s19 =	sld [smem:$0x3FDB];
	_ =	sdelay $0x1  }
0x99: {  	s4 =	simm.s32 $_scs_section_size  }
0x9a: {  	s5 =	simm.s32 $_size__tile_overlayer_lowered;
	s6 =	simm.s32 $_tile_overlayer_lowered  }
0x9b: {  	s22 =	simm.s32 $0x1BFF;
	s21 =	sshll.u32 s6, $0x1;
	s3 =	sadd.s32 s4, s19  }
0x9c: {  	s7 =	simm.s32 $0x0;
	s20 =	sshll.u32 s5, $0x1;
	s5 =	sadd.s32 s21, s3  }
0x9d: {  	[timem:s7], [sflag:s22] =	dma.local [hbm:s5], s20  }
0x9e: {  	_ =	swait.ge [sflag:s22], s20  }
0x9f: {  	s4 =	ssub.s32 $0x0, s20;
	[sflag:s22] =	ssyncset.done $0x0  }
0xa0: {  	[sflag:s22] =	ssyncadd.s32 s4;
	_ =	sdelay $0x1  }
0xa1: {  	s23 =	simm.s32 $0x1B8B  }
0xa2: {  	_ =	swait.ge [sflag:s23], $0x1  }
0xa3: {  	[sflag:s23] =	ssyncset.done $0x0  }
0xa4: {  	s25 =	simm.s32 $0x1B8E;
	s24 =	sld [smem:$0x3FFE];
	[sflag:s23] =	ssyncadd.s32 $0xFFFFFFFF  }
0xa5: {  	s26 =	simm.s32 $execute0_lowered;
	[smem:$0x3FD2] =	sst s25  }
0xa6: {  	s5 =	sshll.u32 s26, $0x1;
	_ =	strace $0x80000049;
	[dreg:$0x1] =	wrdreg $0xFFFFFFFF  }
0xa7: {  	s28 =	simm.s32 $_size_execute0_lowered;
	s3 =	sadd.s32 s3, s5;
	[dreg:$0x0] =	wrdreg $0x0  }
0xa8: {  	s5 =	sshll.u32 s28, $0x1;
	[dreg:$0x2] =	wrdreg s3  }
0xa9: {  	[dreg:$0x3] =	wrdreg s5  }
0xaa: {  	[dreg:$0x4] =	wrdreg $0xC0  }
0xab: {  	_ =	task [dreg:s7], $0x5FFFF  }
0xac: {  	[dreg:$0x1] =	wrdreg $0xFFFFFFFF  }
0xad: {  	[dreg:$0x0] =	wrdreg $0x60  }
0xae: {  	[dreg:$0x2] =	wrdreg s24  }
0xaf: {  	[dreg:$0x3] =	wrdreg s2  }
0xb0: {  	[dreg:$0x4] =	wrdreg $0xF7800  }
0xb1: {  	[dreg:$0x5] =	wrdreg $0xD0000  }
0xb2: {  	[dreg:$0x6] =	wrdreg $0x9  }
0xb3: {  	_ =	task.clear_ibuf [dreg:s7], $0x7FFFF;
	_ =	strace $0x90000049  }
0xb4: {  	s29 =	simm.s32 $0x9;
	_ =	strace $0x8000004B  }
0xb5: {  	_ =	swait.ge [sflag:s29], $0x1  }
0xb6: {  	[sflag:s29] =	ssyncadd.s32 $0xFFFFFFFF  }
0xb7: {  	_ =	strace $0x9000004B  }
0xb8: {  	_ =	sfence  }
0xb9: {  	s30 =	sld [smem:$0x0];
	_ =	sdelay $0x2  }
0xba: {  	s31 =	sshll.u32 s1, $0xD;
	s1 =	sshrl.u32 s1, $0x2  }
0xbb: {  	s3 =	sand.u32 $0x4000, s31;
	s1 =	sadd.s32 s1, s30  }
0xbc: {  	s0 =	sor.u32 s3, s0;
	s1 =	sshll.u32 s1, $0x11  }
0xbd: {  	s0 =	sor.u32 s1, s0  }
0xbe: {  	s0 =	sadd.s32 $0x8F2B, s0  }
0xbf: {  	[sflag:s0] =	ssyncadd.remote.s32 $0x1  }
0xc0: {  	_ =	sfence.sel $0xFFFF  }
0xc1: {  	[dreg:$0x0] =	wrdreg $0xFFFFFFFF;
	(pc) =	sbr.abs _section_cstart, $3  }
0xc2: {  	[dreg:$0x1] =	wrdreg $0xFFFFFFFF  }
0xc3: {  	_ =	task.clear_ibuf [dreg:s7], $0x2FFFF;
	_ =	strace $0x9FFFFFFF  }
0xc4: {  	(tm) =	ssettm $0x7FFFFFFF  }
0xc5: {  	_ =	shalt  }
tec
execute0_lowered:
.L_overlay_start_1:
0x0: {  	(tag) =	ssettag $0x1  }
0x1: {  	s0 =	rddreg [dreg:$0x0]  }
0x2: {  	s1 =	rddreg [dreg:$0x1];
	s11 =	stileid.u32  }
0x3: {  	s3 =	srdreg.scid;
	s2 =	rddreg [dreg:$0x2];
	s4 =	simm.s32 $0x0  }
0x4: {  	s14 =	simm.s32 $0xE;
	s16 =	simm.s32 $0xD;
	s17 =	simm.s32 $0x80  }
0x5: {  	s18 =	simm.s32 $0xA000;
	s19 =	simm.s32 $0xA800;
	s5 =	smul.u32 $0xA00, s11  }
0x6: {  	s28 =	simm.s32 $0x2;
	s31 =	simm.s32 $0xC800;
	s8 =	smul.u32 $0x4E2, s11  }
0x7: {  	s29 =	simm.s32 $0x9;
	s30 =	simm.s32 $0x6;
	s9 =	smul.u32 $0x9C40, s11  }
0x8: {  	s6 =	sand.u32 $0x1, s3;
	s3 =	rddreg [dreg:$0x3];
	s10 =	smul.u32 $0x4F00, s11  }
0x9: {  	[smem:$0x7FF] =	sst s4;
	s25 =	sshll.u32 s11, $0x6;
	s7 =	smul.u32 $0x4E20, s6  }
0xa: {  	_ =	strace $0x8000004A;
	s20 =	ssub.s32 $0x2, s6;
	s6 =	smul.u32 $0x4F000, s6  }
0xb: {  	s5 =	sadd.s32 s5, s0;
	s21 =	sshrl.u32 s20, $0x1;
	s22 =	sshrl.u32 s9, $0x2  }
0xc: {  	s9 =	sor.u32 $0x1C0E, s25;
	s26 =	sshrl.u32 s10, $0x1;
	s25 =	simm.s32 $0x5  }
0xd: {  	s7 =	sadd.s32 s8, s7;
	s23 =	sadd.s32 $0x1200, s5;
	s5 =	sadd.s32 $0x15200, s5  }
0xe: {  	s24 =	sadd.s32 s22, s2;
	s6 =	sadd.s32 s10, s6;
	s22 =	simm.s32 $0x8  }
0xf: {  	s8 =	simm.s32 $0x0;
	s7 =	sadd.s32 s7, s0;
	[dreg:$0x6] =	wrdreg s23  }
0x10: {  	s0 =	sadd.s32 $0x47E00, s0;
	[dreg:$0x7] =	wrdreg s5;
	s6 =	sshrl.u32 s6, $0x4  }
0x11: {  	s13 =	sshrl.u32 s24, $0x3;
	s23 =	simm.s32 $0xB800;
	s24 =	simm.s32 $0x1  }
0x12: {  	s5 =	simm.s32 $0xA;
	[dreg:$0x5] =	wrdreg s0;
	s0 =	ssub.s32 s20, s21  }
0x13: {  	s7 =	sadd.s32 $0x1F200, s7;
	s1 =	sadd.s32 s1, s6;
	s21 =	simm.s32 $0xB000  }
0x14: {  	s20 =	simm.s32 $0x4;
	s6 =	simm.s32 $0xB;
	[dreg:$0x8] =	wrdreg s7  }
0x15: {  	s7 =	sadd.s32 s26, s3;
	[dreg:$0x9] =	wrdreg s1;
	s0 =	smax.u32 s0, $0x1  }
0x16: {  	s26 =	simm.s32 $0xC000;
	s1 =	simm.s32 $0x3;
	[dreg:$0xa] =	wrdreg s0  }
0x17: {  	s15 =	sshrl.u32 s7, $0x3;
	s0 =	simm.s32 $0x7;
	s7 =	simm.s32 $0xC  }
.LBB2_1:
0x18: {  	s10 =	rddreg [dreg:$0x6]  }
0x19: {  	[tilespmem:s4], [sflag:$0xD] =	stream.linear.gather [hbm4b:s10+s4], $0x5000, $0x38;
	[tilespmem:$0x11E90] =	vst v63  }
0x1a: {  	s12 =	rddreg [dreg:$0x7];
	s11 =	simm.s32 $0x5000  }
0x1b: {  	[tilespmem:s11], [sflag:$0xD] =	stream.linear.gather [hbm4b:s12+s4], $0x5000, $0x38;
	[tilespmem:$0x11E90] =	vst v63  }
0x1c: {  	s12 =	rddreg [dreg:$0x8]  }
0x1d: {  	[spmem:s13], [sflag:s9] =	dma.local [hbm:s12], $0x4E2  }
0x1e: {  	_ =	swait.ge [sflag:s14], $0x4E2  }
0x1f: {  	[sflag:s14] =	ssyncset.done $0x0  }
0x20: {  	s12 =	rddreg [dreg:$0x5];
	[sflag:s14] =	ssyncadd.s32 $0xFFFFFB1E  }
0x21: {  	[spmem:s15], [sflag:s9] =	dma.local [hbm:s12], $0x4F0  }
0x22: {  	_ =	swait.ge [sflag:s14], $0x4F0  }
0x23: {  	[sflag:s14] =	ssyncset.done $0x0  }
0x24: {  	[sflag:s14] =	ssyncadd.s32 $0xFFFFFB10  }
0x25: {  	_ =	swait.ge [sflag:s16], $0x5000  }
0x26: {  	[sflag:s16] =	ssyncset.done $0x0  }
0x27: {  	[sflag:s16] =	ssyncadd.s32 $0xFFFFB000  }
0x28: {  	_ =	swait.ge [sflag:s16], $0x5000  }
0x29: {  	[sflag:s16] =	ssyncset.done $0x0  }
0x2a: {  	[sflag:s16] =	ssyncadd.s32 $0xFFFFB000  }
0x2b: {  	[bflag:$0x0] =	sbarrier.arrive $0xFFFF  }
0x2c: {  	[tilespmem:s18], [sflag:$0x1] =	stream.indirect.gather [spmem:s2], $0x10, s4, s17, $0xb8;
	[tilespmem:$0x11E90] =	vst v63  }
0x2d: {  	_ = 	snop  }
0x2e: {  	[tilespmem:s19], [sflag:$0x2] =	stream.indirect.gather [spmem:s2], $0x10, s17, s17, $0xb8;
	[tilespmem:$0x11E90] =	vst v63  }
0x2f: {  	s12 =	simm.s32 $0x100  }
0x30: {  	[tilespmem:s21], [sflag:$0x3] =	stream.indirect.gather [spmem:s2], $0x10, s12, s17, $0xb8;
	[tilespmem:$0x11E90] =	vst v63  }
0x31: {  	s12 =	simm.s32 $0x180  }
0x32: {  	[tilespmem:s23], [sflag:$0x4] =	stream.indirect.gather [spmem:s2], $0x10, s12, s17, $0xb8;
	[tilespmem:$0x11E90] =	vst v63  }
0x33: {  	_ =	swait.ge [sflag:s24], $0x800  }
0x34: {  	[sflag:s24] =	ssyncset.done $0x0  }
0x35: {  	[sflag:s24] =	ssyncadd.s32 $0xFFFFF800  }
0x36: {  	[spmem:s3] =	stream.indirect.scatter.add.bf16 [tilespmem:s18], [sflag:$0x7], $0x10, s11, s17, $0xb8;
	[tilespmem:$0x11E90] =	vst v63  }
0x37: {  	s11 =	simm.s32 $0x200  }
0x38: {  	[tilespmem:s26], [sflag:$0x5] =	stream.indirect.gather [spmem:s2], $0x10, s11, s17, $0xb8;
	[tilespmem:$0x11E90] =	vst v63  }
0x39: {  	_ =	swait.ge [sflag:s28], $0x800  }
0x3a: {  	[sflag:s28] =	ssyncset.done $0x0  }
0x3b: {  	s12 =	simm.s32 $0x5080;
	[sflag:s28] =	ssyncadd.s32 $0xFFFFF800  }
0x3c: {  	[spmem:s3] =	stream.indirect.scatter.add.bf16 [tilespmem:s19], [sflag:$0x8], $0x10, s12, s17, $0xb8;
	[tilespmem:$0x11E90] =	vst v63  }
0x3d: {  	s11 =	simm.s32 $0x280  }
0x3e: {  	[tilespmem:s31], [sflag:$0x6] =	stream.indirect.gather [spmem:s2], $0x10, s11, s17, $0xb8;
	[tilespmem:$0x11E90] =	vst v63  }
0x3f: {  	_ =	swait.ge [sflag:s1], $0x800  }
0x40: {  	[sflag:s1] =	ssyncset.done $0x0  }
0x41: {  	s12 =	simm.s32 $0x5100;
	[sflag:s1] =	ssyncadd.s32 $0xFFFFF800  }
0x42: {  	[spmem:s3] =	stream.indirect.scatter.add.bf16 [tilespmem:s21], [sflag:$0x9], $0x10, s12, s17, $0xb8;
	[tilespmem:$0x11E90] =	vst v63  }
0x43: {  	_ =	swait.ge [sflag:s0], $0x800  }
0x44: {  	[sflag:s0] =	ssyncset.done $0x0  }
0x45: {  	s11 =	simm.s32 $0x300;
	[sflag:s0] =	ssyncadd.s32 $0xFFFFF800  }
0x46: {  	[tilespmem:s18], [sflag:$0x1] =	stream.indirect.gather [spmem:s2], $0x10, s11, s17, $0xb8;
	[tilespmem:$0x11E90] =	vst v63  }
0x47: {  	_ =	swait.ge [sflag:s20], $0x800  }
0x48: {  	[sflag:s20] =	ssyncset.done $0x0  }
0x49: {  	s12 =	simm.s32 $0x5180;
	[sflag:s20] =	ssyncadd.s32 $0xFFFFF800  }
0x4a: {  	[spmem:s3] =	stream.indirect.scatter.add.bf16 [tilespmem:s23], [sflag:$0xA], $0x10, s12, s17, $0xb8;
	[tilespmem:$0x11E90] =	vst v63  }
0x4b: {  	_ =	swait.ge [sflag:s22], $0x800  }
0x4c: {  	[sflag:s22] =	ssyncset.done $0x0  }
0x4d: {  	s11 =	simm.s32 $0x380;
	[sflag:s22] =	ssyncadd.s32 $0xFFFFF800  }
0x4e: {  	[tilespmem:s19], [sflag:$0x2] =	stream.indirect.gather [spmem:s2], $0x10, s11, s17, $0xb8;
	[tilespmem:$0x11E90] =	vst v63  }
0x4f: {  	_ =	swait.ge [sflag:s25], $0x800  }
0x50: {  	[sflag:s25] =	ssyncset.done $0x0  }
0x51: {  	s12 =	simm.s32 $0x5200;
	[sflag:s25] =	ssyncadd.s32 $0xFFFFF800  }
0x52: {  	[spmem:s3] =	stream.indirect.scatter.add.bf16 [tilespmem:s26], [sflag:$0xB], $0x10, s12, s17, $0xb8;
	[tilespmem:$0x11E90] =	vst v63  }
0x53: {  	_ =	swait.ge [sflag:s29], $0x800  }
0x54: {  	[sflag:s29] =	ssyncset.done $0x0  }
0x55: {  	s11 =	simm.s32 $0x400;
	[sflag:s29] =	ssyncadd.s32 $0xFFFFF800  }
0x56: {  	[tilespmem:s21], [sflag:$0x3] =	stream.indirect.gather [spmem:s2], $0x10, s11, s17, $0xb8;
	[tilespmem:$0x11E90] =	vst v63  }
0x57: {  	_ =	swait.ge [sflag:s30], $0x800  }
0x58: {  	[sflag:s30] =	ssyncset.done $0x0  }
0x59: {  	s12 =	simm.s32 $0x5280;
	[sflag:s30] =	ssyncadd.s32 $0xFFFFF800  }
0x5a: {  	[spmem:s3] =	stream.indirect.scatter.add.bf16 [tilespmem:s31], [sflag:$0xC], $0x10, s12, s17, $0xb8;
	[tilespmem:$0x11E90] =	vst v63  }
0x5b: {  	_ =	swait.ge [sflag:s5], $0x800  }
0x5c: {  	[sflag:s5] =	ssyncset.done $0x0  }
0x5d: {  	s11 =	simm.s32 $0x480;
	[sflag:s5] =	ssyncadd.s32 $0xFFFFF800  }
0x5e: {  	[tilespmem:s23], [sflag:$0x4] =	stream.indirect.gather [spmem:s2], $0x10, s11, s17, $0xb8;
	[tilespmem:$0x11E90] =	vst v63  }
0x5f: {  	_ =	swait.ge [sflag:s24], $0x800  }
0x60: {  	[sflag:s24] =	ssyncset.done $0x0  }
0x61: {  	s12 =	simm.s32 $0x5300;
	[sflag:s24] =	ssyncadd.s32 $0xFFFFF800  }
0x62: {  	[spmem:s3] =	stream.indirect.scatter.add.bf16 [tilespmem:s18], [sflag:$0x7], $0x10, s12, s17, $0xb8;
	[tilespmem:$0x11E90] =	vst v63  }
0x63: {  	_ =	swait.ge [sflag:s6], $0x800  }
0x64: {  	[sflag:s6] =	ssyncset.done $0x0  }
0x65: {  	s11 =	simm.s32 $0x500;
	[sflag:s6] =	ssyncadd.s32 $0xFFFFF800  }
0x66: {  	[tilespmem:s26], [sflag:$0x5] =	stream.indirect.gather [spmem:s2], $0x10, s11, s17, $0xb8;
	[tilespmem:$0x11E90] =	vst v63  }
0x67: {  	_ =	swait.ge [sflag:s28], $0x800  }
0x68: {  	[sflag:s28] =	ssyncset.done $0x0  }
0x69: {  	s12 =	simm.s32 $0x5380;
	[sflag:s28] =	ssyncadd.s32 $0xFFFFF800  }
0x6a: {  	[spmem:s3] =	stream.indirect.scatter.add.bf16 [tilespmem:s19], [sflag:$0x8], $0x10, s12, s17, $0xb8;
	[tilespmem:$0x11E90] =	vst v63  }
0x6b: {  	_ =	swait.ge [sflag:s7], $0x800  }
0x6c: {  	[sflag:s7] =	ssyncset.done $0x0  }
0x6d: {  	s10 =	simm.s32 $0x580;
	s12 =	simm.s32 $0xC00;
	[sflag:s7] =	ssyncadd.s32 $0xFFFFF800  }
.LBB2_2:
0x6e: {  	[tilespmem:s31], [sflag:$0x6] =	stream.indirect.gather [spmem:s2], $0x10, s10, s17, $0xb8;
	[tilespmem:$0x11E90] =	vst v63  }
0x6f: {  	s10 =	smov.u32 s12  }
0x70: {  	p0 =	sne.s32 s12, $0x12000;
	s12 =	sadd.s32 $0xC00, s12;
	_ =	swait.ge [sflag:s1], $0x800  }
0x71: {  	s10 =	sshra.s32 s10, $0x2;
	[sflag:s1] =	ssyncset.done $0x0  }
0x72: {  	s11 =	sadd.s32 $0x5100, s10;
	[sflag:s1] =	ssyncadd.s32 $0xFFFFF800  }
0x73: {  	[spmem:s3] =	stream.indirect.scatter.add.bf16 [tilespmem:s21], [sflag:$0x9], $0x10, s11, s17, $0xb8;
	[tilespmem:$0x11E90] =	vst v63  }
0x74: {  	_ =	swait.ge [sflag:s0], $0x800  }
0x75: {  	[sflag:s0] =	ssyncset.done $0x0  }
0x76: {  	s11 =	sadd.s32 $0x300, s10;
	[sflag:s0] =	ssyncadd.s32 $0xFFFFF800  }
0x77: {  	[tilespmem:s18], [sflag:$0x1] =	stream.indirect.gather [spmem:s2], $0x10, s11, s17, $0xb8;
	[tilespmem:$0x11E90] =	vst v63  }
0x78: {  	_ =	swait.ge [sflag:s20], $0x800  }
0x79: {  	[sflag:s20] =	ssyncset.done $0x0  }
0x7a: {  	s11 =	sadd.s32 $0x5180, s10;
	[sflag:s20] =	ssyncadd.s32 $0xFFFFF800  }
0x7b: {  	[spmem:s3] =	stream.indirect.scatter.add.bf16 [tilespmem:s23], [sflag:$0xA], $0x10, s11, s17, $0xb8;
	[tilespmem:$0x11E90] =	vst v63  }
0x7c: {  	_ =	swait.ge [sflag:s22], $0x800  }
0x7d: {  	[sflag:s22] =	ssyncset.done $0x0  }
0x7e: {  	s11 =	sadd.s32 $0x380, s10;
	[sflag:s22] =	ssyncadd.s32 $0xFFFFF800  }
0x7f: {  	[tilespmem:s19], [sflag:$0x2] =	stream.indirect.gather [spmem:s2], $0x10, s11, s17, $0xb8;
	[tilespmem:$0x11E90] =	vst v63  }
0x80: {  	_ =	swait.ge [sflag:s25], $0x800  }
0x81: {  	[sflag:s25] =	ssyncset.done $0x0  }
0x82: {  	s11 =	sadd.s32 $0x5200, s10;
	[sflag:s25] =	ssyncadd.s32 $0xFFFFF800  }
0x83: {  	[spmem:s3] =	stream.indirect.scatter.add.bf16 [tilespmem:s26], [sflag:$0xB], $0x10, s11, s17, $0xb8;
	[tilespmem:$0x11E90] =	vst v63  }
0x84: {  	_ =	swait.ge [sflag:s29], $0x800  }
0x85: {  	[sflag:s29] =	ssyncset.done $0x0  }
0x86: {  	s11 =	sadd.s32 $0x400, s10;
	[sflag:s29] =	ssyncadd.s32 $0xFFFFF800  }
0x87: {  	[tilespmem:s21], [sflag:$0x3] =	stream.indirect.gather [spmem:s2], $0x10, s11, s17, $0xb8;
	[tilespmem:$0x11E90] =	vst v63  }
0x88: {  	_ =	swait.ge [sflag:s30], $0x800  }
0x89: {  	[sflag:s30] =	ssyncset.done $0x0  }
0x8a: {  	s11 =	sadd.s32 $0x5280, s10;
	[sflag:s30] =	ssyncadd.s32 $0xFFFFF800  }
0x8b: {  	[spmem:s3] =	stream.indirect.scatter.add.bf16 [tilespmem:s31], [sflag:$0xC], $0x10, s11, s17, $0xb8;
	[tilespmem:$0x11E90] =	vst v63  }
0x8c: {  	_ =	swait.ge [sflag:s5], $0x800  }
0x8d: {  	[sflag:s5] =	ssyncset.done $0x0  }
0x8e: {  	s11 =	sadd.s32 $0x480, s10;
	[sflag:s5] =	ssyncadd.s32 $0xFFFFF800  }
0x8f: {  	[tilespmem:s23], [sflag:$0x4] =	stream.indirect.gather [spmem:s2], $0x10, s11, s17, $0xb8;
	[tilespmem:$0x11E90] =	vst v63  }
0x90: {  	_ =	swait.ge [sflag:s24], $0x800  }
0x91: {  	[sflag:s24] =	ssyncset.done $0x0  }
0x92: {  	s11 =	sadd.s32 $0x5300, s10;
	[sflag:s24] =	ssyncadd.s32 $0xFFFFF800  }
0x93: {  	[spmem:s3] =	stream.indirect.scatter.add.bf16 [tilespmem:s18], [sflag:$0x7], $0x10, s11, s17, $0xb8;
	[tilespmem:$0x11E90] =	vst v63  }
0x94: {  	_ =	swait.ge [sflag:s6], $0x800  }
0x95: {  	[sflag:s6] =	ssyncset.done $0x0  }
0x96: {  	s11 =	sadd.s32 $0x500, s10;
	[sflag:s6] =	ssyncadd.s32 $0xFFFFF800  }
0x97: {  	[tilespmem:s26], [sflag:$0x5] =	stream.indirect.gather [spmem:s2], $0x10, s11, s17, $0xb8;
	[tilespmem:$0x11E90] =	vst v63  }
0x98: {  	_ =	swait.ge [sflag:s28], $0x800  }
0x99: {  	[sflag:s28] =	ssyncset.done $0x0  }
.Ltmp0:
0x9a: {  	s11 =	sadd.s32 $0x5380, s10;
	[sflag:s28] =	ssyncadd.s32 $0xFFFFF800;
	(pc) =	sbr.rel @p0 .LBB2_2-.Ltmp0, $4  }
0x9b: {  	[spmem:s3] =	stream.indirect.scatter.add.bf16 [tilespmem:s19], [sflag:$0x8], $0x10, s11, s17, $0xb8;
	[tilespmem:$0x11E90] =	vst v63  }
0x9c: {  	_ =	swait.ge [sflag:s7], $0x800  }
0x9d: {  	[sflag:s7] =	ssyncset.done $0x0  }
0x9e: {  	s10 =	sadd.s32 $0x580, s10;
	[sflag:s7] =	ssyncadd.s32 $0xFFFFF800  }
0x9f: {  	[tilespmem:s31], [sflag:$0x6] =	stream.indirect.gather [spmem:s2], $0x10, s10, s17, $0xb8;
	[tilespmem:$0x11E90] =	vst v63  }
0xa0: {  	_ =	swait.ge [sflag:s1], $0x800  }
0xa1: {  	[sflag:s1] =	ssyncset.done $0x0  }
0xa2: {  	s11 =	simm.s32 $0x9C00;
	[sflag:s1] =	ssyncadd.s32 $0xFFFFF800  }
0xa3: {  	[spmem:s3] =	stream.indirect.scatter.add.bf16 [tilespmem:s21], [sflag:$0x9], $0x10, s11, s17, $0xb8;
	[tilespmem:$0x11E90] =	vst v63  }
0xa4: {  	_ =	swait.ge [sflag:s0], $0x800  }
0xa5: {  	[sflag:s0] =	ssyncset.done $0x0  }
0xa6: {  	s12 =	simm.s32 $0x4E00;
	[sflag:s0] =	ssyncadd.s32 $0xFFFFF800  }
0xa7: {  	[tilespmem:s18], [sflag:$0x1] =	stream.indirect.gather [spmem:s2], $0x10, s12, s17, $0xb8;
	[tilespmem:$0x11E90] =	vst v63  }
0xa8: {  	_ =	swait.ge [sflag:s20], $0x800  }
0xa9: {  	[sflag:s20] =	ssyncset.done $0x0  }
0xaa: {  	s11 =	simm.s32 $0x9C80;
	[sflag:s20] =	ssyncadd.s32 $0xFFFFF800  }
0xab: {  	[spmem:s3] =	stream.indirect.scatter.add.bf16 [tilespmem:s23], [sflag:$0xA], $0x10, s11, s17, $0xb8;
	[tilespmem:$0x11E90] =	vst v63  }
0xac: {  	_ =	swait.ge [sflag:s22], $0x800  }
0xad: {  	[sflag:s22] =	ssyncset.done $0x0  }
0xae: {  	s12 =	simm.s32 $0x4E80;
	[sflag:s22] =	ssyncadd.s32 $0xFFFFF800  }
0xaf: {  	[tilespmem:s19], [sflag:$0x2] =	stream.indirect.gather [spmem:s2], $0x10, s12, s17, $0xb8;
	[tilespmem:$0x11E90] =	vst v63  }
0xb0: {  	_ =	swait.ge [sflag:s25], $0x800  }
0xb1: {  	[sflag:s25] =	ssyncset.done $0x0  }
0xb2: {  	s11 =	simm.s32 $0x9D00;
	[sflag:s25] =	ssyncadd.s32 $0xFFFFF800  }
0xb3: {  	[spmem:s3] =	stream.indirect.scatter.add.bf16 [tilespmem:s26], [sflag:$0xB], $0x10, s11, s17, $0xb8;
	[tilespmem:$0x11E90] =	vst v63  }
0xb4: {  	_ =	swait.ge [sflag:s29], $0x800  }
0xb5: {  	[sflag:s29] =	ssyncset.done $0x0  }
0xb6: {  	s12 =	simm.s32 $0x4F00;
	[sflag:s29] =	ssyncadd.s32 $0xFFFFF800  }
0xb7: {  	[tilespmem:s21], [sflag:$0x3] =	stream.indirect.gather [spmem:s2], $0x10, s12, s17, $0xb8;
	[tilespmem:$0x11E90] =	vst v63  }
0xb8: {  	_ =	swait.ge [sflag:s30], $0x800  }
0xb9: {  	[sflag:s30] =	ssyncset.done $0x0  }
0xba: {  	s11 =	simm.s32 $0x9D80;
	[sflag:s30] =	ssyncadd.s32 $0xFFFFF800  }
0xbb: {  	[spmem:s3] =	stream.indirect.scatter.add.bf16 [tilespmem:s31], [sflag:$0xC], $0x10, s11, s17, $0xb8;
	[tilespmem:$0x11E90] =	vst v63  }
0xbc: {  	_ =	swait.ge [sflag:s5], $0x800  }
0xbd: {  	[sflag:s5] =	ssyncset.done $0x0  }
0xbe: {  	s12 =	simm.s32 $0x4F80;
	[sflag:s5] =	ssyncadd.s32 $0xFFFFF800  }
0xbf: {  	[tilespmem:s23], [sflag:$0x4] =	stream.indirect.gather [spmem:s2], $0x10, s12, s17, $0xb8;
	[tilespmem:$0x11E90] =	vst v63  }
0xc0: {  	_ =	swait.ge [sflag:s24], $0x800  }
0xc1: {  	[sflag:s24] =	ssyncset.done $0x0  }
0xc2: {  	s11 =	simm.s32 $0x9E00;
	[sflag:s24] =	ssyncadd.s32 $0xFFFFF800  }
0xc3: {  	[spmem:s3] =	stream.indirect.scatter.add.bf16 [tilespmem:s18], [sflag:$0x7], $0x10, s11, s17, $0xb8;
	[tilespmem:$0x11E90] =	vst v63  }
0xc4: {  	_ =	swait.ge [sflag:s6], $0x800  }
0xc5: {  	[sflag:s6] =	ssyncset.done $0x0  }
0xc6: {  	[sflag:s6] =	ssyncadd.s32 $0xFFFFF800  }
0xc7: {  	_ =	swait.ge [sflag:s28], $0x800  }
0xc8: {  	[sflag:s28] =	ssyncset.done $0x0  }
0xc9: {  	s12 =	simm.s32 $0x9E80;
	[sflag:s28] =	ssyncadd.s32 $0xFFFFF800  }
0xca: {  	[spmem:s3] =	stream.indirect.scatter.add.bf16 [tilespmem:s19], [sflag:$0x8], $0x10, s12, s17, $0xb8;
	[tilespmem:$0x11E90] =	vst v63  }
0xcb: {  	_ =	swait.ge [sflag:s7], $0x800  }
0xcc: {  	[sflag:s7] =	ssyncset.done $0x0  }
0xcd: {  	[sflag:s7] =	ssyncadd.s32 $0xFFFFF800  }
0xce: {  	_ =	swait.ge [sflag:s1], $0x800  }
0xcf: {  	[sflag:s1] =	ssyncset.done $0x0  }
0xd0: {  	s11 =	simm.s32 $0x9F00;
	[sflag:s1] =	ssyncadd.s32 $0xFFFFF800  }
0xd1: {  	[spmem:s3] =	stream.indirect.scatter.add.bf16 [tilespmem:s21], [sflag:$0x9], $0x10, s11, s17, $0xb8;
	[tilespmem:$0x11E90] =	vst v63  }
0xd2: {  	_ =	swait.ge [sflag:s0], $0x800  }
0xd3: {  	[sflag:s0] =	ssyncset.done $0x0  }
0xd4: {  	[sflag:s0] =	ssyncadd.s32 $0xFFFFF800  }
0xd5: {  	_ =	swait.ge [sflag:s20], $0x800  }
0xd6: {  	[sflag:s20] =	ssyncset.done $0x0  }
0xd7: {  	s12 =	simm.s32 $0x9F80;
	[sflag:s20] =	ssyncadd.s32 $0xFFFFF800  }
0xd8: {  	[spmem:s3] =	stream.indirect.scatter.add.bf16 [tilespmem:s23], [sflag:$0xA], $0x10, s12, s17, $0xb8;
	[tilespmem:$0x11E90] =	vst v63  }
0xd9: {  	_ =	swait.ge [sflag:s22], $0x800  }
0xda: {  	[sflag:s22] =	ssyncset.done $0x0  }
0xdb: {  	[sflag:s22] =	ssyncadd.s32 $0xFFFFF800  }
0xdc: {  	_ =	swait.ge [sflag:s29], $0x800  }
0xdd: {  	[sflag:s29] =	ssyncset.done $0x0  }
0xde: {  	[sflag:s29] =	ssyncadd.s32 $0xFFFFF800  }
0xdf: {  	_ =	swait.ge [sflag:s5], $0x800  }
0xe0: {  	[sflag:s5] =	ssyncset.done $0x0  }
0xe1: {  	[sflag:s5] =	ssyncadd.s32 $0xFFFFF800  }
0xe2: {  	[bflag:$0x0] =	sbarrier.arrive $0xFFFF  }
0xe3: {  	s11 =	rddreg [dreg:$0x9]  }
0xe4: {  	[hbm:s11], [sflag:s9] =	dma.local [spmem:s15], $0x4F0  }
0xe5: {  	_ =	swait.ge [sflag:s14], $0x4F0  }
0xe6: {  	s8 =	sadd.s32 $0x1, s8;
	s12 =	rddreg [dreg:$0xa]  }
0xe7: {  	p0 =	sne.s32 s8, s12  }
.Ltmp1:
0xe8: {  	_ = 	snop;
	(pc) =	sbr.rel @p0 .LBB2_1-.Ltmp1, $3  }
0xe9: {  	_ =	sdelay $0x1  }
0xea: {  	[sflag:s14] =	ssyncset.done $0x0  }
0xeb: {  	[sflag:s14] =	ssyncadd.s32 $0xFFFFFB10  }
0xec: {  	_ =	sfence.sel $0x180000  }
0xed: {  	[bflag:$0x0] =	sbarrier.arrive $0xFFFF  }
0xee: {  	_ =	strace $0x9000004A  }
0xef: {  	s0 =	stileid.u32;
	[bflag:$0x2] =	sbarrier.arrive $0xFFFF  }
0xf0: {  	p0 =	sne.s32 s0, $0x0;
	s0 =	rddreg [dreg:$0x4]  }
0xf1: {  	s0 =	sadd.s32 @!p0 $0x100000, s0  }
0xf2: {  	[sflag:s0] =	ssyncadd.tile.s32 @!p0 $0x1;
	_ =	shalt  }
.Lfunc_end2:
_tile_overlayer_lowered:
.L_overlay_start_2:
0xf3: {  	(tag) =	ssettag $0x2  }
0xf4: {  	s0 =	rddreg [dreg:$0x0];
	s2 =	stileid.u32  }
0xf5: {  	s1 =	rddreg [dreg:$0x1];
	p0 =	sne.s32 s2, $0x0  }
0xf6: {  	s3 =	rddreg [dreg:$0x2];
	[bflag:$0x3] =	sbarrier.arrive $0xFFFF;
	s2 =	simm.s32 @!p0 $0x1C0E  }
0xf7: {  	[timem:s3], [sflag:s2] =	dma.local @!p0 [hbm:s0], s1  }
0xf8: {  	s0 =	simm.s32 @!p0 $0xE  }
0xf9: {  	_ =	swait.ge @!p0 [sflag:s0], s1  }
0xfa: {  	s1 =	ssub.s32 @!p0 $0x0, s1;
	[sflag:s0] =	ssyncset.done @!p0 $0x0  }
0xfb: {  	[sflag:s0] =	ssyncadd.s32 @!p0 s1  }
0xfc: {  	[bflag:$0x3] =	sbarrier.arrive $0xFFFF  }
0xfd: {  	_ =	shalt  }

// kernel: kernel.7.cloned.1.call-start
scs
__scs_entry_jumppad:
0x0: {  	(pc) =	sbr.rel $0x88, $3  }
0x1: {  	(tag) =	ssettag $0x0;
	lr =	simm.s32 $0x1  }
0x2: {  	[smem:$0x3F9B] =	sst lr;
	_ =	strace $0xD0000000  }
0x3: {  	_ = 	snop  }
0x4: {  	_ = 	snop  }
0x5: {  	_ = 	snop  }
0x6: {  	_ = 	snop  }
0x7: {  	_ = 	snop  }
__scs_overlays_trampoline_lowered:
0x8: {  	[smem:$0x3FAA] =	sst s0  }
0x9: {  	[smem:$0x3FAB] =	sst s1  }
0xa: {  	[smem:$0x3FAC] =	sst s2  }
0xb: {  	[smem:$0x3FAD] =	sst s3  }
0xc: {  	[smem:$0x3FAE] =	sst s4  }
0xd: {  	[smem:$0x3FAF] =	sst s5  }
0xe: {  	[smem:$0x3FB0] =	sst s6  }
0xf: {  	[smem:$0x3FB1] =	sst s7  }
0x10: {  	[smem:$0x3FB2] =	sst s8  }
0x11: {  	[smem:$0x3FB3] =	sst s9;
	s0 =	simm.s32 @!p0 $0x0  }
0x12: {  	s1 =	sld [smem:$0x3F99];
	s0 =	simm.s32 @p0 $0x1  }
0x13: {  	[smem:$0x3FB4] =	sst s0;
	s0 =	simm.s32 @!p1 $0x0  }
0x14: {  	s2 =	sld [smem:$0x3F98];
	s0 =	simm.s32 @p1 $0x1  }
0x15: {  	[smem:$0x3FB5] =	sst s0;
	s0 =	simm.s32 @!p2 $0x0  }
0x16: {  	s3 =	sld [smem:$0x3FDB];
	s0 =	simm.s32 @p2 $0x1  }
0x17: {  	s4 =	simm.s32 $0x1BF5;
	[smem:$0x3FB7] =	sst s0  }
0x18: {  	s0 =	sld [smem:$0x3F9A];
	_ =	swait.ge [sflag:s4], $0x0  }
0x19: {  	s7 =	sld [smem:$0x3F9B]  }
0x1a: {  	s8 =	sadd.s32 $0xFFFFE003, lr  }
0x1b: {  	s9 =	sadd.s32 $0xFFFFFEF7, lr;
	s5 =	simm.s32 $0xFFFFFFFF;
	p2 =	slt.u32 s8, $0xFFFFF086  }
0x1c: {  	p1 =	slt.u32 s9, $0xF7A;
	s5 =	simm.s32 @!p2 $0x0  }
0x1d: {  	s5 =	simm.s32 @p1 $0x1;
	p0 =	seq.s32 s7, s2  }
0x1e: {  	s7 =	smul.u32 @!p0 $0xF7A, s2;
	p2 =	seq.s32 @!p0 s5, $0x0  }
0x1f: {  	s9 =	smul.u32 $0xF7A, s1;
	s8 =	simm.s32 @!p0 $0x1BF5;
	p2 =	por !p2, p0  }
0x20: {  	[sflag:s8] =	ssyncset.s32 @!p0 $0xFFFFF086;
	s6 =	sadd.s32 @!p0 s3, s7;
	s7 =	simm.s32 @!p0 $0x108  }
0x21: {  	s3 =	sadd.s32 s3, s9;
	s6 =	sadd.s32 @!p0 $0x88, s6;
	s7 =	simm.s32 @p2 $0x1082  }
0x22: {  	[simem:s7], [sflag:s8] =	dma.local @!p0 [hbm:s6], $0xF7A  }
0x23: {  	s9 =	sor.u32 $0xD0000000, s2;
	s6 =	simm.s32 $0x108;
	_ =	swait.ge @!p0 [sflag:s8], $0x0  }
0x24: {  	s3 =	sadd.s32 $0x88, s3;
	s6 =	simm.s32 @!p1 $0x1082;
	[sflag:s4] =	ssyncset.s32 $0xFFFFF086  }
0x25: {  	[simem:s6], [sflag:s4] =	dma.local [hbm:s3], $0xF7A  }
0x26: {  	[smem:$0x3F9B] =	sst s1;
	(tag) =	ssettag s2;
	_ =	strace s9  }
0x27: {  	s1 =	sld [smem:$0x3FAB]  }
0x28: {  	s2 =	sld [smem:$0x3FAC]  }
0x29: {  	s4 =	sld [smem:$0x3FAE]  }
0x2a: {  	p0 =	seq.s32 s5, $0x0;
	s5 =	sld [smem:$0x3FAF]  }
0x2b: {  	s6 =	sld [smem:$0x3FB0]  }
0x2c: {  	s7 =	sld [smem:$0x3FB1]  }
0x2d: {  	s3 =	simm.s32 $0x108;
	s8 =	sld [smem:$0x3FB2]  }
0x2e: {  	s3 =	simm.s32 @!p0 $0x1082;
	s9 =	sld [smem:$0x3FB3]  }
0x2f: {  	lr =	sadd.s32 s0, s3;
	s0 =	sld [smem:$0x3FAA]  }
0x30: {  	s3 =	sld [smem:$0x3FAD]  }
0x31: {  	[smem:$0x3FB6] =	sst s10  }
0x32: {  	s10 =	sld [smem:$0x3FB4];
	_ =	sdelay $0x3  }
0x33: {  	p0 =	seq.s32 s10, $0x1;
	s10 =	sld [smem:$0x3FB6];
	_ =	sdelay $0x3  }
0x34: {  	[smem:$0x3FB6] =	sst s10  }
0x35: {  	s10 =	sld [smem:$0x3FB5];
	_ =	sdelay $0x3  }
0x36: {  	p1 =	seq.s32 s10, $0x1;
	s10 =	sld [smem:$0x3FB6];
	_ =	sdelay $0x3  }
0x37: {  	[smem:$0x3FB6] =	sst s10  }
0x38: {  	s10 =	sld [smem:$0x3FB7]  }
0x39: {  	_ = 	snop;
	(pc) =	sbr.ind lr, $3  }
0x3a: {  	_ = 	snop  }
0x3b: {  	_ = 	snop  }
0x3c: {  	p2 =	seq.s32 s10, $0x1;
	s10 =	sld [smem:$0x3FB6]  }
0x3d: {  	_ =	shalt  }
0x3e: {  	_ =	shalt  }
0x3f: {  	_ =	shalt  }
0x40: {  	_ =	shalt  }
0x41: {  	_ =	shalt  }
0x42: {  	_ =	shalt  }
0x43: {  	_ =	shalt  }
0x44: {  	_ =	shalt  }
0x45: {  	_ =	shalt  }
0x46: {  	_ =	shalt  }
0x47: {  	_ =	shalt  }
0x48: {  	_ =	shalt  }
0x49: {  	_ =	shalt  }
0x4a: {  	_ =	shalt  }
0x4b: {  	_ =	shalt  }
0x4c: {  	_ =	shalt  }
0x4d: {  	_ =	shalt  }
0x4e: {  	_ =	shalt  }
0x4f: {  	_ =	shalt  }
0x50: {  	_ =	shalt  }
0x51: {  	_ =	shalt  }
0x52: {  	_ =	shalt  }
0x53: {  	_ =	shalt  }
0x54: {  	_ =	shalt  }
0x55: {  	_ =	shalt  }
0x56: {  	_ =	shalt  }
0x57: {  	_ =	shalt  }
0x58: {  	_ =	shalt  }
0x59: {  	_ =	shalt  }
0x5a: {  	_ =	shalt  }
0x5b: {  	_ =	shalt  }
0x5c: {  	_ =	shalt  }
0x5d: {  	_ =	shalt  }
0x5e: {  	_ =	shalt  }
0x5f: {  	_ =	shalt  }
0x60: {  	_ =	shalt  }
0x61: {  	_ =	shalt  }
0x62: {  	_ =	shalt  }
0x63: {  	_ =	shalt  }
0x64: {  	_ =	shalt  }
0x65: {  	_ =	shalt  }
0x66: {  	_ =	shalt  }
0x67: {  	_ =	shalt  }
0x68: {  	_ =	shalt  }
0x69: {  	_ =	shalt  }
0x6a: {  	_ =	shalt  }
0x6b: {  	_ =	shalt  }
0x6c: {  	_ =	shalt  }
0x6d: {  	_ =	shalt  }
0x6e: {  	_ =	shalt  }
0x6f: {  	_ =	shalt  }
0x70: {  	_ =	shalt  }
0x71: {  	_ =	shalt  }
0x72: {  	_ =	shalt  }
0x73: {  	_ =	shalt  }
0x74: {  	_ =	shalt  }
0x75: {  	_ =	shalt  }
0x76: {  	_ =	shalt  }
0x77: {  	_ =	shalt  }
0x78: {  	_ =	shalt  }
0x79: {  	_ =	shalt  }
0x7a: {  	_ =	shalt  }
0x7b: {  	_ =	shalt  }
0x7c: {  	_ =	shalt  }
0x7d: {  	_ =	shalt  }
0x7e: {  	_ =	shalt  }
0x7f: {  	_ =	shalt  }
0x80: {  	_ =	shalt  }
0x81: {  	_ =	shalt  }
0x82: {  	_ =	shalt  }
0x83: {  	_ =	shalt  }
0x84: {  	_ =	shalt  }
0x85: {  	_ =	shalt  }
0x86: {  	_ =	shalt  }
0x87: {  	_ =	shalt  }
.Lfunc_end0:
.L_simem_size_0:
called_computation_lowered:
.L_overlay_start_0:
0x88: {  	s2 =	sld [smem:$0x3FD9]  }
0x89: {  	s3 =	sld [smem:$0x3FFE];
	_ =	sdelay $0x1  }
0x8a: {  	s1 =	srdreg.scid  }
0x8b: {  	s0 =	sand.u32 $0x1, s1  }
0x8c: {  	s17 =	sshll.u32 s0, $0xA;
	s2 =	sadd.s32 s3, s2  }
0x8d: {  	s2 =	sadd.s32 s2, s17  }
0x8e: {  	[smem:$0x3FC2] =	sst s2  }
0x8f: {  	_ = 	snop  }
0x90: {  	s2 =	sld [smem:$0x3FD0];
	(tm) =	ssettm $0x1  }
0x91: {  	s18 =	sld [smem:$0x3FFB];
	_ =	sdelay $0x3  }
0x92: {  	_ =	strace s18  }
0x93: {  	s3 =	sld [smem:$0x3FFC];
	_ =	sdelay $0x3  }
0x94: {  	_ =	strace s3  }
0x95: {  	s3 =	sld [smem:$0x3FFD];
	_ =	sdelay $0x3  }
0x96: {  	_ =	strace s3  }
0x97: {  	_ =	strace $0x8FFFFFFF  }
0x98: {  	s19 =	sld [smem:$0x3FDB];
	_ =	sdelay $0x1  }
0x99: {  	s4 =	simm.s32 $_scs_section_size  }
0x9a: {  	s5 =	simm.s32 $_size__tile_overlayer_lowered;
	s6 =	simm.s32 $_tile_overlayer_lowered  }
0x9b: {  	s22 =	simm.s32 $0x1BFF;
	s21 =	sshll.u32 s6, $0x1;
	s3 =	sadd.s32 s4, s19  }
0x9c: {  	s7 =	simm.s32 $0x0;
	s20 =	sshll.u32 s5, $0x1;
	s5 =	sadd.s32 s21, s3  }
0x9d: {  	[timem:s7], [sflag:s22] =	dma.local [hbm:s5], s20  }
0x9e: {  	_ =	swait.ge [sflag:s22], s20  }
0x9f: {  	s4 =	ssub.s32 $0x0, s20;
	[sflag:s22] =	ssyncset.done $0x0  }
0xa0: {  	[sflag:s22] =	ssyncadd.s32 s4;
	_ =	sdelay $0x1  }
0xa1: {  	s23 =	simm.s32 $0x1B8B  }
0xa2: {  	_ =	swait.ge [sflag:s23], $0x1  }
0xa3: {  	[sflag:s23] =	ssyncset.done $0x0  }
0xa4: {  	s25 =	simm.s32 $0x1B8E;
	s24 =	sld [smem:$0x3FFE];
	[sflag:s23] =	ssyncadd.s32 $0xFFFFFFFF  }
0xa5: {  	s26 =	simm.s32 $execute0_lowered;
	[smem:$0x3FD2] =	sst s25  }
0xa6: {  	s5 =	sshll.u32 s26, $0x1;
	_ =	strace $0x80000046;
	[dreg:$0x1] =	wrdreg $0xFFFFFFFF  }
0xa7: {  	s28 =	simm.s32 $_size_execute0_lowered;
	s3 =	sadd.s32 s3, s5;
	[dreg:$0x0] =	wrdreg $0x0  }
0xa8: {  	s5 =	sshll.u32 s28, $0x1;
	[dreg:$0x2] =	wrdreg s3  }
0xa9: {  	[dreg:$0x3] =	wrdreg s5  }
0xaa: {  	[dreg:$0x4] =	wrdreg $0xC0  }
0xab: {  	_ =	task [dreg:s7], $0x5FFFF  }
0xac: {  	[dreg:$0x1] =	wrdreg $0xFFFFFFFF  }
0xad: {  	[dreg:$0x0] =	wrdreg $0x60  }
0xae: {  	[dreg:$0x2] =	wrdreg s24  }
0xaf: {  	[dreg:$0x3] =	wrdreg s2  }
0xb0: {  	[dreg:$0x4] =	wrdreg $0x160000  }
0xb1: {  	[dreg:$0x5] =	wrdreg $0x9  }
0xb2: {  	_ =	task.clear_ibuf [dreg:s7], $0x6FFFF;
	_ =	strace $0x90000046  }
0xb3: {  	s29 =	simm.s32 $0x9;
	_ =	strace $0x80000048  }
0xb4: {  	_ =	swait.ge [sflag:s29], $0x1  }
0xb5: {  	[sflag:s29] =	ssyncadd.s32 $0xFFFFFFFF  }
0xb6: {  	_ =	strace $0x90000048  }
0xb7: {  	_ =	sfence  }
0xb8: {  	s30 =	sld [smem:$0x0];
	_ =	sdelay $0x2  }
0xb9: {  	s31 =	sshll.u32 s1, $0xD;
	s1 =	sshrl.u32 s1, $0x2  }
0xba: {  	s3 =	sand.u32 $0x4000, s31;
	s1 =	sadd.s32 s1, s30  }
0xbb: {  	s0 =	sor.u32 s3, s0;
	s1 =	sshll.u32 s1, $0x11  }
0xbc: {  	s0 =	sor.u32 s1, s0  }
0xbd: {  	s0 =	sadd.s32 $0x8F2B, s0  }
0xbe: {  	[sflag:s0] =	ssyncadd.remote.s32 $0x1  }
0xbf: {  	_ =	sfence.sel $0xFFFF  }
0xc0: {  	[dreg:$0x0] =	wrdreg $0xFFFFFFFF;
	(pc) =	sbr.abs _section_cstart, $3  }
0xc1: {  	[dreg:$0x1] =	wrdreg $0xFFFFFFFF  }
0xc2: {  	_ =	task.clear_ibuf [dreg:s7], $0x2FFFF;
	_ =	strace $0x9FFFFFFF  }
0xc3: {  	(tm) =	ssettm $0x7FFFFFFF  }
tec
execute0_lowered:
.L_overlay_start_1:
0x0: {  	(tag) =	ssettag $0x1  }
0x1: {  	s0 =	rddreg [dreg:$0x0]  }
0x2: {  	s1 =	srdreg.scid;
	s2 =	rddreg [dreg:$0x1]  }
0x3: {  	s9 =	stileid.u32;
	s3 =	rddreg [dreg:$0x2];
	s7 =	simm.s32 $0x0  }
0x4: {  	s14 =	simm.s32 $0xA;
	s15 =	simm.s32 $0x80;
	s16 =	simm.s32 $0xA000  }
0x5: {  	s17 =	simm.s32 $0xB000;
	s19 =	simm.s32 $0xC000;
	s21 =	simm.s32 $0xD000  }
0x6: {  	s22 =	simm.s32 $0x1;
	s29 =	simm.s32 $0x12000;
	s31 =	simm.s32 $0xF000  }
0x7: {  	s18 =	simm.s32 $0x14000;
	s28 =	simm.s32 $0x7;
	s30 =	simm.s32 $0x5  }
0x8: {  	s20 =	simm.s32 $0x6;
	s11 =	simm.s32 $0x9;
	s4 =	smul.u32 $0x5000, s9  }
0x9: {  	s1 =	sand.u32 $0x1, s1;
	s6 =	smul.u32 $0x9E00, s9;
	[smem:$0x7FF] =	sst s7  }
0xa: {  	s10 =	sadd.s32 $0x1F200, s0;
	s24 =	sshll.u32 s9, $0x6;
	s5 =	smul.u32 $0x50000, s1  }
0xb: {  	s9 =	simm.s32 $0x5000;
	s23 =	smul.u32 $0x9E000, s1;
	_ =	strace $0x80000047  }
0xc: {  	s1 =	ssub.s32 $0x2, s1;
	[dreg:$0x4] =	wrdreg s10;
	s10 =	simm.s32 $0xB  }
0xd: {  	s8 =	sshrl.u32 s1, $0x1;
	s25 =	sadd.s32 s6, s3;
	s5 =	sadd.s32 s4, s5  }
0xe: {  	s4 =	sshrl.u32 s4, $0x3;
	s7 =	sadd.s32 s6, s23;
	s1 =	ssub.s32 s1, s8  }
0xf: {  	s8 =	sshrl.u32 s25, $0x3;
	s23 =	simm.s32 $0x10000;
	s25 =	simm.s32 $0xE000  }
0x10: {  	s5 =	sshrl.u32 s5, $0x3;
	s4 =	sadd.s32 s4, s0;
	s7 =	sshrl.u32 s7, $0x3  }
0x11: {  	s26 =	smax.u32 s1, $0x1;
	s1 =	simm.s32 $0x3;
	[dreg:$0xa] =	wrdreg s8  }
0x12: {  	s5 =	sadd.s32 s5, s0;
	s4 =	sadd.s32 $0x15200, s4;
	[dreg:$0x9] =	wrdreg s26  }
0x13: {  	s0 =	sadd.s32 s7, s0;
	s7 =	sor.u32 $0x1C0B, s24;
	[dreg:$0x6] =	wrdreg s4  }
0x14: {  	s26 =	simm.s32 $0x2;
	s5 =	sadd.s32 $0x1200, s5;
	[dreg:$0x7] =	wrdreg s7  }
0x15: {  	s24 =	simm.s32 $0x4;
	s0 =	sadd.s32 $0x20600, s0;
	[dreg:$0x5] =	wrdreg s5  }
0x16: {  	[dreg:$0x8] =	wrdreg s0;
	s0 =	simm.s32 $0x8;
	s5 =	simm.s32 $0x0  }
.LBB2_1:
0x17: {  	s6 =	rddreg [dreg:$0x5]  }
0x18: {  	s4 =	simm.s32 $0x0;
	s12 =	rddreg [dreg:$0x6]  }
0x19: {  	[tilespmem:s4], [sflag:$0xA] =	stream.linear.gather [hbm4b:s6+s4], $0x5000, $0x38;
	[tilespmem:$0x1FE00] =	vst v63  }
0x1a: {  	s13 =	rddreg [dreg:$0x4]  }
0x1b: {  	[tilespmem:s9], [sflag:$0xA] =	stream.linear.gather [hbm4b:s12+s4], $0x5000, $0x38;
	[tilespmem:$0x1FE00] =	vst v63  }
0x1c: {  	[spmem:s8], [sflag:s7] =	dma.local [hbm:s13], $0x13C0  }
0x1d: {  	_ =	swait.ge [sflag:s10], $0x13C0  }
0x1e: {  	[sflag:s10] =	ssyncset.done $0x0  }
0x1f: {  	[sflag:s10] =	ssyncadd.s32 $0xFFFFEC40  }
0x20: {  	_ =	swait.ge [sflag:s14], $0x5000  }
0x21: {  	[sflag:s14] =	ssyncset.done $0x0  }
0x22: {  	[sflag:s14] =	ssyncadd.s32 $0xFFFFB000  }
0x23: {  	_ =	swait.ge [sflag:s14], $0x5000  }
0x24: {  	[sflag:s14] =	ssyncset.done $0x0  }
0x25: {  	[sflag:s14] =	ssyncadd.s32 $0xFFFFB000  }
0x26: {  	[bflag:$0x0] =	sbarrier.arrive $0xFFFF  }
0x27: {  	[tilespmem:s16], [sflag:$0x1] =	stream.indirect.gather [hbm4b:s2+s15], $0x20, s4, s15, $0xb8;
	[tilespmem:$0x1FE00] =	vst v63  }
0x28: {  	_ = 	snop  }
0x29: {  	[tilespmem:s17], [sflag:$0x2] =	stream.indirect.gather [hbm4b:s2+s15], $0x20, s15, s15, $0xb8;
	[tilespmem:$0x1FE00] =	vst v63  }
0x2a: {  	s10 =	simm.s32 $0x100  }
0x2b: {  	[tilespmem:s19], [sflag:$0x3] =	stream.indirect.gather [hbm4b:s2+s15], $0x20, s10, s15, $0xb8;
	[tilespmem:$0x1FE00] =	vst v63  }
0x2c: {  	s12 =	simm.s32 $0x180  }
0x2d: {  	[tilespmem:s21], [sflag:$0x4] =	stream.indirect.gather [hbm4b:s2+s15], $0x20, s12, s15, $0xb8;
	[tilespmem:$0x1FE00] =	vst v63  }
0x2e: {  	_ =	swait.ge [sflag:s22], $0x1000  }
0x2f: {  	[sflag:s22] =	ssyncset.done $0x0  }
0x30: {  	s13 =	simm.s32 $0x0;
	[sflag:s22] =	ssyncadd.s32 $0xFFFFF000  }
0x31: {  	v0 =	vld [tilespmem:s13+$0xA000];
	_ =	sdelay $0x4  }
0x32: {  	s6 =	simm.s32 $0x10020;
	v1 =	vunpack.i.l.bf16.f32 v0  }
0x33: {  	v0 =	vunpack.i.u.bf16.f32 v0;
	[tilespmem:s6+$0xFFFFFFE0] =	vst v1  }
0x34: {  	[tilespmem:s6+$0xFFFFFFF0] =	vst v0  }
0x35: {  	s7 =	simm.s32 $0x80;
	s4 =	simm.s32 $0x10020;
	v0 =	vld [tilespmem:s13+$0xA010]  }
.LBB2_2:
0x36: {  	_ =	sdelay $0x2  }
0x37: {  	p0 =	sne.s32 s7, $0x3F80  }
0x38: {  	s6 =	sadd.s32 $0x40, s6;
	s8 =	smov.u32 s7;
	s7 =	sadd.s32 $0x80, s7;
	v1 =	vunpack.i.u.bf16.f32 v0;
	v0 =	vunpack.i.l.bf16.f32 v0  }
0x39: {  	[tilespmem:s4+$0x0] =	vst v0  }
0x3a: {  	s8 =	sshra.s32 s8, $0x2;
	[tilespmem:s4+$0x10] =	vst v1;
	s4 =	smov.u32 s6  }
0x3b: {  	v0 =	vld [tilespmem:s8+$0xA000];
	_ =	sdelay $0x3  }
.Ltmp0:
0x3c: {  	(pc) =	sbr.rel @p0 .LBB2_2-.Ltmp0, $4  }
0x3d: {  	v1 =	vunpack.i.u.bf16.f32 v0;
	v0 =	vunpack.i.l.bf16.f32 v0  }
0x3e: {  	[tilespmem:s6+$0xFFFFFFE0] =	vst v0  }
0x3f: {  	[tilespmem:s6+$0xFFFFFFF0] =	vst v1  }
0x40: {  	v0 =	vld [tilespmem:s8+$0xA010]  }
0x41: {  	_ =	sdelay $0x3  }
0x42: {  	v1 =	vunpack.i.l.bf16.f32 v0  }
0x43: {  	v0 =	vunpack.i.u.bf16.f32 v0;
	[tilespmem:s4+$0x0] =	vst v1  }
0x44: {  	[tilespmem:s4+$0x10] =	vst v0  }
0x45: {  	[spmem:s3] =	stream.indirect.scatter.add.f32 [tilespmem:s23], [sflag:$0x7], $0x40, s9, s15, $0xb8;
	[tilespmem:$0x1FE00] =	vst v63  }
0x46: {  	s12 =	simm.s32 $0x200  }
0x47: {  	[tilespmem:s25], [sflag:$0x5] =	stream.indirect.gather [hbm4b:s2+s15], $0x20, s12, s15, $0xb8;
	[tilespmem:$0x1FE00] =	vst v63  }
0x48: {  	_ =	swait.ge [sflag:s26], $0x1000  }
0x49: {  	[sflag:s26] =	ssyncset.done $0x0  }
0x4a: {  	s13 =	simm.s32 $0x0;
	[sflag:s26] =	ssyncadd.s32 $0xFFFFF000  }
0x4b: {  	v0 =	vld [tilespmem:s13+$0xB000];
	_ =	sdelay $0x4  }
0x4c: {  	s6 =	simm.s32 $0x12020;
	v1 =	vunpack.i.l.bf16.f32 v0  }
0x4d: {  	v0 =	vunpack.i.u.bf16.f32 v0;
	[tilespmem:s6+$0xFFFFFFE0] =	vst v1  }
0x4e: {  	[tilespmem:s6+$0xFFFFFFF0] =	vst v0  }
0x4f: {  	s7 =	simm.s32 $0x80;
	s4 =	simm.s32 $0x12020;
	v0 =	vld [tilespmem:s13+$0xB010]  }
.LBB2_4:
0x50: {  	_ =	sdelay $0x2  }
0x51: {  	p0 =	sne.s32 s7, $0x3F80  }
0x52: {  	s6 =	sadd.s32 $0x40, s6;
	s8 =	smov.u32 s7;
	s7 =	sadd.s32 $0x80, s7;
	v1 =	vunpack.i.u.bf16.f32 v0;
	v0 =	vunpack.i.l.bf16.f32 v0  }
0x53: {  	[tilespmem:s4+$0x0] =	vst v0  }
0x54: {  	s8 =	sshra.s32 s8, $0x2;
	[tilespmem:s4+$0x10] =	vst v1;
	s4 =	smov.u32 s6  }
0x55: {  	v0 =	vld [tilespmem:s8+$0xB000];
	_ =	sdelay $0x3  }
.Ltmp1:
0x56: {  	(pc) =	sbr.rel @p0 .LBB2_4-.Ltmp1, $4  }
0x57: {  	v1 =	vunpack.i.u.bf16.f32 v0;
	v0 =	vunpack.i.l.bf16.f32 v0  }
0x58: {  	[tilespmem:s6+$0xFFFFFFE0] =	vst v0  }
0x59: {  	[tilespmem:s6+$0xFFFFFFF0] =	vst v1  }
0x5a: {  	v0 =	vld [tilespmem:s8+$0xB010]  }
0x5b: {  	_ =	sdelay $0x3  }
0x5c: {  	v1 =	vunpack.i.l.bf16.f32 v0  }
0x5d: {  	v0 =	vunpack.i.u.bf16.f32 v0;
	[tilespmem:s4+$0x0] =	vst v1  }
0x5e: {  	s10 =	simm.s32 $0x5080;
	[tilespmem:s4+$0x10] =	vst v0  }
0x5f: {  	[spmem:s3] =	stream.indirect.scatter.add.f32 [tilespmem:s29], [sflag:$0x8], $0x40, s10, s15, $0xb8;
	[tilespmem:$0x1FE00] =	vst v63  }
0x60: {  	s12 =	simm.s32 $0x280  }
0x61: {  	[tilespmem:s31], [sflag:$0x6] =	stream.indirect.gather [hbm4b:s2+s15], $0x20, s12, s15, $0xb8;
	[tilespmem:$0x1FE00] =	vst v63  }
0x62: {  	_ =	swait.ge [sflag:s1], $0x1000  }
0x63: {  	[sflag:s1] =	ssyncset.done $0x0  }
0x64: {  	s13 =	simm.s32 $0x0;
	[sflag:s1] =	ssyncadd.s32 $0xFFFFF000  }
0x65: {  	v0 =	vld [tilespmem:s13+$0xC000];
	_ =	sdelay $0x4  }
0x66: {  	s6 =	simm.s32 $0x14020;
	v1 =	vunpack.i.l.bf16.f32 v0  }
0x67: {  	v0 =	vunpack.i.u.bf16.f32 v0;
	[tilespmem:s6+$0xFFFFFFE0] =	vst v1  }
0x68: {  	[tilespmem:s6+$0xFFFFFFF0] =	vst v0  }
0x69: {  	s7 =	simm.s32 $0x80;
	s4 =	simm.s32 $0x14020;
	v0 =	vld [tilespmem:s13+$0xC010]  }
.LBB2_6:
0x6a: {  	_ =	sdelay $0x2  }
0x6b: {  	p0 =	sne.s32 s7, $0x3F80  }
0x6c: {  	s6 =	sadd.s32 $0x40, s6;
	s8 =	smov.u32 s7;
	s7 =	sadd.s32 $0x80, s7;
	v1 =	vunpack.i.u.bf16.f32 v0;
	v0 =	vunpack.i.l.bf16.f32 v0  }
0x6d: {  	[tilespmem:s4+$0x0] =	vst v0  }
0x6e: {  	s8 =	sshra.s32 s8, $0x2;
	[tilespmem:s4+$0x10] =	vst v1;
	s4 =	smov.u32 s6  }
0x6f: {  	v0 =	vld [tilespmem:s8+$0xC000];
	_ =	sdelay $0x3  }
.Ltmp2:
0x70: {  	(pc) =	sbr.rel @p0 .LBB2_6-.Ltmp2, $4  }
0x71: {  	v1 =	vunpack.i.u.bf16.f32 v0;
	v0 =	vunpack.i.l.bf16.f32 v0  }
0x72: {  	[tilespmem:s6+$0xFFFFFFE0] =	vst v0  }
0x73: {  	[tilespmem:s6+$0xFFFFFFF0] =	vst v1  }
0x74: {  	v0 =	vld [tilespmem:s8+$0xC010]  }
0x75: {  	_ =	sdelay $0x3  }
0x76: {  	v1 =	vunpack.i.l.bf16.f32 v0  }
0x77: {  	v63 =	vunpack.i.u.bf16.f32 v0;
	[tilespmem:s4+$0x0] =	vst v1  }
0x78: {  	s12 =	simm.s32 $0x5100;
	[tilespmem:s4+$0x10] =	vst v63  }
0x79: {  	[spmem:s3] =	stream.indirect.scatter.add.f32 [tilespmem:s18], [sflag:$0x9], $0x40, s12, s15, $0xb8;
	[tilespmem:$0x1FE00] =	vst v63  }
0x7a: {  	s13 =	simm.s32 $0x300;
	s6 =	simm.s32 $0x0  }
0x7b: {  	[tilespmem:s16], [sflag:$0x1] =	stream.indirect.gather [hbm4b:s2+s15], $0x20, s13, s15, $0xb8;
	[tilespmem:$0x1FE00] =	vst v63  }
.LBB2_8:
0x7c: {  	_ =	swait.ge [sflag:s24], $0x1000  }
0x7d: {  	[sflag:s24] =	ssyncset.done $0x0  }
0x7e: {  	[sflag:s24] =	ssyncadd.s32 $0xFFFFF000  }
0x7f: {  	_ =	swait.ge [sflag:s28], $0x2000  }
0x80: {  	[sflag:s28] =	ssyncset.done $0x0  }
0x81: {  	s4 =	simm.s32 $0x0;
	[sflag:s28] =	ssyncadd.s32 $0xFFFFE000  }
0x82: {  	v0 =	vld [tilespmem:s4+$0xD000];
	_ =	sdelay $0x4  }
0x83: {  	s7 =	simm.s32 $0x10020;
	v1 =	vunpack.i.l.bf16.f32 v0  }
0x84: {  	v0 =	vunpack.i.u.bf16.f32 v0;
	[tilespmem:s7+$0xFFFFFFE0] =	vst v1  }
0x85: {  	[tilespmem:s7+$0xFFFFFFF0] =	vst v0  }
0x86: {  	s8 =	simm.s32 $0x80;
	v0 =	vld [tilespmem:s4+$0xD010];
	s4 =	simm.s32 $0x10020  }
.LBB2_9:
0x87: {  	_ =	sdelay $0x2  }
0x88: {  	p0 =	sne.s32 s8, $0x3F80  }
0x89: {  	s7 =	sadd.s32 $0x40, s7;
	s9 =	smov.u32 s8;
	s8 =	sadd.s32 $0x80, s8;
	v1 =	vunpack.i.u.bf16.f32 v0;
	v0 =	vunpack.i.l.bf16.f32 v0  }
0x8a: {  	[tilespmem:s4+$0x0] =	vst v0  }
0x8b: {  	s9 =	sshra.s32 s9, $0x2;
	[tilespmem:s4+$0x10] =	vst v1;
	s4 =	smov.u32 s7  }
0x8c: {  	v0 =	vld [tilespmem:s9+$0xD000];
	_ =	sdelay $0x3  }
.Ltmp3:
0x8d: {  	(pc) =	sbr.rel @p0 .LBB2_9-.Ltmp3, $4  }
0x8e: {  	v1 =	vunpack.i.u.bf16.f32 v0;
	v0 =	vunpack.i.l.bf16.f32 v0  }
0x8f: {  	[tilespmem:s7+$0xFFFFFFE0] =	vst v0  }
0x90: {  	[tilespmem:s7+$0xFFFFFFF0] =	vst v1  }
0x91: {  	v0 =	vld [tilespmem:s9+$0xD010]  }
0x92: {  	_ =	sdelay $0x2  }
0x93: {  	s7 =	smul.u32 $0xC00, s6  }
0x94: {  	v1 =	vunpack.i.l.bf16.f32 v0  }
0x95: {  	s7 =	sshra.s32 s7, $0x2;
	v0 =	vunpack.i.u.bf16.f32 v0;
	[tilespmem:s4+$0x0] =	vst v1  }
0x96: {  	s10 =	smul.u32 $0x300, s6;
	s13 =	sadd.s32 $0x5180, s7;
	[tilespmem:s4+$0x10] =	vst v0  }
0x97: {  	[spmem:s3] =	stream.indirect.scatter.add.f32 [tilespmem:s23], [sflag:$0x7], $0x40, s13, s15, $0xb8;
	[tilespmem:$0x1FE00] =	vst v63  }
0x98: {  	s9 =	sadd.s32 $0x380, s10  }
0x99: {  	[tilespmem:s17], [sflag:$0x2] =	stream.indirect.gather [hbm4b:s2+s15], $0x20, s9, s15, $0xb8;
	[tilespmem:$0x1FE00] =	vst v63  }
0x9a: {  	_ =	swait.ge [sflag:s30], $0x1000  }
0x9b: {  	[sflag:s30] =	ssyncset.done $0x0  }
0x9c: {  	[sflag:s30] =	ssyncadd.s32 $0xFFFFF000  }
0x9d: {  	_ =	swait.ge [sflag:s0], $0x2000  }
0x9e: {  	[sflag:s0] =	ssyncset.done $0x0  }
0x9f: {  	s8 =	simm.s32 $0x0;
	[sflag:s0] =	ssyncadd.s32 $0xFFFFE000  }
0xa0: {  	v0 =	vld [tilespmem:s8+$0xE000];
	_ =	sdelay $0x4  }
0xa1: {  	s4 =	simm.s32 $0x12020;
	v1 =	vunpack.i.l.bf16.f32 v0  }
0xa2: {  	v0 =	vunpack.i.u.bf16.f32 v0;
	[tilespmem:s4+$0xFFFFFFE0] =	vst v1  }
0xa3: {  	[tilespmem:s4+$0xFFFFFFF0] =	vst v0  }
0xa4: {  	s12 =	simm.s32 $0x80;
	v0 =	vld [tilespmem:s8+$0xE010];
	s8 =	simm.s32 $0x12020  }
.LBB2_11:
0xa5: {  	_ =	sdelay $0x2  }
0xa6: {  	p0 =	sne.s32 s12, $0x3F80  }
0xa7: {  	s4 =	sadd.s32 $0x40, s4;
	s13 =	smov.u32 s12;
	s12 =	sadd.s32 $0x80, s12;
	v1 =	vunpack.i.u.bf16.f32 v0;
	v0 =	vunpack.i.l.bf16.f32 v0  }
0xa8: {  	[tilespmem:s8+$0x0] =	vst v0  }
0xa9: {  	s13 =	sshra.s32 s13, $0x2;
	[tilespmem:s8+$0x10] =	vst v1;
	s8 =	smov.u32 s4  }
0xaa: {  	v0 =	vld [tilespmem:s13+$0xE000];
	_ =	sdelay $0x3  }
.Ltmp4:
0xab: {  	(pc) =	sbr.rel @p0 .LBB2_11-.Ltmp4, $4  }
0xac: {  	v1 =	vunpack.i.u.bf16.f32 v0;
	v0 =	vunpack.i.l.bf16.f32 v0  }
0xad: {  	[tilespmem:s4+$0xFFFFFFE0] =	vst v0  }
0xae: {  	[tilespmem:s4+$0xFFFFFFF0] =	vst v1  }
0xaf: {  	v0 =	vld [tilespmem:s13+$0xE010]  }
0xb0: {  	_ =	sdelay $0x3  }
0xb1: {  	v1 =	vunpack.i.l.bf16.f32 v0  }
0xb2: {  	v0 =	vunpack.i.u.bf16.f32 v0;
	[tilespmem:s8+$0x0] =	vst v1  }
0xb3: {  	s4 =	sadd.s32 $0x5200, s7;
	[tilespmem:s8+$0x10] =	vst v0  }
0xb4: {  	[spmem:s3] =	stream.indirect.scatter.add.f32 [tilespmem:s29], [sflag:$0x8], $0x40, s4, s15, $0xb8;
	[tilespmem:$0x1FE00] =	vst v63  }
0xb5: {  	s10 =	sadd.s32 $0x400, s10  }
0xb6: {  	[tilespmem:s19], [sflag:$0x3] =	stream.indirect.gather [hbm4b:s2+s15], $0x20, s10, s15, $0xb8;
	[tilespmem:$0x1FE00] =	vst v63  }
0xb7: {  	_ =	swait.ge [sflag:s20], $0x1000  }
0xb8: {  	[sflag:s20] =	ssyncset.done $0x0  }
0xb9: {  	[sflag:s20] =	ssyncadd.s32 $0xFFFFF000  }
0xba: {  	_ =	swait.ge [sflag:s11], $0x2000  }
0xbb: {  	[sflag:s11] =	ssyncset.done $0x0  }
0xbc: {  	s13 =	simm.s32 $0x0;
	[sflag:s11] =	ssyncadd.s32 $0xFFFFE000  }
0xbd: {  	v0 =	vld [tilespmem:s13+$0xF000];
	_ =	sdelay $0x4  }
0xbe: {  	s4 =	simm.s32 $0x14020;
	v1 =	vunpack.i.l.bf16.f32 v0  }
0xbf: {  	v0 =	vunpack.i.u.bf16.f32 v0;
	[tilespmem:s4+$0xFFFFFFE0] =	vst v1  }
0xc0: {  	[tilespmem:s4+$0xFFFFFFF0] =	vst v0  }
0xc1: {  	s12 =	simm.s32 $0x80;
	s8 =	simm.s32 $0x14020;
	v0 =	vld [tilespmem:s13+$0xF010]  }
.LBB2_13:
0xc2: {  	_ =	sdelay $0x2  }
0xc3: {  	p0 =	sne.s32 s12, $0x3F80  }
0xc4: {  	s4 =	sadd.s32 $0x40, s4;
	s13 =	smov.u32 s12;
	s12 =	sadd.s32 $0x80, s12;
	v1 =	vunpack.i.u.bf16.f32 v0;
	v0 =	vunpack.i.l.bf16.f32 v0  }
0xc5: {  	[tilespmem:s8+$0x0] =	vst v0  }
0xc6: {  	s13 =	sshra.s32 s13, $0x2;
	[tilespmem:s8+$0x10] =	vst v1;
	s8 =	smov.u32 s4  }
0xc7: {  	v0 =	vld [tilespmem:s13+$0xF000];
	_ =	sdelay $0x3  }
.Ltmp5:
0xc8: {  	(pc) =	sbr.rel @p0 .LBB2_13-.Ltmp5, $4  }
0xc9: {  	v1 =	vunpack.i.u.bf16.f32 v0;
	v0 =	vunpack.i.l.bf16.f32 v0  }
0xca: {  	[tilespmem:s4+$0xFFFFFFE0] =	vst v0  }
0xcb: {  	[tilespmem:s4+$0xFFFFFFF0] =	vst v1  }
0xcc: {  	v0 =	vld [tilespmem:s13+$0xF010]  }
0xcd: {  	_ =	sdelay $0x3  }
0xce: {  	v1 =	vunpack.i.l.bf16.f32 v0  }
0xcf: {  	v0 =	vunpack.i.u.bf16.f32 v0;
	[tilespmem:s8+$0x0] =	vst v1  }
0xd0: {  	s4 =	sadd.s32 $0x5280, s7;
	[tilespmem:s8+$0x10] =	vst v0  }
0xd1: {  	[spmem:s3] =	stream.indirect.scatter.add.f32 [tilespmem:s18], [sflag:$0x9], $0x40, s4, s15, $0xb8;
	[tilespmem:$0x1FE00] =	vst v63  }
0xd2: {  	s12 =	sadd.s32 $0x480, s7  }
0xd3: {  	[tilespmem:s21], [sflag:$0x4] =	stream.indirect.gather [hbm4b:s2+s15], $0x20, s12, s15, $0xb8;
	[tilespmem:$0x1FE00] =	vst v63  }
0xd4: {  	_ =	swait.ge [sflag:s22], $0x1000  }
0xd5: {  	[sflag:s22] =	ssyncset.done $0x0  }
0xd6: {  	[sflag:s22] =	ssyncadd.s32 $0xFFFFF000  }
0xd7: {  	_ =	swait.ge [sflag:s28], $0x2000  }
0xd8: {  	[sflag:s28] =	ssyncset.done $0x0  }
0xd9: {  	s13 =	simm.s32 $0x0;
	[sflag:s28] =	ssyncadd.s32 $0xFFFFE000  }
0xda: {  	v0 =	vld [tilespmem:s13+$0xA000];
	_ =	sdelay $0x4  }
0xdb: {  	s4 =	simm.s32 $0x10020;
	v1 =	vunpack.i.l.bf16.f32 v0  }
0xdc: {  	v0 =	vunpack.i.u.bf16.f32 v0;
	[tilespmem:s4+$0xFFFFFFE0] =	vst v1  }
0xdd: {  	[tilespmem:s4+$0xFFFFFFF0] =	vst v0  }
0xde: {  	s8 =	simm.s32 $0x10020;
	s12 =	simm.s32 $0x80;
	v0 =	vld [tilespmem:s13+$0xA010]  }
.LBB2_15:
0xdf: {  	_ =	sdelay $0x2  }
0xe0: {  	p0 =	sne.s32 s12, $0x3F80  }
0xe1: {  	s4 =	sadd.s32 $0x40, s4;
	s13 =	smov.u32 s12;
	s12 =	sadd.s32 $0x80, s12;
	v1 =	vunpack.i.u.bf16.f32 v0;
	v0 =	vunpack.i.l.bf16.f32 v0  }
0xe2: {  	[tilespmem:s8+$0x0] =	vst v0  }
0xe3: {  	s13 =	sshra.s32 s13, $0x2;
	[tilespmem:s8+$0x10] =	vst v1;
	s8 =	smov.u32 s4  }
0xe4: {  	v0 =	vld [tilespmem:s13+$0xA000];
	_ =	sdelay $0x3  }
.Ltmp6:
0xe5: {  	(pc) =	sbr.rel @p0 .LBB2_15-.Ltmp6, $4  }
0xe6: {  	v1 =	vunpack.i.u.bf16.f32 v0;
	v0 =	vunpack.i.l.bf16.f32 v0  }
0xe7: {  	[tilespmem:s4+$0xFFFFFFE0] =	vst v0  }
0xe8: {  	[tilespmem:s4+$0xFFFFFFF0] =	vst v1  }
0xe9: {  	v0 =	vld [tilespmem:s13+$0xA010]  }
0xea: {  	_ =	sdelay $0x3  }
0xeb: {  	v1 =	vunpack.i.l.bf16.f32 v0  }
0xec: {  	v0 =	vunpack.i.u.bf16.f32 v0;
	[tilespmem:s8+$0x0] =	vst v1  }
0xed: {  	s4 =	sadd.s32 $0x5300, s7;
	[tilespmem:s8+$0x10] =	vst v0  }
0xee: {  	[spmem:s3] =	stream.indirect.scatter.add.f32 [tilespmem:s23], [sflag:$0x7], $0x40, s4, s15, $0xb8;
	[tilespmem:$0x1FE00] =	vst v63  }
0xef: {  	s12 =	sadd.s32 $0x500, s7  }
0xf0: {  	[tilespmem:s25], [sflag:$0x5] =	stream.indirect.gather [hbm4b:s2+s15], $0x20, s12, s15, $0xb8;
	[tilespmem:$0x1FE00] =	vst v63  }
0xf1: {  	_ =	swait.ge [sflag:s26], $0x1000  }
0xf2: {  	[sflag:s26] =	ssyncset.done $0x0  }
0xf3: {  	[sflag:s26] =	ssyncadd.s32 $0xFFFFF000  }
0xf4: {  	_ =	swait.ge [sflag:s0], $0x2000  }
0xf5: {  	[sflag:s0] =	ssyncset.done $0x0  }
0xf6: {  	s13 =	simm.s32 $0x0;
	[sflag:s0] =	ssyncadd.s32 $0xFFFFE000  }
0xf7: {  	v0 =	vld [tilespmem:s13+$0xB000];
	_ =	sdelay $0x4  }
0xf8: {  	s4 =	simm.s32 $0x12020;
	v1 =	vunpack.i.l.bf16.f32 v0  }
0xf9: {  	v0 =	vunpack.i.u.bf16.f32 v0;
	[tilespmem:s4+$0xFFFFFFE0] =	vst v1  }
0xfa: {  	[tilespmem:s4+$0xFFFFFFF0] =	vst v0  }
0xfb: {  	s8 =	simm.s32 $0x12020;
	s12 =	simm.s32 $0x80;
	v0 =	vld [tilespmem:s13+$0xB010]  }
.LBB2_17:
0xfc: {  	_ =	sdelay $0x2  }
0xfd: {  	p0 =	sne.s32 s12, $0x3F80  }
0xfe: {  	s4 =	sadd.s32 $0x40, s4;
	s13 =	smov.u32 s12;
	s12 =	sadd.s32 $0x80, s12;
	v1 =	vunpack.i.u.bf16.f32 v0;
	v0 =	vunpack.i.l.bf16.f32 v0  }
0xff: {  	[tilespmem:s8+$0x0] =	vst v0  }
0x100: {  	s13 =	sshra.s32 s13, $0x2;
	[tilespmem:s8+$0x10] =	vst v1;
	s8 =	smov.u32 s4  }
0x101: {  	v0 =	vld [tilespmem:s13+$0xB000];
	_ =	sdelay $0x3  }
.Ltmp7:
0x102: {  	(pc) =	sbr.rel @p0 .LBB2_17-.Ltmp7, $4  }
0x103: {  	v1 =	vunpack.i.u.bf16.f32 v0;
	v0 =	vunpack.i.l.bf16.f32 v0  }
0x104: {  	[tilespmem:s4+$0xFFFFFFE0] =	vst v0  }
0x105: {  	[tilespmem:s4+$0xFFFFFFF0] =	vst v1  }
0x106: {  	v0 =	vld [tilespmem:s13+$0xB010]  }
0x107: {  	_ =	sdelay $0x3  }
0x108: {  	v1 =	vunpack.i.l.bf16.f32 v0  }
0x109: {  	v0 =	vunpack.i.u.bf16.f32 v0;
	[tilespmem:s8+$0x0] =	vst v1  }
0x10a: {  	s4 =	sadd.s32 $0x5000, s9;
	[tilespmem:s8+$0x10] =	vst v0  }
0x10b: {  	[spmem:s3] =	stream.indirect.scatter.add.f32 [tilespmem:s29], [sflag:$0x8], $0x40, s4, s15, $0xb8;
	[tilespmem:$0x1FE00] =	vst v63  }
0x10c: {  	s12 =	sadd.s32 $0x580, s7  }
0x10d: {  	[tilespmem:s31], [sflag:$0x6] =	stream.indirect.gather [hbm4b:s2+s15], $0x20, s12, s15, $0xb8;
	[tilespmem:$0x1FE00] =	vst v63  }
0x10e: {  	_ =	swait.ge [sflag:s1], $0x1000  }
0x10f: {  	[sflag:s1] =	ssyncset.done $0x0  }
0x110: {  	[sflag:s1] =	ssyncadd.s32 $0xFFFFF000  }
0x111: {  	_ =	swait.ge [sflag:s11], $0x2000  }
0x112: {  	[sflag:s11] =	ssyncset.done $0x0  }
0x113: {  	s13 =	simm.s32 $0x0;
	[sflag:s11] =	ssyncadd.s32 $0xFFFFE000  }
0x114: {  	v0 =	vld [tilespmem:s13+$0xC000];
	_ =	sdelay $0x4  }
0x115: {  	s4 =	simm.s32 $0x14020;
	v1 =	vunpack.i.l.bf16.f32 v0  }
0x116: {  	v0 =	vunpack.i.u.bf16.f32 v0;
	[tilespmem:s4+$0xFFFFFFE0] =	vst v1  }
0x117: {  	[tilespmem:s4+$0xFFFFFFF0] =	vst v0  }
0x118: {  	s9 =	simm.s32 $0x80;
	s8 =	simm.s32 $0x14020;
	v0 =	vld [tilespmem:s13+$0xC010]  }
.LBB2_19:
0x119: {  	_ =	sdelay $0x2  }
0x11a: {  	p0 =	sne.s32 s9, $0x3F80  }
0x11b: {  	s4 =	sadd.s32 $0x40, s4;
	s12 =	smov.u32 s9;
	s9 =	sadd.s32 $0x80, s9;
	v1 =	vunpack.i.u.bf16.f32 v0;
	v0 =	vunpack.i.l.bf16.f32 v0  }
0x11c: {  	[tilespmem:s8+$0x0] =	vst v0  }
0x11d: {  	s12 =	sshra.s32 s12, $0x2;
	[tilespmem:s8+$0x10] =	vst v1;
	s8 =	smov.u32 s4  }
0x11e: {  	v0 =	vld [tilespmem:s12+$0xC000];
	_ =	sdelay $0x3  }
.Ltmp8:
0x11f: {  	(pc) =	sbr.rel @p0 .LBB2_19-.Ltmp8, $4  }
0x120: {  	v1 =	vunpack.i.u.bf16.f32 v0;
	v0 =	vunpack.i.l.bf16.f32 v0  }
0x121: {  	[tilespmem:s4+$0xFFFFFFE0] =	vst v0  }
0x122: {  	[tilespmem:s4+$0xFFFFFFF0] =	vst v1  }
0x123: {  	v0 =	vld [tilespmem:s12+$0xC010]  }
0x124: {  	_ =	sdelay $0x2  }
0x125: {  	s6 =	sadd.s32 $0x1, s6  }
0x126: {  	p0 =	sne.s32 s6, $0x19;
	v1 =	vunpack.i.l.bf16.f32 v0  }
.Ltmp9:
0x127: {  	v63 =	vunpack.i.u.bf16.f32 v0;
	[tilespmem:s8+$0x0] =	vst v1;
	(pc) =	sbr.rel @p0 .LBB2_8-.Ltmp9, $4  }
0x128: {  	s4 =	sadd.s32 $0x5000, s10;
	[tilespmem:s8+$0x10] =	vst v63  }
0x129: {  	[spmem:s3] =	stream.indirect.scatter.add.f32 [tilespmem:s18], [sflag:$0x9], $0x40, s4, s15, $0xb8;
	[tilespmem:$0x1FE00] =	vst v63  }
0x12a: {  	s13 =	sadd.s32 $0x600, s7  }
0x12b: {  	[tilespmem:s16], [sflag:$0x1] =	stream.indirect.gather [hbm4b:s2+s15], $0x20, s13, s15, $0xb8;
	[tilespmem:$0x1FE00] =	vst v63  }
0x12c: {  	_ =	swait.ge [sflag:s24], $0x1000  }
0x12d: {  	[sflag:s24] =	ssyncset.done $0x0  }
0x12e: {  	[sflag:s24] =	ssyncadd.s32 $0xFFFFF000  }
0x12f: {  	_ =	swait.ge [sflag:s28], $0x2000  }
0x130: {  	[sflag:s28] =	ssyncset.done $0x0  }
0x131: {  	s6 =	simm.s32 $0x0;
	[sflag:s28] =	ssyncadd.s32 $0xFFFFE000  }
0x132: {  	v0 =	vld [tilespmem:s6+$0xD000];
	_ =	sdelay $0x4  }
0x133: {  	s4 =	simm.s32 $0x10020;
	v1 =	vunpack.i.l.bf16.f32 v0  }
0x134: {  	v0 =	vunpack.i.u.bf16.f32 v0;
	[tilespmem:s4+$0xFFFFFFE0] =	vst v1  }
0x135: {  	[tilespmem:s4+$0xFFFFFFF0] =	vst v0  }
0x136: {  	s7 =	simm.s32 $0x80;
	v0 =	vld [tilespmem:s6+$0xD010];
	s6 =	simm.s32 $0x10020  }
.LBB2_22:
0x137: {  	_ =	sdelay $0x2  }
0x138: {  	p0 =	sne.s32 s7, $0x3F80  }
0x139: {  	s4 =	sadd.s32 $0x40, s4;
	s8 =	smov.u32 s7;
	s7 =	sadd.s32 $0x80, s7;
	v1 =	vunpack.i.u.bf16.f32 v0;
	v0 =	vunpack.i.l.bf16.f32 v0  }
0x13a: {  	[tilespmem:s6+$0x0] =	vst v0  }
0x13b: {  	s8 =	sshra.s32 s8, $0x2;
	[tilespmem:s6+$0x10] =	vst v1;
	s6 =	smov.u32 s4  }
0x13c: {  	v0 =	vld [tilespmem:s8+$0xD000];
	_ =	sdelay $0x3  }
.Ltmp10:
0x13d: {  	(pc) =	sbr.rel @p0 .LBB2_22-.Ltmp10, $4  }
0x13e: {  	v1 =	vunpack.i.u.bf16.f32 v0;
	v0 =	vunpack.i.l.bf16.f32 v0  }
0x13f: {  	[tilespmem:s4+$0xFFFFFFE0] =	vst v0  }
0x140: {  	[tilespmem:s4+$0xFFFFFFF0] =	vst v1  }
0x141: {  	v0 =	vld [tilespmem:s8+$0xD010]  }
0x142: {  	_ =	sdelay $0x3  }
0x143: {  	v1 =	vunpack.i.l.bf16.f32 v0  }
0x144: {  	v0 =	vunpack.i.u.bf16.f32 v0;
	[tilespmem:s6+$0x0] =	vst v1  }
0x145: {  	s4 =	simm.s32 $0x9C80;
	[tilespmem:s6+$0x10] =	vst v0  }
0x146: {  	[spmem:s3] =	stream.indirect.scatter.add.f32 [tilespmem:s23], [sflag:$0x7], $0x40, s4, s15, $0xb8;
	[tilespmem:$0x1FE00] =	vst v63  }
0x147: {  	s12 =	simm.s32 $0x4E80  }
0x148: {  	[tilespmem:s17], [sflag:$0x2] =	stream.indirect.gather [hbm4b:s2+s15], $0x20, s12, s15, $0xb8;
	[tilespmem:$0x1FE00] =	vst v63  }
0x149: {  	_ =	swait.ge [sflag:s30], $0x1000  }
0x14a: {  	[sflag:s30] =	ssyncset.done $0x0  }
0x14b: {  	[sflag:s30] =	ssyncadd.s32 $0xFFFFF000  }
0x14c: {  	_ =	swait.ge [sflag:s0], $0x2000  }
0x14d: {  	[sflag:s0] =	ssyncset.done $0x0  }
0x14e: {  	s13 =	simm.s32 $0x0;
	[sflag:s0] =	ssyncadd.s32 $0xFFFFE000  }
0x14f: {  	v0 =	vld [tilespmem:s13+$0xE000];
	_ =	sdelay $0x4  }
0x150: {  	s4 =	simm.s32 $0x12020;
	v1 =	vunpack.i.l.bf16.f32 v0  }
0x151: {  	v0 =	vunpack.i.u.bf16.f32 v0;
	[tilespmem:s4+$0xFFFFFFE0] =	vst v1  }
0x152: {  	s7 =	simm.s32 $0x80;
	[tilespmem:s4+$0xFFFFFFF0] =	vst v0  }
0x153: {  	s9 =	simm.s32 $0x5000;
	s10 =	simm.s32 $0xB;
	s6 =	simm.s32 $0x12020;
	v0 =	vld [tilespmem:s13+$0xE010]  }
.LBB2_24:
0x154: {  	_ =	sdelay $0x2  }
0x155: {  	p0 =	sne.s32 s7, $0x3F80  }
0x156: {  	s4 =	sadd.s32 $0x40, s4;
	s8 =	smov.u32 s7;
	s7 =	sadd.s32 $0x80, s7;
	v1 =	vunpack.i.u.bf16.f32 v0;
	v0 =	vunpack.i.l.bf16.f32 v0  }
0x157: {  	[tilespmem:s6+$0x0] =	vst v0  }
0x158: {  	s8 =	sshra.s32 s8, $0x2;
	[tilespmem:s6+$0x10] =	vst v1;
	s6 =	smov.u32 s4  }
0x159: {  	v0 =	vld [tilespmem:s8+$0xE000];
	_ =	sdelay $0x3  }
.Ltmp11:
0x15a: {  	(pc) =	sbr.rel @p0 .LBB2_24-.Ltmp11, $4  }
0x15b: {  	v1 =	vunpack.i.u.bf16.f32 v0;
	v0 =	vunpack.i.l.bf16.f32 v0  }
0x15c: {  	[tilespmem:s4+$0xFFFFFFE0] =	vst v0  }
0x15d: {  	[tilespmem:s4+$0xFFFFFFF0] =	vst v1  }
0x15e: {  	v0 =	vld [tilespmem:s8+$0xE010]  }
0x15f: {  	_ =	sdelay $0x3  }
0x160: {  	v1 =	vunpack.i.l.bf16.f32 v0  }
0x161: {  	v0 =	vunpack.i.u.bf16.f32 v0;
	[tilespmem:s6+$0x0] =	vst v1  }
0x162: {  	s4 =	simm.s32 $0x9D00;
	[tilespmem:s6+$0x10] =	vst v0  }
0x163: {  	[spmem:s3] =	stream.indirect.scatter.add.f32 [tilespmem:s29], [sflag:$0x8], $0x40, s4, s15, $0xb8;
	[tilespmem:$0x1FE00] =	vst v63  }
0x164: {  	s12 =	simm.s32 $0x4F00  }
0x165: {  	[tilespmem:s19], [sflag:$0x3] =	stream.indirect.gather [hbm4b:s2+s15], $0x20, s12, s15, $0xb8;
	[tilespmem:$0x1FE00] =	vst v63  }
0x166: {  	_ =	swait.ge [sflag:s20], $0x1000  }
0x167: {  	[sflag:s20] =	ssyncset.done $0x0  }
0x168: {  	[sflag:s20] =	ssyncadd.s32 $0xFFFFF000  }
0x169: {  	_ =	swait.ge [sflag:s11], $0x2000  }
0x16a: {  	[sflag:s11] =	ssyncset.done $0x0  }
0x16b: {  	s13 =	simm.s32 $0x0;
	[sflag:s11] =	ssyncadd.s32 $0xFFFFE000  }
0x16c: {  	v0 =	vld [tilespmem:s13+$0xF000];
	_ =	sdelay $0x4  }
0x16d: {  	s4 =	simm.s32 $0x14020;
	v1 =	vunpack.i.l.bf16.f32 v0  }
0x16e: {  	v0 =	vunpack.i.u.bf16.f32 v0;
	[tilespmem:s4+$0xFFFFFFE0] =	vst v1  }
0x16f: {  	[tilespmem:s4+$0xFFFFFFF0] =	vst v0  }
0x170: {  	s7 =	simm.s32 $0x80;
	s6 =	simm.s32 $0x14020;
	v0 =	vld [tilespmem:s13+$0xF010]  }
.LBB2_26:
0x171: {  	_ =	sdelay $0x2  }
0x172: {  	p0 =	sne.s32 s7, $0x3F80  }
0x173: {  	s4 =	sadd.s32 $0x40, s4;
	s8 =	smov.u32 s7;
	s7 =	sadd.s32 $0x80, s7;
	v1 =	vunpack.i.u.bf16.f32 v0;
	v0 =	vunpack.i.l.bf16.f32 v0  }
0x174: {  	[tilespmem:s6+$0x0] =	vst v0  }
0x175: {  	s8 =	sshra.s32 s8, $0x2;
	[tilespmem:s6+$0x10] =	vst v1;
	s6 =	smov.u32 s4  }
0x176: {  	v0 =	vld [tilespmem:s8+$0xF000];
	_ =	sdelay $0x3  }
.Ltmp12:
0x177: {  	(pc) =	sbr.rel @p0 .LBB2_26-.Ltmp12, $4  }
0x178: {  	v1 =	vunpack.i.u.bf16.f32 v0;
	v0 =	vunpack.i.l.bf16.f32 v0  }
0x179: {  	[tilespmem:s4+$0xFFFFFFE0] =	vst v0  }
0x17a: {  	[tilespmem:s4+$0xFFFFFFF0] =	vst v1  }
0x17b: {  	v0 =	vld [tilespmem:s8+$0xF010]  }
0x17c: {  	_ =	sdelay $0x3  }
0x17d: {  	v1 =	vunpack.i.l.bf16.f32 v0  }
0x17e: {  	v0 =	vunpack.i.u.bf16.f32 v0;
	[tilespmem:s6+$0x0] =	vst v1  }
0x17f: {  	s4 =	simm.s32 $0x9D80;
	[tilespmem:s6+$0x10] =	vst v0  }
0x180: {  	[spmem:s3] =	stream.indirect.scatter.add.f32 [tilespmem:s18], [sflag:$0x9], $0x40, s4, s15, $0xb8;
	[tilespmem:$0x1FE00] =	vst v63  }
0x181: {  	s12 =	simm.s32 $0x4F80  }
0x182: {  	[tilespmem:s21], [sflag:$0x4] =	stream.indirect.gather [hbm4b:s2+s15], $0x20, s12, s15, $0xb8;
	[tilespmem:$0x1FE00] =	vst v63  }
0x183: {  	_ =	swait.ge [sflag:s22], $0x1000  }
0x184: {  	[sflag:s22] =	ssyncset.done $0x0  }
0x185: {  	[sflag:s22] =	ssyncadd.s32 $0xFFFFF000  }
0x186: {  	_ =	swait.ge [sflag:s28], $0x2000  }
0x187: {  	[sflag:s28] =	ssyncset.done $0x0  }
0x188: {  	s13 =	simm.s32 $0x0;
	[sflag:s28] =	ssyncadd.s32 $0xFFFFE000  }
0x189: {  	v0 =	vld [tilespmem:s13+$0xA000];
	_ =	sdelay $0x4  }
0x18a: {  	s4 =	simm.s32 $0x10020;
	v1 =	vunpack.i.l.bf16.f32 v0  }
0x18b: {  	v0 =	vunpack.i.u.bf16.f32 v0;
	[tilespmem:s4+$0xFFFFFFE0] =	vst v1  }
0x18c: {  	[tilespmem:s4+$0xFFFFFFF0] =	vst v0  }
0x18d: {  	s7 =	simm.s32 $0x80;
	s6 =	simm.s32 $0x10020;
	v0 =	vld [tilespmem:s13+$0xA010]  }
.LBB2_28:
0x18e: {  	_ =	sdelay $0x2  }
0x18f: {  	p0 =	sne.s32 s7, $0x3F80  }
0x190: {  	s4 =	sadd.s32 $0x40, s4;
	s8 =	smov.u32 s7;
	s7 =	sadd.s32 $0x80, s7;
	v1 =	vunpack.i.u.bf16.f32 v0;
	v0 =	vunpack.i.l.bf16.f32 v0  }
0x191: {  	[tilespmem:s6+$0x0] =	vst v0  }
0x192: {  	s8 =	sshra.s32 s8, $0x2;
	[tilespmem:s6+$0x10] =	vst v1;
	s6 =	smov.u32 s4  }
0x193: {  	v0 =	vld [tilespmem:s8+$0xA000];
	_ =	sdelay $0x3  }
.Ltmp13:
0x194: {  	(pc) =	sbr.rel @p0 .LBB2_28-.Ltmp13, $4  }
0x195: {  	v1 =	vunpack.i.u.bf16.f32 v0;
	v0 =	vunpack.i.l.bf16.f32 v0  }
0x196: {  	[tilespmem:s4+$0xFFFFFFE0] =	vst v0  }
0x197: {  	[tilespmem:s4+$0xFFFFFFF0] =	vst v1  }
0x198: {  	v0 =	vld [tilespmem:s8+$0xA010]  }
0x199: {  	_ =	sdelay $0x3  }
0x19a: {  	v1 =	vunpack.i.l.bf16.f32 v0  }
0x19b: {  	v0 =	vunpack.i.u.bf16.f32 v0;
	[tilespmem:s6+$0x0] =	vst v1  }
0x19c: {  	s4 =	simm.s32 $0x9E00;
	[tilespmem:s6+$0x10] =	vst v0  }
0x19d: {  	[spmem:s3] =	stream.indirect.scatter.add.f32 [tilespmem:s23], [sflag:$0x7], $0x40, s4, s15, $0xb8;
	[tilespmem:$0x1FE00] =	vst v63  }
0x19e: {  	_ =	swait.ge [sflag:s26], $0x1000  }
0x19f: {  	[sflag:s26] =	ssyncset.done $0x0  }
0x1a0: {  	[sflag:s26] =	ssyncadd.s32 $0xFFFFF000  }
0x1a1: {  	_ =	swait.ge [sflag:s0], $0x2000  }
0x1a2: {  	[sflag:s0] =	ssyncset.done $0x0  }
0x1a3: {  	s13 =	simm.s32 $0x0;
	[sflag:s0] =	ssyncadd.s32 $0xFFFFE000  }
0x1a4: {  	v0 =	vld [tilespmem:s13+$0xB000];
	_ =	sdelay $0x4  }
0x1a5: {  	s4 =	simm.s32 $0x12020;
	v1 =	vunpack.i.l.bf16.f32 v0  }
0x1a6: {  	v0 =	vunpack.i.u.bf16.f32 v0;
	[tilespmem:s4+$0xFFFFFFE0] =	vst v1  }
0x1a7: {  	[tilespmem:s4+$0xFFFFFFF0] =	vst v0  }
0x1a8: {  	s7 =	simm.s32 $0x80;
	s6 =	simm.s32 $0x12020;
	v0 =	vld [tilespmem:s13+$0xB010]  }
.LBB2_30:
0x1a9: {  	_ =	sdelay $0x2  }
0x1aa: {  	p0 =	sne.s32 s7, $0x3F80  }
0x1ab: {  	s4 =	sadd.s32 $0x40, s4;
	s8 =	smov.u32 s7;
	s7 =	sadd.s32 $0x80, s7;
	v1 =	vunpack.i.u.bf16.f32 v0;
	v0 =	vunpack.i.l.bf16.f32 v0  }
0x1ac: {  	[tilespmem:s6+$0x0] =	vst v0  }
0x1ad: {  	s8 =	sshra.s32 s8, $0x2;
	[tilespmem:s6+$0x10] =	vst v1;
	s6 =	smov.u32 s4  }
0x1ae: {  	v0 =	vld [tilespmem:s8+$0xB000];
	_ =	sdelay $0x3  }
.Ltmp14:
0x1af: {  	(pc) =	sbr.rel @p0 .LBB2_30-.Ltmp14, $4  }
0x1b0: {  	v1 =	vunpack.i.u.bf16.f32 v0;
	v0 =	vunpack.i.l.bf16.f32 v0  }
0x1b1: {  	[tilespmem:s4+$0xFFFFFFE0] =	vst v0  }
0x1b2: {  	[tilespmem:s4+$0xFFFFFFF0] =	vst v1  }
0x1b3: {  	v0 =	vld [tilespmem:s8+$0xB010]  }
0x1b4: {  	_ =	sdelay $0x3  }
0x1b5: {  	v1 =	vunpack.i.l.bf16.f32 v0  }
0x1b6: {  	v0 =	vunpack.i.u.bf16.f32 v0;
	[tilespmem:s6+$0x0] =	vst v1  }
0x1b7: {  	s4 =	simm.s32 $0x9E80;
	[tilespmem:s6+$0x10] =	vst v0  }
0x1b8: {  	[spmem:s3] =	stream.indirect.scatter.add.f32 [tilespmem:s29], [sflag:$0x8], $0x40, s4, s15, $0xb8;
	[tilespmem:$0x1FE00] =	vst v63  }
0x1b9: {  	_ =	swait.ge [sflag:s1], $0x1000  }
0x1ba: {  	[sflag:s1] =	ssyncset.done $0x0  }
0x1bb: {  	[sflag:s1] =	ssyncadd.s32 $0xFFFFF000  }
0x1bc: {  	_ =	swait.ge [sflag:s11], $0x2000  }
0x1bd: {  	[sflag:s11] =	ssyncset.done $0x0  }
0x1be: {  	s13 =	simm.s32 $0x0;
	[sflag:s11] =	ssyncadd.s32 $0xFFFFE000  }
0x1bf: {  	v0 =	vld [tilespmem:s13+$0xC000];
	_ =	sdelay $0x4  }
0x1c0: {  	s4 =	simm.s32 $0x14020;
	v1 =	vunpack.i.l.bf16.f32 v0  }
0x1c1: {  	v0 =	vunpack.i.u.bf16.f32 v0;
	[tilespmem:s4+$0xFFFFFFE0] =	vst v1  }
0x1c2: {  	[tilespmem:s4+$0xFFFFFFF0] =	vst v0  }
0x1c3: {  	s7 =	simm.s32 $0x80;
	s6 =	simm.s32 $0x14020;
	v0 =	vld [tilespmem:s13+$0xC010]  }
.LBB2_32:
0x1c4: {  	_ =	sdelay $0x2  }
0x1c5: {  	p0 =	sne.s32 s7, $0x3F80  }
0x1c6: {  	s4 =	sadd.s32 $0x40, s4;
	s8 =	smov.u32 s7;
	s7 =	sadd.s32 $0x80, s7;
	v1 =	vunpack.i.u.bf16.f32 v0;
	v0 =	vunpack.i.l.bf16.f32 v0  }
0x1c7: {  	[tilespmem:s6+$0x0] =	vst v0  }
0x1c8: {  	s8 =	sshra.s32 s8, $0x2;
	[tilespmem:s6+$0x10] =	vst v1;
	s6 =	smov.u32 s4  }
0x1c9: {  	v0 =	vld [tilespmem:s8+$0xC000];
	_ =	sdelay $0x3  }
.Ltmp15:
0x1ca: {  	(pc) =	sbr.rel @p0 .LBB2_32-.Ltmp15, $4  }
0x1cb: {  	v1 =	vunpack.i.u.bf16.f32 v0;
	v0 =	vunpack.i.l.bf16.f32 v0  }
0x1cc: {  	[tilespmem:s4+$0xFFFFFFE0] =	vst v0  }
0x1cd: {  	[tilespmem:s4+$0xFFFFFFF0] =	vst v1  }
0x1ce: {  	v0 =	vld [tilespmem:s8+$0xC010]  }
0x1cf: {  	_ =	sdelay $0x3  }
0x1d0: {  	v1 =	vunpack.i.l.bf16.f32 v0  }
0x1d1: {  	v0 =	vunpack.i.u.bf16.f32 v0;
	[tilespmem:s6+$0x0] =	vst v1  }
0x1d2: {  	s4 =	simm.s32 $0x9F00;
	[tilespmem:s6+$0x10] =	vst v0  }
0x1d3: {  	[spmem:s3] =	stream.indirect.scatter.add.f32 [tilespmem:s18], [sflag:$0x9], $0x40, s4, s15, $0xb8;
	[tilespmem:$0x1FE00] =	vst v63  }
0x1d4: {  	_ =	swait.ge [sflag:s24], $0x1000  }
0x1d5: {  	[sflag:s24] =	ssyncset.done $0x0  }
0x1d6: {  	[sflag:s24] =	ssyncadd.s32 $0xFFFFF000  }
0x1d7: {  	_ =	swait.ge [sflag:s28], $0x2000  }
0x1d8: {  	[sflag:s28] =	ssyncset.done $0x0  }
0x1d9: {  	s13 =	simm.s32 $0x0;
	[sflag:s28] =	ssyncadd.s32 $0xFFFFE000  }
0x1da: {  	v0 =	vld [tilespmem:s13+$0xD000];
	_ =	sdelay $0x4  }
0x1db: {  	s4 =	simm.s32 $0x10020;
	v1 =	vunpack.i.l.bf16.f32 v0  }
0x1dc: {  	v0 =	vunpack.i.u.bf16.f32 v0;
	[tilespmem:s4+$0xFFFFFFE0] =	vst v1  }
0x1dd: {  	[tilespmem:s4+$0xFFFFFFF0] =	vst v0  }
0x1de: {  	s7 =	simm.s32 $0x80;
	s6 =	simm.s32 $0x10020;
	v0 =	vld [tilespmem:s13+$0xD010]  }
.LBB2_34:
0x1df: {  	_ =	sdelay $0x2  }
0x1e0: {  	p0 =	sne.s32 s7, $0x3F80  }
0x1e1: {  	s4 =	sadd.s32 $0x40, s4;
	s8 =	smov.u32 s7;
	s7 =	sadd.s32 $0x80, s7;
	v1 =	vunpack.i.u.bf16.f32 v0;
	v0 =	vunpack.i.l.bf16.f32 v0  }
0x1e2: {  	[tilespmem:s6+$0x0] =	vst v0  }
0x1e3: {  	s8 =	sshra.s32 s8, $0x2;
	[tilespmem:s6+$0x10] =	vst v1;
	s6 =	smov.u32 s4  }
0x1e4: {  	v0 =	vld [tilespmem:s8+$0xD000];
	_ =	sdelay $0x3  }
.Ltmp16:
0x1e5: {  	(pc) =	sbr.rel @p0 .LBB2_34-.Ltmp16, $4  }
0x1e6: {  	v1 =	vunpack.i.u.bf16.f32 v0;
	v0 =	vunpack.i.l.bf16.f32 v0  }
0x1e7: {  	[tilespmem:s4+$0xFFFFFFE0] =	vst v0  }
0x1e8: {  	[tilespmem:s4+$0xFFFFFFF0] =	vst v1  }
0x1e9: {  	v0 =	vld [tilespmem:s8+$0xD010]  }
0x1ea: {  	_ =	sdelay $0x3  }
0x1eb: {  	v1 =	vunpack.i.l.bf16.f32 v0  }
0x1ec: {  	v63 =	vunpack.i.u.bf16.f32 v0;
	[tilespmem:s6+$0x0] =	vst v1  }
0x1ed: {  	s4 =	simm.s32 $0x9F80;
	[tilespmem:s6+$0x10] =	vst v63  }
0x1ee: {  	[spmem:s3] =	stream.indirect.scatter.add.f32 [tilespmem:s23], [sflag:$0x7], $0x40, s4, s15, $0xb8;
	[tilespmem:$0x1FE00] =	vst v63  }
0x1ef: {  	_ =	swait.ge [sflag:s0], $0x2000  }
0x1f0: {  	[sflag:s0] =	ssyncset.done $0x0  }
0x1f1: {  	[sflag:s0] =	ssyncadd.s32 $0xFFFFE000  }
0x1f2: {  	_ =	swait.ge [sflag:s11], $0x2000  }
0x1f3: {  	[sflag:s11] =	ssyncset.done $0x0  }
0x1f4: {  	[sflag:s11] =	ssyncadd.s32 $0xFFFFE000  }
0x1f5: {  	_ =	swait.ge [sflag:s28], $0x2000  }
0x1f6: {  	[sflag:s28] =	ssyncset.done $0x0  }
0x1f7: {  	[sflag:s28] =	ssyncadd.s32 $0xFFFFE000  }
0x1f8: {  	[bflag:$0x0] =	sbarrier.arrive $0xFFFF  }
0x1f9: {  	s7 =	rddreg [dreg:$0x7]  }
0x1fa: {  	s12 =	rddreg [dreg:$0x8]  }
0x1fb: {  	s8 =	rddreg [dreg:$0xa]  }
0x1fc: {  	[hbm:s12], [sflag:s7] =	dma.local [spmem:s8], $0x13C0  }
0x1fd: {  	_ =	swait.ge [sflag:s10], $0x13C0  }
0x1fe: {  	s5 =	sadd.s32 $0x1, s5;
	s13 =	rddreg [dreg:$0x9]  }
0x1ff: {  	p0 =	sne.s32 s5, s13  }
.Ltmp17:
0x200: {  	_ = 	snop;
	(pc) =	sbr.rel @p0 .LBB2_1-.Ltmp17, $3  }
0x201: {  	_ =	sdelay $0x1  }
0x202: {  	[sflag:s10] =	ssyncset.done $0x0  }
0x203: {  	[sflag:s10] =	ssyncadd.s32 $0xFFFFEC40  }
0x204: {  	_ =	sfence.sel $0x180000  }
0x205: {  	[bflag:$0x0] =	sbarrier.arrive $0xFFFF  }
0x206: {  	_ =	strace $0x90000047  }
0x207: {  	s0 =	stileid.u32;
	[bflag:$0x2] =	sbarrier.arrive $0xFFFF  }
0x208: {  	p0 =	sne.s32 s0, $0x0;
	s0 =	rddreg [dreg:$0x3]  }
0x209: {  	s0 =	sadd.s32 @!p0 $0x100000, s0  }
0x20a: {  	[sflag:s0] =	ssyncadd.tile.s32 @!p0 $0x1;
	_ =	shalt  }
.Lfunc_end2:
_tile_overlayer_lowered:
.L_overlay_start_2:
0x20b: {  	(tag) =	ssettag $0x2  }
0x20c: {  	s0 =	rddreg [dreg:$0x0];
	s2 =	stileid.u32  }
0x20d: {  	s1 =	rddreg [dreg:$0x1];
	p0 =	sne.s32 s2, $0x0  }
0x20e: {  	s3 =	rddreg [dreg:$0x2];
	[bflag:$0x3] =	sbarrier.arrive $0xFFFF;
	s2 =	simm.s32 @!p0 $0x1C0B  }
0x20f: {  	[timem:s3], [sflag:s2] =	dma.local @!p0 [hbm:s0], s1  }
0x210: {  	s0 =	simm.s32 @!p0 $0xB  }
0x211: {  	_ =	swait.ge @!p0 [sflag:s0], s1  }
0x212: {  	s1 =	ssub.s32 @!p0 $0x0, s1;
	[sflag:s0] =	ssyncset.done @!p0 $0x0  }
0x213: {  	[sflag:s0] =	ssyncadd.s32 @!p0 s1  }
0x214: {  	[bflag:$0x3] =	sbarrier.arrive $0xFFFF  }
0x215: {  	_ =	shalt  }

</sc_bundles>
